<compile_context>
chip_gen: v7x
topology: tpu7x:2x2x1
jax: 0.10.2.dev20260603
libtpu: 0.0.44.dev20260713+nightly
codegen_flags: <defaults>
</compile_context>

<pallas_src>
import functools

import numpy as np

import jax
import jax.numpy as jnp
from jax import lax
from jax.experimental import pallas as pl
from jax.experimental.pallas import tpu as pltpu
from jax.experimental.pallas import tpu_sc as plsc

_N = 2048
_K = 16
_RB = 256
_NEG = -3.0e38

_NTILES = 32
_RPT = _N // _NTILES
_CHUNK = 8

_DTBL = (np.maximum(np.arange(32), 1).astype(np.float64) ** -0.5
         ).astype(np.float32)


def _normalize_body(x_ref, o_ref):
    x = x_ref[...]
    norms = jnp.sqrt(jnp.sum(x * x, axis=1, keepdims=True))
    o_ref[...] = x / jnp.maximum(norms, 1e-12)


def _topk_extract(scr, out_ref):
    v = scr[...]
    col = lax.broadcasted_iota(jnp.int32, v.shape, 1)
    outs = []
    for _ in range(_K):
        m = jnp.max(v, axis=1, keepdims=True)
        eq = v == m
        outs.append(jnp.min(jnp.where(eq, col, _N), axis=1, keepdims=True))
        v = jnp.where(eq, _NEG, v)
    out_ref[...] = jnp.concatenate(outs, axis=1)


def _simtopk_body(fa_ref, fb_ref, feats_ref, ide_ref, ido_ref, scra, scrb):
    s = pl.program_id(0)
    tail = pl.num_programs(0) - 1

    @pl.when(s < tail)
    def _main():
        feats = feats_ref[...]
        _topk_extract(scrb, ido_ref)
        scra[...] = lax.dot_general(fa_ref[...], feats,
                                    (((1,), (1,)), ((), ())),
                                    preferred_element_type=jnp.float32)
        _topk_extract(scra, ide_ref)
        scrb[...] = lax.dot_general(fb_ref[...], feats,
                                    (((1,), (1,)), ((), ())),
                                    preferred_element_type=jnp.float32)

    @pl.when(s == tail)
    def _last():
        _topk_extract(scrb, ido_ref)


def _xw_body(xb_ref, w_ref, o_ref):
    o_ref[...] = lax.dot_general(xb_ref[...], w_ref[...],
                                 (((1,), (1,)), ((), ())),
                                 preferred_element_type=jnp.float32
                                 ).astype(jnp.bfloat16)


def _layer_body(ab_ref, y_ref, b_ref, w2_ref, o_ref):
    s = lax.dot_general(ab_ref[...], y_ref[...], (((1,), (0,)), ((), ())),
                        preferred_element_type=jnp.float32)
    h = jnp.maximum(s + b_ref[...], 0.0)
    o_ref[...] = lax.dot_general(h, w2_ref[...], (((1,), (1,)), ((), ())),
                                 preferred_element_type=jnp.float32
                                 ).astype(jnp.bfloat16)


def _out_body(ab_ref, y2_ref, b2_ref, o_ref):
    s = lax.dot_general(ab_ref[...], y2_ref[...], (((1,), (0,)), ((), ())),
                        preferred_element_type=jnp.float32)
    o_ref[...] = s + b2_ref[...]



_MESH = plsc.VectorSubcoreMesh(core_axis_name="c", subcore_axis_name="s")


def _sc_wid():
    return lax.axis_index("c") * 16 + lax.axis_index("s")


@functools.partial(
    pl.kernel,
    mesh=_MESH,
    compiler_params=pltpu.CompilerParams(needs_layout_passes=False),
    out_type=[jax.ShapeDtypeStruct((_N * _K,), jnp.int32),
              jax.ShapeDtypeStruct((_NTILES * _K,), jnp.int32)],
    scratch_types=[
        pltpu.VMEM((_N * _K,), jnp.int32),
        pltpu.VMEM((_N,), jnp.int32),
        pltpu.VMEM((_RPT * _K,), jnp.int32),
        pltpu.VMEM((_K,), jnp.int32),
    ],
)
def _sc_edge_state(topk_hbm, state_hbm, part_hbm, topk_v, fl_v, st_v, pc_v):
    wid = _sc_wid()
    row0 = wid * _RPT
    pltpu.sync_copy(topk_hbm, topk_v)
    zeros = jnp.zeros((_K,), jnp.int32)
    ones = jnp.full((_K,), 1, jnp.int32)

    def zflag_body(z, _):
        fl_v[pl.ds(z * _K, _K)] = zeros
        return 0

    lax.fori_loop(0, _N // _K, zflag_body, 0)

    def row_body(r, _):
        i = row0 + r
        ivec = jnp.full((_K,), 1, jnp.int32) * i
        a = topk_v[pl.ds(i * _K, _K)]
        valid = a != ivec
        plsc.store_scatter(fl_v, [a], ones, mask=valid)
        cnt = jnp.zeros((_K,), jnp.int32)
        for u in range(_K):
            g = plsc.load_gather(topk_v, [a * _K + u])
            bit = plsc.load_gather(fl_v, [g])
            cnt = cnt + jnp.where(g != a, bit, 0)
        plsc.store_scatter(fl_v, [a], zeros, mask=valid)
        state = jnp.where(valid,
                          1 + (cnt >= 2).astype(jnp.int32),
                          jnp.zeros((_K,), jnp.int32))
        st_v[pl.ds(r * _K, _K)] = state
        pc_v[...] = pc_v[...] + (state == 2).astype(jnp.int32)
        return 0

    pc_v[...] = jnp.zeros((_K,), jnp.int32)
    lax.fori_loop(0, _RPT, row_body, 0)
    pltpu.sync_copy(st_v, state_hbm.at[pl.ds(row0 * _K, _RPT * _K)])
    pltpu.sync_copy(pc_v, part_hbm.at[pl.ds(wid * _K, _K)])


_CN = _CHUNK * _N
_NCHUNK = _RPT // _CHUNK


@functools.partial(
    pl.kernel,
    mesh=_MESH,
    compiler_params=pltpu.CompilerParams(needs_layout_passes=False),
    out_type=jax.ShapeDtypeStruct((_N * _N,), jnp.float32),
    scratch_types=[
        pltpu.VMEM((_RPT * _K,), jnp.int32),
        pltpu.VMEM((_N * _K,), jnp.int32),
        pltpu.VMEM((_NTILES * _K,), jnp.int32),
        pltpu.VMEM((32,), jnp.float32),
        pltpu.VMEM((2 * _CN,), jnp.float32),
        pltpu.SemaphoreType.DMA,
    ],
)
def _sc_scatter_adj(topk_hbm, state_hbm, part_hbm, tbl_hbm, a_hbm,
                    topk_v, stf_v, part_v, tbl_v, buf_v, sem):
    wid = _sc_wid()
    row0 = wid * _RPT
    pltpu.sync_copy(topk_hbm.at[pl.ds(row0 * _K, _RPT * _K)], topk_v)
    pltpu.sync_copy(state_hbm, stf_v)
    pltpu.sync_copy(part_hbm, part_v)
    pltpu.sync_copy(tbl_hbm, tbl_v)

    s_acc = jnp.zeros((_K,), jnp.int32)
    for t in range(_NTILES):
        s_acc = s_acc + part_v[pl.ds(t * _K, _K)]
    thr = jnp.where(jnp.sum(s_acc) >= 2 * _N, 2, 1)
    thrv = jnp.full((_K,), 1, jnp.int32) * thr
    ones = jnp.full((_K,), 1, jnp.int32)
    lane0 = lax.broadcasted_iota(jnp.int32, (_K,), 0) == 0
    zeros = jnp.zeros((_K,), jnp.float32)

    def zero_body(z, _):
        for z8 in range(16):
            buf_v[pl.ds(z * (16 * _K) + z8 * _K, _K)] = zeros
        return 0

    lax.fori_loop(0, 2 * _CN // (16 * _K), zero_body, 0)

    def scatter_row(lr, off, write):
        i = row0 + lr
        ivec = ones * i
        a = topk_v[pl.ds(lr * _K, _K)]
        sti = stf_v[pl.ds(i * _K, _K)]
        keep = jnp.logical_and(sti >= thrv, a != ivec)
        if write:
            dega = jnp.zeros((_K,), jnp.int32)
            for u in range(_K):
                s_u = plsc.load_gather(stf_v, [a * _K + u])
                dega = dega + (s_u >= thrv).astype(jnp.int32)
            degi = jnp.sum(keep.astype(jnp.int32))
            divec = plsc.load_gather(tbl_v, [ones * degi + 1])
            da = plsc.load_gather(tbl_v, [dega + 1])
            plsc.store_scatter(buf_v, [a + off], divec * da, mask=keep)
            plsc.store_scatter(buf_v, [ivec + off], divec * divec, mask=lane0)
        else:
            plsc.store_scatter(buf_v, [a + off], zeros, mask=keep)
            plsc.store_scatter(buf_v, [ivec + off], zeros, mask=lane0)

    def chunk_body(c, _):
        p = lax.rem(c, 2)
        poff = p * _CN

        @pl.when(c >= 2)
        def _wait_and_clear():
            pltpu.make_async_copy(
                buf_v.at[pl.ds(poff, _CN)],
                a_hbm.at[pl.ds((row0 + (c - 2) * _CHUNK) * _N, _CN)],
                sem).wait()
            for r in range(_CHUNK):
                scatter_row((c - 2) * _CHUNK + r, poff + r * _N, False)

        for r in range(_CHUNK):
            scatter_row(c * _CHUNK + r, poff + r * _N, True)
        pltpu.async_copy(
            buf_v.at[pl.ds(poff, _CN)],
            a_hbm.at[pl.ds((row0 + c * _CHUNK) * _N, _CN)],
            sem)
        return 0

    lax.fori_loop(0, _NCHUNK, chunk_body, 0)
    for cc in range(_NCHUNK - 2, _NCHUNK):
        pltpu.make_async_copy(
            buf_v.at[pl.ds((cc % 2) * _CN, _CN)],
            a_hbm.at[pl.ds((row0 + cc * _CHUNK) * _N, _CN)],
            sem).wait()



def kernel(x, W1, b1, W2, b2):
    n, din = x.shape
    hid = W1.shape[0]
    dout = W2.shape[0]
    nb = n // _RB

    feats = pl.pallas_call(
        _normalize_body,
        grid=(nb,),
        in_specs=[pl.BlockSpec((_RB, din), lambda i: (i, 0))],
        out_specs=pl.BlockSpec((_RB, din), lambda i: (i, 0)),
        out_shape=jax.ShapeDtypeStruct((n, din), jnp.float32),
    )(x)

    nh = nb // 2
    ide, ido = pl.pallas_call(
        _simtopk_body,
        grid=(nh + 1,),
        in_specs=[
            pl.BlockSpec((_RB, din),
                         lambda s: (jnp.minimum(2 * s, 2 * nh - 2), 0)),
            pl.BlockSpec((_RB, din),
                         lambda s: (jnp.minimum(2 * s + 1, 2 * nh - 1), 0)),
            pl.BlockSpec((n, din), lambda s: (0, 0)),
        ],
        out_specs=[
            pl.BlockSpec((_RB, _K), lambda s: (jnp.minimum(s, nh - 1), 0)),
            pl.BlockSpec((_RB, _K), lambda s: (jnp.maximum(s - 1, 0), 0)),
        ],
        out_shape=[jax.ShapeDtypeStruct((n // 2, _K), jnp.int32),
                   jax.ShapeDtypeStruct((n // 2, _K), jnp.int32)],
        scratch_shapes=[pltpu.VMEM((_RB, _N), jnp.float32),
                        pltpu.VMEM((_RB, _N), jnp.float32)],
    )(feats, feats, feats)
    topk = jnp.stack([ide.reshape(nh, _RB, _K), ido.reshape(nh, _RB, _K)],
                     axis=1).reshape(n, _K)

    y1 = pl.pallas_call(
        _xw_body,
        grid=(nb,),
        in_specs=[pl.BlockSpec((_RB, din), lambda i: (i, 0)),
                  pl.BlockSpec((hid, din), lambda i: (0, 0))],
        out_specs=pl.BlockSpec((_RB, hid), lambda i: (i, 0)),
        out_shape=jax.ShapeDtypeStruct((n, hid), jnp.bfloat16),
    )(x, W1)

    topk_flat = topk.reshape(n * _K)
    state_flat, part = _sc_edge_state(topk_flat)

    a_flat = _sc_scatter_adj(topk_flat, state_flat, part, _DTBL)
    a_norm = a_flat.reshape(n, n).astype(jnp.bfloat16)

    y2 = pl.pallas_call(
        _layer_body,
        grid=(nb,),
        in_specs=[pl.BlockSpec((_RB, _N), lambda i: (i, 0)),
                  pl.BlockSpec((n, hid), lambda i: (0, 0)),
                  pl.BlockSpec((1, hid), lambda i: (0, 0)),
                  pl.BlockSpec((dout, hid), lambda i: (0, 0))],
        out_specs=pl.BlockSpec((_RB, dout), lambda i: (i, 0)),
        out_shape=jax.ShapeDtypeStruct((n, dout), jnp.bfloat16),
    )(a_norm, y1, b1.reshape(1, hid), W2)

    out = pl.pallas_call(
        _out_body,
        grid=(nb,),
        in_specs=[pl.BlockSpec((_RB, _N), lambda i: (i, 0)),
                  pl.BlockSpec((n, dout), lambda i: (0, 0)),
                  pl.BlockSpec((1, dout), lambda i: (0, 0))],
        out_specs=pl.BlockSpec((_RB, dout), lambda i: (i, 0)),
        out_shape=jax.ShapeDtypeStruct((n, dout), jnp.float32),
    )(a_norm, y2, b2.reshape(1, dout))

    return out

# --- scband reference (transcript-rebuilt; emitter-appended) ---
"""Pipeline reference for scband-dynamic-gcn-33560874451368 (READ-ONLY COPY).

The authoritative reference and input builder live on the scoring server;
editing this copy changes nothing except your own understanding.
"""

import jax, jax.numpy as jnp
import numpy as np

N = 2048
DIM_IN = 1024
HIDDEN = 512
DIM_OUT = 512
K_NEIGHBORS = 15
COMMON_NEIGHBORS = 2


def setup_inputs(seed: int = 0) -> dict:
    key = jax.random.key(seed)
    k1, k2, k3, k4, k5 = jax.random.split(key, 5)
    x = jax.random.normal(k1, (N, DIM_IN), dtype=jnp.float32)
    # GraphConvolution layer 1: Linear(dim_in -> hidden)
    s1 = 1.0 / np.sqrt(DIM_IN)
    W1 = jax.random.uniform(k2, (HIDDEN, DIM_IN), minval=-s1, maxval=s1, dtype=jnp.float32)
    b1 = jax.random.uniform(k3, (HIDDEN,), minval=-s1, maxval=s1, dtype=jnp.float32)
    # GraphConvolution layer 2: Linear(hidden -> dim_out)
    s2 = 1.0 / np.sqrt(HIDDEN)
    W2 = jax.random.uniform(k4, (DIM_OUT, HIDDEN), minval=-s2, maxval=s2, dtype=jnp.float32)
    b2 = jax.random.uniform(k5, (DIM_OUT,), minval=-s2, maxval=s2, dtype=jnp.float32)
    return {"x": x, "W1": W1, "b1": b1, "W2": W2, "b2": b2}


def _build_adjacency(features):
    # F.normalize(features, dim=1)
    norms = jnp.sqrt(jnp.sum(features * features, axis=1, keepdims=True))
    feats = features / jnp.maximum(norms, 1e-12)
    n = feats.shape[0]
    similarity = feats @ feats.T
    k = min(K_NEIGHBORS + 1, n)
    _, topk_idx = jax.lax.top_k(similarity, k)
    rows = jnp.repeat(jnp.arange(n), k)
    cols = topk_idx.reshape(-1)
    vals = (rows != cols).astype(jnp.float32)
    adj_knn = jnp.zeros((n, n), dtype=jnp.float32).at[rows, cols].set(vals)
    eye = jnp.eye(n, dtype=jnp.float32)
    # pruning_strategy is None -> adj = adj_knn; fill_diagonal_(0)
    adj = adj_knn * (1.0 - eye)
    # common-neighbor pruning (common_neighbors > 0, strategy != 'mutual')
    cnc = adj @ adj.T
    mask = (cnc >= COMMON_NEIGHBORS).astype(jnp.float32)
    adj_pruned = adj * mask
    adj = jnp.where(jnp.sum(adj_pruned) < n * 2.0, adj, adj_pruned)
    # empty-graph fallback: union kNN graph
    edge_count = jnp.sum((adj > 0).astype(jnp.int32))
    adj_union = ((adj_knn + adj_knn.T) > 0).astype(jnp.float32) * (1.0 - eye)
    adj = jnp.where(edge_count == 0, adj_union, adj)
    # symmetric normalization D^-1/2 (A + I) D^-1/2
    adj = adj + eye
    rowsum = jnp.maximum(jnp.sum(adj, axis=1), 1e-10)
    d_inv_sqrt = rowsum ** -0.5
    adj_norm = d_inv_sqrt[:, None] * adj * d_inv_sqrt[None, :]
    return adj_norm


def reference(x, W1, b1, W2, b2):
    adj = _build_adjacency(x)
    # GraphConvolution 1: Linear(adj @ x)
    support1 = adj @ x
    h = support1 @ W1.T + b1
    h = jax.nn.relu(h)
    # dropout is identity in eval mode
    # GraphConvolution 2
    support2 = adj @ h
    out = support2 @ W2.T + b2
    return out

if __name__ == "__main__":
    import jax
    _d = setup_inputs()
    print(jax.jit(kernel)(*tuple(_d.values())))

</pallas_src>

<mosaic_0001>
#map = affine_map<(d0, d1) -> (0)>
module attributes {stable_mosaic.version = 14 : i64} {
  func.func @_sc_edge_state(%arg0: i32, %arg1: i32, %arg2: memref<32768xi32, #tpu.memory_space<hbm>>, %arg3: memref<32768xi32, #tpu.memory_space<hbm>>, %arg4: memref<512xi32, #tpu.memory_space<hbm>>, %arg5: memref<32768xi32, #tpu.memory_space<vmem>>, %arg6: memref<2048xi32, #tpu.memory_space<vmem>>, %arg7: memref<1024xi32, #tpu.memory_space<vmem>>, %arg8: memref<16xi32, #tpu.memory_space<vmem>>) attributes {dimension_semantics = [#tpu.dimension_semantics<core_parallel>, #tpu.dimension_semantics<subcore_parallel>], iteration_bounds = array<i64: 2, 16>, scalar_prefetch = 0 : i64, scratch_operands = 4 : i64, tpu.core_type = #tpu.core_type<sc_vector_subcore>, window_params = [{transform_indices = #map}, {transform_indices = #map}, {transform_indices = #map}]} {
    %mul3A = arith.constant 16 : i32
    %mul3A_0 = arith.muli %arg0, %mul3A : i32
    %add3A = arith.addi %mul3A_0, %arg1 : i32
    %mul3A_1 = arith.constant 64 : i32
    %mul3A_2 = arith.muli %add3A, %mul3A_1 : i32
    "tpu.region"() ({
      %run_scoped3A = tpu.sem_alloc : memref<!tpu.dma_semaphore, #tpu.memory_space<semaphore_mem>>
      tpu.enqueue_dma source(%arg2 : memref<32768xi32, #tpu.memory_space<hbm>>) target(%arg5 : memref<32768xi32, #tpu.memory_space<vmem>>) target_semaphore(%run_scoped3A : memref<!tpu.dma_semaphore, #tpu.memory_space<semaphore_mem>>)
      tpu.wait_dma2 semaphore(%run_scoped3A : memref<!tpu.dma_semaphore, #tpu.memory_space<semaphore_mem>>) src(%arg2 : memref<32768xi32, #tpu.memory_space<hbm>>) dst(%arg5 : memref<32768xi32, #tpu.memory_space<vmem>>)
      tpu.yield
    }) : () -> ()
    %broadcast_in_dim3A = arith.constant 0 : i32
    %broadcast_in_dim3A_3 = vector.broadcast %broadcast_in_dim3A : i32 to vector<16xi32>
    %broadcast_in_dim3A_4 = arith.constant 1 : i32
    %broadcast_in_dim3A_5 = vector.broadcast %broadcast_in_dim3A_4 : i32 to vector<16xi32>
    %scan3A = arith.constant 0 : i32
    %scan3A_6 = arith.constant 0 : i32
    %scan3A_7 = arith.constant 128 : i32
    %scan3A_8 = arith.addi %scan3A_6, %scan3A_7 : i32
    %scan3A_9 = arith.constant 1 : i32
    %scan3A_10 = scf.for %scan3A_26 = %scan3A_6 to %scan3A_8 step %scan3A_9 iter_args(%scan3A_27 = %scan3A) -> (i32)  : i32 {
      %mul3A_28 = arith.constant 16 : i32
      %mul3A_29 = arith.muli %scan3A_26, %mul3A_28 : i32
      %swap3A_30 = arith.index_cast %mul3A_29 : i32 to index
      %swap3A_31 = tpu.vector_load %arg6[%swap3A_30] {strides = array<i32>} : memref<2048xi32, #tpu.memory_space<vmem>>, vector<16xi32>,
      tpu.vector_store %arg6[%swap3A_30], %broadcast_in_dim3A_3 {strides = array<i32>} : memref<2048xi32, #tpu.memory_space<vmem>>, vector<16xi32>,
      %scan3A_32 = arith.constant 0 : i32
      scf.yield %scan3A_32 : i32
    }
    %scan3A_11 = arith.constant 128 : i32
    %broadcast_in_dim3A_12 = arith.constant 0 : i32
    %broadcast_in_dim3A_13 = vector.broadcast %broadcast_in_dim3A_12 : i32 to vector<16xi32>
    %swap3A = arith.constant 0 : index
    %swap3A_14 = tpu.vector_load %arg8[%swap3A] {strides = array<i32>} : memref<16xi32, #tpu.memory_space<vmem>>, vector<16xi32>,
    tpu.vector_store %arg8[%swap3A], %broadcast_in_dim3A_13 {strides = array<i32>} : memref<16xi32, #tpu.memory_space<vmem>>, vector<16xi32>,
    %scan3A_15 = arith.constant 0 : i32
    %scan3A_16 = arith.constant 0 : i32
    %scan3A_17 = arith.constant 64 : i32
    %scan3A_18 = arith.addi %scan3A_16, %scan3A_17 : i32
    %scan3A_19 = arith.constant 1 : i32
    %scan3A_20 = scf.for %scan3A_26 = %scan3A_16 to %scan3A_18 step %scan3A_19 iter_args(%scan3A_27 = %scan3A_15) -> (i32)  : i32 {
      %add3A_28 = arith.addi %mul3A_2, %scan3A_26 : i32
      %broadcast_in_dim3A_29 = arith.constant 1 : i32
      %broadcast_in_dim3A_30 = vector.broadcast %broadcast_in_dim3A_29 : i32 to vector<16xi32>
      %mul3A_31 = vector.broadcast %add3A_28 : i32 to vector<16xi32>
      %mul3A_32 = arith.muli %broadcast_in_dim3A_30, %mul3A_31 : vector<16xi32>
      %mul3A_33 = arith.constant 16 : i32
      %mul3A_34 = arith.muli %add3A_28, %mul3A_33 : i32
      %get3A = arith.index_cast %mul3A_34 : i32 to index
      %get3A_35 = tpu.vector_load %arg5[%get3A] {strides = array<i32>} : memref<32768xi32, #tpu.memory_space<vmem>>, vector<16xi32>,
      %ne3A = arith.cmpi ne, %get3A_35, %mul3A_32 : vector<16xi32>
      tpu.vector_store_idx %arg6[%get3A_35], %broadcast_in_dim3A_5 masked %ne3A : memref<2048xi32, #tpu.memory_space<vmem>>[vector<16xi32>], vector<16xi32>, vector<16xi1>
      %broadcast_in_dim3A_36 = arith.constant 0 : i32
      %broadcast_in_dim3A_37 = vector.broadcast %broadcast_in_dim3A_36 : i32 to vector<16xi32>
      %mul3A_38 = arith.constant 16 : i32
      %mul3A_39 = vector.broadcast %mul3A_38 : i32 to vector<16xi32>
      %mul3A_40 = arith.muli %get3A_35, %mul3A_39 : vector<16xi32>
      %add3A_41 = arith.constant 0 : i32
      %add3A_42 = vector.broadcast %add3A_41 : i32 to vector<16xi32>
      %add3A_43 = arith.addi %mul3A_40, %add3A_42 : vector<16xi32>
      %gather3A = tpu.vector_load_idx %arg5[%add3A_43] : memref<32768xi32, #tpu.memory_space<vmem>>[vector<16xi32>], vector<16xi32>,
      %gather3A_44 = tpu.vector_load_idx %arg6[%gather3A] : memref<2048xi32, #tpu.memory_space<vmem>>[vector<16xi32>], vector<16xi32>,
      %ne3A_45 = arith.cmpi ne, %gather3A, %get3A_35 : vector<16xi32>
      %jit3A = arith.constant 0 : i32
      %broadcast_in_dim3A_46 = vector.broadcast %jit3A : i32 to vector<16xi32>
      %select_n3A = arith.select %ne3A_45, %gather3A_44, %broadcast_in_dim3A_46 : vector<16xi1>, vector<16xi32>
      %add3A_47 = arith.addi %broadcast_in_dim3A_37, %select_n3A : vector<16xi32>
      %mul3A_48 = arith.constant 16 : i32
      %mul3A_49 = vector.broadcast %mul3A_48 : i32 to vector<16xi32>
      %mul3A_50 = arith.muli %get3A_35, %mul3A_49 : vector<16xi32>
      %add3A_51 = arith.constant 1 : i32
      %add3A_52 = vector.broadcast %add3A_51 : i32 to vector<16xi32>
      %add3A_53 = arith.addi %mul3A_50, %add3A_52 : vector<16xi32>
      %gather3A_54 = tpu.vector_load_idx %arg5[%add3A_53] : memref<32768xi32, #tpu.memory_space<vmem>>[vector<16xi32>], vector<16xi32>,
      %gather3A_55 = tpu.vector_load_idx %arg6[%gather3A_54] : memref<2048xi32, #tpu.memory_space<vmem>>[vector<16xi32>], vector<16xi32>,
      %ne3A_56 = arith.cmpi ne, %gather3A_54, %get3A_35 : vector<16xi32>
      %jit3A_57 = arith.constant 0 : i32
      %broadcast_in_dim3A_58 = vector.broadcast %jit3A_57 : i32 to vector<16xi32>
      %select_n3A_59 = arith.select %ne3A_56, %gather3A_55, %broadcast_in_dim3A_58 : vector<16xi1>, vector<16xi32>
      %add3A_60 = arith.addi %add3A_47, %select_n3A_59 : vector<16xi32>
      %mul3A_61 = arith.constant 16 : i32
      %mul3A_62 = vector.broadcast %mul3A_61 : i32 to vector<16xi32>
      %mul3A_63 = arith.muli %get3A_35, %mul3A_62 : vector<16xi32>
      %add3A_64 = arith.constant 2 : i32
      %add3A_65 = vector.broadcast %add3A_64 : i32 to vector<16xi32>
      %add3A_66 = arith.addi %mul3A_63, %add3A_65 : vector<16xi32>
      %gather3A_67 = tpu.vector_load_idx %arg5[%add3A_66] : memref<32768xi32, #tpu.memory_space<vmem>>[vector<16xi32>], vector<16xi32>,
      %gather3A_68 = tpu.vector_load_idx %arg6[%gather3A_67] : memref<2048xi32, #tpu.memory_space<vmem>>[vector<16xi32>], vector<16xi32>,
      %ne3A_69 = arith.cmpi ne, %gather3A_67, %get3A_35 : vector<16xi32>
      %jit3A_70 = arith.constant 0 : i32
      %broadcast_in_dim3A_71 = vector.broadcast %jit3A_70 : i32 to vector<16xi32>
      %select_n3A_72 = arith.select %ne3A_69, %gather3A_68, %broadcast_in_dim3A_71 : vector<16xi1>, vector<16xi32>
      %add3A_73 = arith.addi %add3A_60, %select_n3A_72 : vector<16xi32>
      %mul3A_74 = arith.constant 16 : i32
      %mul3A_75 = vector.broadcast %mul3A_74 : i32 to vector<16xi32>
      %mul3A_76 = arith.muli %get3A_35, %mul3A_75 : vector<16xi32>
      %add3A_77 = arith.constant 3 : i32
      %add3A_78 = vector.broadcast %add3A_77 : i32 to vector<16xi32>
      %add3A_79 = arith.addi %mul3A_76, %add3A_78 : vector<16xi32>
      %gather3A_80 = tpu.vector_load_idx %arg5[%add3A_79] : memref<32768xi32, #tpu.memory_space<vmem>>[vector<16xi32>], vector<16xi32>,
      %gather3A_81 = tpu.vector_load_idx %arg6[%gather3A_80] : memref<2048xi32, #tpu.memory_space<vmem>>[vector<16xi32>], vector<16xi32>,
      %ne3A_82 = arith.cmpi ne, %gather3A_80, %get3A_35 : vector<16xi32>
      %jit3A_83 = arith.constant 0 : i32
      %broadcast_in_dim3A_84 = vector.broadcast %jit3A_83 : i32 to vector<16xi32>
      %select_n3A_85 = arith.select %ne3A_82, %gather3A_81, %broadcast_in_dim3A_84 : vector<16xi1>, vector<16xi32>
      %add3A_86 = arith.addi %add3A_73, %select_n3A_85 : vector<16xi32>
      %mul3A_87 = arith.constant 16 : i32
      %mul3A_88 = vector.broadcast %mul3A_87 : i32 to vector<16xi32>
      %mul3A_89 = arith.muli %get3A_35, %mul3A_88 : vector<16xi32>
      %add3A_90 = arith.constant 4 : i32
      %add3A_91 = vector.broadcast %add3A_90 : i32 to vector<16xi32>
      %add3A_92 = arith.addi %mul3A_89, %add3A_91 : vector<16xi32>
      %gather3A_93 = tpu.vector_load_idx %arg5[%add3A_92] : memref<32768xi32, #tpu.memory_space<vmem>>[vector<16xi32>], vector<16xi32>,
      %gather3A_94 = tpu.vector_load_idx %arg6[%gather3A_93] : memref<2048xi32, #tpu.memory_space<vmem>>[vector<16xi32>], vector<16xi32>,
      %ne3A_95 = arith.cmpi ne, %gather3A_93, %get3A_35 : vector<16xi32>
      %jit3A_96 = arith.constant 0 : i32
      %broadcast_in_dim3A_97 = vector.broadcast %jit3A_96 : i32 to vector<16xi32>
      %select_n3A_98 = arith.select %ne3A_95, %gather3A_94, %broadcast_in_dim3A_97 : vector<16xi1>, vector<16xi32>
      %add3A_99 = arith.addi %add3A_86, %select_n3A_98 : vector<16xi32>
      %mul3A_100 = arith.constant 16 : i32
      %mul3A_101 = vector.broadcast %mul3A_100 : i32 to vector<16xi32>
      %mul3A_102 = arith.muli %get3A_35, %mul3A_101 : vector<16xi32>
      %add3A_103 = arith.constant 5 : i32
      %add3A_104 = vector.broadcast %add3A_103 : i32 to vector<16xi32>
      %add3A_105 = arith.addi %mul3A_102, %add3A_104 : vector<16xi32>
      %gather3A_106 = tpu.vector_load_idx %arg5[%add3A_105] : memref<32768xi32, #tpu.memory_space<vmem>>[vector<16xi32>], vector<16xi32>,
      %gather3A_107 = tpu.vector_load_idx %arg6[%gather3A_106] : memref<2048xi32, #tpu.memory_space<vmem>>[vector<16xi32>], vector<16xi32>,
      %ne3A_108 = arith.cmpi ne, %gather3A_106, %get3A_35 : vector<16xi32>
      %jit3A_109 = arith.constant 0 : i32
      %broadcast_in_dim3A_110 = vector.broadcast %jit3A_109 : i32 to vector<16xi32>
      %select_n3A_111 = arith.select %ne3A_108, %gather3A_107, %broadcast_in_dim3A_110 : vector<16xi1>, vector<16xi32>
      %add3A_112 = arith.addi %add3A_99, %select_n3A_111 : vector<16xi32>
      %mul3A_113 = arith.constant 16 : i32
      %mul3A_114 = vector.broadcast %mul3A_113 : i32 to vector<16xi32>
      %mul3A_115 = arith.muli %get3A_35, %mul3A_114 : vector<16xi32>
      %add3A_116 = arith.constant 6 : i32
      %add3A_117 = vector.broadcast %add3A_116 : i32 to vector<16xi32>
      %add3A_118 = arith.addi %mul3A_115, %add3A_117 : vector<16xi32>
      %gather3A_119 = tpu.vector_load_idx %arg5[%add3A_118] : memref<32768xi32, #tpu.memory_space<vmem>>[vector<16xi32>], vector<16xi32>,
      %gather3A_120 = tpu.vector_load_idx %arg6[%gather3A_119] : memref<2048xi32, #tpu.memory_space<vmem>>[vector<16xi32>], vector<16xi32>,
      %ne3A_121 = arith.cmpi ne, %gather3A_119, %get3A_35 : vector<16xi32>
      %jit3A_122 = arith.constant 0 : i32
      %broadcast_in_dim3A_123 = vector.broadcast %jit3A_122 : i32 to vector<16xi32>
      %select_n3A_124 = arith.select %ne3A_121, %gather3A_120, %broadcast_in_dim3A_123 : vector<16xi1>, vector<16xi32>
      %add3A_125 = arith.addi %add3A_112, %select_n3A_124 : vector<16xi32>
      %mul3A_126 = arith.constant 16 : i32
      %mul3A_127 = vector.broadcast %mul3A_126 : i32 to vector<16xi32>
      %mul3A_128 = arith.muli %get3A_35, %mul3A_127 : vector<16xi32>
      %add3A_129 = arith.constant 7 : i32
      %add3A_130 = vector.broadcast %add3A_129 : i32 to vector<16xi32>
      %add3A_131 = arith.addi %mul3A_128, %add3A_130 : vector<16xi32>
      %gather3A_132 = tpu.vector_load_idx %arg5[%add3A_131] : memref<32768xi32, #tpu.memory_space<vmem>>[vector<16xi32>], vector<16xi32>,
      %gather3A_133 = tpu.vector_load_idx %arg6[%gather3A_132] : memref<2048xi32, #tpu.memory_space<vmem>>[vector<16xi32>], vector<16xi32>,
      %ne3A_134 = arith.cmpi ne, %gather3A_132, %get3A_35 : vector<16xi32>
      %jit3A_135 = arith.constant 0 : i32
      %broadcast_in_dim3A_136 = vector.broadcast %jit3A_135 : i32 to vector<16xi32>
      %select_n3A_137 = arith.select %ne3A_134, %gather3A_133, %broadcast_in_dim3A_136 : vector<16xi1>, vector<16xi32>
      %add3A_138 = arith.addi %add3A_125, %select_n3A_137 : vector<16xi32>
      %mul3A_139 = arith.constant 16 : i32
      %mul3A_140 = vector.broadcast %mul3A_139 : i32 to vector<16xi32>
      %mul3A_141 = arith.muli %get3A_35, %mul3A_140 : vector<16xi32>
      %add3A_142 = arith.constant 8 : i32
      %add3A_143 = vector.broadcast %add3A_142 : i32 to vector<16xi32>
      %add3A_144 = arith.addi %mul3A_141, %add3A_143 : vector<16xi32>
      %gather3A_145 = tpu.vector_load_idx %arg5[%add3A_144] : memref<32768xi32, #tpu.memory_space<vmem>>[vector<16xi32>], vector<16xi32>,
      %gather3A_146 = tpu.vector_load_idx %arg6[%gather3A_145] : memref<2048xi32, #tpu.memory_space<vmem>>[vector<16xi32>], vector<16xi32>,
      %ne3A_147 = arith.cmpi ne, %gather3A_145, %get3A_35 : vector<16xi32>
      %jit3A_148 = arith.constant 0 : i32
      %broadcast_in_dim3A_149 = vector.broadcast %jit3A_148 : i32 to vector<16xi32>
      %select_n3A_150 = arith.select %ne3A_147, %gather3A_146, %broadcast_in_dim3A_149 : vector<16xi1>, vector<16xi32>
      %add3A_151 = arith.addi %add3A_138, %select_n3A_150 : vector<16xi32>
      %mul3A_152 = arith.constant 16 : i32
      %mul3A_153 = vector.broadcast %mul3A_152 : i32 to vector<16xi32>
      %mul3A_154 = arith.muli %get3A_35, %mul3A_153 : vector<16xi32>
      %add3A_155 = arith.constant 9 : i32
      %add3A_156 = vector.broadcast %add3A_155 : i32 to vector<16xi32>
      %add3A_157 = arith.addi %mul3A_154, %add3A_156 : vector<16xi32>
      %gather3A_158 = tpu.vector_load_idx %arg5[%add3A_157] : memref<32768xi32, #tpu.memory_space<vmem>>[vector<16xi32>], vector<16xi32>,
      %gather3A_159 = tpu.vector_load_idx %arg6[%gather3A_158] : memref<2048xi32, #tpu.memory_space<vmem>>[vector<16xi32>], vector<16xi32>,
      %ne3A_160 = arith.cmpi ne, %gather3A_158, %get3A_35 : vector<16xi32>
      %jit3A_161 = arith.constant 0 : i32
      %broadcast_in_dim3A_162 = vector.broadcast %jit3A_161 : i32 to vector<16xi32>
      %select_n3A_163 = arith.select %ne3A_160, %gather3A_159, %broadcast_in_dim3A_162 : vector<16xi1>, vector<16xi32>
      %add3A_164 = arith.addi %add3A_151, %select_n3A_163 : vector<16xi32>
      %mul3A_165 = arith.constant 16 : i32
      %mul3A_166 = vector.broadcast %mul3A_165 : i32 to vector<16xi32>
      %mul3A_167 = arith.muli %get3A_35, %mul3A_166 : vector<16xi32>
      %add3A_168 = arith.constant 10 : i32
      %add3A_169 = vector.broadcast %add3A_168 : i32 to vector<16xi32>
      %add3A_170 = arith.addi %mul3A_167, %add3A_169 : vector<16xi32>
      %gather3A_171 = tpu.vector_load_idx %arg5[%add3A_170] : memref<32768xi32, #tpu.memory_space<vmem>>[vector<16xi32>], vector<16xi32>,
      %gather3A_172 = tpu.vector_load_idx %arg6[%gather3A_171] : memref<2048xi32, #tpu.memory_space<vmem>>[vector<16xi32>], vector<16xi32>,
      %ne3A_173 = arith.cmpi ne, %gather3A_171, %get3A_35 : vector<16xi32>
      %jit3A_174 = arith.constant 0 : i32
      %broadcast_in_dim3A_175 = vector.broadcast %jit3A_174 : i32 to vector<16xi32>
      %select_n3A_176 = arith.select %ne3A_173, %gather3A_172, %broadcast_in_dim3A_175 : vector<16xi1>, vector<16xi32>
      %add3A_177 = arith.addi %add3A_164, %select_n3A_176 : vector<16xi32>
      %mul3A_178 = arith.constant 16 : i32
      %mul3A_179 = vector.broadcast %mul3A_178 : i32 to vector<16xi32>
      %mul3A_180 = arith.muli %get3A_35, %mul3A_179 : vector<16xi32>
      %add3A_181 = arith.constant 11 : i32
      %add3A_182 = vector.broadcast %add3A_181 : i32 to vector<16xi32>
      %add3A_183 = arith.addi %mul3A_180, %add3A_182 : vector<16xi32>
      %gather3A_184 = tpu.vector_load_idx %arg5[%add3A_183] : memref<32768xi32, #tpu.memory_space<vmem>>[vector<16xi32>], vector<16xi32>,
      %gather3A_185 = tpu.vector_load_idx %arg6[%gather3A_184] : memref<2048xi32, #tpu.memory_space<vmem>>[vector<16xi32>], vector<16xi32>,
      %ne3A_186 = arith.cmpi ne, %gather3A_184, %get3A_35 : vector<16xi32>
      %jit3A_187 = arith.constant 0 : i32
      %broadcast_in_dim3A_188 = vector.broadcast %jit3A_187 : i32 to vector<16xi32>
      %select_n3A_189 = arith.select %ne3A_186, %gather3A_185, %broadcast_in_dim3A_188 : vector<16xi1>, vector<16xi32>
      %add3A_190 = arith.addi %add3A_177, %select_n3A_189 : vector<16xi32>
      %mul3A_191 = arith.constant 16 : i32
      %mul3A_192 = vector.broadcast %mul3A_191 : i32 to vector<16xi32>
      %mul3A_193 = arith.muli %get3A_35, %mul3A_192 : vector<16xi32>
      %add3A_194 = arith.constant 12 : i32
      %add3A_195 = vector.broadcast %add3A_194 : i32 to vector<16xi32>
      %add3A_196 = arith.addi %mul3A_193, %add3A_195 : vector<16xi32>
      %gather3A_197 = tpu.vector_load_idx %arg5[%add3A_196] : memref<32768xi32, #tpu.memory_space<vmem>>[vector<16xi32>], vector<16xi32>,
      %gather3A_198 = tpu.vector_load_idx %arg6[%gather3A_197] : memref<2048xi32, #tpu.memory_space<vmem>>[vector<16xi32>], vector<16xi32>,
      %ne3A_199 = arith.cmpi ne, %gather3A_197, %get3A_35 : vector<16xi32>
      %jit3A_200 = arith.constant 0 : i32
      %broadcast_in_dim3A_201 = vector.broadcast %jit3A_200 : i32 to vector<16xi32>
      %select_n3A_202 = arith.select %ne3A_199, %gather3A_198, %broadcast_in_dim3A_201 : vector<16xi1>, vector<16xi32>
      %add3A_203 = arith.addi %add3A_190, %select_n3A_202 : vector<16xi32>
      %mul3A_204 = arith.constant 16 : i32
      %mul3A_205 = vector.broadcast %mul3A_204 : i32 to vector<16xi32>
      %mul3A_206 = arith.muli %get3A_35, %mul3A_205 : vector<16xi32>
      %add3A_207 = arith.constant 13 : i32
      %add3A_208 = vector.broadcast %add3A_207 : i32 to vector<16xi32>
      %add3A_209 = arith.addi %mul3A_206, %add3A_208 : vector<16xi32>
      %gather3A_210 = tpu.vector_load_idx %arg5[%add3A_209] : memref<32768xi32, #tpu.memory_space<vmem>>[vector<16xi32>], vector<16xi32>,
      %gather3A_211 = tpu.vector_load_idx %arg6[%gather3A_210] : memref<2048xi32, #tpu.memory_space<vmem>>[vector<16xi32>], vector<16xi32>,
      %ne3A_212 = arith.cmpi ne, %gather3A_210, %get3A_35 : vector<16xi32>
      %jit3A_213 = arith.constant 0 : i32
      %broadcast_in_dim3A_214 = vector.broadcast %jit3A_213 : i32 to vector<16xi32>
      %select_n3A_215 = arith.select %ne3A_212, %gather3A_211, %broadcast_in_dim3A_214 : vector<16xi1>, vector<16xi32>
      %add3A_216 = arith.addi %add3A_203, %select_n3A_215 : vector<16xi32>
      %mul3A_217 = arith.constant 16 : i32
      %mul3A_218 = vector.broadcast %mul3A_217 : i32 to vector<16xi32>
      %mul3A_219 = arith.muli %get3A_35, %mul3A_218 : vector<16xi32>
      %add3A_220 = arith.constant 14 : i32
      %add3A_221 = vector.broadcast %add3A_220 : i32 to vector<16xi32>
      %add3A_222 = arith.addi %mul3A_219, %add3A_221 : vector<16xi32>
      %gather3A_223 = tpu.vector_load_idx %arg5[%add3A_222] : memref<32768xi32, #tpu.memory_space<vmem>>[vector<16xi32>], vector<16xi32>,
      %gather3A_224 = tpu.vector_load_idx %arg6[%gather3A_223] : memref<2048xi32, #tpu.memory_space<vmem>>[vector<16xi32>], vector<16xi32>,
      %ne3A_225 = arith.cmpi ne, %gather3A_223, %get3A_35 : vector<16xi32>
      %jit3A_226 = arith.constant 0 : i32
      %broadcast_in_dim3A_227 = vector.broadcast %jit3A_226 : i32 to vector<16xi32>
      %select_n3A_228 = arith.select %ne3A_225, %gather3A_224, %broadcast_in_dim3A_227 : vector<16xi1>, vector<16xi32>
      %add3A_229 = arith.addi %add3A_216, %select_n3A_228 : vector<16xi32>
      %mul3A_230 = arith.constant 16 : i32
      %mul3A_231 = vector.broadcast %mul3A_230 : i32 to vector<16xi32>
      %mul3A_232 = arith.muli %get3A_35, %mul3A_231 : vector<16xi32>
      %add3A_233 = arith.constant 15 : i32
      %add3A_234 = vector.broadcast %add3A_233 : i32 to vector<16xi32>
      %add3A_235 = arith.addi %mul3A_232, %add3A_234 : vector<16xi32>
      %gather3A_236 = tpu.vector_load_idx %arg5[%add3A_235] : memref<32768xi32, #tpu.memory_space<vmem>>[vector<16xi32>], vector<16xi32>,
      %gather3A_237 = tpu.vector_load_idx %arg6[%gather3A_236] : memref<2048xi32, #tpu.memory_space<vmem>>[vector<16xi32>], vector<16xi32>,
      %ne3A_238 = arith.cmpi ne, %gather3A_236, %get3A_35 : vector<16xi32>
      %jit3A_239 = arith.constant 0 : i32
      %broadcast_in_dim3A_240 = vector.broadcast %jit3A_239 : i32 to vector<16xi32>
      %select_n3A_241 = arith.select %ne3A_238, %gather3A_237, %broadcast_in_dim3A_240 : vector<16xi1>, vector<16xi32>
      %add3A_242 = arith.addi %add3A_229, %select_n3A_241 : vector<16xi32>
      tpu.vector_store_idx %arg6[%get3A_35], %broadcast_in_dim3A_3 masked %ne3A : memref<2048xi32, #tpu.memory_space<vmem>>[vector<16xi32>], vector<16xi32>, vector<16xi1>
      %ge3A = arith.constant 2 : i32
      %ge3A_243 = vector.broadcast %ge3A : i32 to vector<16xi32>
      %ge3A_244 = arith.cmpi sge, %add3A_242, %ge3A_243 : vector<16xi32>
      %convert_element_type3A = arith.extui %ge3A_244 : vector<16xi1> to vector<16xi32>
      %add3A_245 = arith.constant 1 : i32
      %add3A_246 = vector.broadcast %add3A_245 : i32 to vector<16xi32>
      %add3A_247 = arith.addi %add3A_246, %convert_element_type3A : vector<16xi32>
      %broadcast_in_dim3A_248 = arith.constant 0 : i32
      %broadcast_in_dim3A_249 = vector.broadcast %broadcast_in_dim3A_248 : i32 to vector<16xi32>
      %select_n3A_250 = arith.select %ne3A, %add3A_247, %broadcast_in_dim3A_249 : vector<16xi1>, vector<16xi32>
      %mul3A_251 = arith.constant 16 : i32
      %mul3A_252 = arith.muli %scan3A_26, %mul3A_251 : i32
      %swap3A_253 = arith.index_cast %mul3A_252 : i32 to index
      %swap3A_254 = tpu.vector_load %arg7[%swap3A_253] {strides = array<i32>} : memref<1024xi32, #tpu.memory_space<vmem>>, vector<16xi32>,
      tpu.vector_store %arg7[%swap3A_253], %select_n3A_250 {strides = array<i32>} : memref<1024xi32, #tpu.memory_space<vmem>>, vector<16xi32>,
      %get3A_255 = arith.constant 0 : index
      %get3A_256 = tpu.vector_load %arg8[%get3A_255] {strides = array<i32>} : memref<16xi32, #tpu.memory_space<vmem>>, vector<16xi32>,
      %eq3A = arith.constant 2 : i32
      %eq3A_257 = vector.broadcast %eq3A : i32 to vector<16xi32>
      %eq3A_258 = arith.cmpi eq, %select_n3A_250, %eq3A_257 : vector<16xi32>
      %convert_element_type3A_259 = arith.extui %eq3A_258 : vector<16xi1> to vector<16xi32>
      %add3A_260 = arith.addi %get3A_256, %convert_element_type3A_259 : vector<16xi32>
      %swap3A_261 = arith.constant 0 : index
      %swap3A_262 = tpu.vector_load %arg8[%swap3A_261] {strides = array<i32>} : memref<16xi32, #tpu.memory_space<vmem>>, vector<16xi32>,
      tpu.vector_store %arg8[%swap3A_261], %add3A_260 {strides = array<i32>} : memref<16xi32, #tpu.memory_space<vmem>>, vector<16xi32>,
      %scan3A_263 = arith.constant 0 : i32
      scf.yield %scan3A_263 : i32
    }
    %scan3A_21 = arith.constant 64 : i32
    %mul3A_22 = arith.constant 16 : i32
    %mul3A_23 = arith.muli %mul3A_2, %mul3A_22 : i32
    "tpu.region"() ({
      %run_scoped3A = tpu.sem_alloc : memref<!tpu.dma_semaphore, #tpu.memory_space<semaphore_mem>>
      %dma_start3A = tpu.memref_slice %arg3[%mul3A_23] : memref<32768xi32, #tpu.memory_space<hbm>> -> memref<1024xi32, #tpu.memory_space<hbm>>
      %dma_start3A_26 = tpu.memref_slice %arg3[%mul3A_23] : memref<32768xi32, #tpu.memory_space<hbm>> -> memref<1024xi32, #tpu.memory_space<hbm>>
      tpu.enqueue_dma source(%arg7 : memref<1024xi32, #tpu.memory_space<vmem>>) target(%dma_start3A_26 : memref<1024xi32, #tpu.memory_space<hbm>>) target_semaphore(%run_scoped3A : memref<!tpu.dma_semaphore, #tpu.memory_space<semaphore_mem>>)
      %dma_wait3A = tpu.memref_slice %arg3[%mul3A_23] : memref<32768xi32, #tpu.memory_space<hbm>> -> memref<1024xi32, #tpu.memory_space<hbm>>
      %dma_wait3A_27 = tpu.memref_slice %arg3[%mul3A_23] : memref<32768xi32, #tpu.memory_space<hbm>> -> memref<1024xi32, #tpu.memory_space<hbm>>
      tpu.wait_dma2 semaphore(%run_scoped3A : memref<!tpu.dma_semaphore, #tpu.memory_space<semaphore_mem>>) src(%arg7 : memref<1024xi32, #tpu.memory_space<vmem>>) dst(%dma_wait3A_27 : memref<1024xi32, #tpu.memory_space<hbm>>)
      tpu.yield
    }) : () -> ()
    %mul3A_24 = arith.constant 16 : i32
    %mul3A_25 = arith.muli %add3A, %mul3A_24 : i32
    "tpu.region"() ({
      %run_scoped3A = tpu.sem_alloc : memref<!tpu.dma_semaphore, #tpu.memory_space<semaphore_mem>>
      %dma_start3A = tpu.memref_slice %arg4[%mul3A_25] : memref<512xi32, #tpu.memory_space<hbm>> -> memref<16xi32, #tpu.memory_space<hbm>>
      %dma_start3A_26 = tpu.memref_slice %arg4[%mul3A_25] : memref<512xi32, #tpu.memory_space<hbm>> -> memref<16xi32, #tpu.memory_space<hbm>>
      tpu.enqueue_dma source(%arg8 : memref<16xi32, #tpu.memory_space<vmem>>) target(%dma_start3A_26 : memref<16xi32, #tpu.memory_space<hbm>>) target_semaphore(%run_scoped3A : memref<!tpu.dma_semaphore, #tpu.memory_space<semaphore_mem>>)
      %dma_wait3A = tpu.memref_slice %arg4[%mul3A_25] : memref<512xi32, #tpu.memory_space<hbm>> -> memref<16xi32, #tpu.memory_space<hbm>>
      %dma_wait3A_27 = tpu.memref_slice %arg4[%mul3A_25] : memref<512xi32, #tpu.memory_space<hbm>> -> memref<16xi32, #tpu.memory_space<hbm>>
      tpu.wait_dma2 semaphore(%run_scoped3A : memref<!tpu.dma_semaphore, #tpu.memory_space<semaphore_mem>>) src(%arg8 : memref<16xi32, #tpu.memory_space<vmem>>) dst(%dma_wait3A_27 : memref<16xi32, #tpu.memory_space<hbm>>)
      tpu.yield
    }) : () -> ()
    return
  }
}

#map = affine_map<(d0, d1) -> (0)>
module attributes {stable_mosaic.version = 14 : i64} {
  func.func @_sc_scatter_adj(%arg0: i32, %arg1: i32, %arg2: memref<32768xi32, #tpu.memory_space<hbm>>, %arg3: memref<32768xi32, #tpu.memory_space<hbm>>, %arg4: memref<512xi32, #tpu.memory_space<hbm>>, %arg5: memref<32xf32, #tpu.memory_space<hbm>>, %arg6: memref<4194304xf32, #tpu.memory_space<hbm>>, %arg7: memref<1024xi32, #tpu.memory_space<vmem>>, %arg8: memref<32768xi32, #tpu.memory_space<vmem>>, %arg9: memref<512xi32, #tpu.memory_space<vmem>>, %arg10: memref<32xf32, #tpu.memory_space<vmem>>, %arg11: memref<32768xf32, #tpu.memory_space<vmem>>, %arg12: memref<!tpu.dma_semaphore, #tpu.memory_space<semaphore_mem>>) attributes {dimension_semantics = [#tpu.dimension_semantics<core_parallel>, #tpu.dimension_semantics<subcore_parallel>], iteration_bounds = array<i64: 2, 16>, scalar_prefetch = 0 : i64, scratch_operands = 6 : i64, tpu.core_type = #tpu.core_type<sc_vector_subcore>, window_params = [{transform_indices = #map}, {transform_indices = #map}, {transform_indices = #map}, {transform_indices = #map}, {transform_indices = #map}]} {
    %mul3A = arith.constant 16 : i32
    %mul3A_0 = arith.muli %arg0, %mul3A : i32
    %add3A = arith.addi %mul3A_0, %arg1 : i32
    %mul3A_1 = arith.constant 64 : i32
    %mul3A_2 = arith.muli %add3A, %mul3A_1 : i32
    %mul3A_3 = arith.constant 16 : i32
    %mul3A_4 = arith.muli %mul3A_2, %mul3A_3 : i32
    "tpu.region"() ({
      %run_scoped3A = tpu.sem_alloc : memref<!tpu.dma_semaphore, #tpu.memory_space<semaphore_mem>>
      %dma_start3A = tpu.memref_slice %arg2[%mul3A_4] : memref<32768xi32, #tpu.memory_space<hbm>> -> memref<1024xi32, #tpu.memory_space<hbm>>
      %dma_start3A_148 = tpu.memref_slice %arg2[%mul3A_4] : memref<32768xi32, #tpu.memory_space<hbm>> -> memref<1024xi32, #tpu.memory_space<hbm>>
      tpu.enqueue_dma source(%dma_start3A_148 : memref<1024xi32, #tpu.memory_space<hbm>>) target(%arg7 : memref<1024xi32, #tpu.memory_space<vmem>>) target_semaphore(%run_scoped3A : memref<!tpu.dma_semaphore, #tpu.memory_space<semaphore_mem>>)
      %dma_wait3A_149 = tpu.memref_slice %arg2[%mul3A_4] : memref<32768xi32, #tpu.memory_space<hbm>> -> memref<1024xi32, #tpu.memory_space<hbm>>
      %dma_wait3A_150 = tpu.memref_slice %arg2[%mul3A_4] : memref<32768xi32, #tpu.memory_space<hbm>> -> memref<1024xi32, #tpu.memory_space<hbm>>
      tpu.wait_dma2 semaphore(%run_scoped3A : memref<!tpu.dma_semaphore, #tpu.memory_space<semaphore_mem>>) src(%dma_wait3A_150 : memref<1024xi32, #tpu.memory_space<hbm>>) dst(%arg7 : memref<1024xi32, #tpu.memory_space<vmem>>)
      tpu.yield
    }) : () -> ()
    "tpu.region"() ({
      %run_scoped3A = tpu.sem_alloc : memref<!tpu.dma_semaphore, #tpu.memory_space<semaphore_mem>>
      tpu.enqueue_dma source(%arg3 : memref<32768xi32, #tpu.memory_space<hbm>>) target(%arg8 : memref<32768xi32, #tpu.memory_space<vmem>>) target_semaphore(%run_scoped3A : memref<!tpu.dma_semaphore, #tpu.memory_space<semaphore_mem>>)
      tpu.wait_dma2 semaphore(%run_scoped3A : memref<!tpu.dma_semaphore, #tpu.memory_space<semaphore_mem>>) src(%arg3 : memref<32768xi32, #tpu.memory_space<hbm>>) dst(%arg8 : memref<32768xi32, #tpu.memory_space<vmem>>)
      tpu.yield
    }) : () -> ()
    "tpu.region"() ({
      %run_scoped3A = tpu.sem_alloc : memref<!tpu.dma_semaphore, #tpu.memory_space<semaphore_mem>>
      tpu.enqueue_dma source(%arg4 : memref<512xi32, #tpu.memory_space<hbm>>) target(%arg9 : memref<512xi32, #tpu.memory_space<vmem>>) target_semaphore(%run_scoped3A : memref<!tpu.dma_semaphore, #tpu.memory_space<semaphore_mem>>)
      tpu.wait_dma2 semaphore(%run_scoped3A : memref<!tpu.dma_semaphore, #tpu.memory_space<semaphore_mem>>) src(%arg4 : memref<512xi32, #tpu.memory_space<hbm>>) dst(%arg9 : memref<512xi32, #tpu.memory_space<vmem>>)
      tpu.yield
    }) : () -> ()
    "tpu.region"() ({
      %run_scoped3A = tpu.sem_alloc : memref<!tpu.dma_semaphore, #tpu.memory_space<semaphore_mem>>
      tpu.enqueue_dma source(%arg5 : memref<32xf32, #tpu.memory_space<hbm>>) target(%arg10 : memref<32xf32, #tpu.memory_space<vmem>>) target_semaphore(%run_scoped3A : memref<!tpu.dma_semaphore, #tpu.memory_space<semaphore_mem>>)
      tpu.wait_dma2 semaphore(%run_scoped3A : memref<!tpu.dma_semaphore, #tpu.memory_space<semaphore_mem>>) src(%arg5 : memref<32xf32, #tpu.memory_space<hbm>>) dst(%arg10 : memref<32xf32, #tpu.memory_space<vmem>>)
      tpu.yield
    }) : () -> ()
    %broadcast_in_dim3A = arith.constant 0 : i32
    %broadcast_in_dim3A_5 = vector.broadcast %broadcast_in_dim3A : i32 to vector<16xi32>
    %get3A = arith.constant 0 : index
    %get3A_6 = tpu.vector_load %arg9[%get3A] {strides = array<i32>} : memref<512xi32, #tpu.memory_space<vmem>>, vector<16xi32>,
    %add3A_7 = arith.addi %broadcast_in_dim3A_5, %get3A_6 : vector<16xi32>
    %get3A_8 = arith.constant 16 : index
    %get3A_9 = tpu.vector_load %arg9[%get3A_8] {strides = array<i32>} : memref<512xi32, #tpu.memory_space<vmem>>, vector<16xi32>,
    %add3A_10 = arith.addi %add3A_7, %get3A_9 : vector<16xi32>
    %get3A_11 = arith.constant 32 : index
    %get3A_12 = tpu.vector_load %arg9[%get3A_11] {strides = array<i32>} : memref<512xi32, #tpu.memory_space<vmem>>, vector<16xi32>,
    %add3A_13 = arith.addi %add3A_10, %get3A_12 : vector<16xi32>
    %get3A_14 = arith.constant 48 : index
    %get3A_15 = tpu.vector_load %arg9[%get3A_14] {strides = array<i32>} : memref<512xi32, #tpu.memory_space<vmem>>, vector<16xi32>,
    %add3A_16 = arith.addi %add3A_13, %get3A_15 : vector<16xi32>
    %get3A_17 = arith.constant 64 : index
    %get3A_18 = tpu.vector_load %arg9[%get3A_17] {strides = array<i32>} : memref<512xi32, #tpu.memory_space<vmem>>, vector<16xi32>,
    %add3A_19 = arith.addi %add3A_16, %get3A_18 : vector<16xi32>
    %get3A_20 = arith.constant 80 : index
    %get3A_21 = tpu.vector_load %arg9[%get3A_20] {strides = array<i32>} : memref<512xi32, #tpu.memory_space<vmem>>, vector<16xi32>,
    %add3A_22 = arith.addi %add3A_19, %get3A_21 : vector<16xi32>
    %get3A_23 = arith.constant 96 : index
    %get3A_24 = tpu.vector_load %arg9[%get3A_23] {strides = array<i32>} : memref<512xi32, #tpu.memory_space<vmem>>, vector<16xi32>,
    %add3A_25 = arith.addi %add3A_22, %get3A_24 : vector<16xi32>
    %get3A_26 = arith.constant 112 : index
    %get3A_27 = tpu.vector_load %arg9[%get3A_26] {strides = array<i32>} : memref<512xi32, #tpu.memory_space<vmem>>, vector<16xi32>,
    %add3A_28 = arith.addi %add3A_25, %get3A_27 : vector<16xi32>
    %get3A_29 = arith.constant 128 : index
    %get3A_30 = tpu.vector_load %arg9[%get3A_29] {strides = array<i32>} : memref<512xi32, #tpu.memory_space<vmem>>, vector<16xi32>,
    %add3A_31 = arith.addi %add3A_28, %get3A_30 : vector<16xi32>
    %get3A_32 = arith.constant 144 : index
    %get3A_33 = tpu.vector_load %arg9[%get3A_32] {strides = array<i32>} : memref<512xi32, #tpu.memory_space<vmem>>, vector<16xi32>,
    %add3A_34 = arith.addi %add3A_31, %get3A_33 : vector<16xi32>
    %get3A_35 = arith.constant 160 : index
    %get3A_36 = tpu.vector_load %arg9[%get3A_35] {strides = array<i32>} : memref<512xi32, #tpu.memory_space<vmem>>, vector<16xi32>,
    %add3A_37 = arith.addi %add3A_34, %get3A_36 : vector<16xi32>
    %get3A_38 = arith.constant 176 : index
    %get3A_39 = tpu.vector_load %arg9[%get3A_38] {strides = array<i32>} : memref<512xi32, #tpu.memory_space<vmem>>, vector<16xi32>,
    %add3A_40 = arith.addi %add3A_37, %get3A_39 : vector<16xi32>
    %get3A_41 = arith.constant 192 : index
    %get3A_42 = tpu.vector_load %arg9[%get3A_41] {strides = array<i32>} : memref<512xi32, #tpu.memory_space<vmem>>, vector<16xi32>,
    %add3A_43 = arith.addi %add3A_40, %get3A_42 : vector<16xi32>
    %get3A_44 = arith.constant 208 : index
    %get3A_45 = tpu.vector_load %arg9[%get3A_44] {strides = array<i32>} : memref<512xi32, #tpu.memory_space<vmem>>, vector<16xi32>,
    %add3A_46 = arith.addi %add3A_43, %get3A_45 : vector<16xi32>
    %get3A_47 = arith.constant 224 : index
    %get3A_48 = tpu.vector_load %arg9[%get3A_47] {strides = array<i32>} : memref<512xi32, #tpu.memory_space<vmem>>, vector<16xi32>,
    %add3A_49 = arith.addi %add3A_46, %get3A_48 : vector<16xi32>
    %get3A_50 = arith.constant 240 : index
    %get3A_51 = tpu.vector_load %arg9[%get3A_50] {strides = array<i32>} : memref<512xi32, #tpu.memory_space<vmem>>, vector<16xi32>,
    %add3A_52 = arith.addi %add3A_49, %get3A_51 : vector<16xi32>
    %get3A_53 = arith.constant 256 : index
    %get3A_54 = tpu.vector_load %arg9[%get3A_53] {strides = array<i32>} : memref<512xi32, #tpu.memory_space<vmem>>, vector<16xi32>,
    %add3A_55 = arith.addi %add3A_52, %get3A_54 : vector<16xi32>
    %get3A_56 = arith.constant 272 : index
    %get3A_57 = tpu.vector_load %arg9[%get3A_56] {strides = array<i32>} : memref<512xi32, #tpu.memory_space<vmem>>, vector<16xi32>,
    %add3A_58 = arith.addi %add3A_55, %get3A_57 : vector<16xi32>
    %get3A_59 = arith.constant 288 : index
    %get3A_60 = tpu.vector_load %arg9[%get3A_59] {strides = array<i32>} : memref<512xi32, #tpu.memory_space<vmem>>, vector<16xi32>,
    %add3A_61 = arith.addi %add3A_58, %get3A_60 : vector<16xi32>
    %get3A_62 = arith.constant 304 : index
    %get3A_63 = tpu.vector_load %arg9[%get3A_62] {strides = array<i32>} : memref<512xi32, #tpu.memory_space<vmem>>, vector<16xi32>,
    %add3A_64 = arith.addi %add3A_61, %get3A_63 : vector<16xi32>
    %get3A_65 = arith.constant 320 : index
    %get3A_66 = tpu.vector_load %arg9[%get3A_65] {strides = array<i32>} : memref<512xi32, #tpu.memory_space<vmem>>, vector<16xi32>,
    %add3A_67 = arith.addi %add3A_64, %get3A_66 : vector<16xi32>
    %get3A_68 = arith.constant 336 : index
    %get3A_69 = tpu.vector_load %arg9[%get3A_68] {strides = array<i32>} : memref<512xi32, #tpu.memory_space<vmem>>, vector<16xi32>,
    %add3A_70 = arith.addi %add3A_67, %get3A_69 : vector<16xi32>
    %get3A_71 = arith.constant 352 : index
    %get3A_72 = tpu.vector_load %arg9[%get3A_71] {strides = array<i32>} : memref<512xi32, #tpu.memory_space<vmem>>, vector<16xi32>,
    %add3A_73 = arith.addi %add3A_70, %get3A_72 : vector<16xi32>
    %get3A_74 = arith.constant 368 : index
    %get3A_75 = tpu.vector_load %arg9[%get3A_74] {strides = array<i32>} : memref<512xi32, #tpu.memory_space<vmem>>, vector<16xi32>,
    %add3A_76 = arith.addi %add3A_73, %get3A_75 : vector<16xi32>
    %get3A_77 = arith.constant 384 : index
    %get3A_78 = tpu.vector_load %arg9[%get3A_77] {strides = array<i32>} : memref<512xi32, #tpu.memory_space<vmem>>, vector<16xi32>,
    %add3A_79 = arith.addi %add3A_76, %get3A_78 : vector<16xi32>
    %get3A_80 = arith.constant 400 : index
    %get3A_81 = tpu.vector_load %arg9[%get3A_80] {strides = array<i32>} : memref<512xi32, #tpu.memory_space<vmem>>, vector<16xi32>,
    %add3A_82 = arith.addi %add3A_79, %get3A_81 : vector<16xi32>
    %get3A_83 = arith.constant 416 : index
    %get3A_84 = tpu.vector_load %arg9[%get3A_83] {strides = array<i32>} : memref<512xi32, #tpu.memory_space<vmem>>, vector<16xi32>,
    %add3A_85 = arith.addi %add3A_82, %get3A_84 : vector<16xi32>
    %get3A_86 = arith.constant 432 : index
    %get3A_87 = tpu.vector_load %arg9[%get3A_86] {strides = array<i32>} : memref<512xi32, #tpu.memory_space<vmem>>, vector<16xi32>,
    %add3A_88 = arith.addi %add3A_85, %get3A_87 : vector<16xi32>
    %get3A_89 = arith.constant 448 : index
    %get3A_90 = tpu.vector_load %arg9[%get3A_89] {strides = array<i32>} : memref<512xi32, #tpu.memory_space<vmem>>, vector<16xi32>,
    %add3A_91 = arith.addi %add3A_88, %get3A_90 : vector<16xi32>
    %get3A_92 = arith.constant 464 : index
    %get3A_93 = tpu.vector_load %arg9[%get3A_92] {strides = array<i32>} : memref<512xi32, #tpu.memory_space<vmem>>, vector<16xi32>,
    %add3A_94 = arith.addi %add3A_91, %get3A_93 : vector<16xi32>
    %get3A_95 = arith.constant 480 : index
    %get3A_96 = tpu.vector_load %arg9[%get3A_95] {strides = array<i32>} : memref<512xi32, #tpu.memory_space<vmem>>, vector<16xi32>,
    %add3A_97 = arith.addi %add3A_94, %get3A_96 : vector<16xi32>
    %get3A_98 = arith.constant 496 : index
    %get3A_99 = tpu.vector_load %arg9[%get3A_98] {strides = array<i32>} : memref<512xi32, #tpu.memory_space<vmem>>, vector<16xi32>,
    %add3A_100 = arith.addi %add3A_97, %get3A_99 : vector<16xi32>
    %reduce_sum3A = arith.constant true
    %reduce_sum3A_101 = vector.broadcast %reduce_sum3A : i1 to vector<16xi1>
    %reduce_sum3A_102 = tpu.scan <sum>, %add3A_100 masked %reduce_sum3A_101 : vector<16xi32>, vector<16xi1> -> vector<16xi32>
    %reduce_sum3A_103 = vector.extract %reduce_sum3A_102[15] : i32 from vector<16xi32>
    %ge3A = arith.constant 4096 : i32
    %ge3A_104 = arith.cmpi sge, %reduce_sum3A_103, %ge3A : i32
    %jit3A = arith.constant 2 : i32
    %jit3A_105 = arith.constant 1 : i32
    %select_n3A = arith.select %ge3A_104, %jit3A, %jit3A_105 : i32
    %broadcast_in_dim3A_106 = arith.constant 1 : i32
    %broadcast_in_dim3A_107 = vector.broadcast %broadcast_in_dim3A_106 : i32 to vector<16xi32>
    %mul3A_108 = vector.broadcast %select_n3A : i32 to vector<16xi32>
    %mul3A_109 = arith.muli %broadcast_in_dim3A_107, %mul3A_108 : vector<16xi32>
    %broadcast_in_dim3A_110 = arith.constant 1 : i32
    %broadcast_in_dim3A_111 = vector.broadcast %broadcast_in_dim3A_110 : i32 to vector<16xi32>
    %iota3A = tpu.iota {dimensions = array<i32: 0>} : vector<16xi32>
    %eq3A = arith.constant 0 : i32
    %eq3A_112 = vector.broadcast %eq3A : i32 to vector<16xi32>
    %eq3A_113 = arith.cmpi eq, %iota3A, %eq3A_112 : vector<16xi32>
    %broadcast_in_dim3A_114 = arith.constant 0.000000e+00 : f32
    %broadcast_in_dim3A_115 = vector.broadcast %broadcast_in_dim3A_114 : f32 to vector<16xf32>
    %scan3A = arith.constant 0 : i32
    %scan3A_116 = arith.constant 0 : i32
    %scan3A_117 = arith.constant 128 : i32
    %scan3A_118 = arith.addi %scan3A_116, %scan3A_117 : i32
    %scan3A_119 = arith.constant 1 : i32
    %scan3A_120 = scf.for %scan3A_148 = %scan3A_116 to %scan3A_118 step %scan3A_119 iter_args(%scan3A_149 = %scan3A) -> (i32)  : i32 {
      %mul3A_150 = arith.constant 256 : i32
      %mul3A_151 = arith.muli %scan3A_148, %mul3A_150 : i32
      %add3A_152 = arith.constant 0 : i32
      %add3A_153 = arith.addi %mul3A_151, %add3A_152 : i32
      %swap3A = arith.index_cast %add3A_153 : i32 to index
      %swap3A_154 = tpu.vector_load %arg11[%swap3A] {strides = array<i32>} : memref<32768xf32, #tpu.memory_space<vmem>>, vector<16xf32>,
      tpu.vector_store %arg11[%swap3A], %broadcast_in_dim3A_115 {strides = array<i32>} : memref<32768xf32, #tpu.memory_space<vmem>>, vector<16xf32>,
      %mul3A_155 = arith.constant 256 : i32
      %mul3A_156 = arith.muli %scan3A_148, %mul3A_155 : i32
      %add3A_157 = arith.constant 16 : i32
      %add3A_158 = arith.addi %mul3A_156, %add3A_157 : i32
      %swap3A_159 = arith.index_cast %add3A_158 : i32 to index
      %swap3A_160 = tpu.vector_load %arg11[%swap3A_159] {strides = array<i32>} : memref<32768xf32, #tpu.memory_space<vmem>>, vector<16xf32>,
      tpu.vector_store %arg11[%swap3A_159], %broadcast_in_dim3A_115 {strides = array<i32>} : memref<32768xf32, #tpu.memory_space<vmem>>, vector<16xf32>,
      %mul3A_161 = arith.constant 256 : i32
      %mul3A_162 = arith.muli %scan3A_148, %mul3A_161 : i32
      %add3A_163 = arith.constant 32 : i32
      %add3A_164 = arith.addi %mul3A_162, %add3A_163 : i32
      %swap3A_165 = arith.index_cast %add3A_164 : i32 to index
      %swap3A_166 = tpu.vector_load %arg11[%swap3A_165] {strides = array<i32>} : memref<32768xf32, #tpu.memory_space<vmem>>, vector<16xf32>,
      tpu.vector_store %arg11[%swap3A_165], %broadcast_in_dim3A_115 {strides = array<i32>} : memref<32768xf32, #tpu.memory_space<vmem>>, vector<16xf32>,
      %mul3A_167 = arith.constant 256 : i32
      %mul3A_168 = arith.muli %scan3A_148, %mul3A_167 : i32
      %add3A_169 = arith.constant 48 : i32
      %add3A_170 = arith.addi %mul3A_168, %add3A_169 : i32
      %swap3A_171 = arith.index_cast %add3A_170 : i32 to index
      %swap3A_172 = tpu.vector_load %arg11[%swap3A_171] {strides = array<i32>} : memref<32768xf32, #tpu.memory_space<vmem>>, vector<16xf32>,
      tpu.vector_store %arg11[%swap3A_171], %broadcast_in_dim3A_115 {strides = array<i32>} : memref<32768xf32, #tpu.memory_space<vmem>>, vector<16xf32>,
      %mul3A_173 = arith.constant 256 : i32
      %mul3A_174 = arith.muli %scan3A_148, %mul3A_173 : i32
      %add3A_175 = arith.constant 64 : i32
      %add3A_176 = arith.addi %mul3A_174, %add3A_175 : i32
      %swap3A_177 = arith.index_cast %add3A_176 : i32 to index
      %swap3A_178 = tpu.vector_load %arg11[%swap3A_177] {strides = array<i32>} : memref<32768xf32, #tpu.memory_space<vmem>>, vector<16xf32>,
      tpu.vector_store %arg11[%swap3A_177], %broadcast_in_dim3A_115 {strides = array<i32>} : memref<32768xf32, #tpu.memory_space<vmem>>, vector<16xf32>,
      %mul3A_179 = arith.constant 256 : i32
      %mul3A_180 = arith.muli %scan3A_148, %mul3A_179 : i32
      %add3A_181 = arith.constant 80 : i32
      %add3A_182 = arith.addi %mul3A_180, %add3A_181 : i32
      %swap3A_183 = arith.index_cast %add3A_182 : i32 to index
      %swap3A_184 = tpu.vector_load %arg11[%swap3A_183] {strides = array<i32>} : memref<32768xf32, #tpu.memory_space<vmem>>, vector<16xf32>,
      tpu.vector_store %arg11[%swap3A_183], %broadcast_in_dim3A_115 {strides = array<i32>} : memref<32768xf32, #tpu.memory_space<vmem>>, vector<16xf32>,
      %mul3A_185 = arith.constant 256 : i32
      %mul3A_186 = arith.muli %scan3A_148, %mul3A_185 : i32
      %add3A_187 = arith.constant 96 : i32
      %add3A_188 = arith.addi %mul3A_186, %add3A_187 : i32
      %swap3A_189 = arith.index_cast %add3A_188 : i32 to index
      %swap3A_190 = tpu.vector_load %arg11[%swap3A_189] {strides = array<i32>} : memref<32768xf32, #tpu.memory_space<vmem>>, vector<16xf32>,
      tpu.vector_store %arg11[%swap3A_189], %broadcast_in_dim3A_115 {strides = array<i32>} : memref<32768xf32, #tpu.memory_space<vmem>>, vector<16xf32>,
      %mul3A_191 = arith.constant 256 : i32
      %mul3A_192 = arith.muli %scan3A_148, %mul3A_191 : i32
      %add3A_193 = arith.constant 112 : i32
      %add3A_194 = arith.addi %mul3A_192, %add3A_193 : i32
      %swap3A_195 = arith.index_cast %add3A_194 : i32 to index
      %swap3A_196 = tpu.vector_load %arg11[%swap3A_195] {strides = array<i32>} : memref<32768xf32, #tpu.memory_space<vmem>>, vector<16xf32>,
      tpu.vector_store %arg11[%swap3A_195], %broadcast_in_dim3A_115 {strides = array<i32>} : memref<32768xf32, #tpu.memory_space<vmem>>, vector<16xf32>,
      %mul3A_197 = arith.constant 256 : i32
      %mul3A_198 = arith.muli %scan3A_148, %mul3A_197 : i32
      %add3A_199 = arith.constant 128 : i32
      %add3A_200 = arith.addi %mul3A_198, %add3A_199 : i32
      %swap3A_201 = arith.index_cast %add3A_200 : i32 to index
      %swap3A_202 = tpu.vector_load %arg11[%swap3A_201] {strides = array<i32>} : memref<32768xf32, #tpu.memory_space<vmem>>, vector<16xf32>,
      tpu.vector_store %arg11[%swap3A_201], %broadcast_in_dim3A_115 {strides = array<i32>} : memref<32768xf32, #tpu.memory_space<vmem>>, vector<16xf32>,
      %mul3A_203 = arith.constant 256 : i32
      %mul3A_204 = arith.muli %scan3A_148, %mul3A_203 : i32
      %add3A_205 = arith.constant 144 : i32
      %add3A_206 = arith.addi %mul3A_204, %add3A_205 : i32
      %swap3A_207 = arith.index_cast %add3A_206 : i32 to index
      %swap3A_208 = tpu.vector_load %arg11[%swap3A_207] {strides = array<i32>} : memref<32768xf32, #tpu.memory_space<vmem>>, vector<16xf32>,
      tpu.vector_store %arg11[%swap3A_207], %broadcast_in_dim3A_115 {strides = array<i32>} : memref<32768xf32, #tpu.memory_space<vmem>>, vector<16xf32>,
      %mul3A_209 = arith.constant 256 : i32
      %mul3A_210 = arith.muli %scan3A_148, %mul3A_209 : i32
      %add3A_211 = arith.constant 160 : i32
      %add3A_212 = arith.addi %mul3A_210, %add3A_211 : i32
      %swap3A_213 = arith.index_cast %add3A_212 : i32 to index
      %swap3A_214 = tpu.vector_load %arg11[%swap3A_213] {strides = array<i32>} : memref<32768xf32, #tpu.memory_space<vmem>>, vector<16xf32>,
      tpu.vector_store %arg11[%swap3A_213], %broadcast_in_dim3A_115 {strides = array<i32>} : memref<32768xf32, #tpu.memory_space<vmem>>, vector<16xf32>,
      %mul3A_215 = arith.constant 256 : i32
      %mul3A_216 = arith.muli %scan3A_148, %mul3A_215 : i32
      %add3A_217 = arith.constant 176 : i32
      %add3A_218 = arith.addi %mul3A_216, %add3A_217 : i32
      %swap3A_219 = arith.index_cast %add3A_218 : i32 to index
      %swap3A_220 = tpu.vector_load %arg11[%swap3A_219] {strides = array<i32>} : memref<32768xf32, #tpu.memory_space<vmem>>, vector<16xf32>,
      tpu.vector_store %arg11[%swap3A_219], %broadcast_in_dim3A_115 {strides = array<i32>} : memref<32768xf32, #tpu.memory_space<vmem>>, vector<16xf32>,
      %mul3A_221 = arith.constant 256 : i32
      %mul3A_222 = arith.muli %scan3A_148, %mul3A_221 : i32
      %add3A_223 = arith.constant 192 : i32
      %add3A_224 = arith.addi %mul3A_222, %add3A_223 : i32
      %swap3A_225 = arith.index_cast %add3A_224 : i32 to index
      %swap3A_226 = tpu.vector_load %arg11[%swap3A_225] {strides = array<i32>} : memref<32768xf32, #tpu.memory_space<vmem>>, vector<16xf32>,
      tpu.vector_store %arg11[%swap3A_225], %broadcast_in_dim3A_115 {strides = array<i32>} : memref<32768xf32, #tpu.memory_space<vmem>>, vector<16xf32>,
      %mul3A_227 = arith.constant 256 : i32
      %mul3A_228 = arith.muli %scan3A_148, %mul3A_227 : i32
      %add3A_229 = arith.constant 208 : i32
      %add3A_230 = arith.addi %mul3A_228, %add3A_229 : i32
      %swap3A_231 = arith.index_cast %add3A_230 : i32 to index
      %swap3A_232 = tpu.vector_load %arg11[%swap3A_231] {strides = array<i32>} : memref<32768xf32, #tpu.memory_space<vmem>>, vector<16xf32>,
      tpu.vector_store %arg11[%swap3A_231], %broadcast_in_dim3A_115 {strides = array<i32>} : memref<32768xf32, #tpu.memory_space<vmem>>, vector<16xf32>,
      %mul3A_233 = arith.constant 256 : i32
      %mul3A_234 = arith.muli %scan3A_148, %mul3A_233 : i32
      %add3A_235 = arith.constant 224 : i32
      %add3A_236 = arith.addi %mul3A_234, %add3A_235 : i32
      %swap3A_237 = arith.index_cast %add3A_236 : i32 to index
      %swap3A_238 = tpu.vector_load %arg11[%swap3A_237] {strides = array<i32>} : memref<32768xf32, #tpu.memory_space<vmem>>, vector<16xf32>,
      tpu.vector_store %arg11[%swap3A_237], %broadcast_in_dim3A_115 {strides = array<i32>} : memref<32768xf32, #tpu.memory_space<vmem>>, vector<16xf32>,
      %mul3A_239 = arith.constant 256 : i32
      %mul3A_240 = arith.muli %scan3A_148, %mul3A_239 : i32
      %add3A_241 = arith.constant 240 : i32
      %add3A_242 = arith.addi %mul3A_240, %add3A_241 : i32
      %swap3A_243 = arith.index_cast %add3A_242 : i32 to index
      %swap3A_244 = tpu.vector_load %arg11[%swap3A_243] {strides = array<i32>} : memref<32768xf32, #tpu.memory_space<vmem>>, vector<16xf32>,
      tpu.vector_store %arg11[%swap3A_243], %broadcast_in_dim3A_115 {strides = array<i32>} : memref<32768xf32, #tpu.memory_space<vmem>>, vector<16xf32>,
      %scan3A_245 = arith.constant 0 : i32
      scf.yield %scan3A_245 : i32
    }
    %scan3A_121 = arith.constant 128 : i32
    %scan3A_122 = arith.constant 0 : i32
    %scan3A_123 = arith.constant 0 : i32
    %scan3A_124 = arith.constant 8 : i32
    %scan3A_125 = arith.addi %scan3A_123, %scan3A_124 : i32
    %scan3A_126 = arith.constant 1 : i32
    %scan3A_127 = scf.for %scan3A_148 = %scan3A_123 to %scan3A_125 step %scan3A_126 iter_args(%scan3A_149 = %scan3A_122) -> (i32)  : i32 {
      %rem3A = arith.constant 2 : i32
      %rem3A_150 = arith.remsi %scan3A_148, %rem3A : i32
      %mul3A_151 = arith.constant 16384 : i32
      %mul3A_152 = arith.muli %rem3A_150, %mul3A_151 : i32
      %ge3A_153 = arith.constant 2 : i32
      %ge3A_154 = arith.cmpi sge, %scan3A_148, %ge3A_153 : i32
      %convert_element_type3A = arith.extui %ge3A_154 : i1 to i32
      %cond3A = arith.constant 0 : i32
      %cond3A_155 = arith.cmpi ne, %convert_element_type3A, %cond3A : i32
      scf.if %cond3A_155 {
        %sub3A = arith.constant 2 : i32
        %sub3A_1786 = arith.subi %scan3A_148, %sub3A : i32
        %mul3A_1787 = arith.constant 8 : i32
        %mul3A_1788 = arith.muli %sub3A_1786, %mul3A_1787 : i32
        %add3A_1789 = arith.addi %mul3A_2, %mul3A_1788 : i32
        %mul3A_1790 = arith.constant 2048 : i32
        %mul3A_1791 = arith.muli %add3A_1789, %mul3A_1790 : i32
        %dma_wait3A_1792 = tpu.memref_slice %arg11[%mul3A_152] : memref<32768xf32, #tpu.memory_space<vmem>> -> memref<16384xf32, #tpu.memory_space<vmem>>
        %dma_wait3A_1793 = tpu.memref_slice %arg6[%mul3A_1791] : memref<4194304xf32, #tpu.memory_space<hbm>> -> memref<16384xf32, #tpu.memory_space<hbm>>
        %dma_wait3A_1794 = tpu.memref_slice %arg6[%mul3A_1791] : memref<4194304xf32, #tpu.memory_space<hbm>> -> memref<16384xf32, #tpu.memory_space<hbm>>
        %dma_wait3A_1795 = tpu.memref_slice %arg11[%mul3A_152] : memref<32768xf32, #tpu.memory_space<vmem>> -> memref<16384xf32, #tpu.memory_space<vmem>>
        tpu.wait_dma2 semaphore(%arg12 : memref<!tpu.dma_semaphore, #tpu.memory_space<semaphore_mem>>) src(%dma_wait3A_1795 : memref<16384xf32, #tpu.memory_space<vmem>>) dst(%dma_wait3A_1794 : memref<16384xf32, #tpu.memory_space<hbm>>)
        %sub3A_1796 = arith.constant 2 : i32
        %sub3A_1797 = arith.subi %scan3A_148, %sub3A_1796 : i32
        %mul3A_1798 = arith.constant 8 : i32
        %mul3A_1799 = arith.muli %sub3A_1797, %mul3A_1798 : i32
        %add3A_1800 = arith.constant 0 : i32
        %add3A_1801 = arith.addi %mul3A_1799, %add3A_1800 : i32
        %add3A_1802 = arith.constant 0 : i32
        %add3A_1803 = arith.addi %mul3A_152, %add3A_1802 : i32
        %add3A_1804 = arith.addi %mul3A_2, %add3A_1801 : i32
        %mul3A_1805 = vector.broadcast %add3A_1804 : i32 to vector<16xi32>
        %mul3A_1806 = arith.muli %broadcast_in_dim3A_111, %mul3A_1805 : vector<16xi32>
        %mul3A_1807 = arith.constant 16 : i32
        %mul3A_1808 = arith.muli %add3A_1801, %mul3A_1807 : i32
        %get3A_1809 = arith.index_cast %mul3A_1808 : i32 to index
        %get3A_1810 = tpu.vector_load %arg7[%get3A_1809] {strides = array<i32>} : memref<1024xi32, #tpu.memory_space<vmem>>, vector<16xi32>,
        %mul3A_1811 = arith.constant 16 : i32
        %mul3A_1812 = arith.muli %add3A_1804, %mul3A_1811 : i32
        %get3A_1813 = arith.index_cast %mul3A_1812 : i32 to index
        %get3A_1814 = tpu.vector_load %arg8[%get3A_1813] {strides = array<i32>} : memref<32768xi32, #tpu.memory_space<vmem>>, vector<16xi32>,
        %ge3A_1815 = arith.cmpi sge, %get3A_1814, %mul3A_109 : vector<16xi32>
        %ne3A_1816 = arith.cmpi ne, %get3A_1810, %mul3A_1806 : vector<16xi32>
        %and3A_1817 = arith.andi %ge3A_1815, %ne3A_1816 : vector<16xi1>
        %add3A_1818 = vector.broadcast %add3A_1803 : i32 to vector<16xi32>
        %add3A_1819 = arith.addi %get3A_1810, %add3A_1818 : vector<16xi32>
        tpu.vector_store_idx %arg11[%add3A_1819], %broadcast_in_dim3A_115 masked %and3A_1817 : memref<32768xf32, #tpu.memory_space<vmem>>[vector<16xi32>], vector<16xf32>, vector<16xi1>
        %add3A_1820 = vector.broadcast %add3A_1803 : i32 to vector<16xi32>
        %add3A_1821 = arith.addi %mul3A_1806, %add3A_1820 : vector<16xi32>
        tpu.vector_store_idx %arg11[%add3A_1821], %broadcast_in_dim3A_115 masked %eq3A_113 : memref<32768xf32, #tpu.memory_space<vmem>>[vector<16xi32>], vector<16xf32>, vector<16xi1>
        %sub3A_1822 = arith.constant 2 : i32
        %sub3A_1823 = arith.subi %scan3A_148, %sub3A_1822 : i32
        %mul3A_1824 = arith.constant 8 : i32
        %mul3A_1825 = arith.muli %sub3A_1823, %mul3A_1824 : i32
        %add3A_1826 = arith.constant 1 : i32
        %add3A_1827 = arith.addi %mul3A_1825, %add3A_1826 : i32
        %add3A_1828 = arith.constant 2048 : i32
        %add3A_1829 = arith.addi %mul3A_152, %add3A_1828 : i32
        %add3A_1830 = arith.addi %mul3A_2, %add3A_1827 : i32
        %mul3A_1831 = vector.broadcast %add3A_1830 : i32 to vector<16xi32>
        %mul3A_1832 = arith.muli %broadcast_in_dim3A_111, %mul3A_1831 : vector<16xi32>
        %mul3A_1833 = arith.constant 16 : i32
        %mul3A_1834 = arith.muli %add3A_1827, %mul3A_1833 : i32
        %get3A_1835 = arith.index_cast %mul3A_1834 : i32 to index
        %get3A_1836 = tpu.vector_load %arg7[%get3A_1835] {strides = array<i32>} : memref<1024xi32, #tpu.memory_space<vmem>>, vector<16xi32>,
        %mul3A_1837 = arith.constant 16 : i32
        %mul3A_1838 = arith.muli %add3A_1830, %mul3A_1837 : i32
        %get3A_1839 = arith.index_cast %mul3A_1838 : i32 to index
        %get3A_1840 = tpu.vector_load %arg8[%get3A_1839] {strides = array<i32>} : memref<32768xi32, #tpu.memory_space<vmem>>, vector<16xi32>,
        %ge3A_1841 = arith.cmpi sge, %get3A_1840, %mul3A_109 : vector<16xi32>
        %ne3A_1842 = arith.cmpi ne, %get3A_1836, %mul3A_1832 : vector<16xi32>
        %and3A_1843 = arith.andi %ge3A_1841, %ne3A_1842 : vector<16xi1>
        %add3A_1844 = vector.broadcast %add3A_1829 : i32 to vector<16xi32>
        %add3A_1845 = arith.addi %get3A_1836, %add3A_1844 : vector<16xi32>
        tpu.vector_store_idx %arg11[%add3A_1845], %broadcast_in_dim3A_115 masked %and3A_1843 : memref<32768xf32, #tpu.memory_space<vmem>>[vector<16xi32>], vector<16xf32>, vector<16xi1>
        %add3A_1846 = vector.broadcast %add3A_1829 : i32 to vector<16xi32>
        %add3A_1847 = arith.addi %mul3A_1832, %add3A_1846 : vector<16xi32>
        tpu.vector_store_idx %arg11[%add3A_1847], %broadcast_in_dim3A_115 masked %eq3A_113 : memref<32768xf32, #tpu.memory_space<vmem>>[vector<16xi32>], vector<16xf32>, vector<16xi1>
        %sub3A_1848 = arith.constant 2 : i32
        %sub3A_1849 = arith.subi %scan3A_148, %sub3A_1848 : i32
        %mul3A_1850 = arith.constant 8 : i32
        %mul3A_1851 = arith.muli %sub3A_1849, %mul3A_1850 : i32
        %add3A_1852 = arith.constant 2 : i32
        %add3A_1853 = arith.addi %mul3A_1851, %add3A_1852 : i32
        %add3A_1854 = arith.constant 4096 : i32
        %add3A_1855 = arith.addi %mul3A_152, %add3A_1854 : i32
        %add3A_1856 = arith.addi %mul3A_2, %add3A_1853 : i32
        %mul3A_1857 = vector.broadcast %add3A_1856 : i32 to vector<16xi32>
        %mul3A_1858 = arith.muli %broadcast_in_dim3A_111, %mul3A_1857 : vector<16xi32>
        %mul3A_1859 = arith.constant 16 : i32
        %mul3A_1860 = arith.muli %add3A_1853, %mul3A_1859 : i32
        %get3A_1861 = arith.index_cast %mul3A_1860 : i32 to index
        %get3A_1862 = tpu.vector_load %arg7[%get3A_1861] {strides = array<i32>} : memref<1024xi32, #tpu.memory_space<vmem>>, vector<16xi32>,
        %mul3A_1863 = arith.constant 16 : i32
        %mul3A_1864 = arith.muli %add3A_1856, %mul3A_1863 : i32
        %get3A_1865 = arith.index_cast %mul3A_1864 : i32 to index
        %get3A_1866 = tpu.vector_load %arg8[%get3A_1865] {strides = array<i32>} : memref<32768xi32, #tpu.memory_space<vmem>>, vector<16xi32>,
        %ge3A_1867 = arith.cmpi sge, %get3A_1866, %mul3A_109 : vector<16xi32>
        %ne3A_1868 = arith.cmpi ne, %get3A_1862, %mul3A_1858 : vector<16xi32>
        %and3A_1869 = arith.andi %ge3A_1867, %ne3A_1868 : vector<16xi1>
        %add3A_1870 = vector.broadcast %add3A_1855 : i32 to vector<16xi32>
        %add3A_1871 = arith.addi %get3A_1862, %add3A_1870 : vector<16xi32>
        tpu.vector_store_idx %arg11[%add3A_1871], %broadcast_in_dim3A_115 masked %and3A_1869 : memref<32768xf32, #tpu.memory_space<vmem>>[vector<16xi32>], vector<16xf32>, vector<16xi1>
        %add3A_1872 = vector.broadcast %add3A_1855 : i32 to vector<16xi32>
        %add3A_1873 = arith.addi %mul3A_1858, %add3A_1872 : vector<16xi32>
        tpu.vector_store_idx %arg11[%add3A_1873], %broadcast_in_dim3A_115 masked %eq3A_113 : memref<32768xf32, #tpu.memory_space<vmem>>[vector<16xi32>], vector<16xf32>, vector<16xi1>
        %sub3A_1874 = arith.constant 2 : i32
        %sub3A_1875 = arith.subi %scan3A_148, %sub3A_1874 : i32
        %mul3A_1876 = arith.constant 8 : i32
        %mul3A_1877 = arith.muli %sub3A_1875, %mul3A_1876 : i32
        %add3A_1878 = arith.constant 3 : i32
        %add3A_1879 = arith.addi %mul3A_1877, %add3A_1878 : i32
        %add3A_1880 = arith.constant 6144 : i32
        %add3A_1881 = arith.addi %mul3A_152, %add3A_1880 : i32
        %add3A_1882 = arith.addi %mul3A_2, %add3A_1879 : i32
        %mul3A_1883 = vector.broadcast %add3A_1882 : i32 to vector<16xi32>
        %mul3A_1884 = arith.muli %broadcast_in_dim3A_111, %mul3A_1883 : vector<16xi32>
        %mul3A_1885 = arith.constant 16 : i32
        %mul3A_1886 = arith.muli %add3A_1879, %mul3A_1885 : i32
        %get3A_1887 = arith.index_cast %mul3A_1886 : i32 to index
        %get3A_1888 = tpu.vector_load %arg7[%get3A_1887] {strides = array<i32>} : memref<1024xi32, #tpu.memory_space<vmem>>, vector<16xi32>,
        %mul3A_1889 = arith.constant 16 : i32
        %mul3A_1890 = arith.muli %add3A_1882, %mul3A_1889 : i32
        %get3A_1891 = arith.index_cast %mul3A_1890 : i32 to index
        %get3A_1892 = tpu.vector_load %arg8[%get3A_1891] {strides = array<i32>} : memref<32768xi32, #tpu.memory_space<vmem>>, vector<16xi32>,
        %ge3A_1893 = arith.cmpi sge, %get3A_1892, %mul3A_109 : vector<16xi32>
        %ne3A_1894 = arith.cmpi ne, %get3A_1888, %mul3A_1884 : vector<16xi32>
        %and3A_1895 = arith.andi %ge3A_1893, %ne3A_1894 : vector<16xi1>
        %add3A_1896 = vector.broadcast %add3A_1881 : i32 to vector<16xi32>
        %add3A_1897 = arith.addi %get3A_1888, %add3A_1896 : vector<16xi32>
        tpu.vector_store_idx %arg11[%add3A_1897], %broadcast_in_dim3A_115 masked %and3A_1895 : memref<32768xf32, #tpu.memory_space<vmem>>[vector<16xi32>], vector<16xf32>, vector<16xi1>
        %add3A_1898 = vector.broadcast %add3A_1881 : i32 to vector<16xi32>
        %add3A_1899 = arith.addi %mul3A_1884, %add3A_1898 : vector<16xi32>
        tpu.vector_store_idx %arg11[%add3A_1899], %broadcast_in_dim3A_115 masked %eq3A_113 : memref<32768xf32, #tpu.memory_space<vmem>>[vector<16xi32>], vector<16xf32>, vector<16xi1>
        %sub3A_1900 = arith.constant 2 : i32
        %sub3A_1901 = arith.subi %scan3A_148, %sub3A_1900 : i32
        %mul3A_1902 = arith.constant 8 : i32
        %mul3A_1903 = arith.muli %sub3A_1901, %mul3A_1902 : i32
        %add3A_1904 = arith.constant 4 : i32
        %add3A_1905 = arith.addi %mul3A_1903, %add3A_1904 : i32
        %add3A_1906 = arith.constant 8192 : i32
        %add3A_1907 = arith.addi %mul3A_152, %add3A_1906 : i32
        %add3A_1908 = arith.addi %mul3A_2, %add3A_1905 : i32
        %mul3A_1909 = vector.broadcast %add3A_1908 : i32 to vector<16xi32>
        %mul3A_1910 = arith.muli %broadcast_in_dim3A_111, %mul3A_1909 : vector<16xi32>
        %mul3A_1911 = arith.constant 16 : i32
        %mul3A_1912 = arith.muli %add3A_1905, %mul3A_1911 : i32
        %get3A_1913 = arith.index_cast %mul3A_1912 : i32 to index
        %get3A_1914 = tpu.vector_load %arg7[%get3A_1913] {strides = array<i32>} : memref<1024xi32, #tpu.memory_space<vmem>>, vector<16xi32>,
        %mul3A_1915 = arith.constant 16 : i32
        %mul3A_1916 = arith.muli %add3A_1908, %mul3A_1915 : i32
        %get3A_1917 = arith.index_cast %mul3A_1916 : i32 to index
        %get3A_1918 = tpu.vector_load %arg8[%get3A_1917] {strides = array<i32>} : memref<32768xi32, #tpu.memory_space<vmem>>, vector<16xi32>,
        %ge3A_1919 = arith.cmpi sge, %get3A_1918, %mul3A_109 : vector<16xi32>
        %ne3A_1920 = arith.cmpi ne, %get3A_1914, %mul3A_1910 : vector<16xi32>
        %and3A_1921 = arith.andi %ge3A_1919, %ne3A_1920 : vector<16xi1>
        %add3A_1922 = vector.broadcast %add3A_1907 : i32 to vector<16xi32>
        %add3A_1923 = arith.addi %get3A_1914, %add3A_1922 : vector<16xi32>
        tpu.vector_store_idx %arg11[%add3A_1923], %broadcast_in_dim3A_115 masked %and3A_1921 : memref<32768xf32, #tpu.memory_space<vmem>>[vector<16xi32>], vector<16xf32>, vector<16xi1>
        %add3A_1924 = vector.broadcast %add3A_1907 : i32 to vector<16xi32>
        %add3A_1925 = arith.addi %mul3A_1910, %add3A_1924 : vector<16xi32>
        tpu.vector_store_idx %arg11[%add3A_1925], %broadcast_in_dim3A_115 masked %eq3A_113 : memref<32768xf32, #tpu.memory_space<vmem>>[vector<16xi32>], vector<16xf32>, vector<16xi1>
        %sub3A_1926 = arith.constant 2 : i32
        %sub3A_1927 = arith.subi %scan3A_148, %sub3A_1926 : i32
        %mul3A_1928 = arith.constant 8 : i32
        %mul3A_1929 = arith.muli %sub3A_1927, %mul3A_1928 : i32
        %add3A_1930 = arith.constant 5 : i32
        %add3A_1931 = arith.addi %mul3A_1929, %add3A_1930 : i32
        %add3A_1932 = arith.constant 10240 : i32
        %add3A_1933 = arith.addi %mul3A_152, %add3A_1932 : i32
        %add3A_1934 = arith.addi %mul3A_2, %add3A_1931 : i32
        %mul3A_1935 = vector.broadcast %add3A_1934 : i32 to vector<16xi32>
        %mul3A_1936 = arith.muli %broadcast_in_dim3A_111, %mul3A_1935 : vector<16xi32>
        %mul3A_1937 = arith.constant 16 : i32
        %mul3A_1938 = arith.muli %add3A_1931, %mul3A_1937 : i32
        %get3A_1939 = arith.index_cast %mul3A_1938 : i32 to index
        %get3A_1940 = tpu.vector_load %arg7[%get3A_1939] {strides = array<i32>} : memref<1024xi32, #tpu.memory_space<vmem>>, vector<16xi32>,
        %mul3A_1941 = arith.constant 16 : i32
        %mul3A_1942 = arith.muli %add3A_1934, %mul3A_1941 : i32
        %get3A_1943 = arith.index_cast %mul3A_1942 : i32 to index
        %get3A_1944 = tpu.vector_load %arg8[%get3A_1943] {strides = array<i32>} : memref<32768xi32, #tpu.memory_space<vmem>>, vector<16xi32>,
        %ge3A_1945 = arith.cmpi sge, %get3A_1944, %mul3A_109 : vector<16xi32>
        %ne3A_1946 = arith.cmpi ne, %get3A_1940, %mul3A_1936 : vector<16xi32>
        %and3A_1947 = arith.andi %ge3A_1945, %ne3A_1946 : vector<16xi1>
        %add3A_1948 = vector.broadcast %add3A_1933 : i32 to vector<16xi32>
        %add3A_1949 = arith.addi %get3A_1940, %add3A_1948 : vector<16xi32>
        tpu.vector_store_idx %arg11[%add3A_1949], %broadcast_in_dim3A_115 masked %and3A_1947 : memref<32768xf32, #tpu.memory_space<vmem>>[vector<16xi32>], vector<16xf32>, vector<16xi1>
        %add3A_1950 = vector.broadcast %add3A_1933 : i32 to vector<16xi32>
        %add3A_1951 = arith.addi %mul3A_1936, %add3A_1950 : vector<16xi32>
        tpu.vector_store_idx %arg11[%add3A_1951], %broadcast_in_dim3A_115 masked %eq3A_113 : memref<32768xf32, #tpu.memory_space<vmem>>[vector<16xi32>], vector<16xf32>, vector<16xi1>
        %sub3A_1952 = arith.constant 2 : i32
        %sub3A_1953 = arith.subi %scan3A_148, %sub3A_1952 : i32
        %mul3A_1954 = arith.constant 8 : i32
        %mul3A_1955 = arith.muli %sub3A_1953, %mul3A_1954 : i32
        %add3A_1956 = arith.constant 6 : i32
        %add3A_1957 = arith.addi %mul3A_1955, %add3A_1956 : i32
        %add3A_1958 = arith.constant 12288 : i32
        %add3A_1959 = arith.addi %mul3A_152, %add3A_1958 : i32
        %add3A_1960 = arith.addi %mul3A_2, %add3A_1957 : i32
        %mul3A_1961 = vector.broadcast %add3A_1960 : i32 to vector<16xi32>
        %mul3A_1962 = arith.muli %broadcast_in_dim3A_111, %mul3A_1961 : vector<16xi32>
        %mul3A_1963 = arith.constant 16 : i32
        %mul3A_1964 = arith.muli %add3A_1957, %mul3A_1963 : i32
        %get3A_1965 = arith.index_cast %mul3A_1964 : i32 to index
        %get3A_1966 = tpu.vector_load %arg7[%get3A_1965] {strides = array<i32>} : memref<1024xi32, #tpu.memory_space<vmem>>, vector<16xi32>,
        %mul3A_1967 = arith.constant 16 : i32
        %mul3A_1968 = arith.muli %add3A_1960, %mul3A_1967 : i32
        %get3A_1969 = arith.index_cast %mul3A_1968 : i32 to index
        %get3A_1970 = tpu.vector_load %arg8[%get3A_1969] {strides = array<i32>} : memref<32768xi32, #tpu.memory_space<vmem>>, vector<16xi32>,
        %ge3A_1971 = arith.cmpi sge, %get3A_1970, %mul3A_109 : vector<16xi32>
        %ne3A_1972 = arith.cmpi ne, %get3A_1966, %mul3A_1962 : vector<16xi32>
        %and3A_1973 = arith.andi %ge3A_1971, %ne3A_1972 : vector<16xi1>
        %add3A_1974 = vector.broadcast %add3A_1959 : i32 to vector<16xi32>
        %add3A_1975 = arith.addi %get3A_1966, %add3A_1974 : vector<16xi32>
        tpu.vector_store_idx %arg11[%add3A_1975], %broadcast_in_dim3A_115 masked %and3A_1973 : memref<32768xf32, #tpu.memory_space<vmem>>[vector<16xi32>], vector<16xf32>, vector<16xi1>
        %add3A_1976 = vector.broadcast %add3A_1959 : i32 to vector<16xi32>
        %add3A_1977 = arith.addi %mul3A_1962, %add3A_1976 : vector<16xi32>
        tpu.vector_store_idx %arg11[%add3A_1977], %broadcast_in_dim3A_115 masked %eq3A_113 : memref<32768xf32, #tpu.memory_space<vmem>>[vector<16xi32>], vector<16xf32>, vector<16xi1>
        %sub3A_1978 = arith.constant 2 : i32
        %sub3A_1979 = arith.subi %scan3A_148, %sub3A_1978 : i32
        %mul3A_1980 = arith.constant 8 : i32
        %mul3A_1981 = arith.muli %sub3A_1979, %mul3A_1980 : i32
        %add3A_1982 = arith.constant 7 : i32
        %add3A_1983 = arith.addi %mul3A_1981, %add3A_1982 : i32
        %add3A_1984 = arith.constant 14336 : i32
        %add3A_1985 = arith.addi %mul3A_152, %add3A_1984 : i32
        %add3A_1986 = arith.addi %mul3A_2, %add3A_1983 : i32
        %mul3A_1987 = vector.broadcast %add3A_1986 : i32 to vector<16xi32>
        %mul3A_1988 = arith.muli %broadcast_in_dim3A_111, %mul3A_1987 : vector<16xi32>
        %mul3A_1989 = arith.constant 16 : i32
        %mul3A_1990 = arith.muli %add3A_1983, %mul3A_1989 : i32
        %get3A_1991 = arith.index_cast %mul3A_1990 : i32 to index
        %get3A_1992 = tpu.vector_load %arg7[%get3A_1991] {strides = array<i32>} : memref<1024xi32, #tpu.memory_space<vmem>>, vector<16xi32>,
        %mul3A_1993 = arith.constant 16 : i32
        %mul3A_1994 = arith.muli %add3A_1986, %mul3A_1993 : i32
        %get3A_1995 = arith.index_cast %mul3A_1994 : i32 to index
        %get3A_1996 = tpu.vector_load %arg8[%get3A_1995] {strides = array<i32>} : memref<32768xi32, #tpu.memory_space<vmem>>, vector<16xi32>,
        %ge3A_1997 = arith.cmpi sge, %get3A_1996, %mul3A_109 : vector<16xi32>
        %ne3A_1998 = arith.cmpi ne, %get3A_1992, %mul3A_1988 : vector<16xi32>
        %and3A_1999 = arith.andi %ge3A_1997, %ne3A_1998 : vector<16xi1>
        %add3A_2000 = vector.broadcast %add3A_1985 : i32 to vector<16xi32>
        %add3A_2001 = arith.addi %get3A_1992, %add3A_2000 : vector<16xi32>
        tpu.vector_store_idx %arg11[%add3A_2001], %broadcast_in_dim3A_115 masked %and3A_1999 : memref<32768xf32, #tpu.memory_space<vmem>>[vector<16xi32>], vector<16xf32>, vector<16xi1>
        %add3A_2002 = vector.broadcast %add3A_1985 : i32 to vector<16xi32>
        %add3A_2003 = arith.addi %mul3A_1988, %add3A_2002 : vector<16xi32>
        tpu.vector_store_idx %arg11[%add3A_2003], %broadcast_in_dim3A_115 masked %eq3A_113 : memref<32768xf32, #tpu.memory_space<vmem>>[vector<16xi32>], vector<16xf32>, vector<16xi1>
      } else {
      }
      %mul3A_156 = arith.constant 8 : i32
      %mul3A_157 = arith.muli %scan3A_148, %mul3A_156 : i32
      %add3A_158 = arith.constant 0 : i32
      %add3A_159 = arith.addi %mul3A_157, %add3A_158 : i32
      %add3A_160 = arith.constant 0 : i32
      %add3A_161 = arith.addi %mul3A_152, %add3A_160 : i32
      %add3A_162 = arith.addi %mul3A_2, %add3A_159 : i32
      %mul3A_163 = vector.broadcast %add3A_162 : i32 to vector<16xi32>
      %mul3A_164 = arith.muli %broadcast_in_dim3A_111, %mul3A_163 : vector<16xi32>
      %mul3A_165 = arith.constant 16 : i32
      %mul3A_166 = arith.muli %add3A_159, %mul3A_165 : i32
      %get3A_167 = arith.index_cast %mul3A_166 : i32 to index
      %get3A_168 = tpu.vector_load %arg7[%get3A_167] {strides = array<i32>} : memref<1024xi32, #tpu.memory_space<vmem>>, vector<16xi32>,
      %mul3A_169 = arith.constant 16 : i32
      %mul3A_170 = arith.muli %add3A_162, %mul3A_169 : i32
      %get3A_171 = arith.index_cast %mul3A_170 : i32 to index
      %get3A_172 = tpu.vector_load %arg8[%get3A_171] {strides = array<i32>} : memref<32768xi32, #tpu.memory_space<vmem>>, vector<16xi32>,
      %ge3A_173 = arith.cmpi sge, %get3A_172, %mul3A_109 : vector<16xi32>
      %ne3A = arith.cmpi ne, %get3A_168, %mul3A_164 : vector<16xi32>
      %and3A = arith.andi %ge3A_173, %ne3A : vector<16xi1>
      %broadcast_in_dim3A_174 = arith.constant 0 : i32
      %broadcast_in_dim3A_175 = vector.broadcast %broadcast_in_dim3A_174 : i32 to vector<16xi32>
      %mul3A_176 = arith.constant 16 : i32
      %mul3A_177 = vector.broadcast %mul3A_176 : i32 to vector<16xi32>
      %mul3A_178 = arith.muli %get3A_168, %mul3A_177 : vector<16xi32>
      %add3A_179 = arith.constant 0 : i32
      %add3A_180 = vector.broadcast %add3A_179 : i32 to vector<16xi32>
      %add3A_181 = arith.addi %mul3A_178, %add3A_180 : vector<16xi32>
      %gather3A = tpu.vector_load_idx %arg8[%add3A_181] : memref<32768xi32, #tpu.memory_space<vmem>>[vector<16xi32>], vector<16xi32>,
      %ge3A_182 = arith.cmpi sge, %gather3A, %mul3A_109 : vector<16xi32>
      %convert_element_type3A_183 = arith.extui %ge3A_182 : vector<16xi1> to vector<16xi32>
      %add3A_184 = arith.addi %broadcast_in_dim3A_175, %convert_element_type3A_183 : vector<16xi32>
      %mul3A_185 = arith.constant 16 : i32
      %mul3A_186 = vector.broadcast %mul3A_185 : i32 to vector<16xi32>
      %mul3A_187 = arith.muli %get3A_168, %mul3A_186 : vector<16xi32>
      %add3A_188 = arith.constant 1 : i32
      %add3A_189 = vector.broadcast %add3A_188 : i32 to vector<16xi32>
      %add3A_190 = arith.addi %mul3A_187, %add3A_189 : vector<16xi32>
      %gather3A_191 = tpu.vector_load_idx %arg8[%add3A_190] : memref<32768xi32, #tpu.memory_space<vmem>>[vector<16xi32>], vector<16xi32>,
      %ge3A_192 = arith.cmpi sge, %gather3A_191, %mul3A_109 : vector<16xi32>
      %convert_element_type3A_193 = arith.extui %ge3A_192 : vector<16xi1> to vector<16xi32>
      %add3A_194 = arith.addi %add3A_184, %convert_element_type3A_193 : vector<16xi32>
      %mul3A_195 = arith.constant 16 : i32
      %mul3A_196 = vector.broadcast %mul3A_195 : i32 to vector<16xi32>
      %mul3A_197 = arith.muli %get3A_168, %mul3A_196 : vector<16xi32>
      %add3A_198 = arith.constant 2 : i32
      %add3A_199 = vector.broadcast %add3A_198 : i32 to vector<16xi32>
      %add3A_200 = arith.addi %mul3A_197, %add3A_199 : vector<16xi32>
      %gather3A_201 = tpu.vector_load_idx %arg8[%add3A_200] : memref<32768xi32, #tpu.memory_space<vmem>>[vector<16xi32>], vector<16xi32>,
      %ge3A_202 = arith.cmpi sge, %gather3A_201, %mul3A_109 : vector<16xi32>
      %convert_element_type3A_203 = arith.extui %ge3A_202 : vector<16xi1> to vector<16xi32>
      %add3A_204 = arith.addi %add3A_194, %convert_element_type3A_203 : vector<16xi32>
      %mul3A_205 = arith.constant 16 : i32
      %mul3A_206 = vector.broadcast %mul3A_205 : i32 to vector<16xi32>
      %mul3A_207 = arith.muli %get3A_168, %mul3A_206 : vector<16xi32>
      %add3A_208 = arith.constant 3 : i32
      %add3A_209 = vector.broadcast %add3A_208 : i32 to vector<16xi32>
      %add3A_210 = arith.addi %mul3A_207, %add3A_209 : vector<16xi32>
      %gather3A_211 = tpu.vector_load_idx %arg8[%add3A_210] : memref<32768xi32, #tpu.memory_space<vmem>>[vector<16xi32>], vector<16xi32>,
      %ge3A_212 = arith.cmpi sge, %gather3A_211, %mul3A_109 : vector<16xi32>
      %convert_element_type3A_213 = arith.extui %ge3A_212 : vector<16xi1> to vector<16xi32>
      %add3A_214 = arith.addi %add3A_204, %convert_element_type3A_213 : vector<16xi32>
      %mul3A_215 = arith.constant 16 : i32
      %mul3A_216 = vector.broadcast %mul3A_215 : i32 to vector<16xi32>
      %mul3A_217 = arith.muli %get3A_168, %mul3A_216 : vector<16xi32>
      %add3A_218 = arith.constant 4 : i32
      %add3A_219 = vector.broadcast %add3A_218 : i32 to vector<16xi32>
      %add3A_220 = arith.addi %mul3A_217, %add3A_219 : vector<16xi32>
      %gather3A_221 = tpu.vector_load_idx %arg8[%add3A_220] : memref<32768xi32, #tpu.memory_space<vmem>>[vector<16xi32>], vector<16xi32>,
      %ge3A_222 = arith.cmpi sge, %gather3A_221, %mul3A_109 : vector<16xi32>
      %convert_element_type3A_223 = arith.extui %ge3A_222 : vector<16xi1> to vector<16xi32>
      %add3A_224 = arith.addi %add3A_214, %convert_element_type3A_223 : vector<16xi32>
      %mul3A_225 = arith.constant 16 : i32
      %mul3A_226 = vector.broadcast %mul3A_225 : i32 to vector<16xi32>
      %mul3A_227 = arith.muli %get3A_168, %mul3A_226 : vector<16xi32>
      %add3A_228 = arith.constant 5 : i32
      %add3A_229 = vector.broadcast %add3A_228 : i32 to vector<16xi32>
      %add3A_230 = arith.addi %mul3A_227, %add3A_229 : vector<16xi32>
      %gather3A_231 = tpu.vector_load_idx %arg8[%add3A_230] : memref<32768xi32, #tpu.memory_space<vmem>>[vector<16xi32>], vector<16xi32>,
      %ge3A_232 = arith.cmpi sge, %gather3A_231, %mul3A_109 : vector<16xi32>
      %convert_element_type3A_233 = arith.extui %ge3A_232 : vector<16xi1> to vector<16xi32>
      %add3A_234 = arith.addi %add3A_224, %convert_element_type3A_233 : vector<16xi32>
      %mul3A_235 = arith.constant 16 : i32
      %mul3A_236 = vector.broadcast %mul3A_235 : i32 to vector<16xi32>
      %mul3A_237 = arith.muli %get3A_168, %mul3A_236 : vector<16xi32>
      %add3A_238 = arith.constant 6 : i32
      %add3A_239 = vector.broadcast %add3A_238 : i32 to vector<16xi32>
      %add3A_240 = arith.addi %mul3A_237, %add3A_239 : vector<16xi32>
      %gather3A_241 = tpu.vector_load_idx %arg8[%add3A_240] : memref<32768xi32, #tpu.memory_space<vmem>>[vector<16xi32>], vector<16xi32>,
      %ge3A_242 = arith.cmpi sge, %gather3A_241, %mul3A_109 : vector<16xi32>
      %convert_element_type3A_243 = arith.extui %ge3A_242 : vector<16xi1> to vector<16xi32>
      %add3A_244 = arith.addi %add3A_234, %convert_element_type3A_243 : vector<16xi32>
      %mul3A_245 = arith.constant 16 : i32
      %mul3A_246 = vector.broadcast %mul3A_245 : i32 to vector<16xi32>
      %mul3A_247 = arith.muli %get3A_168, %mul3A_246 : vector<16xi32>
      %add3A_248 = arith.constant 7 : i32
      %add3A_249 = vector.broadcast %add3A_248 : i32 to vector<16xi32>
      %add3A_250 = arith.addi %mul3A_247, %add3A_249 : vector<16xi32>
      %gather3A_251 = tpu.vector_load_idx %arg8[%add3A_250] : memref<32768xi32, #tpu.memory_space<vmem>>[vector<16xi32>], vector<16xi32>,
      %ge3A_252 = arith.cmpi sge, %gather3A_251, %mul3A_109 : vector<16xi32>
      %convert_element_type3A_253 = arith.extui %ge3A_252 : vector<16xi1> to vector<16xi32>
      %add3A_254 = arith.addi %add3A_244, %convert_element_type3A_253 : vector<16xi32>
      %mul3A_255 = arith.constant 16 : i32
      %mul3A_256 = vector.broadcast %mul3A_255 : i32 to vector<16xi32>
      %mul3A_257 = arith.muli %get3A_168, %mul3A_256 : vector<16xi32>
      %add3A_258 = arith.constant 8 : i32
      %add3A_259 = vector.broadcast %add3A_258 : i32 to vector<16xi32>
      %add3A_260 = arith.addi %mul3A_257, %add3A_259 : vector<16xi32>
      %gather3A_261 = tpu.vector_load_idx %arg8[%add3A_260] : memref<32768xi32, #tpu.memory_space<vmem>>[vector<16xi32>], vector<16xi32>,
      %ge3A_262 = arith.cmpi sge, %gather3A_261, %mul3A_109 : vector<16xi32>
      %convert_element_type3A_263 = arith.extui %ge3A_262 : vector<16xi1> to vector<16xi32>
      %add3A_264 = arith.addi %add3A_254, %convert_element_type3A_263 : vector<16xi32>
      %mul3A_265 = arith.constant 16 : i32
      %mul3A_266 = vector.broadcast %mul3A_265 : i32 to vector<16xi32>
      %mul3A_267 = arith.muli %get3A_168, %mul3A_266 : vector<16xi32>
      %add3A_268 = arith.constant 9 : i32
      %add3A_269 = vector.broadcast %add3A_268 : i32 to vector<16xi32>
      %add3A_270 = arith.addi %mul3A_267, %add3A_269 : vector<16xi32>
      %gather3A_271 = tpu.vector_load_idx %arg8[%add3A_270] : memref<32768xi32, #tpu.memory_space<vmem>>[vector<16xi32>], vector<16xi32>,
      %ge3A_272 = arith.cmpi sge, %gather3A_271, %mul3A_109 : vector<16xi32>
      %convert_element_type3A_273 = arith.extui %ge3A_272 : vector<16xi1> to vector<16xi32>
      %add3A_274 = arith.addi %add3A_264, %convert_element_type3A_273 : vector<16xi32>
      %mul3A_275 = arith.constant 16 : i32
      %mul3A_276 = vector.broadcast %mul3A_275 : i32 to vector<16xi32>
      %mul3A_277 = arith.muli %get3A_168, %mul3A_276 : vector<16xi32>
      %add3A_278 = arith.constant 10 : i32
      %add3A_279 = vector.broadcast %add3A_278 : i32 to vector<16xi32>
      %add3A_280 = arith.addi %mul3A_277, %add3A_279 : vector<16xi32>
      %gather3A_281 = tpu.vector_load_idx %arg8[%add3A_280] : memref<32768xi32, #tpu.memory_space<vmem>>[vector<16xi32>], vector<16xi32>,
      %ge3A_282 = arith.cmpi sge, %gather3A_281, %mul3A_109 : vector<16xi32>
      %convert_element_type3A_283 = arith.extui %ge3A_282 : vector<16xi1> to vector<16xi32>
      %add3A_284 = arith.addi %add3A_274, %convert_element_type3A_283 : vector<16xi32>
      %mul3A_285 = arith.constant 16 : i32
      %mul3A_286 = vector.broadcast %mul3A_285 : i32 to vector<16xi32>
      %mul3A_287 = arith.muli %get3A_168, %mul3A_286 : vector<16xi32>
      %add3A_288 = arith.constant 11 : i32
      %add3A_289 = vector.broadcast %add3A_288 : i32 to vector<16xi32>
      %add3A_290 = arith.addi %mul3A_287, %add3A_289 : vector<16xi32>
      %gather3A_291 = tpu.vector_load_idx %arg8[%add3A_290] : memref<32768xi32, #tpu.memory_space<vmem>>[vector<16xi32>], vector<16xi32>,
      %ge3A_292 = arith.cmpi sge, %gather3A_291, %mul3A_109 : vector<16xi32>
      %convert_element_type3A_293 = arith.extui %ge3A_292 : vector<16xi1> to vector<16xi32>
      %add3A_294 = arith.addi %add3A_284, %convert_element_type3A_293 : vector<16xi32>
      %mul3A_295 = arith.constant 16 : i32
      %mul3A_296 = vector.broadcast %mul3A_295 : i32 to vector<16xi32>
      %mul3A_297 = arith.muli %get3A_168, %mul3A_296 : vector<16xi32>
      %add3A_298 = arith.constant 12 : i32
      %add3A_299 = vector.broadcast %add3A_298 : i32 to vector<16xi32>
      %add3A_300 = arith.addi %mul3A_297, %add3A_299 : vector<16xi32>
      %gather3A_301 = tpu.vector_load_idx %arg8[%add3A_300] : memref<32768xi32, #tpu.memory_space<vmem>>[vector<16xi32>], vector<16xi32>,
      %ge3A_302 = arith.cmpi sge, %gather3A_301, %mul3A_109 : vector<16xi32>
      %convert_element_type3A_303 = arith.extui %ge3A_302 : vector<16xi1> to vector<16xi32>
      %add3A_304 = arith.addi %add3A_294, %convert_element_type3A_303 : vector<16xi32>
      %mul3A_305 = arith.constant 16 : i32
      %mul3A_306 = vector.broadcast %mul3A_305 : i32 to vector<16xi32>
      %mul3A_307 = arith.muli %get3A_168, %mul3A_306 : vector<16xi32>
      %add3A_308 = arith.constant 13 : i32
      %add3A_309 = vector.broadcast %add3A_308 : i32 to vector<16xi32>
      %add3A_310 = arith.addi %mul3A_307, %add3A_309 : vector<16xi32>
      %gather3A_311 = tpu.vector_load_idx %arg8[%add3A_310] : memref<32768xi32, #tpu.memory_space<vmem>>[vector<16xi32>], vector<16xi32>,
      %ge3A_312 = arith.cmpi sge, %gather3A_311, %mul3A_109 : vector<16xi32>
      %convert_element_type3A_313 = arith.extui %ge3A_312 : vector<16xi1> to vector<16xi32>
      %add3A_314 = arith.addi %add3A_304, %convert_element_type3A_313 : vector<16xi32>
      %mul3A_315 = arith.constant 16 : i32
      %mul3A_316 = vector.broadcast %mul3A_315 : i32 to vector<16xi32>
      %mul3A_317 = arith.muli %get3A_168, %mul3A_316 : vector<16xi32>
      %add3A_318 = arith.constant 14 : i32
      %add3A_319 = vector.broadcast %add3A_318 : i32 to vector<16xi32>
      %add3A_320 = arith.addi %mul3A_317, %add3A_319 : vector<16xi32>
      %gather3A_321 = tpu.vector_load_idx %arg8[%add3A_320] : memref<32768xi32, #tpu.memory_space<vmem>>[vector<16xi32>], vector<16xi32>,
      %ge3A_322 = arith.cmpi sge, %gather3A_321, %mul3A_109 : vector<16xi32>
      %convert_element_type3A_323 = arith.extui %ge3A_322 : vector<16xi1> to vector<16xi32>
      %add3A_324 = arith.addi %add3A_314, %convert_element_type3A_323 : vector<16xi32>
      %mul3A_325 = arith.constant 16 : i32
      %mul3A_326 = vector.broadcast %mul3A_325 : i32 to vector<16xi32>
      %mul3A_327 = arith.muli %get3A_168, %mul3A_326 : vector<16xi32>
      %add3A_328 = arith.constant 15 : i32
      %add3A_329 = vector.broadcast %add3A_328 : i32 to vector<16xi32>
      %add3A_330 = arith.addi %mul3A_327, %add3A_329 : vector<16xi32>
      %gather3A_331 = tpu.vector_load_idx %arg8[%add3A_330] : memref<32768xi32, #tpu.memory_space<vmem>>[vector<16xi32>], vector<16xi32>,
      %ge3A_332 = arith.cmpi sge, %gather3A_331, %mul3A_109 : vector<16xi32>
      %convert_element_type3A_333 = arith.extui %ge3A_332 : vector<16xi1> to vector<16xi32>
      %add3A_334 = arith.addi %add3A_324, %convert_element_type3A_333 : vector<16xi32>
      %convert_element_type3A_335 = arith.extui %and3A : vector<16xi1> to vector<16xi32>
      %reduce_sum3A_336 = arith.constant true
      %reduce_sum3A_337 = vector.broadcast %reduce_sum3A_336 : i1 to vector<16xi1>
      %reduce_sum3A_338 = tpu.scan <sum>, %convert_element_type3A_335 masked %reduce_sum3A_337 : vector<16xi32>, vector<16xi1> -> vector<16xi32>
      %reduce_sum3A_339 = vector.extract %reduce_sum3A_338[15] : i32 from vector<16xi32>
      %mul3A_340 = vector.broadcast %reduce_sum3A_339 : i32 to vector<16xi32>
      %mul3A_341 = arith.muli %broadcast_in_dim3A_111, %mul3A_340 : vector<16xi32>
      %add3A_342 = arith.constant 1 : i32
      %add3A_343 = vector.broadcast %add3A_342 : i32 to vector<16xi32>
      %add3A_344 = arith.addi %mul3A_341, %add3A_343 : vector<16xi32>
      %gather3A_345 = tpu.vector_load_idx %arg10[%add3A_344] : memref<32xf32, #tpu.memory_space<vmem>>[vector<16xi32>], vector<16xf32>,
      %add3A_346 = arith.constant 1 : i32
      %add3A_347 = vector.broadcast %add3A_346 : i32 to vector<16xi32>
      %add3A_348 = arith.addi %add3A_334, %add3A_347 : vector<16xi32>
      %gather3A_349 = tpu.vector_load_idx %arg10[%add3A_348] : memref<32xf32, #tpu.memory_space<vmem>>[vector<16xi32>], vector<16xf32>,
      %add3A_350 = vector.broadcast %add3A_161 : i32 to vector<16xi32>
      %add3A_351 = arith.addi %get3A_168, %add3A_350 : vector<16xi32>
      %mul3A_352 = arith.mulf %gather3A_345, %gather3A_349 : vector<16xf32>
      tpu.vector_store_idx %arg11[%add3A_351], %mul3A_352 masked %and3A : memref<32768xf32, #tpu.memory_space<vmem>>[vector<16xi32>], vector<16xf32>, vector<16xi1>
      %add3A_353 = vector.broadcast %add3A_161 : i32 to vector<16xi32>
      %add3A_354 = arith.addi %mul3A_164, %add3A_353 : vector<16xi32>
      %mul3A_355 = arith.mulf %gather3A_345, %gather3A_345 : vector<16xf32>
      tpu.vector_store_idx %arg11[%add3A_354], %mul3A_355 masked %eq3A_113 : memref<32768xf32, #tpu.memory_space<vmem>>[vector<16xi32>], vector<16xf32>, vector<16xi1>
      %mul3A_356 = arith.constant 8 : i32
      %mul3A_357 = arith.muli %scan3A_148, %mul3A_356 : i32
      %add3A_358 = arith.constant 1 : i32
      %add3A_359 = arith.addi %mul3A_357, %add3A_358 : i32
      %add3A_360 = arith.constant 2048 : i32
      %add3A_361 = arith.addi %mul3A_152, %add3A_360 : i32
      %add3A_362 = arith.addi %mul3A_2, %add3A_359 : i32
      %mul3A_363 = vector.broadcast %add3A_362 : i32 to vector<16xi32>
      %mul3A_364 = arith.muli %broadcast_in_dim3A_111, %mul3A_363 : vector<16xi32>
      %mul3A_365 = arith.constant 16 : i32
      %mul3A_366 = arith.muli %add3A_359, %mul3A_365 : i32
      %get3A_367 = arith.index_cast %mul3A_366 : i32 to index
      %get3A_368 = tpu.vector_load %arg7[%get3A_367] {strides = array<i32>} : memref<1024xi32, #tpu.memory_space<vmem>>, vector<16xi32>,
      %mul3A_369 = arith.constant 16 : i32
      %mul3A_370 = arith.muli %add3A_362, %mul3A_369 : i32
      %get3A_371 = arith.index_cast %mul3A_370 : i32 to index
      %get3A_372 = tpu.vector_load %arg8[%get3A_371] {strides = array<i32>} : memref<32768xi32, #tpu.memory_space<vmem>>, vector<16xi32>,
      %ge3A_373 = arith.cmpi sge, %get3A_372, %mul3A_109 : vector<16xi32>
      %ne3A_374 = arith.cmpi ne, %get3A_368, %mul3A_364 : vector<16xi32>
      %and3A_375 = arith.andi %ge3A_373, %ne3A_374 : vector<16xi1>
      %broadcast_in_dim3A_376 = arith.constant 0 : i32
      %broadcast_in_dim3A_377 = vector.broadcast %broadcast_in_dim3A_376 : i32 to vector<16xi32>
      %mul3A_378 = arith.constant 16 : i32
      %mul3A_379 = vector.broadcast %mul3A_378 : i32 to vector<16xi32>
      %mul3A_380 = arith.muli %get3A_368, %mul3A_379 : vector<16xi32>
      %add3A_381 = arith.constant 0 : i32
      %add3A_382 = vector.broadcast %add3A_381 : i32 to vector<16xi32>
      %add3A_383 = arith.addi %mul3A_380, %add3A_382 : vector<16xi32>
      %gather3A_384 = tpu.vector_load_idx %arg8[%add3A_383] : memref<32768xi32, #tpu.memory_space<vmem>>[vector<16xi32>], vector<16xi32>,
      %ge3A_385 = arith.cmpi sge, %gather3A_384, %mul3A_109 : vector<16xi32>
      %convert_element_type3A_386 = arith.extui %ge3A_385 : vector<16xi1> to vector<16xi32>
      %add3A_387 = arith.addi %broadcast_in_dim3A_377, %convert_element_type3A_386 : vector<16xi32>
      %mul3A_388 = arith.constant 16 : i32
      %mul3A_389 = vector.broadcast %mul3A_388 : i32 to vector<16xi32>
      %mul3A_390 = arith.muli %get3A_368, %mul3A_389 : vector<16xi32>
      %add3A_391 = arith.constant 1 : i32
      %add3A_392 = vector.broadcast %add3A_391 : i32 to vector<16xi32>
      %add3A_393 = arith.addi %mul3A_390, %add3A_392 : vector<16xi32>
      %gather3A_394 = tpu.vector_load_idx %arg8[%add3A_393] : memref<32768xi32, #tpu.memory_space<vmem>>[vector<16xi32>], vector<16xi32>,
      %ge3A_395 = arith.cmpi sge, %gather3A_394, %mul3A_109 : vector<16xi32>
      %convert_element_type3A_396 = arith.extui %ge3A_395 : vector<16xi1> to vector<16xi32>
      %add3A_397 = arith.addi %add3A_387, %convert_element_type3A_396 : vector<16xi32>
      %mul3A_398 = arith.constant 16 : i32
      %mul3A_399 = vector.broadcast %mul3A_398 : i32 to vector<16xi32>
      %mul3A_400 = arith.muli %get3A_368, %mul3A_399 : vector<16xi32>
      %add3A_401 = arith.constant 2 : i32
      %add3A_402 = vector.broadcast %add3A_401 : i32 to vector<16xi32>
      %add3A_403 = arith.addi %mul3A_400, %add3A_402 : vector<16xi32>
      %gather3A_404 = tpu.vector_load_idx %arg8[%add3A_403] : memref<32768xi32, #tpu.memory_space<vmem>>[vector<16xi32>], vector<16xi32>,
      %ge3A_405 = arith.cmpi sge, %gather3A_404, %mul3A_109 : vector<16xi32>
      %convert_element_type3A_406 = arith.extui %ge3A_405 : vector<16xi1> to vector<16xi32>
      %add3A_407 = arith.addi %add3A_397, %convert_element_type3A_406 : vector<16xi32>
      %mul3A_408 = arith.constant 16 : i32
      %mul3A_409 = vector.broadcast %mul3A_408 : i32 to vector<16xi32>
      %mul3A_410 = arith.muli %get3A_368, %mul3A_409 : vector<16xi32>
      %add3A_411 = arith.constant 3 : i32
      %add3A_412 = vector.broadcast %add3A_411 : i32 to vector<16xi32>
      %add3A_413 = arith.addi %mul3A_410, %add3A_412 : vector<16xi32>
      %gather3A_414 = tpu.vector_load_idx %arg8[%add3A_413] : memref<32768xi32, #tpu.memory_space<vmem>>[vector<16xi32>], vector<16xi32>,
      %ge3A_415 = arith.cmpi sge, %gather3A_414, %mul3A_109 : vector<16xi32>
      %convert_element_type3A_416 = arith.extui %ge3A_415 : vector<16xi1> to vector<16xi32>
      %add3A_417 = arith.addi %add3A_407, %convert_element_type3A_416 : vector<16xi32>
      %mul3A_418 = arith.constant 16 : i32
      %mul3A_419 = vector.broadcast %mul3A_418 : i32 to vector<16xi32>
      %mul3A_420 = arith.muli %get3A_368, %mul3A_419 : vector<16xi32>
      %add3A_421 = arith.constant 4 : i32
      %add3A_422 = vector.broadcast %add3A_421 : i32 to vector<16xi32>
      %add3A_423 = arith.addi %mul3A_420, %add3A_422 : vector<16xi32>
      %gather3A_424 = tpu.vector_load_idx %arg8[%add3A_423] : memref<32768xi32, #tpu.memory_space<vmem>>[vector<16xi32>], vector<16xi32>,
      %ge3A_425 = arith.cmpi sge, %gather3A_424, %mul3A_109 : vector<16xi32>
      %convert_element_type3A_426 = arith.extui %ge3A_425 : vector<16xi1> to vector<16xi32>
      %add3A_427 = arith.addi %add3A_417, %convert_element_type3A_426 : vector<16xi32>
      %mul3A_428 = arith.constant 16 : i32
      %mul3A_429 = vector.broadcast %mul3A_428 : i32 to vector<16xi32>
      %mul3A_430 = arith.muli %get3A_368, %mul3A_429 : vector<16xi32>
      %add3A_431 = arith.constant 5 : i32
      %add3A_432 = vector.broadcast %add3A_431 : i32 to vector<16xi32>
      %add3A_433 = arith.addi %mul3A_430, %add3A_432 : vector<16xi32>
      %gather3A_434 = tpu.vector_load_idx %arg8[%add3A_433] : memref<32768xi32, #tpu.memory_space<vmem>>[vector<16xi32>], vector<16xi32>,
      %ge3A_435 = arith.cmpi sge, %gather3A_434, %mul3A_109 : vector<16xi32>
      %convert_element_type3A_436 = arith.extui %ge3A_435 : vector<16xi1> to vector<16xi32>
      %add3A_437 = arith.addi %add3A_427, %convert_element_type3A_436 : vector<16xi32>
      %mul3A_438 = arith.constant 16 : i32
      %mul3A_439 = vector.broadcast %mul3A_438 : i32 to vector<16xi32>
      %mul3A_440 = arith.muli %get3A_368, %mul3A_439 : vector<16xi32>
      %add3A_441 = arith.constant 6 : i32
      %add3A_442 = vector.broadcast %add3A_441 : i32 to vector<16xi32>
      %add3A_443 = arith.addi %mul3A_440, %add3A_442 : vector<16xi32>
      %gather3A_444 = tpu.vector_load_idx %arg8[%add3A_443] : memref<32768xi32, #tpu.memory_space<vmem>>[vector<16xi32>], vector<16xi32>,
      %ge3A_445 = arith.cmpi sge, %gather3A_444, %mul3A_109 : vector<16xi32>
      %convert_element_type3A_446 = arith.extui %ge3A_445 : vector<16xi1> to vector<16xi32>
      %add3A_447 = arith.addi %add3A_437, %convert_element_type3A_446 : vector<16xi32>
      %mul3A_448 = arith.constant 16 : i32
      %mul3A_449 = vector.broadcast %mul3A_448 : i32 to vector<16xi32>
      %mul3A_450 = arith.muli %get3A_368, %mul3A_449 : vector<16xi32>
      %add3A_451 = arith.constant 7 : i32
      %add3A_452 = vector.broadcast %add3A_451 : i32 to vector<16xi32>
      %add3A_453 = arith.addi %mul3A_450, %add3A_452 : vector<16xi32>
      %gather3A_454 = tpu.vector_load_idx %arg8[%add3A_453] : memref<32768xi32, #tpu.memory_space<vmem>>[vector<16xi32>], vector<16xi32>,
      %ge3A_455 = arith.cmpi sge, %gather3A_454, %mul3A_109 : vector<16xi32>
      %convert_element_type3A_456 = arith.extui %ge3A_455 : vector<16xi1> to vector<16xi32>
      %add3A_457 = arith.addi %add3A_447, %convert_element_type3A_456 : vector<16xi32>
      %mul3A_458 = arith.constant 16 : i32
      %mul3A_459 = vector.broadcast %mul3A_458 : i32 to vector<16xi32>
      %mul3A_460 = arith.muli %get3A_368, %mul3A_459 : vector<16xi32>
      %add3A_461 = arith.constant 8 : i32
      %add3A_462 = vector.broadcast %add3A_461 : i32 to vector<16xi32>
      %add3A_463 = arith.addi %mul3A_460, %add3A_462 : vector<16xi32>
      %gather3A_464 = tpu.vector_load_idx %arg8[%add3A_463] : memref<32768xi32, #tpu.memory_space<vmem>>[vector<16xi32>], vector<16xi32>,
      %ge3A_465 = arith.cmpi sge, %gather3A_464, %mul3A_109 : vector<16xi32>
      %convert_element_type3A_466 = arith.extui %ge3A_465 : vector<16xi1> to vector<16xi32>
      %add3A_467 = arith.addi %add3A_457, %convert_element_type3A_466 : vector<16xi32>
      %mul3A_468 = arith.constant 16 : i32
      %mul3A_469 = vector.broadcast %mul3A_468 : i32 to vector<16xi32>
      %mul3A_470 = arith.muli %get3A_368, %mul3A_469 : vector<16xi32>
      %add3A_471 = arith.constant 9 : i32
      %add3A_472 = vector.broadcast %add3A_471 : i32 to vector<16xi32>
      %add3A_473 = arith.addi %mul3A_470, %add3A_472 : vector<16xi32>
      %gather3A_474 = tpu.vector_load_idx %arg8[%add3A_473] : memref<32768xi32, #tpu.memory_space<vmem>>[vector<16xi32>], vector<16xi32>,
      %ge3A_475 = arith.cmpi sge, %gather3A_474, %mul3A_109 : vector<16xi32>
      %convert_element_type3A_476 = arith.extui %ge3A_475 : vector<16xi1> to vector<16xi32>
      %add3A_477 = arith.addi %add3A_467, %convert_element_type3A_476 : vector<16xi32>
      %mul3A_478 = arith.constant 16 : i32
      %mul3A_479 = vector.broadcast %mul3A_478 : i32 to vector<16xi32>
      %mul3A_480 = arith.muli %get3A_368, %mul3A_479 : vector<16xi32>
      %add3A_481 = arith.constant 10 : i32
      %add3A_482 = vector.broadcast %add3A_481 : i32 to vector<16xi32>
      %add3A_483 = arith.addi %mul3A_480, %add3A_482 : vector<16xi32>
      %gather3A_484 = tpu.vector_load_idx %arg8[%add3A_483] : memref<32768xi32, #tpu.memory_space<vmem>>[vector<16xi32>], vector<16xi32>,
      %ge3A_485 = arith.cmpi sge, %gather3A_484, %mul3A_109 : vector<16xi32>
      %convert_element_type3A_486 = arith.extui %ge3A_485 : vector<16xi1> to vector<16xi32>
      %add3A_487 = arith.addi %add3A_477, %convert_element_type3A_486 : vector<16xi32>
      %mul3A_488 = arith.constant 16 : i32
      %mul3A_489 = vector.broadcast %mul3A_488 : i32 to vector<16xi32>
      %mul3A_490 = arith.muli %get3A_368, %mul3A_489 : vector<16xi32>
      %add3A_491 = arith.constant 11 : i32
      %add3A_492 = vector.broadcast %add3A_491 : i32 to vector<16xi32>
      %add3A_493 = arith.addi %mul3A_490, %add3A_492 : vector<16xi32>
      %gather3A_494 = tpu.vector_load_idx %arg8[%add3A_493] : memref<32768xi32, #tpu.memory_space<vmem>>[vector<16xi32>], vector<16xi32>,
      %ge3A_495 = arith.cmpi sge, %gather3A_494, %mul3A_109 : vector<16xi32>
      %convert_element_type3A_496 = arith.extui %ge3A_495 : vector<16xi1> to vector<16xi32>
      %add3A_497 = arith.addi %add3A_487, %convert_element_type3A_496 : vector<16xi32>
      %mul3A_498 = arith.constant 16 : i32
      %mul3A_499 = vector.broadcast %mul3A_498 : i32 to vector<16xi32>
      %mul3A_500 = arith.muli %get3A_368, %mul3A_499 : vector<16xi32>
      %add3A_501 = arith.constant 12 : i32
      %add3A_502 = vector.broadcast %add3A_501 : i32 to vector<16xi32>
      %add3A_503 = arith.addi %mul3A_500, %add3A_502 : vector<16xi32>
      %gather3A_504 = tpu.vector_load_idx %arg8[%add3A_503] : memref<32768xi32, #tpu.memory_space<vmem>>[vector<16xi32>], vector<16xi32>,
      %ge3A_505 = arith.cmpi sge, %gather3A_504, %mul3A_109 : vector<16xi32>
      %convert_element_type3A_506 = arith.extui %ge3A_505 : vector<16xi1> to vector<16xi32>
      %add3A_507 = arith.addi %add3A_497, %convert_element_type3A_506 : vector<16xi32>
      %mul3A_508 = arith.constant 16 : i32
      %mul3A_509 = vector.broadcast %mul3A_508 : i32 to vector<16xi32>
      %mul3A_510 = arith.muli %get3A_368, %mul3A_509 : vector<16xi32>
      %add3A_511 = arith.constant 13 : i32
      %add3A_512 = vector.broadcast %add3A_511 : i32 to vector<16xi32>
      %add3A_513 = arith.addi %mul3A_510, %add3A_512 : vector<16xi32>
      %gather3A_514 = tpu.vector_load_idx %arg8[%add3A_513] : memref<32768xi32, #tpu.memory_space<vmem>>[vector<16xi32>], vector<16xi32>,
      %ge3A_515 = arith.cmpi sge, %gather3A_514, %mul3A_109 : vector<16xi32>
      %convert_element_type3A_516 = arith.extui %ge3A_515 : vector<16xi1> to vector<16xi32>
      %add3A_517 = arith.addi %add3A_507, %convert_element_type3A_516 : vector<16xi32>
      %mul3A_518 = arith.constant 16 : i32
      %mul3A_519 = vector.broadcast %mul3A_518 : i32 to vector<16xi32>
      %mul3A_520 = arith.muli %get3A_368, %mul3A_519 : vector<16xi32>
      %add3A_521 = arith.constant 14 : i32
      %add3A_522 = vector.broadcast %add3A_521 : i32 to vector<16xi32>
      %add3A_523 = arith.addi %mul3A_520, %add3A_522 : vector<16xi32>
      %gather3A_524 = tpu.vector_load_idx %arg8[%add3A_523] : memref<32768xi32, #tpu.memory_space<vmem>>[vector<16xi32>], vector<16xi32>,
      %ge3A_525 = arith.cmpi sge, %gather3A_524, %mul3A_109 : vector<16xi32>
      %convert_element_type3A_526 = arith.extui %ge3A_525 : vector<16xi1> to vector<16xi32>
      %add3A_527 = arith.addi %add3A_517, %convert_element_type3A_526 : vector<16xi32>
      %mul3A_528 = arith.constant 16 : i32
      %mul3A_529 = vector.broadcast %mul3A_528 : i32 to vector<16xi32>
      %mul3A_530 = arith.muli %get3A_368, %mul3A_529 : vector<16xi32>
      %add3A_531 = arith.constant 15 : i32
      %add3A_532 = vector.broadcast %add3A_531 : i32 to vector<16xi32>
      %add3A_533 = arith.addi %mul3A_530, %add3A_532 : vector<16xi32>
      %gather3A_534 = tpu.vector_load_idx %arg8[%add3A_533] : memref<32768xi32, #tpu.memory_space<vmem>>[vector<16xi32>], vector<16xi32>,
      %ge3A_535 = arith.cmpi sge, %gather3A_534, %mul3A_109 : vector<16xi32>
      %convert_element_type3A_536 = arith.extui %ge3A_535 : vector<16xi1> to vector<16xi32>
      %add3A_537 = arith.addi %add3A_527, %convert_element_type3A_536 : vector<16xi32>
      %convert_element_type3A_538 = arith.extui %and3A_375 : vector<16xi1> to vector<16xi32>
      %reduce_sum3A_539 = arith.constant true
      %reduce_sum3A_540 = vector.broadcast %reduce_sum3A_539 : i1 to vector<16xi1>
      %reduce_sum3A_541 = tpu.scan <sum>, %convert_element_type3A_538 masked %reduce_sum3A_540 : vector<16xi32>, vector<16xi1> -> vector<16xi32>
      %reduce_sum3A_542 = vector.extract %reduce_sum3A_541[15] : i32 from vector<16xi32>
      %mul3A_543 = vector.broadcast %reduce_sum3A_542 : i32 to vector<16xi32>
      %mul3A_544 = arith.muli %broadcast_in_dim3A_111, %mul3A_543 : vector<16xi32>
      %add3A_545 = arith.constant 1 : i32
      %add3A_546 = vector.broadcast %add3A_545 : i32 to vector<16xi32>
      %add3A_547 = arith.addi %mul3A_544, %add3A_546 : vector<16xi32>
      %gather3A_548 = tpu.vector_load_idx %arg10[%add3A_547] : memref<32xf32, #tpu.memory_space<vmem>>[vector<16xi32>], vector<16xf32>,
      %add3A_549 = arith.constant 1 : i32
      %add3A_550 = vector.broadcast %add3A_549 : i32 to vector<16xi32>
      %add3A_551 = arith.addi %add3A_537, %add3A_550 : vector<16xi32>
      %gather3A_552 = tpu.vector_load_idx %arg10[%add3A_551] : memref<32xf32, #tpu.memory_space<vmem>>[vector<16xi32>], vector<16xf32>,
      %add3A_553 = vector.broadcast %add3A_361 : i32 to vector<16xi32>
      %add3A_554 = arith.addi %get3A_368, %add3A_553 : vector<16xi32>
      %mul3A_555 = arith.mulf %gather3A_548, %gather3A_552 : vector<16xf32>
      tpu.vector_store_idx %arg11[%add3A_554], %mul3A_555 masked %and3A_375 : memref<32768xf32, #tpu.memory_space<vmem>>[vector<16xi32>], vector<16xf32>, vector<16xi1>
      %add3A_556 = vector.broadcast %add3A_361 : i32 to vector<16xi32>
      %add3A_557 = arith.addi %mul3A_364, %add3A_556 : vector<16xi32>
      %mul3A_558 = arith.mulf %gather3A_548, %gather3A_548 : vector<16xf32>
      tpu.vector_store_idx %arg11[%add3A_557], %mul3A_558 masked %eq3A_113 : memref<32768xf32, #tpu.memory_space<vmem>>[vector<16xi32>], vector<16xf32>, vector<16xi1>
      %mul3A_559 = arith.constant 8 : i32
      %mul3A_560 = arith.muli %scan3A_148, %mul3A_559 : i32
      %add3A_561 = arith.constant 2 : i32
      %add3A_562 = arith.addi %mul3A_560, %add3A_561 : i32
      %add3A_563 = arith.constant 4096 : i32
      %add3A_564 = arith.addi %mul3A_152, %add3A_563 : i32
      %add3A_565 = arith.addi %mul3A_2, %add3A_562 : i32
      %mul3A_566 = vector.broadcast %add3A_565 : i32 to vector<16xi32>
      %mul3A_567 = arith.muli %broadcast_in_dim3A_111, %mul3A_566 : vector<16xi32>
      %mul3A_568 = arith.constant 16 : i32
      %mul3A_569 = arith.muli %add3A_562, %mul3A_568 : i32
      %get3A_570 = arith.index_cast %mul3A_569 : i32 to index
      %get3A_571 = tpu.vector_load %arg7[%get3A_570] {strides = array<i32>} : memref<1024xi32, #tpu.memory_space<vmem>>, vector<16xi32>,
      %mul3A_572 = arith.constant 16 : i32
      %mul3A_573 = arith.muli %add3A_565, %mul3A_572 : i32
      %get3A_574 = arith.index_cast %mul3A_573 : i32 to index
      %get3A_575 = tpu.vector_load %arg8[%get3A_574] {strides = array<i32>} : memref<32768xi32, #tpu.memory_space<vmem>>, vector<16xi32>,
      %ge3A_576 = arith.cmpi sge, %get3A_575, %mul3A_109 : vector<16xi32>
      %ne3A_577 = arith.cmpi ne, %get3A_571, %mul3A_567 : vector<16xi32>
      %and3A_578 = arith.andi %ge3A_576, %ne3A_577 : vector<16xi1>
      %broadcast_in_dim3A_579 = arith.constant 0 : i32
      %broadcast_in_dim3A_580 = vector.broadcast %broadcast_in_dim3A_579 : i32 to vector<16xi32>
      %mul3A_581 = arith.constant 16 : i32
      %mul3A_582 = vector.broadcast %mul3A_581 : i32 to vector<16xi32>
      %mul3A_583 = arith.muli %get3A_571, %mul3A_582 : vector<16xi32>
      %add3A_584 = arith.constant 0 : i32
      %add3A_585 = vector.broadcast %add3A_584 : i32 to vector<16xi32>
      %add3A_586 = arith.addi %mul3A_583, %add3A_585 : vector<16xi32>
      %gather3A_587 = tpu.vector_load_idx %arg8[%add3A_586] : memref<32768xi32, #tpu.memory_space<vmem>>[vector<16xi32>], vector<16xi32>,
      %ge3A_588 = arith.cmpi sge, %gather3A_587, %mul3A_109 : vector<16xi32>
      %convert_element_type3A_589 = arith.extui %ge3A_588 : vector<16xi1> to vector<16xi32>
      %add3A_590 = arith.addi %broadcast_in_dim3A_580, %convert_element_type3A_589 : vector<16xi32>
      %mul3A_591 = arith.constant 16 : i32
      %mul3A_592 = vector.broadcast %mul3A_591 : i32 to vector<16xi32>
      %mul3A_593 = arith.muli %get3A_571, %mul3A_592 : vector<16xi32>
      %add3A_594 = arith.constant 1 : i32
      %add3A_595 = vector.broadcast %add3A_594 : i32 to vector<16xi32>
      %add3A_596 = arith.addi %mul3A_593, %add3A_595 : vector<16xi32>
      %gather3A_597 = tpu.vector_load_idx %arg8[%add3A_596] : memref<32768xi32, #tpu.memory_space<vmem>>[vector<16xi32>], vector<16xi32>,
      %ge3A_598 = arith.cmpi sge, %gather3A_597, %mul3A_109 : vector<16xi32>
      %convert_element_type3A_599 = arith.extui %ge3A_598 : vector<16xi1> to vector<16xi32>
      %add3A_600 = arith.addi %add3A_590, %convert_element_type3A_599 : vector<16xi32>
      %mul3A_601 = arith.constant 16 : i32
      %mul3A_602 = vector.broadcast %mul3A_601 : i32 to vector<16xi32>
      %mul3A_603 = arith.muli %get3A_571, %mul3A_602 : vector<16xi32>
      %add3A_604 = arith.constant 2 : i32
      %add3A_605 = vector.broadcast %add3A_604 : i32 to vector<16xi32>
      %add3A_606 = arith.addi %mul3A_603, %add3A_605 : vector<16xi32>
      %gather3A_607 = tpu.vector_load_idx %arg8[%add3A_606] : memref<32768xi32, #tpu.memory_space<vmem>>[vector<16xi32>], vector<16xi32>,
      %ge3A_608 = arith.cmpi sge, %gather3A_607, %mul3A_109 : vector<16xi32>
      %convert_element_type3A_609 = arith.extui %ge3A_608 : vector<16xi1> to vector<16xi32>
      %add3A_610 = arith.addi %add3A_600, %convert_element_type3A_609 : vector<16xi32>
      %mul3A_611 = arith.constant 16 : i32
      %mul3A_612 = vector.broadcast %mul3A_611 : i32 to vector<16xi32>
      %mul3A_613 = arith.muli %get3A_571, %mul3A_612 : vector<16xi32>
      %add3A_614 = arith.constant 3 : i32
      %add3A_615 = vector.broadcast %add3A_614 : i32 to vector<16xi32>
      %add3A_616 = arith.addi %mul3A_613, %add3A_615 : vector<16xi32>
      %gather3A_617 = tpu.vector_load_idx %arg8[%add3A_616] : memref<32768xi32, #tpu.memory_space<vmem>>[vector<16xi32>], vector<16xi32>,
      %ge3A_618 = arith.cmpi sge, %gather3A_617, %mul3A_109 : vector<16xi32>
      %convert_element_type3A_619 = arith.extui %ge3A_618 : vector<16xi1> to vector<16xi32>
      %add3A_620 = arith.addi %add3A_610, %convert_element_type3A_619 : vector<16xi32>
      %mul3A_621 = arith.constant 16 : i32
      %mul3A_622 = vector.broadcast %mul3A_621 : i32 to vector<16xi32>
      %mul3A_623 = arith.muli %get3A_571, %mul3A_622 : vector<16xi32>
      %add3A_624 = arith.constant 4 : i32
      %add3A_625 = vector.broadcast %add3A_624 : i32 to vector<16xi32>
      %add3A_626 = arith.addi %mul3A_623, %add3A_625 : vector<16xi32>
      %gather3A_627 = tpu.vector_load_idx %arg8[%add3A_626] : memref<32768xi32, #tpu.memory_space<vmem>>[vector<16xi32>], vector<16xi32>,
      %ge3A_628 = arith.cmpi sge, %gather3A_627, %mul3A_109 : vector<16xi32>
      %convert_element_type3A_629 = arith.extui %ge3A_628 : vector<16xi1> to vector<16xi32>
      %add3A_630 = arith.addi %add3A_620, %convert_element_type3A_629 : vector<16xi32>
      %mul3A_631 = arith.constant 16 : i32
      %mul3A_632 = vector.broadcast %mul3A_631 : i32 to vector<16xi32>
      %mul3A_633 = arith.muli %get3A_571, %mul3A_632 : vector<16xi32>
      %add3A_634 = arith.constant 5 : i32
      %add3A_635 = vector.broadcast %add3A_634 : i32 to vector<16xi32>
      %add3A_636 = arith.addi %mul3A_633, %add3A_635 : vector<16xi32>
      %gather3A_637 = tpu.vector_load_idx %arg8[%add3A_636] : memref<32768xi32, #tpu.memory_space<vmem>>[vector<16xi32>], vector<16xi32>,
      %ge3A_638 = arith.cmpi sge, %gather3A_637, %mul3A_109 : vector<16xi32>
      %convert_element_type3A_639 = arith.extui %ge3A_638 : vector<16xi1> to vector<16xi32>
      %add3A_640 = arith.addi %add3A_630, %convert_element_type3A_639 : vector<16xi32>
      %mul3A_641 = arith.constant 16 : i32
      %mul3A_642 = vector.broadcast %mul3A_641 : i32 to vector<16xi32>
      %mul3A_643 = arith.muli %get3A_571, %mul3A_642 : vector<16xi32>
      %add3A_644 = arith.constant 6 : i32
      %add3A_645 = vector.broadcast %add3A_644 : i32 to vector<16xi32>
      %add3A_646 = arith.addi %mul3A_643, %add3A_645 : vector<16xi32>
      %gather3A_647 = tpu.vector_load_idx %arg8[%add3A_646] : memref<32768xi32, #tpu.memory_space<vmem>>[vector<16xi32>], vector<16xi32>,
      %ge3A_648 = arith.cmpi sge, %gather3A_647, %mul3A_109 : vector<16xi32>
      %convert_element_type3A_649 = arith.extui %ge3A_648 : vector<16xi1> to vector<16xi32>
      %add3A_650 = arith.addi %add3A_640, %convert_element_type3A_649 : vector<16xi32>
      %mul3A_651 = arith.constant 16 : i32
      %mul3A_652 = vector.broadcast %mul3A_651 : i32 to vector<16xi32>
      %mul3A_653 = arith.muli %get3A_571, %mul3A_652 : vector<16xi32>
      %add3A_654 = arith.constant 7 : i32
      %add3A_655 = vector.broadcast %add3A_654 : i32 to vector<16xi32>
      %add3A_656 = arith.addi %mul3A_653, %add3A_655 : vector<16xi32>
      %gather3A_657 = tpu.vector_load_idx %arg8[%add3A_656] : memref<32768xi32, #tpu.memory_space<vmem>>[vector<16xi32>], vector<16xi32>,
      %ge3A_658 = arith.cmpi sge, %gather3A_657, %mul3A_109 : vector<16xi32>
      %convert_element_type3A_659 = arith.extui %ge3A_658 : vector<16xi1> to vector<16xi32>
      %add3A_660 = arith.addi %add3A_650, %convert_element_type3A_659 : vector<16xi32>
      %mul3A_661 = arith.constant 16 : i32
      %mul3A_662 = vector.broadcast %mul3A_661 : i32 to vector<16xi32>
      %mul3A_663 = arith.muli %get3A_571, %mul3A_662 : vector<16xi32>
      %add3A_664 = arith.constant 8 : i32
      %add3A_665 = vector.broadcast %add3A_664 : i32 to vector<16xi32>
      %add3A_666 = arith.addi %mul3A_663, %add3A_665 : vector<16xi32>
      %gather3A_667 = tpu.vector_load_idx %arg8[%add3A_666] : memref<32768xi32, #tpu.memory_space<vmem>>[vector<16xi32>], vector<16xi32>,
      %ge3A_668 = arith.cmpi sge, %gather3A_667, %mul3A_109 : vector<16xi32>
      %convert_element_type3A_669 = arith.extui %ge3A_668 : vector<16xi1> to vector<16xi32>
      %add3A_670 = arith.addi %add3A_660, %convert_element_type3A_669 : vector<16xi32>
      %mul3A_671 = arith.constant 16 : i32
      %mul3A_672 = vector.broadcast %mul3A_671 : i32 to vector<16xi32>
      %mul3A_673 = arith.muli %get3A_571, %mul3A_672 : vector<16xi32>
      %add3A_674 = arith.constant 9 : i32
      %add3A_675 = vector.broadcast %add3A_674 : i32 to vector<16xi32>
      %add3A_676 = arith.addi %mul3A_673, %add3A_675 : vector<16xi32>
      %gather3A_677 = tpu.vector_load_idx %arg8[%add3A_676] : memref<32768xi32, #tpu.memory_space<vmem>>[vector<16xi32>], vector<16xi32>,
      %ge3A_678 = arith.cmpi sge, %gather3A_677, %mul3A_109 : vector<16xi32>
      %convert_element_type3A_679 = arith.extui %ge3A_678 : vector<16xi1> to vector<16xi32>
      %add3A_680 = arith.addi %add3A_670, %convert_element_type3A_679 : vector<16xi32>
      %mul3A_681 = arith.constant 16 : i32
      %mul3A_682 = vector.broadcast %mul3A_681 : i32 to vector<16xi32>
      %mul3A_683 = arith.muli %get3A_571, %mul3A_682 : vector<16xi32>
      %add3A_684 = arith.constant 10 : i32
      %add3A_685 = vector.broadcast %add3A_684 : i32 to vector<16xi32>
      %add3A_686 = arith.addi %mul3A_683, %add3A_685 : vector<16xi32>
      %gather3A_687 = tpu.vector_load_idx %arg8[%add3A_686] : memref<32768xi32, #tpu.memory_space<vmem>>[vector<16xi32>], vector<16xi32>,
      %ge3A_688 = arith.cmpi sge, %gather3A_687, %mul3A_109 : vector<16xi32>
      %convert_element_type3A_689 = arith.extui %ge3A_688 : vector<16xi1> to vector<16xi32>
      %add3A_690 = arith.addi %add3A_680, %convert_element_type3A_689 : vector<16xi32>
      %mul3A_691 = arith.constant 16 : i32
      %mul3A_692 = vector.broadcast %mul3A_691 : i32 to vector<16xi32>
      %mul3A_693 = arith.muli %get3A_571, %mul3A_692 : vector<16xi32>
      %add3A_694 = arith.constant 11 : i32
      %add3A_695 = vector.broadcast %add3A_694 : i32 to vector<16xi32>
      %add3A_696 = arith.addi %mul3A_693, %add3A_695 : vector<16xi32>
      %gather3A_697 = tpu.vector_load_idx %arg8[%add3A_696] : memref<32768xi32, #tpu.memory_space<vmem>>[vector<16xi32>], vector<16xi32>,
      %ge3A_698 = arith.cmpi sge, %gather3A_697, %mul3A_109 : vector<16xi32>
      %convert_element_type3A_699 = arith.extui %ge3A_698 : vector<16xi1> to vector<16xi32>
      %add3A_700 = arith.addi %add3A_690, %convert_element_type3A_699 : vector<16xi32>
      %mul3A_701 = arith.constant 16 : i32
      %mul3A_702 = vector.broadcast %mul3A_701 : i32 to vector<16xi32>
      %mul3A_703 = arith.muli %get3A_571, %mul3A_702 : vector<16xi32>
      %add3A_704 = arith.constant 12 : i32
      %add3A_705 = vector.broadcast %add3A_704 : i32 to vector<16xi32>
      %add3A_706 = arith.addi %mul3A_703, %add3A_705 : vector<16xi32>
      %gather3A_707 = tpu.vector_load_idx %arg8[%add3A_706] : memref<32768xi32, #tpu.memory_space<vmem>>[vector<16xi32>], vector<16xi32>,
      %ge3A_708 = arith.cmpi sge, %gather3A_707, %mul3A_109 : vector<16xi32>
      %convert_element_type3A_709 = arith.extui %ge3A_708 : vector<16xi1> to vector<16xi32>
      %add3A_710 = arith.addi %add3A_700, %convert_element_type3A_709 : vector<16xi32>
      %mul3A_711 = arith.constant 16 : i32
      %mul3A_712 = vector.broadcast %mul3A_711 : i32 to vector<16xi32>
      %mul3A_713 = arith.muli %get3A_571, %mul3A_712 : vector<16xi32>
      %add3A_714 = arith.constant 13 : i32
      %add3A_715 = vector.broadcast %add3A_714 : i32 to vector<16xi32>
      %add3A_716 = arith.addi %mul3A_713, %add3A_715 : vector<16xi32>
      %gather3A_717 = tpu.vector_load_idx %arg8[%add3A_716] : memref<32768xi32, #tpu.memory_space<vmem>>[vector<16xi32>], vector<16xi32>,
      %ge3A_718 = arith.cmpi sge, %gather3A_717, %mul3A_109 : vector<16xi32>
      %convert_element_type3A_719 = arith.extui %ge3A_718 : vector<16xi1> to vector<16xi32>
      %add3A_720 = arith.addi %add3A_710, %convert_element_type3A_719 : vector<16xi32>
      %mul3A_721 = arith.constant 16 : i32
      %mul3A_722 = vector.broadcast %mul3A_721 : i32 to vector<16xi32>
      %mul3A_723 = arith.muli %get3A_571, %mul3A_722 : vector<16xi32>
      %add3A_724 = arith.constant 14 : i32
      %add3A_725 = vector.broadcast %add3A_724 : i32 to vector<16xi32>
      %add3A_726 = arith.addi %mul3A_723, %add3A_725 : vector<16xi32>
      %gather3A_727 = tpu.vector_load_idx %arg8[%add3A_726] : memref<32768xi32, #tpu.memory_space<vmem>>[vector<16xi32>], vector<16xi32>,
      %ge3A_728 = arith.cmpi sge, %gather3A_727, %mul3A_109 : vector<16xi32>
      %convert_element_type3A_729 = arith.extui %ge3A_728 : vector<16xi1> to vector<16xi32>
      %add3A_730 = arith.addi %add3A_720, %convert_element_type3A_729 : vector<16xi32>
      %mul3A_731 = arith.constant 16 : i32
      %mul3A_732 = vector.broadcast %mul3A_731 : i32 to vector<16xi32>
      %mul3A_733 = arith.muli %get3A_571, %mul3A_732 : vector<16xi32>
      %add3A_734 = arith.constant 15 : i32
      %add3A_735 = vector.broadcast %add3A_734 : i32 to vector<16xi32>
      %add3A_736 = arith.addi %mul3A_733, %add3A_735 : vector<16xi32>
      %gather3A_737 = tpu.vector_load_idx %arg8[%add3A_736] : memref<32768xi32, #tpu.memory_space<vmem>>[vector<16xi32>], vector<16xi32>,
      %ge3A_738 = arith.cmpi sge, %gather3A_737, %mul3A_109 : vector<16xi32>
      %convert_element_type3A_739 = arith.extui %ge3A_738 : vector<16xi1> to vector<16xi32>
      %add3A_740 = arith.addi %add3A_730, %convert_element_type3A_739 : vector<16xi32>
      %convert_element_type3A_741 = arith.extui %and3A_578 : vector<16xi1> to vector<16xi32>
      %reduce_sum3A_742 = arith.constant true
      %reduce_sum3A_743 = vector.broadcast %reduce_sum3A_742 : i1 to vector<16xi1>
      %reduce_sum3A_744 = tpu.scan <sum>, %convert_element_type3A_741 masked %reduce_sum3A_743 : vector<16xi32>, vector<16xi1> -> vector<16xi32>
      %reduce_sum3A_745 = vector.extract %reduce_sum3A_744[15] : i32 from vector<16xi32>
      %mul3A_746 = vector.broadcast %reduce_sum3A_745 : i32 to vector<16xi32>
      %mul3A_747 = arith.muli %broadcast_in_dim3A_111, %mul3A_746 : vector<16xi32>
      %add3A_748 = arith.constant 1 : i32
      %add3A_749 = vector.broadcast %add3A_748 : i32 to vector<16xi32>
      %add3A_750 = arith.addi %mul3A_747, %add3A_749 : vector<16xi32>
      %gather3A_751 = tpu.vector_load_idx %arg10[%add3A_750] : memref<32xf32, #tpu.memory_space<vmem>>[vector<16xi32>], vector<16xf32>,
      %add3A_752 = arith.constant 1 : i32
      %add3A_753 = vector.broadcast %add3A_752 : i32 to vector<16xi32>
      %add3A_754 = arith.addi %add3A_740, %add3A_753 : vector<16xi32>
      %gather3A_755 = tpu.vector_load_idx %arg10[%add3A_754] : memref<32xf32, #tpu.memory_space<vmem>>[vector<16xi32>], vector<16xf32>,
      %add3A_756 = vector.broadcast %add3A_564 : i32 to vector<16xi32>
      %add3A_757 = arith.addi %get3A_571, %add3A_756 : vector<16xi32>
      %mul3A_758 = arith.mulf %gather3A_751, %gather3A_755 : vector<16xf32>
      tpu.vector_store_idx %arg11[%add3A_757], %mul3A_758 masked %and3A_578 : memref<32768xf32, #tpu.memory_space<vmem>>[vector<16xi32>], vector<16xf32>, vector<16xi1>
      %add3A_759 = vector.broadcast %add3A_564 : i32 to vector<16xi32>
      %add3A_760 = arith.addi %mul3A_567, %add3A_759 : vector<16xi32>
      %mul3A_761 = arith.mulf %gather3A_751, %gather3A_751 : vector<16xf32>
      tpu.vector_store_idx %arg11[%add3A_760], %mul3A_761 masked %eq3A_113 : memref<32768xf32, #tpu.memory_space<vmem>>[vector<16xi32>], vector<16xf32>, vector<16xi1>
      %mul3A_762 = arith.constant 8 : i32
      %mul3A_763 = arith.muli %scan3A_148, %mul3A_762 : i32
      %add3A_764 = arith.constant 3 : i32
      %add3A_765 = arith.addi %mul3A_763, %add3A_764 : i32
      %add3A_766 = arith.constant 6144 : i32
      %add3A_767 = arith.addi %mul3A_152, %add3A_766 : i32
      %add3A_768 = arith.addi %mul3A_2, %add3A_765 : i32
      %mul3A_769 = vector.broadcast %add3A_768 : i32 to vector<16xi32>
      %mul3A_770 = arith.muli %broadcast_in_dim3A_111, %mul3A_769 : vector<16xi32>
      %mul3A_771 = arith.constant 16 : i32
      %mul3A_772 = arith.muli %add3A_765, %mul3A_771 : i32
      %get3A_773 = arith.index_cast %mul3A_772 : i32 to index
      %get3A_774 = tpu.vector_load %arg7[%get3A_773] {strides = array<i32>} : memref<1024xi32, #tpu.memory_space<vmem>>, vector<16xi32>,
      %mul3A_775 = arith.constant 16 : i32
      %mul3A_776 = arith.muli %add3A_768, %mul3A_775 : i32
      %get3A_777 = arith.index_cast %mul3A_776 : i32 to index
      %get3A_778 = tpu.vector_load %arg8[%get3A_777] {strides = array<i32>} : memref<32768xi32, #tpu.memory_space<vmem>>, vector<16xi32>,
      %ge3A_779 = arith.cmpi sge, %get3A_778, %mul3A_109 : vector<16xi32>
      %ne3A_780 = arith.cmpi ne, %get3A_774, %mul3A_770 : vector<16xi32>
      %and3A_781 = arith.andi %ge3A_779, %ne3A_780 : vector<16xi1>
      %broadcast_in_dim3A_782 = arith.constant 0 : i32
      %broadcast_in_dim3A_783 = vector.broadcast %broadcast_in_dim3A_782 : i32 to vector<16xi32>
      %mul3A_784 = arith.constant 16 : i32
      %mul3A_785 = vector.broadcast %mul3A_784 : i32 to vector<16xi32>
      %mul3A_786 = arith.muli %get3A_774, %mul3A_785 : vector<16xi32>
      %add3A_787 = arith.constant 0 : i32
      %add3A_788 = vector.broadcast %add3A_787 : i32 to vector<16xi32>
      %add3A_789 = arith.addi %mul3A_786, %add3A_788 : vector<16xi32>
      %gather3A_790 = tpu.vector_load_idx %arg8[%add3A_789] : memref<32768xi32, #tpu.memory_space<vmem>>[vector<16xi32>], vector<16xi32>,
      %ge3A_791 = arith.cmpi sge, %gather3A_790, %mul3A_109 : vector<16xi32>
      %convert_element_type3A_792 = arith.extui %ge3A_791 : vector<16xi1> to vector<16xi32>
      %add3A_793 = arith.addi %broadcast_in_dim3A_783, %convert_element_type3A_792 : vector<16xi32>
      %mul3A_794 = arith.constant 16 : i32
      %mul3A_795 = vector.broadcast %mul3A_794 : i32 to vector<16xi32>
      %mul3A_796 = arith.muli %get3A_774, %mul3A_795 : vector<16xi32>
      %add3A_797 = arith.constant 1 : i32
      %add3A_798 = vector.broadcast %add3A_797 : i32 to vector<16xi32>
      %add3A_799 = arith.addi %mul3A_796, %add3A_798 : vector<16xi32>
      %gather3A_800 = tpu.vector_load_idx %arg8[%add3A_799] : memref<32768xi32, #tpu.memory_space<vmem>>[vector<16xi32>], vector<16xi32>,
      %ge3A_801 = arith.cmpi sge, %gather3A_800, %mul3A_109 : vector<16xi32>
      %convert_element_type3A_802 = arith.extui %ge3A_801 : vector<16xi1> to vector<16xi32>
      %add3A_803 = arith.addi %add3A_793, %convert_element_type3A_802 : vector<16xi32>
      %mul3A_804 = arith.constant 16 : i32
      %mul3A_805 = vector.broadcast %mul3A_804 : i32 to vector<16xi32>
      %mul3A_806 = arith.muli %get3A_774, %mul3A_805 : vector<16xi32>
      %add3A_807 = arith.constant 2 : i32
      %add3A_808 = vector.broadcast %add3A_807 : i32 to vector<16xi32>
      %add3A_809 = arith.addi %mul3A_806, %add3A_808 : vector<16xi32>
      %gather3A_810 = tpu.vector_load_idx %arg8[%add3A_809] : memref<32768xi32, #tpu.memory_space<vmem>>[vector<16xi32>], vector<16xi32>,
      %ge3A_811 = arith.cmpi sge, %gather3A_810, %mul3A_109 : vector<16xi32>
      %convert_element_type3A_812 = arith.extui %ge3A_811 : vector<16xi1> to vector<16xi32>
      %add3A_813 = arith.addi %add3A_803, %convert_element_type3A_812 : vector<16xi32>
      %mul3A_814 = arith.constant 16 : i32
      %mul3A_815 = vector.broadcast %mul3A_814 : i32 to vector<16xi32>
      %mul3A_816 = arith.muli %get3A_774, %mul3A_815 : vector<16xi32>
      %add3A_817 = arith.constant 3 : i32
      %add3A_818 = vector.broadcast %add3A_817 : i32 to vector<16xi32>
      %add3A_819 = arith.addi %mul3A_816, %add3A_818 : vector<16xi32>
      %gather3A_820 = tpu.vector_load_idx %arg8[%add3A_819] : memref<32768xi32, #tpu.memory_space<vmem>>[vector<16xi32>], vector<16xi32>,
      %ge3A_821 = arith.cmpi sge, %gather3A_820, %mul3A_109 : vector<16xi32>
      %convert_element_type3A_822 = arith.extui %ge3A_821 : vector<16xi1> to vector<16xi32>
      %add3A_823 = arith.addi %add3A_813, %convert_element_type3A_822 : vector<16xi32>
      %mul3A_824 = arith.constant 16 : i32
      %mul3A_825 = vector.broadcast %mul3A_824 : i32 to vector<16xi32>
      %mul3A_826 = arith.muli %get3A_774, %mul3A_825 : vector<16xi32>
      %add3A_827 = arith.constant 4 : i32
      %add3A_828 = vector.broadcast %add3A_827 : i32 to vector<16xi32>
      %add3A_829 = arith.addi %mul3A_826, %add3A_828 : vector<16xi32>
      %gather3A_830 = tpu.vector_load_idx %arg8[%add3A_829] : memref<32768xi32, #tpu.memory_space<vmem>>[vector<16xi32>], vector<16xi32>,
      %ge3A_831 = arith.cmpi sge, %gather3A_830, %mul3A_109 : vector<16xi32>
      %convert_element_type3A_832 = arith.extui %ge3A_831 : vector<16xi1> to vector<16xi32>
      %add3A_833 = arith.addi %add3A_823, %convert_element_type3A_832 : vector<16xi32>
      %mul3A_834 = arith.constant 16 : i32
      %mul3A_835 = vector.broadcast %mul3A_834 : i32 to vector<16xi32>
      %mul3A_836 = arith.muli %get3A_774, %mul3A_835 : vector<16xi32>
      %add3A_837 = arith.constant 5 : i32
      %add3A_838 = vector.broadcast %add3A_837 : i32 to vector<16xi32>
      %add3A_839 = arith.addi %mul3A_836, %add3A_838 : vector<16xi32>
      %gather3A_840 = tpu.vector_load_idx %arg8[%add3A_839] : memref<32768xi32, #tpu.memory_space<vmem>>[vector<16xi32>], vector<16xi32>,
      %ge3A_841 = arith.cmpi sge, %gather3A_840, %mul3A_109 : vector<16xi32>
      %convert_element_type3A_842 = arith.extui %ge3A_841 : vector<16xi1> to vector<16xi32>
      %add3A_843 = arith.addi %add3A_833, %convert_element_type3A_842 : vector<16xi32>
      %mul3A_844 = arith.constant 16 : i32
      %mul3A_845 = vector.broadcast %mul3A_844 : i32 to vector<16xi32>
      %mul3A_846 = arith.muli %get3A_774, %mul3A_845 : vector<16xi32>
      %add3A_847 = arith.constant 6 : i32
      %add3A_848 = vector.broadcast %add3A_847 : i32 to vector<16xi32>
      %add3A_849 = arith.addi %mul3A_846, %add3A_848 : vector<16xi32>
      %gather3A_850 = tpu.vector_load_idx %arg8[%add3A_849] : memref<32768xi32, #tpu.memory_space<vmem>>[vector<16xi32>], vector<16xi32>,
      %ge3A_851 = arith.cmpi sge, %gather3A_850, %mul3A_109 : vector<16xi32>
      %convert_element_type3A_852 = arith.extui %ge3A_851 : vector<16xi1> to vector<16xi32>
      %add3A_853 = arith.addi %add3A_843, %convert_element_type3A_852 : vector<16xi32>
      %mul3A_854 = arith.constant 16 : i32
      %mul3A_855 = vector.broadcast %mul3A_854 : i32 to vector<16xi32>
      %mul3A_856 = arith.muli %get3A_774, %mul3A_855 : vector<16xi32>
      %add3A_857 = arith.constant 7 : i32
      %add3A_858 = vector.broadcast %add3A_857 : i32 to vector<16xi32>
      %add3A_859 = arith.addi %mul3A_856, %add3A_858 : vector<16xi32>
      %gather3A_860 = tpu.vector_load_idx %arg8[%add3A_859] : memref<32768xi32, #tpu.memory_space<vmem>>[vector<16xi32>], vector<16xi32>,
      %ge3A_861 = arith.cmpi sge, %gather3A_860, %mul3A_109 : vector<16xi32>
      %convert_element_type3A_862 = arith.extui %ge3A_861 : vector<16xi1> to vector<16xi32>
      %add3A_863 = arith.addi %add3A_853, %convert_element_type3A_862 : vector<16xi32>
      %mul3A_864 = arith.constant 16 : i32
      %mul3A_865 = vector.broadcast %mul3A_864 : i32 to vector<16xi32>
      %mul3A_866 = arith.muli %get3A_774, %mul3A_865 : vector<16xi32>
      %add3A_867 = arith.constant 8 : i32
      %add3A_868 = vector.broadcast %add3A_867 : i32 to vector<16xi32>
      %add3A_869 = arith.addi %mul3A_866, %add3A_868 : vector<16xi32>
      %gather3A_870 = tpu.vector_load_idx %arg8[%add3A_869] : memref<32768xi32, #tpu.memory_space<vmem>>[vector<16xi32>], vector<16xi32>,
      %ge3A_871 = arith.cmpi sge, %gather3A_870, %mul3A_109 : vector<16xi32>
      %convert_element_type3A_872 = arith.extui %ge3A_871 : vector<16xi1> to vector<16xi32>
      %add3A_873 = arith.addi %add3A_863, %convert_element_type3A_872 : vector<16xi32>
      %mul3A_874 = arith.constant 16 : i32
      %mul3A_875 = vector.broadcast %mul3A_874 : i32 to vector<16xi32>
      %mul3A_876 = arith.muli %get3A_774, %mul3A_875 : vector<16xi32>
      %add3A_877 = arith.constant 9 : i32
      %add3A_878 = vector.broadcast %add3A_877 : i32 to vector<16xi32>
      %add3A_879 = arith.addi %mul3A_876, %add3A_878 : vector<16xi32>
      %gather3A_880 = tpu.vector_load_idx %arg8[%add3A_879] : memref<32768xi32, #tpu.memory_space<vmem>>[vector<16xi32>], vector<16xi32>,
      %ge3A_881 = arith.cmpi sge, %gather3A_880, %mul3A_109 : vector<16xi32>
      %convert_element_type3A_882 = arith.extui %ge3A_881 : vector<16xi1> to vector<16xi32>
      %add3A_883 = arith.addi %add3A_873, %convert_element_type3A_882 : vector<16xi32>
      %mul3A_884 = arith.constant 16 : i32
      %mul3A_885 = vector.broadcast %mul3A_884 : i32 to vector<16xi32>
      %mul3A_886 = arith.muli %get3A_774, %mul3A_885 : vector<16xi32>
      %add3A_887 = arith.constant 10 : i32
      %add3A_888 = vector.broadcast %add3A_887 : i32 to vector<16xi32>
      %add3A_889 = arith.addi %mul3A_886, %add3A_888 : vector<16xi32>
      %gather3A_890 = tpu.vector_load_idx %arg8[%add3A_889] : memref<32768xi32, #tpu.memory_space<vmem>>[vector<16xi32>], vector<16xi32>,
      %ge3A_891 = arith.cmpi sge, %gather3A_890, %mul3A_109 : vector<16xi32>
      %convert_element_type3A_892 = arith.extui %ge3A_891 : vector<16xi1> to vector<16xi32>
      %add3A_893 = arith.addi %add3A_883, %convert_element_type3A_892 : vector<16xi32>
      %mul3A_894 = arith.constant 16 : i32
      %mul3A_895 = vector.broadcast %mul3A_894 : i32 to vector<16xi32>
      %mul3A_896 = arith.muli %get3A_774, %mul3A_895 : vector<16xi32>
      %add3A_897 = arith.constant 11 : i32
      %add3A_898 = vector.broadcast %add3A_897 : i32 to vector<16xi32>
      %add3A_899 = arith.addi %mul3A_896, %add3A_898 : vector<16xi32>
      %gather3A_900 = tpu.vector_load_idx %arg8[%add3A_899] : memref<32768xi32, #tpu.memory_space<vmem>>[vector<16xi32>], vector<16xi32>,
      %ge3A_901 = arith.cmpi sge, %gather3A_900, %mul3A_109 : vector<16xi32>
      %convert_element_type3A_902 = arith.extui %ge3A_901 : vector<16xi1> to vector<16xi32>
      %add3A_903 = arith.addi %add3A_893, %convert_element_type3A_902 : vector<16xi32>
      %mul3A_904 = arith.constant 16 : i32
      %mul3A_905 = vector.broadcast %mul3A_904 : i32 to vector<16xi32>
      %mul3A_906 = arith.muli %get3A_774, %mul3A_905 : vector<16xi32>
      %add3A_907 = arith.constant 12 : i32
      %add3A_908 = vector.broadcast %add3A_907 : i32 to vector<16xi32>
      %add3A_909 = arith.addi %mul3A_906, %add3A_908 : vector<16xi32>
      %gather3A_910 = tpu.vector_load_idx %arg8[%add3A_909] : memref<32768xi32, #tpu.memory_space<vmem>>[vector<16xi32>], vector<16xi32>,
      %ge3A_911 = arith.cmpi sge, %gather3A_910, %mul3A_109 : vector<16xi32>
      %convert_element_type3A_912 = arith.extui %ge3A_911 : vector<16xi1> to vector<16xi32>
      %add3A_913 = arith.addi %add3A_903, %convert_element_type3A_912 : vector<16xi32>
      %mul3A_914 = arith.constant 16 : i32
      %mul3A_915 = vector.broadcast %mul3A_914 : i32 to vector<16xi32>
      %mul3A_916 = arith.muli %get3A_774, %mul3A_915 : vector<16xi32>
      %add3A_917 = arith.constant 13 : i32
      %add3A_918 = vector.broadcast %add3A_917 : i32 to vector<16xi32>
      %add3A_919 = arith.addi %mul3A_916, %add3A_918 : vector<16xi32>
      %gather3A_920 = tpu.vector_load_idx %arg8[%add3A_919] : memref<32768xi32, #tpu.memory_space<vmem>>[vector<16xi32>], vector<16xi32>,
      %ge3A_921 = arith.cmpi sge, %gather3A_920, %mul3A_109 : vector<16xi32>
      %convert_element_type3A_922 = arith.extui %ge3A_921 : vector<16xi1> to vector<16xi32>
      %add3A_923 = arith.addi %add3A_913, %convert_element_type3A_922 : vector<16xi32>
      %mul3A_924 = arith.constant 16 : i32
      %mul3A_925 = vector.broadcast %mul3A_924 : i32 to vector<16xi32>
      %mul3A_926 = arith.muli %get3A_774, %mul3A_925 : vector<16xi32>
      %add3A_927 = arith.constant 14 : i32
      %add3A_928 = vector.broadcast %add3A_927 : i32 to vector<16xi32>
      %add3A_929 = arith.addi %mul3A_926, %add3A_928 : vector<16xi32>
      %gather3A_930 = tpu.vector_load_idx %arg8[%add3A_929] : memref<32768xi32, #tpu.memory_space<vmem>>[vector<16xi32>], vector<16xi32>,
      %ge3A_931 = arith.cmpi sge, %gather3A_930, %mul3A_109 : vector<16xi32>
      %convert_element_type3A_932 = arith.extui %ge3A_931 : vector<16xi1> to vector<16xi32>
      %add3A_933 = arith.addi %add3A_923, %convert_element_type3A_932 : vector<16xi32>
      %mul3A_934 = arith.constant 16 : i32
      %mul3A_935 = vector.broadcast %mul3A_934 : i32 to vector<16xi32>
      %mul3A_936 = arith.muli %get3A_774, %mul3A_935 : vector<16xi32>
      %add3A_937 = arith.constant 15 : i32
      %add3A_938 = vector.broadcast %add3A_937 : i32 to vector<16xi32>
      %add3A_939 = arith.addi %mul3A_936, %add3A_938 : vector<16xi32>
      %gather3A_940 = tpu.vector_load_idx %arg8[%add3A_939] : memref<32768xi32, #tpu.memory_space<vmem>>[vector<16xi32>], vector<16xi32>,
      %ge3A_941 = arith.cmpi sge, %gather3A_940, %mul3A_109 : vector<16xi32>
      %convert_element_type3A_942 = arith.extui %ge3A_941 : vector<16xi1> to vector<16xi32>
      %add3A_943 = arith.addi %add3A_933, %convert_element_type3A_942 : vector<16xi32>
      %convert_element_type3A_944 = arith.extui %and3A_781 : vector<16xi1> to vector<16xi32>
      %reduce_sum3A_945 = arith.constant true
      %reduce_sum3A_946 = vector.broadcast %reduce_sum3A_945 : i1 to vector<16xi1>
      %reduce_sum3A_947 = tpu.scan <sum>, %convert_element_type3A_944 masked %reduce_sum3A_946 : vector<16xi32>, vector<16xi1> -> vector<16xi32>
      %reduce_sum3A_948 = vector.extract %reduce_sum3A_947[15] : i32 from vector<16xi32>
      %mul3A_949 = vector.broadcast %reduce_sum3A_948 : i32 to vector<16xi32>
      %mul3A_950 = arith.muli %broadcast_in_dim3A_111, %mul3A_949 : vector<16xi32>
      %add3A_951 = arith.constant 1 : i32
      %add3A_952 = vector.broadcast %add3A_951 : i32 to vector<16xi32>
      %add3A_953 = arith.addi %mul3A_950, %add3A_952 : vector<16xi32>
      %gather3A_954 = tpu.vector_load_idx %arg10[%add3A_953] : memref<32xf32, #tpu.memory_space<vmem>>[vector<16xi32>], vector<16xf32>,
      %add3A_955 = arith.constant 1 : i32
      %add3A_956 = vector.broadcast %add3A_955 : i32 to vector<16xi32>
      %add3A_957 = arith.addi %add3A_943, %add3A_956 : vector<16xi32>
      %gather3A_958 = tpu.vector_load_idx %arg10[%add3A_957] : memref<32xf32, #tpu.memory_space<vmem>>[vector<16xi32>], vector<16xf32>,
      %add3A_959 = vector.broadcast %add3A_767 : i32 to vector<16xi32>
      %add3A_960 = arith.addi %get3A_774, %add3A_959 : vector<16xi32>
      %mul3A_961 = arith.mulf %gather3A_954, %gather3A_958 : vector<16xf32>
      tpu.vector_store_idx %arg11[%add3A_960], %mul3A_961 masked %and3A_781 : memref<32768xf32, #tpu.memory_space<vmem>>[vector<16xi32>], vector<16xf32>, vector<16xi1>
      %add3A_962 = vector.broadcast %add3A_767 : i32 to vector<16xi32>
      %add3A_963 = arith.addi %mul3A_770, %add3A_962 : vector<16xi32>
      %mul3A_964 = arith.mulf %gather3A_954, %gather3A_954 : vector<16xf32>
      tpu.vector_store_idx %arg11[%add3A_963], %mul3A_964 masked %eq3A_113 : memref<32768xf32, #tpu.memory_space<vmem>>[vector<16xi32>], vector<16xf32>, vector<16xi1>
      %mul3A_965 = arith.constant 8 : i32
      %mul3A_966 = arith.muli %scan3A_148, %mul3A_965 : i32
      %add3A_967 = arith.constant 4 : i32
      %add3A_968 = arith.addi %mul3A_966, %add3A_967 : i32
      %add3A_969 = arith.constant 8192 : i32
      %add3A_970 = arith.addi %mul3A_152, %add3A_969 : i32
      %add3A_971 = arith.addi %mul3A_2, %add3A_968 : i32
      %mul3A_972 = vector.broadcast %add3A_971 : i32 to vector<16xi32>
      %mul3A_973 = arith.muli %broadcast_in_dim3A_111, %mul3A_972 : vector<16xi32>
      %mul3A_974 = arith.constant 16 : i32
      %mul3A_975 = arith.muli %add3A_968, %mul3A_974 : i32
      %get3A_976 = arith.index_cast %mul3A_975 : i32 to index
      %get3A_977 = tpu.vector_load %arg7[%get3A_976] {strides = array<i32>} : memref<1024xi32, #tpu.memory_space<vmem>>, vector<16xi32>,
      %mul3A_978 = arith.constant 16 : i32
      %mul3A_979 = arith.muli %add3A_971, %mul3A_978 : i32
      %get3A_980 = arith.index_cast %mul3A_979 : i32 to index
      %get3A_981 = tpu.vector_load %arg8[%get3A_980] {strides = array<i32>} : memref<32768xi32, #tpu.memory_space<vmem>>, vector<16xi32>,
      %ge3A_982 = arith.cmpi sge, %get3A_981, %mul3A_109 : vector<16xi32>
      %ne3A_983 = arith.cmpi ne, %get3A_977, %mul3A_973 : vector<16xi32>
      %and3A_984 = arith.andi %ge3A_982, %ne3A_983 : vector<16xi1>
      %broadcast_in_dim3A_985 = arith.constant 0 : i32
      %broadcast_in_dim3A_986 = vector.broadcast %broadcast_in_dim3A_985 : i32 to vector<16xi32>
      %mul3A_987 = arith.constant 16 : i32
      %mul3A_988 = vector.broadcast %mul3A_987 : i32 to vector<16xi32>
      %mul3A_989 = arith.muli %get3A_977, %mul3A_988 : vector<16xi32>
      %add3A_990 = arith.constant 0 : i32
      %add3A_991 = vector.broadcast %add3A_990 : i32 to vector<16xi32>
      %add3A_992 = arith.addi %mul3A_989, %add3A_991 : vector<16xi32>
      %gather3A_993 = tpu.vector_load_idx %arg8[%add3A_992] : memref<32768xi32, #tpu.memory_space<vmem>>[vector<16xi32>], vector<16xi32>,
      %ge3A_994 = arith.cmpi sge, %gather3A_993, %mul3A_109 : vector<16xi32>
      %convert_element_type3A_995 = arith.extui %ge3A_994 : vector<16xi1> to vector<16xi32>
      %add3A_996 = arith.addi %broadcast_in_dim3A_986, %convert_element_type3A_995 : vector<16xi32>
      %mul3A_997 = arith.constant 16 : i32
      %mul3A_998 = vector.broadcast %mul3A_997 : i32 to vector<16xi32>
      %mul3A_999 = arith.muli %get3A_977, %mul3A_998 : vector<16xi32>
      %add3A_1000 = arith.constant 1 : i32
      %add3A_1001 = vector.broadcast %add3A_1000 : i32 to vector<16xi32>
      %add3A_1002 = arith.addi %mul3A_999, %add3A_1001 : vector<16xi32>
      %gather3A_1003 = tpu.vector_load_idx %arg8[%add3A_1002] : memref<32768xi32, #tpu.memory_space<vmem>>[vector<16xi32>], vector<16xi32>,
      %ge3A_1004 = arith.cmpi sge, %gather3A_1003, %mul3A_109 : vector<16xi32>
      %convert_element_type3A_1005 = arith.extui %ge3A_1004 : vector<16xi1> to vector<16xi32>
      %add3A_1006 = arith.addi %add3A_996, %convert_element_type3A_1005 : vector<16xi32>
      %mul3A_1007 = arith.constant 16 : i32
      %mul3A_1008 = vector.broadcast %mul3A_1007 : i32 to vector<16xi32>
      %mul3A_1009 = arith.muli %get3A_977, %mul3A_1008 : vector<16xi32>
      %add3A_1010 = arith.constant 2 : i32
      %add3A_1011 = vector.broadcast %add3A_1010 : i32 to vector<16xi32>
      %add3A_1012 = arith.addi %mul3A_1009, %add3A_1011 : vector<16xi32>
      %gather3A_1013 = tpu.vector_load_idx %arg8[%add3A_1012] : memref<32768xi32, #tpu.memory_space<vmem>>[vector<16xi32>], vector<16xi32>,
      %ge3A_1014 = arith.cmpi sge, %gather3A_1013, %mul3A_109 : vector<16xi32>
      %convert_element_type3A_1015 = arith.extui %ge3A_1014 : vector<16xi1> to vector<16xi32>
      %add3A_1016 = arith.addi %add3A_1006, %convert_element_type3A_1015 : vector<16xi32>
      %mul3A_1017 = arith.constant 16 : i32
      %mul3A_1018 = vector.broadcast %mul3A_1017 : i32 to vector<16xi32>
      %mul3A_1019 = arith.muli %get3A_977, %mul3A_1018 : vector<16xi32>
      %add3A_1020 = arith.constant 3 : i32
      %add3A_1021 = vector.broadcast %add3A_1020 : i32 to vector<16xi32>
      %add3A_1022 = arith.addi %mul3A_1019, %add3A_1021 : vector<16xi32>
      %gather3A_1023 = tpu.vector_load_idx %arg8[%add3A_1022] : memref<32768xi32, #tpu.memory_space<vmem>>[vector<16xi32>], vector<16xi32>,
      %ge3A_1024 = arith.cmpi sge, %gather3A_1023, %mul3A_109 : vector<16xi32>
      %convert_element_type3A_1025 = arith.extui %ge3A_1024 : vector<16xi1> to vector<16xi32>
      %add3A_1026 = arith.addi %add3A_1016, %convert_element_type3A_1025 : vector<16xi32>
      %mul3A_1027 = arith.constant 16 : i32
      %mul3A_1028 = vector.broadcast %mul3A_1027 : i32 to vector<16xi32>
      %mul3A_1029 = arith.muli %get3A_977, %mul3A_1028 : vector<16xi32>
      %add3A_1030 = arith.constant 4 : i32
      %add3A_1031 = vector.broadcast %add3A_1030 : i32 to vector<16xi32>
      %add3A_1032 = arith.addi %mul3A_1029, %add3A_1031 : vector<16xi32>
      %gather3A_1033 = tpu.vector_load_idx %arg8[%add3A_1032] : memref<32768xi32, #tpu.memory_space<vmem>>[vector<16xi32>], vector<16xi32>,
      %ge3A_1034 = arith.cmpi sge, %gather3A_1033, %mul3A_109 : vector<16xi32>
      %convert_element_type3A_1035 = arith.extui %ge3A_1034 : vector<16xi1> to vector<16xi32>
      %add3A_1036 = arith.addi %add3A_1026, %convert_element_type3A_1035 : vector<16xi32>
      %mul3A_1037 = arith.constant 16 : i32
      %mul3A_1038 = vector.broadcast %mul3A_1037 : i32 to vector<16xi32>
      %mul3A_1039 = arith.muli %get3A_977, %mul3A_1038 : vector<16xi32>
      %add3A_1040 = arith.constant 5 : i32
      %add3A_1041 = vector.broadcast %add3A_1040 : i32 to vector<16xi32>
      %add3A_1042 = arith.addi %mul3A_1039, %add3A_1041 : vector<16xi32>
      %gather3A_1043 = tpu.vector_load_idx %arg8[%add3A_1042] : memref<32768xi32, #tpu.memory_space<vmem>>[vector<16xi32>], vector<16xi32>,
      %ge3A_1044 = arith.cmpi sge, %gather3A_1043, %mul3A_109 : vector<16xi32>
      %convert_element_type3A_1045 = arith.extui %ge3A_1044 : vector<16xi1> to vector<16xi32>
      %add3A_1046 = arith.addi %add3A_1036, %convert_element_type3A_1045 : vector<16xi32>
      %mul3A_1047 = arith.constant 16 : i32
      %mul3A_1048 = vector.broadcast %mul3A_1047 : i32 to vector<16xi32>
      %mul3A_1049 = arith.muli %get3A_977, %mul3A_1048 : vector<16xi32>
      %add3A_1050 = arith.constant 6 : i32
      %add3A_1051 = vector.broadcast %add3A_1050 : i32 to vector<16xi32>
      %add3A_1052 = arith.addi %mul3A_1049, %add3A_1051 : vector<16xi32>
      %gather3A_1053 = tpu.vector_load_idx %arg8[%add3A_1052] : memref<32768xi32, #tpu.memory_space<vmem>>[vector<16xi32>], vector<16xi32>,
      %ge3A_1054 = arith.cmpi sge, %gather3A_1053, %mul3A_109 : vector<16xi32>
      %convert_element_type3A_1055 = arith.extui %ge3A_1054 : vector<16xi1> to vector<16xi32>
      %add3A_1056 = arith.addi %add3A_1046, %convert_element_type3A_1055 : vector<16xi32>
      %mul3A_1057 = arith.constant 16 : i32
      %mul3A_1058 = vector.broadcast %mul3A_1057 : i32 to vector<16xi32>
      %mul3A_1059 = arith.muli %get3A_977, %mul3A_1058 : vector<16xi32>
      %add3A_1060 = arith.constant 7 : i32
      %add3A_1061 = vector.broadcast %add3A_1060 : i32 to vector<16xi32>
      %add3A_1062 = arith.addi %mul3A_1059, %add3A_1061 : vector<16xi32>
      %gather3A_1063 = tpu.vector_load_idx %arg8[%add3A_1062] : memref<32768xi32, #tpu.memory_space<vmem>>[vector<16xi32>], vector<16xi32>,
      %ge3A_1064 = arith.cmpi sge, %gather3A_1063, %mul3A_109 : vector<16xi32>
      %convert_element_type3A_1065 = arith.extui %ge3A_1064 : vector<16xi1> to vector<16xi32>
      %add3A_1066 = arith.addi %add3A_1056, %convert_element_type3A_1065 : vector<16xi32>
      %mul3A_1067 = arith.constant 16 : i32
      %mul3A_1068 = vector.broadcast %mul3A_1067 : i32 to vector<16xi32>
      %mul3A_1069 = arith.muli %get3A_977, %mul3A_1068 : vector<16xi32>
      %add3A_1070 = arith.constant 8 : i32
      %add3A_1071 = vector.broadcast %add3A_1070 : i32 to vector<16xi32>
      %add3A_1072 = arith.addi %mul3A_1069, %add3A_1071 : vector<16xi32>
      %gather3A_1073 = tpu.vector_load_idx %arg8[%add3A_1072] : memref<32768xi32, #tpu.memory_space<vmem>>[vector<16xi32>], vector<16xi32>,
      %ge3A_1074 = arith.cmpi sge, %gather3A_1073, %mul3A_109 : vector<16xi32>
      %convert_element_type3A_1075 = arith.extui %ge3A_1074 : vector<16xi1> to vector<16xi32>
      %add3A_1076 = arith.addi %add3A_1066, %convert_element_type3A_1075 : vector<16xi32>
      %mul3A_1077 = arith.constant 16 : i32
      %mul3A_1078 = vector.broadcast %mul3A_1077 : i32 to vector<16xi32>
      %mul3A_1079 = arith.muli %get3A_977, %mul3A_1078 : vector<16xi32>
      %add3A_1080 = arith.constant 9 : i32
      %add3A_1081 = vector.broadcast %add3A_1080 : i32 to vector<16xi32>
      %add3A_1082 = arith.addi %mul3A_1079, %add3A_1081 : vector<16xi32>
      %gather3A_1083 = tpu.vector_load_idx %arg8[%add3A_1082] : memref<32768xi32, #tpu.memory_space<vmem>>[vector<16xi32>], vector<16xi32>,
      %ge3A_1084 = arith.cmpi sge, %gather3A_1083, %mul3A_109 : vector<16xi32>
      %convert_element_type3A_1085 = arith.extui %ge3A_1084 : vector<16xi1> to vector<16xi32>
      %add3A_1086 = arith.addi %add3A_1076, %convert_element_type3A_1085 : vector<16xi32>
      %mul3A_1087 = arith.constant 16 : i32
      %mul3A_1088 = vector.broadcast %mul3A_1087 : i32 to vector<16xi32>
      %mul3A_1089 = arith.muli %get3A_977, %mul3A_1088 : vector<16xi32>
      %add3A_1090 = arith.constant 10 : i32
      %add3A_1091 = vector.broadcast %add3A_1090 : i32 to vector<16xi32>
      %add3A_1092 = arith.addi %mul3A_1089, %add3A_1091 : vector<16xi32>
      %gather3A_1093 = tpu.vector_load_idx %arg8[%add3A_1092] : memref<32768xi32, #tpu.memory_space<vmem>>[vector<16xi32>], vector<16xi32>,
      %ge3A_1094 = arith.cmpi sge, %gather3A_1093, %mul3A_109 : vector<16xi32>
      %convert_element_type3A_1095 = arith.extui %ge3A_1094 : vector<16xi1> to vector<16xi32>
      %add3A_1096 = arith.addi %add3A_1086, %convert_element_type3A_1095 : vector<16xi32>
      %mul3A_1097 = arith.constant 16 : i32
      %mul3A_1098 = vector.broadcast %mul3A_1097 : i32 to vector<16xi32>
      %mul3A_1099 = arith.muli %get3A_977, %mul3A_1098 : vector<16xi32>
      %add3A_1100 = arith.constant 11 : i32
      %add3A_1101 = vector.broadcast %add3A_1100 : i32 to vector<16xi32>
      %add3A_1102 = arith.addi %mul3A_1099, %add3A_1101 : vector<16xi32>
      %gather3A_1103 = tpu.vector_load_idx %arg8[%add3A_1102] : memref<32768xi32, #tpu.memory_space<vmem>>[vector<16xi32>], vector<16xi32>,
      %ge3A_1104 = arith.cmpi sge, %gather3A_1103, %mul3A_109 : vector<16xi32>
      %convert_element_type3A_1105 = arith.extui %ge3A_1104 : vector<16xi1> to vector<16xi32>
      %add3A_1106 = arith.addi %add3A_1096, %convert_element_type3A_1105 : vector<16xi32>
      %mul3A_1107 = arith.constant 16 : i32
      %mul3A_1108 = vector.broadcast %mul3A_1107 : i32 to vector<16xi32>
      %mul3A_1109 = arith.muli %get3A_977, %mul3A_1108 : vector<16xi32>
      %add3A_1110 = arith.constant 12 : i32
      %add3A_1111 = vector.broadcast %add3A_1110 : i32 to vector<16xi32>
      %add3A_1112 = arith.addi %mul3A_1109, %add3A_1111 : vector<16xi32>
      %gather3A_1113 = tpu.vector_load_idx %arg8[%add3A_1112] : memref<32768xi32, #tpu.memory_space<vmem>>[vector<16xi32>], vector<16xi32>,
      %ge3A_1114 = arith.cmpi sge, %gather3A_1113, %mul3A_109 : vector<16xi32>
      %convert_element_type3A_1115 = arith.extui %ge3A_1114 : vector<16xi1> to vector<16xi32>
      %add3A_1116 = arith.addi %add3A_1106, %convert_element_type3A_1115 : vector<16xi32>
      %mul3A_1117 = arith.constant 16 : i32
      %mul3A_1118 = vector.broadcast %mul3A_1117 : i32 to vector<16xi32>
      %mul3A_1119 = arith.muli %get3A_977, %mul3A_1118 : vector<16xi32>
      %add3A_1120 = arith.constant 13 : i32
      %add3A_1121 = vector.broadcast %add3A_1120 : i32 to vector<16xi32>
      %add3A_1122 = arith.addi %mul3A_1119, %add3A_1121 : vector<16xi32>
      %gather3A_1123 = tpu.vector_load_idx %arg8[%add3A_1122] : memref<32768xi32, #tpu.memory_space<vmem>>[vector<16xi32>], vector<16xi32>,
      %ge3A_1124 = arith.cmpi sge, %gather3A_1123, %mul3A_109 : vector<16xi32>
      %convert_element_type3A_1125 = arith.extui %ge3A_1124 : vector<16xi1> to vector<16xi32>
      %add3A_1126 = arith.addi %add3A_1116, %convert_element_type3A_1125 : vector<16xi32>
      %mul3A_1127 = arith.constant 16 : i32
      %mul3A_1128 = vector.broadcast %mul3A_1127 : i32 to vector<16xi32>
      %mul3A_1129 = arith.muli %get3A_977, %mul3A_1128 : vector<16xi32>
      %add3A_1130 = arith.constant 14 : i32
      %add3A_1131 = vector.broadcast %add3A_1130 : i32 to vector<16xi32>
      %add3A_1132 = arith.addi %mul3A_1129, %add3A_1131 : vector<16xi32>
      %gather3A_1133 = tpu.vector_load_idx %arg8[%add3A_1132] : memref<32768xi32, #tpu.memory_space<vmem>>[vector<16xi32>], vector<16xi32>,
      %ge3A_1134 = arith.cmpi sge, %gather3A_1133, %mul3A_109 : vector<16xi32>
      %convert_element_type3A_1135 = arith.extui %ge3A_1134 : vector<16xi1> to vector<16xi32>
      %add3A_1136 = arith.addi %add3A_1126, %convert_element_type3A_1135 : vector<16xi32>
      %mul3A_1137 = arith.constant 16 : i32
      %mul3A_1138 = vector.broadcast %mul3A_1137 : i32 to vector<16xi32>
      %mul3A_1139 = arith.muli %get3A_977, %mul3A_1138 : vector<16xi32>
      %add3A_1140 = arith.constant 15 : i32
      %add3A_1141 = vector.broadcast %add3A_1140 : i32 to vector<16xi32>
      %add3A_1142 = arith.addi %mul3A_1139, %add3A_1141 : vector<16xi32>
      %gather3A_1143 = tpu.vector_load_idx %arg8[%add3A_1142] : memref<32768xi32, #tpu.memory_space<vmem>>[vector<16xi32>], vector<16xi32>,
      %ge3A_1144 = arith.cmpi sge, %gather3A_1143, %mul3A_109 : vector<16xi32>
      %convert_element_type3A_1145 = arith.extui %ge3A_1144 : vector<16xi1> to vector<16xi32>
      %add3A_1146 = arith.addi %add3A_1136, %convert_element_type3A_1145 : vector<16xi32>
      %convert_element_type3A_1147 = arith.extui %and3A_984 : vector<16xi1> to vector<16xi32>
      %reduce_sum3A_1148 = arith.constant true
      %reduce_sum3A_1149 = vector.broadcast %reduce_sum3A_1148 : i1 to vector<16xi1>
      %reduce_sum3A_1150 = tpu.scan <sum>, %convert_element_type3A_1147 masked %reduce_sum3A_1149 : vector<16xi32>, vector<16xi1> -> vector<16xi32>
      %reduce_sum3A_1151 = vector.extract %reduce_sum3A_1150[15] : i32 from vector<16xi32>
      %mul3A_1152 = vector.broadcast %reduce_sum3A_1151 : i32 to vector<16xi32>
      %mul3A_1153 = arith.muli %broadcast_in_dim3A_111, %mul3A_1152 : vector<16xi32>
      %add3A_1154 = arith.constant 1 : i32
      %add3A_1155 = vector.broadcast %add3A_1154 : i32 to vector<16xi32>
      %add3A_1156 = arith.addi %mul3A_1153, %add3A_1155 : vector<16xi32>
      %gather3A_1157 = tpu.vector_load_idx %arg10[%add3A_1156] : memref<32xf32, #tpu.memory_space<vmem>>[vector<16xi32>], vector<16xf32>,
      %add3A_1158 = arith.constant 1 : i32
      %add3A_1159 = vector.broadcast %add3A_1158 : i32 to vector<16xi32>
      %add3A_1160 = arith.addi %add3A_1146, %add3A_1159 : vector<16xi32>
      %gather3A_1161 = tpu.vector_load_idx %arg10[%add3A_1160] : memref<32xf32, #tpu.memory_space<vmem>>[vector<16xi32>], vector<16xf32>,
      %add3A_1162 = vector.broadcast %add3A_970 : i32 to vector<16xi32>
      %add3A_1163 = arith.addi %get3A_977, %add3A_1162 : vector<16xi32>
      %mul3A_1164 = arith.mulf %gather3A_1157, %gather3A_1161 : vector<16xf32>
      tpu.vector_store_idx %arg11[%add3A_1163], %mul3A_1164 masked %and3A_984 : memref<32768xf32, #tpu.memory_space<vmem>>[vector<16xi32>], vector<16xf32>, vector<16xi1>
      %add3A_1165 = vector.broadcast %add3A_970 : i32 to vector<16xi32>
      %add3A_1166 = arith.addi %mul3A_973, %add3A_1165 : vector<16xi32>
      %mul3A_1167 = arith.mulf %gather3A_1157, %gather3A_1157 : vector<16xf32>
      tpu.vector_store_idx %arg11[%add3A_1166], %mul3A_1167 masked %eq3A_113 : memref<32768xf32, #tpu.memory_space<vmem>>[vector<16xi32>], vector<16xf32>, vector<16xi1>
      %mul3A_1168 = arith.constant 8 : i32
      %mul3A_1169 = arith.muli %scan3A_148, %mul3A_1168 : i32
      %add3A_1170 = arith.constant 5 : i32
      %add3A_1171 = arith.addi %mul3A_1169, %add3A_1170 : i32
      %add3A_1172 = arith.constant 10240 : i32
      %add3A_1173 = arith.addi %mul3A_152, %add3A_1172 : i32
      %add3A_1174 = arith.addi %mul3A_2, %add3A_1171 : i32
      %mul3A_1175 = vector.broadcast %add3A_1174 : i32 to vector<16xi32>
      %mul3A_1176 = arith.muli %broadcast_in_dim3A_111, %mul3A_1175 : vector<16xi32>
      %mul3A_1177 = arith.constant 16 : i32
      %mul3A_1178 = arith.muli %add3A_1171, %mul3A_1177 : i32
      %get3A_1179 = arith.index_cast %mul3A_1178 : i32 to index
      %get3A_1180 = tpu.vector_load %arg7[%get3A_1179] {strides = array<i32>} : memref<1024xi32, #tpu.memory_space<vmem>>, vector<16xi32>,
      %mul3A_1181 = arith.constant 16 : i32
      %mul3A_1182 = arith.muli %add3A_1174, %mul3A_1181 : i32
      %get3A_1183 = arith.index_cast %mul3A_1182 : i32 to index
      %get3A_1184 = tpu.vector_load %arg8[%get3A_1183] {strides = array<i32>} : memref<32768xi32, #tpu.memory_space<vmem>>, vector<16xi32>,
      %ge3A_1185 = arith.cmpi sge, %get3A_1184, %mul3A_109 : vector<16xi32>
      %ne3A_1186 = arith.cmpi ne, %get3A_1180, %mul3A_1176 : vector<16xi32>
      %and3A_1187 = arith.andi %ge3A_1185, %ne3A_1186 : vector<16xi1>
      %broadcast_in_dim3A_1188 = arith.constant 0 : i32
      %broadcast_in_dim3A_1189 = vector.broadcast %broadcast_in_dim3A_1188 : i32 to vector<16xi32>
      %mul3A_1190 = arith.constant 16 : i32
      %mul3A_1191 = vector.broadcast %mul3A_1190 : i32 to vector<16xi32>
      %mul3A_1192 = arith.muli %get3A_1180, %mul3A_1191 : vector<16xi32>
      %add3A_1193 = arith.constant 0 : i32
      %add3A_1194 = vector.broadcast %add3A_1193 : i32 to vector<16xi32>
      %add3A_1195 = arith.addi %mul3A_1192, %add3A_1194 : vector<16xi32>
      %gather3A_1196 = tpu.vector_load_idx %arg8[%add3A_1195] : memref<32768xi32, #tpu.memory_space<vmem>>[vector<16xi32>], vector<16xi32>,
      %ge3A_1197 = arith.cmpi sge, %gather3A_1196, %mul3A_109 : vector<16xi32>
      %convert_element_type3A_1198 = arith.extui %ge3A_1197 : vector<16xi1> to vector<16xi32>
      %add3A_1199 = arith.addi %broadcast_in_dim3A_1189, %convert_element_type3A_1198 : vector<16xi32>
      %mul3A_1200 = arith.constant 16 : i32
      %mul3A_1201 = vector.broadcast %mul3A_1200 : i32 to vector<16xi32>
      %mul3A_1202 = arith.muli %get3A_1180, %mul3A_1201 : vector<16xi32>
      %add3A_1203 = arith.constant 1 : i32
      %add3A_1204 = vector.broadcast %add3A_1203 : i32 to vector<16xi32>
      %add3A_1205 = arith.addi %mul3A_1202, %add3A_1204 : vector<16xi32>
      %gather3A_1206 = tpu.vector_load_idx %arg8[%add3A_1205] : memref<32768xi32, #tpu.memory_space<vmem>>[vector<16xi32>], vector<16xi32>,
      %ge3A_1207 = arith.cmpi sge, %gather3A_1206, %mul3A_109 : vector<16xi32>
      %convert_element_type3A_1208 = arith.extui %ge3A_1207 : vector<16xi1> to vector<16xi32>
      %add3A_1209 = arith.addi %add3A_1199, %convert_element_type3A_1208 : vector<16xi32>
      %mul3A_1210 = arith.constant 16 : i32
      %mul3A_1211 = vector.broadcast %mul3A_1210 : i32 to vector<16xi32>
      %mul3A_1212 = arith.muli %get3A_1180, %mul3A_1211 : vector<16xi32>
      %add3A_1213 = arith.constant 2 : i32
      %add3A_1214 = vector.broadcast %add3A_1213 : i32 to vector<16xi32>
      %add3A_1215 = arith.addi %mul3A_1212, %add3A_1214 : vector<16xi32>
      %gather3A_1216 = tpu.vector_load_idx %arg8[%add3A_1215] : memref<32768xi32, #tpu.memory_space<vmem>>[vector<16xi32>], vector<16xi32>,
      %ge3A_1217 = arith.cmpi sge, %gather3A_1216, %mul3A_109 : vector<16xi32>
      %convert_element_type3A_1218 = arith.extui %ge3A_1217 : vector<16xi1> to vector<16xi32>
      %add3A_1219 = arith.addi %add3A_1209, %convert_element_type3A_1218 : vector<16xi32>
      %mul3A_1220 = arith.constant 16 : i32
      %mul3A_1221 = vector.broadcast %mul3A_1220 : i32 to vector<16xi32>
      %mul3A_1222 = arith.muli %get3A_1180, %mul3A_1221 : vector<16xi32>
      %add3A_1223 = arith.constant 3 : i32
      %add3A_1224 = vector.broadcast %add3A_1223 : i32 to vector<16xi32>
      %add3A_1225 = arith.addi %mul3A_1222, %add3A_1224 : vector<16xi32>
      %gather3A_1226 = tpu.vector_load_idx %arg8[%add3A_1225] : memref<32768xi32, #tpu.memory_space<vmem>>[vector<16xi32>], vector<16xi32>,
      %ge3A_1227 = arith.cmpi sge, %gather3A_1226, %mul3A_109 : vector<16xi32>
      %convert_element_type3A_1228 = arith.extui %ge3A_1227 : vector<16xi1> to vector<16xi32>
      %add3A_1229 = arith.addi %add3A_1219, %convert_element_type3A_1228 : vector<16xi32>
      %mul3A_1230 = arith.constant 16 : i32
      %mul3A_1231 = vector.broadcast %mul3A_1230 : i32 to vector<16xi32>
      %mul3A_1232 = arith.muli %get3A_1180, %mul3A_1231 : vector<16xi32>
      %add3A_1233 = arith.constant 4 : i32
      %add3A_1234 = vector.broadcast %add3A_1233 : i32 to vector<16xi32>
      %add3A_1235 = arith.addi %mul3A_1232, %add3A_1234 : vector<16xi32>
      %gather3A_1236 = tpu.vector_load_idx %arg8[%add3A_1235] : memref<32768xi32, #tpu.memory_space<vmem>>[vector<16xi32>], vector<16xi32>,
      %ge3A_1237 = arith.cmpi sge, %gather3A_1236, %mul3A_109 : vector<16xi32>
      %convert_element_type3A_1238 = arith.extui %ge3A_1237 : vector<16xi1> to vector<16xi32>
      %add3A_1239 = arith.addi %add3A_1229, %convert_element_type3A_1238 : vector<16xi32>
      %mul3A_1240 = arith.constant 16 : i32
      %mul3A_1241 = vector.broadcast %mul3A_1240 : i32 to vector<16xi32>
      %mul3A_1242 = arith.muli %get3A_1180, %mul3A_1241 : vector<16xi32>
      %add3A_1243 = arith.constant 5 : i32
      %add3A_1244 = vector.broadcast %add3A_1243 : i32 to vector<16xi32>
      %add3A_1245 = arith.addi %mul3A_1242, %add3A_1244 : vector<16xi32>
      %gather3A_1246 = tpu.vector_load_idx %arg8[%add3A_1245] : memref<32768xi32, #tpu.memory_space<vmem>>[vector<16xi32>], vector<16xi32>,
      %ge3A_1247 = arith.cmpi sge, %gather3A_1246, %mul3A_109 : vector<16xi32>
      %convert_element_type3A_1248 = arith.extui %ge3A_1247 : vector<16xi1> to vector<16xi32>
      %add3A_1249 = arith.addi %add3A_1239, %convert_element_type3A_1248 : vector<16xi32>
      %mul3A_1250 = arith.constant 16 : i32
      %mul3A_1251 = vector.broadcast %mul3A_1250 : i32 to vector<16xi32>
      %mul3A_1252 = arith.muli %get3A_1180, %mul3A_1251 : vector<16xi32>
      %add3A_1253 = arith.constant 6 : i32
      %add3A_1254 = vector.broadcast %add3A_1253 : i32 to vector<16xi32>
      %add3A_1255 = arith.addi %mul3A_1252, %add3A_1254 : vector<16xi32>
      %gather3A_1256 = tpu.vector_load_idx %arg8[%add3A_1255] : memref<32768xi32, #tpu.memory_space<vmem>>[vector<16xi32>], vector<16xi32>,
      %ge3A_1257 = arith.cmpi sge, %gather3A_1256, %mul3A_109 : vector<16xi32>
      %convert_element_type3A_1258 = arith.extui %ge3A_1257 : vector<16xi1> to vector<16xi32>
      %add3A_1259 = arith.addi %add3A_1249, %convert_element_type3A_1258 : vector<16xi32>
      %mul3A_1260 = arith.constant 16 : i32
      %mul3A_1261 = vector.broadcast %mul3A_1260 : i32 to vector<16xi32>
      %mul3A_1262 = arith.muli %get3A_1180, %mul3A_1261 : vector<16xi32>
      %add3A_1263 = arith.constant 7 : i32
      %add3A_1264 = vector.broadcast %add3A_1263 : i32 to vector<16xi32>
      %add3A_1265 = arith.addi %mul3A_1262, %add3A_1264 : vector<16xi32>
      %gather3A_1266 = tpu.vector_load_idx %arg8[%add3A_1265] : memref<32768xi32, #tpu.memory_space<vmem>>[vector<16xi32>], vector<16xi32>,
      %ge3A_1267 = arith.cmpi sge, %gather3A_1266, %mul3A_109 : vector<16xi32>
      %convert_element_type3A_1268 = arith.extui %ge3A_1267 : vector<16xi1> to vector<16xi32>
      %add3A_1269 = arith.addi %add3A_1259, %convert_element_type3A_1268 : vector<16xi32>
      %mul3A_1270 = arith.constant 16 : i32
      %mul3A_1271 = vector.broadcast %mul3A_1270 : i32 to vector<16xi32>
      %mul3A_1272 = arith.muli %get3A_1180, %mul3A_1271 : vector<16xi32>
      %add3A_1273 = arith.constant 8 : i32
      %add3A_1274 = vector.broadcast %add3A_1273 : i32 to vector<16xi32>
      %add3A_1275 = arith.addi %mul3A_1272, %add3A_1274 : vector<16xi32>
      %gather3A_1276 = tpu.vector_load_idx %arg8[%add3A_1275] : memref<32768xi32, #tpu.memory_space<vmem>>[vector<16xi32>], vector<16xi32>,
      %ge3A_1277 = arith.cmpi sge, %gather3A_1276, %mul3A_109 : vector<16xi32>
      %convert_element_type3A_1278 = arith.extui %ge3A_1277 : vector<16xi1> to vector<16xi32>
      %add3A_1279 = arith.addi %add3A_1269, %convert_element_type3A_1278 : vector<16xi32>
      %mul3A_1280 = arith.constant 16 : i32
      %mul3A_1281 = vector.broadcast %mul3A_1280 : i32 to vector<16xi32>
      %mul3A_1282 = arith.muli %get3A_1180, %mul3A_1281 : vector<16xi32>
      %add3A_1283 = arith.constant 9 : i32
      %add3A_1284 = vector.broadcast %add3A_1283 : i32 to vector<16xi32>
      %add3A_1285 = arith.addi %mul3A_1282, %add3A_1284 : vector<16xi32>
      %gather3A_1286 = tpu.vector_load_idx %arg8[%add3A_1285] : memref<32768xi32, #tpu.memory_space<vmem>>[vector<16xi32>], vector<16xi32>,
      %ge3A_1287 = arith.cmpi sge, %gather3A_1286, %mul3A_109 : vector<16xi32>
      %convert_element_type3A_1288 = arith.extui %ge3A_1287 : vector<16xi1> to vector<16xi32>
      %add3A_1289 = arith.addi %add3A_1279, %convert_element_type3A_1288 : vector<16xi32>
      %mul3A_1290 = arith.constant 16 : i32
      %mul3A_1291 = vector.broadcast %mul3A_1290 : i32 to vector<16xi32>
      %mul3A_1292 = arith.muli %get3A_1180, %mul3A_1291 : vector<16xi32>
      %add3A_1293 = arith.constant 10 : i32
      %add3A_1294 = vector.broadcast %add3A_1293 : i32 to vector<16xi32>
      %add3A_1295 = arith.addi %mul3A_1292, %add3A_1294 : vector<16xi32>
      %gather3A_1296 = tpu.vector_load_idx %arg8[%add3A_1295] : memref<32768xi32, #tpu.memory_space<vmem>>[vector<16xi32>], vector<16xi32>,
      %ge3A_1297 = arith.cmpi sge, %gather3A_1296, %mul3A_109 : vector<16xi32>
      %convert_element_type3A_1298 = arith.extui %ge3A_1297 : vector<16xi1> to vector<16xi32>
      %add3A_1299 = arith.addi %add3A_1289, %convert_element_type3A_1298 : vector<16xi32>
      %mul3A_1300 = arith.constant 16 : i32
      %mul3A_1301 = vector.broadcast %mul3A_1300 : i32 to vector<16xi32>
      %mul3A_1302 = arith.muli %get3A_1180, %mul3A_1301 : vector<16xi32>
      %add3A_1303 = arith.constant 11 : i32
      %add3A_1304 = vector.broadcast %add3A_1303 : i32 to vector<16xi32>
      %add3A_1305 = arith.addi %mul3A_1302, %add3A_1304 : vector<16xi32>
      %gather3A_1306 = tpu.vector_load_idx %arg8[%add3A_1305] : memref<32768xi32, #tpu.memory_space<vmem>>[vector<16xi32>], vector<16xi32>,
      %ge3A_1307 = arith.cmpi sge, %gather3A_1306, %mul3A_109 : vector<16xi32>
      %convert_element_type3A_1308 = arith.extui %ge3A_1307 : vector<16xi1> to vector<16xi32>
      %add3A_1309 = arith.addi %add3A_1299, %convert_element_type3A_1308 : vector<16xi32>
      %mul3A_1310 = arith.constant 16 : i32
      %mul3A_1311 = vector.broadcast %mul3A_1310 : i32 to vector<16xi32>
      %mul3A_1312 = arith.muli %get3A_1180, %mul3A_1311 : vector<16xi32>
      %add3A_1313 = arith.constant 12 : i32
      %add3A_1314 = vector.broadcast %add3A_1313 : i32 to vector<16xi32>
      %add3A_1315 = arith.addi %mul3A_1312, %add3A_1314 : vector<16xi32>
      %gather3A_1316 = tpu.vector_load_idx %arg8[%add3A_1315] : memref<32768xi32, #tpu.memory_space<vmem>>[vector<16xi32>], vector<16xi32>,
      %ge3A_1317 = arith.cmpi sge, %gather3A_1316, %mul3A_109 : vector<16xi32>
      %convert_element_type3A_1318 = arith.extui %ge3A_1317 : vector<16xi1> to vector<16xi32>
      %add3A_1319 = arith.addi %add3A_1309, %convert_element_type3A_1318 : vector<16xi32>
      %mul3A_1320 = arith.constant 16 : i32
      %mul3A_1321 = vector.broadcast %mul3A_1320 : i32 to vector<16xi32>
      %mul3A_1322 = arith.muli %get3A_1180, %mul3A_1321 : vector<16xi32>
      %add3A_1323 = arith.constant 13 : i32
      %add3A_1324 = vector.broadcast %add3A_1323 : i32 to vector<16xi32>
      %add3A_1325 = arith.addi %mul3A_1322, %add3A_1324 : vector<16xi32>
      %gather3A_1326 = tpu.vector_load_idx %arg8[%add3A_1325] : memref<32768xi32, #tpu.memory_space<vmem>>[vector<16xi32>], vector<16xi32>,
      %ge3A_1327 = arith.cmpi sge, %gather3A_1326, %mul3A_109 : vector<16xi32>
      %convert_element_type3A_1328 = arith.extui %ge3A_1327 : vector<16xi1> to vector<16xi32>
      %add3A_1329 = arith.addi %add3A_1319, %convert_element_type3A_1328 : vector<16xi32>
      %mul3A_1330 = arith.constant 16 : i32
      %mul3A_1331 = vector.broadcast %mul3A_1330 : i32 to vector<16xi32>
      %mul3A_1332 = arith.muli %get3A_1180, %mul3A_1331 : vector<16xi32>
      %add3A_1333 = arith.constant 14 : i32
      %add3A_1334 = vector.broadcast %add3A_1333 : i32 to vector<16xi32>
      %add3A_1335 = arith.addi %mul3A_1332, %add3A_1334 : vector<16xi32>
      %gather3A_1336 = tpu.vector_load_idx %arg8[%add3A_1335] : memref<32768xi32, #tpu.memory_space<vmem>>[vector<16xi32>], vector<16xi32>,
      %ge3A_1337 = arith.cmpi sge, %gather3A_1336, %mul3A_109 : vector<16xi32>
      %convert_element_type3A_1338 = arith.extui %ge3A_1337 : vector<16xi1> to vector<16xi32>
      %add3A_1339 = arith.addi %add3A_1329, %convert_element_type3A_1338 : vector<16xi32>
      %mul3A_1340 = arith.constant 16 : i32
      %mul3A_1341 = vector.broadcast %mul3A_1340 : i32 to vector<16xi32>
      %mul3A_1342 = arith.muli %get3A_1180, %mul3A_1341 : vector<16xi32>
      %add3A_1343 = arith.constant 15 : i32
      %add3A_1344 = vector.broadcast %add3A_1343 : i32 to vector<16xi32>
      %add3A_1345 = arith.addi %mul3A_1342, %add3A_1344 : vector<16xi32>
      %gather3A_1346 = tpu.vector_load_idx %arg8[%add3A_1345] : memref<32768xi32, #tpu.memory_space<vmem>>[vector<16xi32>], vector<16xi32>,
      %ge3A_1347 = arith.cmpi sge, %gather3A_1346, %mul3A_109 : vector<16xi32>
      %convert_element_type3A_1348 = arith.extui %ge3A_1347 : vector<16xi1> to vector<16xi32>
      %add3A_1349 = arith.addi %add3A_1339, %convert_element_type3A_1348 : vector<16xi32>
      %convert_element_type3A_1350 = arith.extui %and3A_1187 : vector<16xi1> to vector<16xi32>
      %reduce_sum3A_1351 = arith.constant true
      %reduce_sum3A_1352 = vector.broadcast %reduce_sum3A_1351 : i1 to vector<16xi1>
      %reduce_sum3A_1353 = tpu.scan <sum>, %convert_element_type3A_1350 masked %reduce_sum3A_1352 : vector<16xi32>, vector<16xi1> -> vector<16xi32>
      %reduce_sum3A_1354 = vector.extract %reduce_sum3A_1353[15] : i32 from vector<16xi32>
      %mul3A_1355 = vector.broadcast %reduce_sum3A_1354 : i32 to vector<16xi32>
      %mul3A_1356 = arith.muli %broadcast_in_dim3A_111, %mul3A_1355 : vector<16xi32>
      %add3A_1357 = arith.constant 1 : i32
      %add3A_1358 = vector.broadcast %add3A_1357 : i32 to vector<16xi32>
      %add3A_1359 = arith.addi %mul3A_1356, %add3A_1358 : vector<16xi32>
      %gather3A_1360 = tpu.vector_load_idx %arg10[%add3A_1359] : memref<32xf32, #tpu.memory_space<vmem>>[vector<16xi32>], vector<16xf32>,
      %add3A_1361 = arith.constant 1 : i32
      %add3A_1362 = vector.broadcast %add3A_1361 : i32 to vector<16xi32>
      %add3A_1363 = arith.addi %add3A_1349, %add3A_1362 : vector<16xi32>
      %gather3A_1364 = tpu.vector_load_idx %arg10[%add3A_1363] : memref<32xf32, #tpu.memory_space<vmem>>[vector<16xi32>], vector<16xf32>,
      %add3A_1365 = vector.broadcast %add3A_1173 : i32 to vector<16xi32>
      %add3A_1366 = arith.addi %get3A_1180, %add3A_1365 : vector<16xi32>
      %mul3A_1367 = arith.mulf %gather3A_1360, %gather3A_1364 : vector<16xf32>
      tpu.vector_store_idx %arg11[%add3A_1366], %mul3A_1367 masked %and3A_1187 : memref<32768xf32, #tpu.memory_space<vmem>>[vector<16xi32>], vector<16xf32>, vector<16xi1>
      %add3A_1368 = vector.broadcast %add3A_1173 : i32 to vector<16xi32>
      %add3A_1369 = arith.addi %mul3A_1176, %add3A_1368 : vector<16xi32>
      %mul3A_1370 = arith.mulf %gather3A_1360, %gather3A_1360 : vector<16xf32>
      tpu.vector_store_idx %arg11[%add3A_1369], %mul3A_1370 masked %eq3A_113 : memref<32768xf32, #tpu.memory_space<vmem>>[vector<16xi32>], vector<16xf32>, vector<16xi1>
      %mul3A_1371 = arith.constant 8 : i32
      %mul3A_1372 = arith.muli %scan3A_148, %mul3A_1371 : i32
      %add3A_1373 = arith.constant 6 : i32
      %add3A_1374 = arith.addi %mul3A_1372, %add3A_1373 : i32
      %add3A_1375 = arith.constant 12288 : i32
      %add3A_1376 = arith.addi %mul3A_152, %add3A_1375 : i32
      %add3A_1377 = arith.addi %mul3A_2, %add3A_1374 : i32
      %mul3A_1378 = vector.broadcast %add3A_1377 : i32 to vector<16xi32>
      %mul3A_1379 = arith.muli %broadcast_in_dim3A_111, %mul3A_1378 : vector<16xi32>
      %mul3A_1380 = arith.constant 16 : i32
      %mul3A_1381 = arith.muli %add3A_1374, %mul3A_1380 : i32
      %get3A_1382 = arith.index_cast %mul3A_1381 : i32 to index
      %get3A_1383 = tpu.vector_load %arg7[%get3A_1382] {strides = array<i32>} : memref<1024xi32, #tpu.memory_space<vmem>>, vector<16xi32>,
      %mul3A_1384 = arith.constant 16 : i32
      %mul3A_1385 = arith.muli %add3A_1377, %mul3A_1384 : i32
      %get3A_1386 = arith.index_cast %mul3A_1385 : i32 to index
      %get3A_1387 = tpu.vector_load %arg8[%get3A_1386] {strides = array<i32>} : memref<32768xi32, #tpu.memory_space<vmem>>, vector<16xi32>,
      %ge3A_1388 = arith.cmpi sge, %get3A_1387, %mul3A_109 : vector<16xi32>
      %ne3A_1389 = arith.cmpi ne, %get3A_1383, %mul3A_1379 : vector<16xi32>
      %and3A_1390 = arith.andi %ge3A_1388, %ne3A_1389 : vector<16xi1>
      %broadcast_in_dim3A_1391 = arith.constant 0 : i32
      %broadcast_in_dim3A_1392 = vector.broadcast %broadcast_in_dim3A_1391 : i32 to vector<16xi32>
      %mul3A_1393 = arith.constant 16 : i32
      %mul3A_1394 = vector.broadcast %mul3A_1393 : i32 to vector<16xi32>
      %mul3A_1395 = arith.muli %get3A_1383, %mul3A_1394 : vector<16xi32>
      %add3A_1396 = arith.constant 0 : i32
      %add3A_1397 = vector.broadcast %add3A_1396 : i32 to vector<16xi32>
      %add3A_1398 = arith.addi %mul3A_1395, %add3A_1397 : vector<16xi32>
      %gather3A_1399 = tpu.vector_load_idx %arg8[%add3A_1398] : memref<32768xi32, #tpu.memory_space<vmem>>[vector<16xi32>], vector<16xi32>,
      %ge3A_1400 = arith.cmpi sge, %gather3A_1399, %mul3A_109 : vector<16xi32>
      %convert_element_type3A_1401 = arith.extui %ge3A_1400 : vector<16xi1> to vector<16xi32>
      %add3A_1402 = arith.addi %broadcast_in_dim3A_1392, %convert_element_type3A_1401 : vector<16xi32>
      %mul3A_1403 = arith.constant 16 : i32
      %mul3A_1404 = vector.broadcast %mul3A_1403 : i32 to vector<16xi32>
      %mul3A_1405 = arith.muli %get3A_1383, %mul3A_1404 : vector<16xi32>
      %add3A_1406 = arith.constant 1 : i32
      %add3A_1407 = vector.broadcast %add3A_1406 : i32 to vector<16xi32>
      %add3A_1408 = arith.addi %mul3A_1405, %add3A_1407 : vector<16xi32>
      %gather3A_1409 = tpu.vector_load_idx %arg8[%add3A_1408] : memref<32768xi32, #tpu.memory_space<vmem>>[vector<16xi32>], vector<16xi32>,
      %ge3A_1410 = arith.cmpi sge, %gather3A_1409, %mul3A_109 : vector<16xi32>
      %convert_element_type3A_1411 = arith.extui %ge3A_1410 : vector<16xi1> to vector<16xi32>
      %add3A_1412 = arith.addi %add3A_1402, %convert_element_type3A_1411 : vector<16xi32>
      %mul3A_1413 = arith.constant 16 : i32
      %mul3A_1414 = vector.broadcast %mul3A_1413 : i32 to vector<16xi32>
      %mul3A_1415 = arith.muli %get3A_1383, %mul3A_1414 : vector<16xi32>
      %add3A_1416 = arith.constant 2 : i32
      %add3A_1417 = vector.broadcast %add3A_1416 : i32 to vector<16xi32>
      %add3A_1418 = arith.addi %mul3A_1415, %add3A_1417 : vector<16xi32>
      %gather3A_1419 = tpu.vector_load_idx %arg8[%add3A_1418] : memref<32768xi32, #tpu.memory_space<vmem>>[vector<16xi32>], vector<16xi32>,
      %ge3A_1420 = arith.cmpi sge, %gather3A_1419, %mul3A_109 : vector<16xi32>
      %convert_element_type3A_1421 = arith.extui %ge3A_1420 : vector<16xi1> to vector<16xi32>
      %add3A_1422 = arith.addi %add3A_1412, %convert_element_type3A_1421 : vector<16xi32>
      %mul3A_1423 = arith.constant 16 : i32
      %mul3A_1424 = vector.broadcast %mul3A_1423 : i32 to vector<16xi32>
      %mul3A_1425 = arith.muli %get3A_1383, %mul3A_1424 : vector<16xi32>
      %add3A_1426 = arith.constant 3 : i32
      %add3A_1427 = vector.broadcast %add3A_1426 : i32 to vector<16xi32>
      %add3A_1428 = arith.addi %mul3A_1425, %add3A_1427 : vector<16xi32>
      %gather3A_1429 = tpu.vector_load_idx %arg8[%add3A_1428] : memref<32768xi32, #tpu.memory_space<vmem>>[vector<16xi32>], vector<16xi32>,
      %ge3A_1430 = arith.cmpi sge, %gather3A_1429, %mul3A_109 : vector<16xi32>
      %convert_element_type3A_1431 = arith.extui %ge3A_1430 : vector<16xi1> to vector<16xi32>
      %add3A_1432 = arith.addi %add3A_1422, %convert_element_type3A_1431 : vector<16xi32>
      %mul3A_1433 = arith.constant 16 : i32
      %mul3A_1434 = vector.broadcast %mul3A_1433 : i32 to vector<16xi32>
      %mul3A_1435 = arith.muli %get3A_1383, %mul3A_1434 : vector<16xi32>
      %add3A_1436 = arith.constant 4 : i32
      %add3A_1437 = vector.broadcast %add3A_1436 : i32 to vector<16xi32>
      %add3A_1438 = arith.addi %mul3A_1435, %add3A_1437 : vector<16xi32>
      %gather3A_1439 = tpu.vector_load_idx %arg8[%add3A_1438] : memref<32768xi32, #tpu.memory_space<vmem>>[vector<16xi32>], vector<16xi32>,
      %ge3A_1440 = arith.cmpi sge, %gather3A_1439, %mul3A_109 : vector<16xi32>
      %convert_element_type3A_1441 = arith.extui %ge3A_1440 : vector<16xi1> to vector<16xi32>
      %add3A_1442 = arith.addi %add3A_1432, %convert_element_type3A_1441 : vector<16xi32>
      %mul3A_1443 = arith.constant 16 : i32
      %mul3A_1444 = vector.broadcast %mul3A_1443 : i32 to vector<16xi32>
      %mul3A_1445 = arith.muli %get3A_1383, %mul3A_1444 : vector<16xi32>
      %add3A_1446 = arith.constant 5 : i32
      %add3A_1447 = vector.broadcast %add3A_1446 : i32 to vector<16xi32>
      %add3A_1448 = arith.addi %mul3A_1445, %add3A_1447 : vector<16xi32>
      %gather3A_1449 = tpu.vector_load_idx %arg8[%add3A_1448] : memref<32768xi32, #tpu.memory_space<vmem>>[vector<16xi32>], vector<16xi32>,
      %ge3A_1450 = arith.cmpi sge, %gather3A_1449, %mul3A_109 : vector<16xi32>
      %convert_element_type3A_1451 = arith.extui %ge3A_1450 : vector<16xi1> to vector<16xi32>
      %add3A_1452 = arith.addi %add3A_1442, %convert_element_type3A_1451 : vector<16xi32>
      %mul3A_1453 = arith.constant 16 : i32
      %mul3A_1454 = vector.broadcast %mul3A_1453 : i32 to vector<16xi32>
      %mul3A_1455 = arith.muli %get3A_1383, %mul3A_1454 : vector<16xi32>
      %add3A_1456 = arith.constant 6 : i32
      %add3A_1457 = vector.broadcast %add3A_1456 : i32 to vector<16xi32>
      %add3A_1458 = arith.addi %mul3A_1455, %add3A_1457 : vector<16xi32>
      %gather3A_1459 = tpu.vector_load_idx %arg8[%add3A_1458] : memref<32768xi32, #tpu.memory_space<vmem>>[vector<16xi32>], vector<16xi32>,
      %ge3A_1460 = arith.cmpi sge, %gather3A_1459, %mul3A_109 : vector<16xi32>
      %convert_element_type3A_1461 = arith.extui %ge3A_1460 : vector<16xi1> to vector<16xi32>
      %add3A_1462 = arith.addi %add3A_1452, %convert_element_type3A_1461 : vector<16xi32>
      %mul3A_1463 = arith.constant 16 : i32
      %mul3A_1464 = vector.broadcast %mul3A_1463 : i32 to vector<16xi32>
      %mul3A_1465 = arith.muli %get3A_1383, %mul3A_1464 : vector<16xi32>
      %add3A_1466 = arith.constant 7 : i32
      %add3A_1467 = vector.broadcast %add3A_1466 : i32 to vector<16xi32>
      %add3A_1468 = arith.addi %mul3A_1465, %add3A_1467 : vector<16xi32>
      %gather3A_1469 = tpu.vector_load_idx %arg8[%add3A_1468] : memref<32768xi32, #tpu.memory_space<vmem>>[vector<16xi32>], vector<16xi32>,
      %ge3A_1470 = arith.cmpi sge, %gather3A_1469, %mul3A_109 : vector<16xi32>
      %convert_element_type3A_1471 = arith.extui %ge3A_1470 : vector<16xi1> to vector<16xi32>
      %add3A_1472 = arith.addi %add3A_1462, %convert_element_type3A_1471 : vector<16xi32>
      %mul3A_1473 = arith.constant 16 : i32
      %mul3A_1474 = vector.broadcast %mul3A_1473 : i32 to vector<16xi32>
      %mul3A_1475 = arith.muli %get3A_1383, %mul3A_1474 : vector<16xi32>
      %add3A_1476 = arith.constant 8 : i32
      %add3A_1477 = vector.broadcast %add3A_1476 : i32 to vector<16xi32>
      %add3A_1478 = arith.addi %mul3A_1475, %add3A_1477 : vector<16xi32>
      %gather3A_1479 = tpu.vector_load_idx %arg8[%add3A_1478] : memref<32768xi32, #tpu.memory_space<vmem>>[vector<16xi32>], vector<16xi32>,
      %ge3A_1480 = arith.cmpi sge, %gather3A_1479, %mul3A_109 : vector<16xi32>
      %convert_element_type3A_1481 = arith.extui %ge3A_1480 : vector<16xi1> to vector<16xi32>
      %add3A_1482 = arith.addi %add3A_1472, %convert_element_type3A_1481 : vector<16xi32>
      %mul3A_1483 = arith.constant 16 : i32
      %mul3A_1484 = vector.broadcast %mul3A_1483 : i32 to vector<16xi32>
      %mul3A_1485 = arith.muli %get3A_1383, %mul3A_1484 : vector<16xi32>
      %add3A_1486 = arith.constant 9 : i32
      %add3A_1487 = vector.broadcast %add3A_1486 : i32 to vector<16xi32>
      %add3A_1488 = arith.addi %mul3A_1485, %add3A_1487 : vector<16xi32>
      %gather3A_1489 = tpu.vector_load_idx %arg8[%add3A_1488] : memref<32768xi32, #tpu.memory_space<vmem>>[vector<16xi32>], vector<16xi32>,
      %ge3A_1490 = arith.cmpi sge, %gather3A_1489, %mul3A_109 : vector<16xi32>
      %convert_element_type3A_1491 = arith.extui %ge3A_1490 : vector<16xi1> to vector<16xi32>
      %add3A_1492 = arith.addi %add3A_1482, %convert_element_type3A_1491 : vector<16xi32>
      %mul3A_1493 = arith.constant 16 : i32
      %mul3A_1494 = vector.broadcast %mul3A_1493 : i32 to vector<16xi32>
      %mul3A_1495 = arith.muli %get3A_1383, %mul3A_1494 : vector<16xi32>
      %add3A_1496 = arith.constant 10 : i32
      %add3A_1497 = vector.broadcast %add3A_1496 : i32 to vector<16xi32>
      %add3A_1498 = arith.addi %mul3A_1495, %add3A_1497 : vector<16xi32>
      %gather3A_1499 = tpu.vector_load_idx %arg8[%add3A_1498] : memref<32768xi32, #tpu.memory_space<vmem>>[vector<16xi32>], vector<16xi32>,
      %ge3A_1500 = arith.cmpi sge, %gather3A_1499, %mul3A_109 : vector<16xi32>
      %convert_element_type3A_1501 = arith.extui %ge3A_1500 : vector<16xi1> to vector<16xi32>
      %add3A_1502 = arith.addi %add3A_1492, %convert_element_type3A_1501 : vector<16xi32>
      %mul3A_1503 = arith.constant 16 : i32
      %mul3A_1504 = vector.broadcast %mul3A_1503 : i32 to vector<16xi32>
      %mul3A_1505 = arith.muli %get3A_1383, %mul3A_1504 : vector<16xi32>
      %add3A_1506 = arith.constant 11 : i32
      %add3A_1507 = vector.broadcast %add3A_1506 : i32 to vector<16xi32>
      %add3A_1508 = arith.addi %mul3A_1505, %add3A_1507 : vector<16xi32>
      %gather3A_1509 = tpu.vector_load_idx %arg8[%add3A_1508] : memref<32768xi32, #tpu.memory_space<vmem>>[vector<16xi32>], vector<16xi32>,
      %ge3A_1510 = arith.cmpi sge, %gather3A_1509, %mul3A_109 : vector<16xi32>
      %convert_element_type3A_1511 = arith.extui %ge3A_1510 : vector<16xi1> to vector<16xi32>
      %add3A_1512 = arith.addi %add3A_1502, %convert_element_type3A_1511 : vector<16xi32>
      %mul3A_1513 = arith.constant 16 : i32
      %mul3A_1514 = vector.broadcast %mul3A_1513 : i32 to vector<16xi32>
      %mul3A_1515 = arith.muli %get3A_1383, %mul3A_1514 : vector<16xi32>
      %add3A_1516 = arith.constant 12 : i32
      %add3A_1517 = vector.broadcast %add3A_1516 : i32 to vector<16xi32>
      %add3A_1518 = arith.addi %mul3A_1515, %add3A_1517 : vector<16xi32>
      %gather3A_1519 = tpu.vector_load_idx %arg8[%add3A_1518] : memref<32768xi32, #tpu.memory_space<vmem>>[vector<16xi32>], vector<16xi32>,
      %ge3A_1520 = arith.cmpi sge, %gather3A_1519, %mul3A_109 : vector<16xi32>
      %convert_element_type3A_1521 = arith.extui %ge3A_1520 : vector<16xi1> to vector<16xi32>
      %add3A_1522 = arith.addi %add3A_1512, %convert_element_type3A_1521 : vector<16xi32>
      %mul3A_1523 = arith.constant 16 : i32
      %mul3A_1524 = vector.broadcast %mul3A_1523 : i32 to vector<16xi32>
      %mul3A_1525 = arith.muli %get3A_1383, %mul3A_1524 : vector<16xi32>
      %add3A_1526 = arith.constant 13 : i32
      %add3A_1527 = vector.broadcast %add3A_1526 : i32 to vector<16xi32>
      %add3A_1528 = arith.addi %mul3A_1525, %add3A_1527 : vector<16xi32>
      %gather3A_1529 = tpu.vector_load_idx %arg8[%add3A_1528] : memref<32768xi32, #tpu.memory_space<vmem>>[vector<16xi32>], vector<16xi32>,
      %ge3A_1530 = arith.cmpi sge, %gather3A_1529, %mul3A_109 : vector<16xi32>
      %convert_element_type3A_1531 = arith.extui %ge3A_1530 : vector<16xi1> to vector<16xi32>
      %add3A_1532 = arith.addi %add3A_1522, %convert_element_type3A_1531 : vector<16xi32>
      %mul3A_1533 = arith.constant 16 : i32
      %mul3A_1534 = vector.broadcast %mul3A_1533 : i32 to vector<16xi32>
      %mul3A_1535 = arith.muli %get3A_1383, %mul3A_1534 : vector<16xi32>
      %add3A_1536 = arith.constant 14 : i32
      %add3A_1537 = vector.broadcast %add3A_1536 : i32 to vector<16xi32>
      %add3A_1538 = arith.addi %mul3A_1535, %add3A_1537 : vector<16xi32>
      %gather3A_1539 = tpu.vector_load_idx %arg8[%add3A_1538] : memref<32768xi32, #tpu.memory_space<vmem>>[vector<16xi32>], vector<16xi32>,
      %ge3A_1540 = arith.cmpi sge, %gather3A_1539, %mul3A_109 : vector<16xi32>
      %convert_element_type3A_1541 = arith.extui %ge3A_1540 : vector<16xi1> to vector<16xi32>
      %add3A_1542 = arith.addi %add3A_1532, %convert_element_type3A_1541 : vector<16xi32>
      %mul3A_1543 = arith.constant 16 : i32
      %mul3A_1544 = vector.broadcast %mul3A_1543 : i32 to vector<16xi32>
      %mul3A_1545 = arith.muli %get3A_1383, %mul3A_1544 : vector<16xi32>
      %add3A_1546 = arith.constant 15 : i32
      %add3A_1547 = vector.broadcast %add3A_1546 : i32 to vector<16xi32>
      %add3A_1548 = arith.addi %mul3A_1545, %add3A_1547 : vector<16xi32>
      %gather3A_1549 = tpu.vector_load_idx %arg8[%add3A_1548] : memref<32768xi32, #tpu.memory_space<vmem>>[vector<16xi32>], vector<16xi32>,
      %ge3A_1550 = arith.cmpi sge, %gather3A_1549, %mul3A_109 : vector<16xi32>
      %convert_element_type3A_1551 = arith.extui %ge3A_1550 : vector<16xi1> to vector<16xi32>
      %add3A_1552 = arith.addi %add3A_1542, %convert_element_type3A_1551 : vector<16xi32>
      %convert_element_type3A_1553 = arith.extui %and3A_1390 : vector<16xi1> to vector<16xi32>
      %reduce_sum3A_1554 = arith.constant true
      %reduce_sum3A_1555 = vector.broadcast %reduce_sum3A_1554 : i1 to vector<16xi1>
      %reduce_sum3A_1556 = tpu.scan <sum>, %convert_element_type3A_1553 masked %reduce_sum3A_1555 : vector<16xi32>, vector<16xi1> -> vector<16xi32>
      %reduce_sum3A_1557 = vector.extract %reduce_sum3A_1556[15] : i32 from vector<16xi32>
      %mul3A_1558 = vector.broadcast %reduce_sum3A_1557 : i32 to vector<16xi32>
      %mul3A_1559 = arith.muli %broadcast_in_dim3A_111, %mul3A_1558 : vector<16xi32>
      %add3A_1560 = arith.constant 1 : i32
      %add3A_1561 = vector.broadcast %add3A_1560 : i32 to vector<16xi32>
      %add3A_1562 = arith.addi %mul3A_1559, %add3A_1561 : vector<16xi32>
      %gather3A_1563 = tpu.vector_load_idx %arg10[%add3A_1562] : memref<32xf32, #tpu.memory_space<vmem>>[vector<16xi32>], vector<16xf32>,
      %add3A_1564 = arith.constant 1 : i32
      %add3A_1565 = vector.broadcast %add3A_1564 : i32 to vector<16xi32>
      %add3A_1566 = arith.addi %add3A_1552, %add3A_1565 : vector<16xi32>
      %gather3A_1567 = tpu.vector_load_idx %arg10[%add3A_1566] : memref<32xf32, #tpu.memory_space<vmem>>[vector<16xi32>], vector<16xf32>,
      %add3A_1568 = vector.broadcast %add3A_1376 : i32 to vector<16xi32>
      %add3A_1569 = arith.addi %get3A_1383, %add3A_1568 : vector<16xi32>
      %mul3A_1570 = arith.mulf %gather3A_1563, %gather3A_1567 : vector<16xf32>
      tpu.vector_store_idx %arg11[%add3A_1569], %mul3A_1570 masked %and3A_1390 : memref<32768xf32, #tpu.memory_space<vmem>>[vector<16xi32>], vector<16xf32>, vector<16xi1>
      %add3A_1571 = vector.broadcast %add3A_1376 : i32 to vector<16xi32>
      %add3A_1572 = arith.addi %mul3A_1379, %add3A_1571 : vector<16xi32>
      %mul3A_1573 = arith.mulf %gather3A_1563, %gather3A_1563 : vector<16xf32>
      tpu.vector_store_idx %arg11[%add3A_1572], %mul3A_1573 masked %eq3A_113 : memref<32768xf32, #tpu.memory_space<vmem>>[vector<16xi32>], vector<16xf32>, vector<16xi1>
      %mul3A_1574 = arith.constant 8 : i32
      %mul3A_1575 = arith.muli %scan3A_148, %mul3A_1574 : i32
      %add3A_1576 = arith.constant 7 : i32
      %add3A_1577 = arith.addi %mul3A_1575, %add3A_1576 : i32
      %add3A_1578 = arith.constant 14336 : i32
      %add3A_1579 = arith.addi %mul3A_152, %add3A_1578 : i32
      %add3A_1580 = arith.addi %mul3A_2, %add3A_1577 : i32
      %mul3A_1581 = vector.broadcast %add3A_1580 : i32 to vector<16xi32>
      %mul3A_1582 = arith.muli %broadcast_in_dim3A_111, %mul3A_1581 : vector<16xi32>
      %mul3A_1583 = arith.constant 16 : i32
      %mul3A_1584 = arith.muli %add3A_1577, %mul3A_1583 : i32
      %get3A_1585 = arith.index_cast %mul3A_1584 : i32 to index
      %get3A_1586 = tpu.vector_load %arg7[%get3A_1585] {strides = array<i32>} : memref<1024xi32, #tpu.memory_space<vmem>>, vector<16xi32>,
      %mul3A_1587 = arith.constant 16 : i32
      %mul3A_1588 = arith.muli %add3A_1580, %mul3A_1587 : i32
      %get3A_1589 = arith.index_cast %mul3A_1588 : i32 to index
      %get3A_1590 = tpu.vector_load %arg8[%get3A_1589] {strides = array<i32>} : memref<32768xi32, #tpu.memory_space<vmem>>, vector<16xi32>,
      %ge3A_1591 = arith.cmpi sge, %get3A_1590, %mul3A_109 : vector<16xi32>
      %ne3A_1592 = arith.cmpi ne, %get3A_1586, %mul3A_1582 : vector<16xi32>
      %and3A_1593 = arith.andi %ge3A_1591, %ne3A_1592 : vector<16xi1>
      %broadcast_in_dim3A_1594 = arith.constant 0 : i32
      %broadcast_in_dim3A_1595 = vector.broadcast %broadcast_in_dim3A_1594 : i32 to vector<16xi32>
      %mul3A_1596 = arith.constant 16 : i32
      %mul3A_1597 = vector.broadcast %mul3A_1596 : i32 to vector<16xi32>
      %mul3A_1598 = arith.muli %get3A_1586, %mul3A_1597 : vector<16xi32>
      %add3A_1599 = arith.constant 0 : i32
      %add3A_1600 = vector.broadcast %add3A_1599 : i32 to vector<16xi32>
      %add3A_1601 = arith.addi %mul3A_1598, %add3A_1600 : vector<16xi32>
      %gather3A_1602 = tpu.vector_load_idx %arg8[%add3A_1601] : memref<32768xi32, #tpu.memory_space<vmem>>[vector<16xi32>], vector<16xi32>,
      %ge3A_1603 = arith.cmpi sge, %gather3A_1602, %mul3A_109 : vector<16xi32>
      %convert_element_type3A_1604 = arith.extui %ge3A_1603 : vector<16xi1> to vector<16xi32>
      %add3A_1605 = arith.addi %broadcast_in_dim3A_1595, %convert_element_type3A_1604 : vector<16xi32>
      %mul3A_1606 = arith.constant 16 : i32
      %mul3A_1607 = vector.broadcast %mul3A_1606 : i32 to vector<16xi32>
      %mul3A_1608 = arith.muli %get3A_1586, %mul3A_1607 : vector<16xi32>
      %add3A_1609 = arith.constant 1 : i32
      %add3A_1610 = vector.broadcast %add3A_1609 : i32 to vector<16xi32>
      %add3A_1611 = arith.addi %mul3A_1608, %add3A_1610 : vector<16xi32>
      %gather3A_1612 = tpu.vector_load_idx %arg8[%add3A_1611] : memref<32768xi32, #tpu.memory_space<vmem>>[vector<16xi32>], vector<16xi32>,
      %ge3A_1613 = arith.cmpi sge, %gather3A_1612, %mul3A_109 : vector<16xi32>
      %convert_element_type3A_1614 = arith.extui %ge3A_1613 : vector<16xi1> to vector<16xi32>
      %add3A_1615 = arith.addi %add3A_1605, %convert_element_type3A_1614 : vector<16xi32>
      %mul3A_1616 = arith.constant 16 : i32
      %mul3A_1617 = vector.broadcast %mul3A_1616 : i32 to vector<16xi32>
      %mul3A_1618 = arith.muli %get3A_1586, %mul3A_1617 : vector<16xi32>
      %add3A_1619 = arith.constant 2 : i32
      %add3A_1620 = vector.broadcast %add3A_1619 : i32 to vector<16xi32>
      %add3A_1621 = arith.addi %mul3A_1618, %add3A_1620 : vector<16xi32>
      %gather3A_1622 = tpu.vector_load_idx %arg8[%add3A_1621] : memref<32768xi32, #tpu.memory_space<vmem>>[vector<16xi32>], vector<16xi32>,
      %ge3A_1623 = arith.cmpi sge, %gather3A_1622, %mul3A_109 : vector<16xi32>
      %convert_element_type3A_1624 = arith.extui %ge3A_1623 : vector<16xi1> to vector<16xi32>
      %add3A_1625 = arith.addi %add3A_1615, %convert_element_type3A_1624 : vector<16xi32>
      %mul3A_1626 = arith.constant 16 : i32
      %mul3A_1627 = vector.broadcast %mul3A_1626 : i32 to vector<16xi32>
      %mul3A_1628 = arith.muli %get3A_1586, %mul3A_1627 : vector<16xi32>
      %add3A_1629 = arith.constant 3 : i32
      %add3A_1630 = vector.broadcast %add3A_1629 : i32 to vector<16xi32>
      %add3A_1631 = arith.addi %mul3A_1628, %add3A_1630 : vector<16xi32>
      %gather3A_1632 = tpu.vector_load_idx %arg8[%add3A_1631] : memref<32768xi32, #tpu.memory_space<vmem>>[vector<16xi32>], vector<16xi32>,
      %ge3A_1633 = arith.cmpi sge, %gather3A_1632, %mul3A_109 : vector<16xi32>
      %convert_element_type3A_1634 = arith.extui %ge3A_1633 : vector<16xi1> to vector<16xi32>
      %add3A_1635 = arith.addi %add3A_1625, %convert_element_type3A_1634 : vector<16xi32>
      %mul3A_1636 = arith.constant 16 : i32
      %mul3A_1637 = vector.broadcast %mul3A_1636 : i32 to vector<16xi32>
      %mul3A_1638 = arith.muli %get3A_1586, %mul3A_1637 : vector<16xi32>
      %add3A_1639 = arith.constant 4 : i32
      %add3A_1640 = vector.broadcast %add3A_1639 : i32 to vector<16xi32>
      %add3A_1641 = arith.addi %mul3A_1638, %add3A_1640 : vector<16xi32>
      %gather3A_1642 = tpu.vector_load_idx %arg8[%add3A_1641] : memref<32768xi32, #tpu.memory_space<vmem>>[vector<16xi32>], vector<16xi32>,
      %ge3A_1643 = arith.cmpi sge, %gather3A_1642, %mul3A_109 : vector<16xi32>
      %convert_element_type3A_1644 = arith.extui %ge3A_1643 : vector<16xi1> to vector<16xi32>
      %add3A_1645 = arith.addi %add3A_1635, %convert_element_type3A_1644 : vector<16xi32>
      %mul3A_1646 = arith.constant 16 : i32
      %mul3A_1647 = vector.broadcast %mul3A_1646 : i32 to vector<16xi32>
      %mul3A_1648 = arith.muli %get3A_1586, %mul3A_1647 : vector<16xi32>
      %add3A_1649 = arith.constant 5 : i32
      %add3A_1650 = vector.broadcast %add3A_1649 : i32 to vector<16xi32>
      %add3A_1651 = arith.addi %mul3A_1648, %add3A_1650 : vector<16xi32>
      %gather3A_1652 = tpu.vector_load_idx %arg8[%add3A_1651] : memref<32768xi32, #tpu.memory_space<vmem>>[vector<16xi32>], vector<16xi32>,
      %ge3A_1653 = arith.cmpi sge, %gather3A_1652, %mul3A_109 : vector<16xi32>
      %convert_element_type3A_1654 = arith.extui %ge3A_1653 : vector<16xi1> to vector<16xi32>
      %add3A_1655 = arith.addi %add3A_1645, %convert_element_type3A_1654 : vector<16xi32>
      %mul3A_1656 = arith.constant 16 : i32
      %mul3A_1657 = vector.broadcast %mul3A_1656 : i32 to vector<16xi32>
      %mul3A_1658 = arith.muli %get3A_1586, %mul3A_1657 : vector<16xi32>
      %add3A_1659 = arith.constant 6 : i32
      %add3A_1660 = vector.broadcast %add3A_1659 : i32 to vector<16xi32>
      %add3A_1661 = arith.addi %mul3A_1658, %add3A_1660 : vector<16xi32>
      %gather3A_1662 = tpu.vector_load_idx %arg8[%add3A_1661] : memref<32768xi32, #tpu.memory_space<vmem>>[vector<16xi32>], vector<16xi32>,
      %ge3A_1663 = arith.cmpi sge, %gather3A_1662, %mul3A_109 : vector<16xi32>
      %convert_element_type3A_1664 = arith.extui %ge3A_1663 : vector<16xi1> to vector<16xi32>
      %add3A_1665 = arith.addi %add3A_1655, %convert_element_type3A_1664 : vector<16xi32>
      %mul3A_1666 = arith.constant 16 : i32
      %mul3A_1667 = vector.broadcast %mul3A_1666 : i32 to vector<16xi32>
      %mul3A_1668 = arith.muli %get3A_1586, %mul3A_1667 : vector<16xi32>
      %add3A_1669 = arith.constant 7 : i32
      %add3A_1670 = vector.broadcast %add3A_1669 : i32 to vector<16xi32>
      %add3A_1671 = arith.addi %mul3A_1668, %add3A_1670 : vector<16xi32>
      %gather3A_1672 = tpu.vector_load_idx %arg8[%add3A_1671] : memref<32768xi32, #tpu.memory_space<vmem>>[vector<16xi32>], vector<16xi32>,
      %ge3A_1673 = arith.cmpi sge, %gather3A_1672, %mul3A_109 : vector<16xi32>
      %convert_element_type3A_1674 = arith.extui %ge3A_1673 : vector<16xi1> to vector<16xi32>
      %add3A_1675 = arith.addi %add3A_1665, %convert_element_type3A_1674 : vector<16xi32>
      %mul3A_1676 = arith.constant 16 : i32
      %mul3A_1677 = vector.broadcast %mul3A_1676 : i32 to vector<16xi32>
      %mul3A_1678 = arith.muli %get3A_1586, %mul3A_1677 : vector<16xi32>
      %add3A_1679 = arith.constant 8 : i32
      %add3A_1680 = vector.broadcast %add3A_1679 : i32 to vector<16xi32>
      %add3A_1681 = arith.addi %mul3A_1678, %add3A_1680 : vector<16xi32>
      %gather3A_1682 = tpu.vector_load_idx %arg8[%add3A_1681] : memref<32768xi32, #tpu.memory_space<vmem>>[vector<16xi32>], vector<16xi32>,
      %ge3A_1683 = arith.cmpi sge, %gather3A_1682, %mul3A_109 : vector<16xi32>
      %convert_element_type3A_1684 = arith.extui %ge3A_1683 : vector<16xi1> to vector<16xi32>
      %add3A_1685 = arith.addi %add3A_1675, %convert_element_type3A_1684 : vector<16xi32>
      %mul3A_1686 = arith.constant 16 : i32
      %mul3A_1687 = vector.broadcast %mul3A_1686 : i32 to vector<16xi32>
      %mul3A_1688 = arith.muli %get3A_1586, %mul3A_1687 : vector<16xi32>
      %add3A_1689 = arith.constant 9 : i32
      %add3A_1690 = vector.broadcast %add3A_1689 : i32 to vector<16xi32>
      %add3A_1691 = arith.addi %mul3A_1688, %add3A_1690 : vector<16xi32>
      %gather3A_1692 = tpu.vector_load_idx %arg8[%add3A_1691] : memref<32768xi32, #tpu.memory_space<vmem>>[vector<16xi32>], vector<16xi32>,
      %ge3A_1693 = arith.cmpi sge, %gather3A_1692, %mul3A_109 : vector<16xi32>
      %convert_element_type3A_1694 = arith.extui %ge3A_1693 : vector<16xi1> to vector<16xi32>
      %add3A_1695 = arith.addi %add3A_1685, %convert_element_type3A_1694 : vector<16xi32>
      %mul3A_1696 = arith.constant 16 : i32
      %mul3A_1697 = vector.broadcast %mul3A_1696 : i32 to vector<16xi32>
      %mul3A_1698 = arith.muli %get3A_1586, %mul3A_1697 : vector<16xi32>
      %add3A_1699 = arith.constant 10 : i32
      %add3A_1700 = vector.broadcast %add3A_1699 : i32 to vector<16xi32>
      %add3A_1701 = arith.addi %mul3A_1698, %add3A_1700 : vector<16xi32>
      %gather3A_1702 = tpu.vector_load_idx %arg8[%add3A_1701] : memref<32768xi32, #tpu.memory_space<vmem>>[vector<16xi32>], vector<16xi32>,
      %ge3A_1703 = arith.cmpi sge, %gather3A_1702, %mul3A_109 : vector<16xi32>
      %convert_element_type3A_1704 = arith.extui %ge3A_1703 : vector<16xi1> to vector<16xi32>
      %add3A_1705 = arith.addi %add3A_1695, %convert_element_type3A_1704 : vector<16xi32>
      %mul3A_1706 = arith.constant 16 : i32
      %mul3A_1707 = vector.broadcast %mul3A_1706 : i32 to vector<16xi32>
      %mul3A_1708 = arith.muli %get3A_1586, %mul3A_1707 : vector<16xi32>
      %add3A_1709 = arith.constant 11 : i32
      %add3A_1710 = vector.broadcast %add3A_1709 : i32 to vector<16xi32>
      %add3A_1711 = arith.addi %mul3A_1708, %add3A_1710 : vector<16xi32>
      %gather3A_1712 = tpu.vector_load_idx %arg8[%add3A_1711] : memref<32768xi32, #tpu.memory_space<vmem>>[vector<16xi32>], vector<16xi32>,
      %ge3A_1713 = arith.cmpi sge, %gather3A_1712, %mul3A_109 : vector<16xi32>
      %convert_element_type3A_1714 = arith.extui %ge3A_1713 : vector<16xi1> to vector<16xi32>
      %add3A_1715 = arith.addi %add3A_1705, %convert_element_type3A_1714 : vector<16xi32>
      %mul3A_1716 = arith.constant 16 : i32
      %mul3A_1717 = vector.broadcast %mul3A_1716 : i32 to vector<16xi32>
      %mul3A_1718 = arith.muli %get3A_1586, %mul3A_1717 : vector<16xi32>
      %add3A_1719 = arith.constant 12 : i32
      %add3A_1720 = vector.broadcast %add3A_1719 : i32 to vector<16xi32>
      %add3A_1721 = arith.addi %mul3A_1718, %add3A_1720 : vector<16xi32>
      %gather3A_1722 = tpu.vector_load_idx %arg8[%add3A_1721] : memref<32768xi32, #tpu.memory_space<vmem>>[vector<16xi32>], vector<16xi32>,
      %ge3A_1723 = arith.cmpi sge, %gather3A_1722, %mul3A_109 : vector<16xi32>
      %convert_element_type3A_1724 = arith.extui %ge3A_1723 : vector<16xi1> to vector<16xi32>
      %add3A_1725 = arith.addi %add3A_1715, %convert_element_type3A_1724 : vector<16xi32>
      %mul3A_1726 = arith.constant 16 : i32
      %mul3A_1727 = vector.broadcast %mul3A_1726 : i32 to vector<16xi32>
      %mul3A_1728 = arith.muli %get3A_1586, %mul3A_1727 : vector<16xi32>
      %add3A_1729 = arith.constant 13 : i32
      %add3A_1730 = vector.broadcast %add3A_1729 : i32 to vector<16xi32>
      %add3A_1731 = arith.addi %mul3A_1728, %add3A_1730 : vector<16xi32>
      %gather3A_1732 = tpu.vector_load_idx %arg8[%add3A_1731] : memref<32768xi32, #tpu.memory_space<vmem>>[vector<16xi32>], vector<16xi32>,
      %ge3A_1733 = arith.cmpi sge, %gather3A_1732, %mul3A_109 : vector<16xi32>
      %convert_element_type3A_1734 = arith.extui %ge3A_1733 : vector<16xi1> to vector<16xi32>
      %add3A_1735 = arith.addi %add3A_1725, %convert_element_type3A_1734 : vector<16xi32>
      %mul3A_1736 = arith.constant 16 : i32
      %mul3A_1737 = vector.broadcast %mul3A_1736 : i32 to vector<16xi32>
      %mul3A_1738 = arith.muli %get3A_1586, %mul3A_1737 : vector<16xi32>
      %add3A_1739 = arith.constant 14 : i32
      %add3A_1740 = vector.broadcast %add3A_1739 : i32 to vector<16xi32>
      %add3A_1741 = arith.addi %mul3A_1738, %add3A_1740 : vector<16xi32>
      %gather3A_1742 = tpu.vector_load_idx %arg8[%add3A_1741] : memref<32768xi32, #tpu.memory_space<vmem>>[vector<16xi32>], vector<16xi32>,
      %ge3A_1743 = arith.cmpi sge, %gather3A_1742, %mul3A_109 : vector<16xi32>
      %convert_element_type3A_1744 = arith.extui %ge3A_1743 : vector<16xi1> to vector<16xi32>
      %add3A_1745 = arith.addi %add3A_1735, %convert_element_type3A_1744 : vector<16xi32>
      %mul3A_1746 = arith.constant 16 : i32
      %mul3A_1747 = vector.broadcast %mul3A_1746 : i32 to vector<16xi32>
      %mul3A_1748 = arith.muli %get3A_1586, %mul3A_1747 : vector<16xi32>
      %add3A_1749 = arith.constant 15 : i32
      %add3A_1750 = vector.broadcast %add3A_1749 : i32 to vector<16xi32>
      %add3A_1751 = arith.addi %mul3A_1748, %add3A_1750 : vector<16xi32>
      %gather3A_1752 = tpu.vector_load_idx %arg8[%add3A_1751] : memref<32768xi32, #tpu.memory_space<vmem>>[vector<16xi32>], vector<16xi32>,
      %ge3A_1753 = arith.cmpi sge, %gather3A_1752, %mul3A_109 : vector<16xi32>
      %convert_element_type3A_1754 = arith.extui %ge3A_1753 : vector<16xi1> to vector<16xi32>
      %add3A_1755 = arith.addi %add3A_1745, %convert_element_type3A_1754 : vector<16xi32>
      %convert_element_type3A_1756 = arith.extui %and3A_1593 : vector<16xi1> to vector<16xi32>
      %reduce_sum3A_1757 = arith.constant true
      %reduce_sum3A_1758 = vector.broadcast %reduce_sum3A_1757 : i1 to vector<16xi1>
      %reduce_sum3A_1759 = tpu.scan <sum>, %convert_element_type3A_1756 masked %reduce_sum3A_1758 : vector<16xi32>, vector<16xi1> -> vector<16xi32>
      %reduce_sum3A_1760 = vector.extract %reduce_sum3A_1759[15] : i32 from vector<16xi32>
      %mul3A_1761 = vector.broadcast %reduce_sum3A_1760 : i32 to vector<16xi32>
      %mul3A_1762 = arith.muli %broadcast_in_dim3A_111, %mul3A_1761 : vector<16xi32>
      %add3A_1763 = arith.constant 1 : i32
      %add3A_1764 = vector.broadcast %add3A_1763 : i32 to vector<16xi32>
      %add3A_1765 = arith.addi %mul3A_1762, %add3A_1764 : vector<16xi32>
      %gather3A_1766 = tpu.vector_load_idx %arg10[%add3A_1765] : memref<32xf32, #tpu.memory_space<vmem>>[vector<16xi32>], vector<16xf32>,
      %add3A_1767 = arith.constant 1 : i32
      %add3A_1768 = vector.broadcast %add3A_1767 : i32 to vector<16xi32>
      %add3A_1769 = arith.addi %add3A_1755, %add3A_1768 : vector<16xi32>
      %gather3A_1770 = tpu.vector_load_idx %arg10[%add3A_1769] : memref<32xf32, #tpu.memory_space<vmem>>[vector<16xi32>], vector<16xf32>,
      %add3A_1771 = vector.broadcast %add3A_1579 : i32 to vector<16xi32>
      %add3A_1772 = arith.addi %get3A_1586, %add3A_1771 : vector<16xi32>
      %mul3A_1773 = arith.mulf %gather3A_1766, %gather3A_1770 : vector<16xf32>
      tpu.vector_store_idx %arg11[%add3A_1772], %mul3A_1773 masked %and3A_1593 : memref<32768xf32, #tpu.memory_space<vmem>>[vector<16xi32>], vector<16xf32>, vector<16xi1>
      %add3A_1774 = vector.broadcast %add3A_1579 : i32 to vector<16xi32>
      %add3A_1775 = arith.addi %mul3A_1582, %add3A_1774 : vector<16xi32>
      %mul3A_1776 = arith.mulf %gather3A_1766, %gather3A_1766 : vector<16xf32>
      tpu.vector_store_idx %arg11[%add3A_1775], %mul3A_1776 masked %eq3A_113 : memref<32768xf32, #tpu.memory_space<vmem>>[vector<16xi32>], vector<16xf32>, vector<16xi1>
      %mul3A_1777 = arith.constant 8 : i32
      %mul3A_1778 = arith.muli %scan3A_148, %mul3A_1777 : i32
      %add3A_1779 = arith.addi %mul3A_2, %mul3A_1778 : i32
      %mul3A_1780 = arith.constant 2048 : i32
      %mul3A_1781 = arith.muli %add3A_1779, %mul3A_1780 : i32
      %dma_start3A = tpu.memref_slice %arg11[%mul3A_152] : memref<32768xf32, #tpu.memory_space<vmem>> -> memref<16384xf32, #tpu.memory_space<vmem>>
      %dma_start3A_1782 = tpu.memref_slice %arg6[%mul3A_1781] : memref<4194304xf32, #tpu.memory_space<hbm>> -> memref<16384xf32, #tpu.memory_space<hbm>>
      %dma_start3A_1783 = tpu.memref_slice %arg6[%mul3A_1781] : memref<4194304xf32, #tpu.memory_space<hbm>> -> memref<16384xf32, #tpu.memory_space<hbm>>
      %dma_start3A_1784 = tpu.memref_slice %arg11[%mul3A_152] : memref<32768xf32, #tpu.memory_space<vmem>> -> memref<16384xf32, #tpu.memory_space<vmem>>
      tpu.enqueue_dma source(%dma_start3A_1784 : memref<16384xf32, #tpu.memory_space<vmem>>) target(%dma_start3A_1783 : memref<16384xf32, #tpu.memory_space<hbm>>) target_semaphore(%arg12 : memref<!tpu.dma_semaphore, #tpu.memory_space<semaphore_mem>>)
      %scan3A_1785 = arith.constant 0 : i32
      scf.yield %scan3A_1785 : i32
    }
    %scan3A_128 = arith.constant 8 : i32
    %add3A_129 = arith.constant 48 : i32
    %add3A_130 = arith.addi %mul3A_2, %add3A_129 : i32
    %mul3A_131 = arith.constant 2048 : i32
    %mul3A_132 = arith.muli %add3A_130, %mul3A_131 : i32
    %dma_wait3A = arith.constant 0 : i32
    %dma_wait3A_133 = tpu.memref_slice %arg11[%dma_wait3A] : memref<32768xf32, #tpu.memory_space<vmem>> -> memref<16384xf32, #tpu.memory_space<vmem>>
    %dma_wait3A_134 = tpu.memref_slice %arg6[%mul3A_132] : memref<4194304xf32, #tpu.memory_space<hbm>> -> memref<16384xf32, #tpu.memory_space<hbm>>
    %dma_wait3A_135 = tpu.memref_slice %arg6[%mul3A_132] : memref<4194304xf32, #tpu.memory_space<hbm>> -> memref<16384xf32, #tpu.memory_space<hbm>>
    %dma_wait3A_136 = arith.constant 0 : i32
    %dma_wait3A_137 = tpu.memref_slice %arg11[%dma_wait3A_136] : memref<32768xf32, #tpu.memory_space<vmem>> -> memref<16384xf32, #tpu.memory_space<vmem>>
    tpu.wait_dma2 semaphore(%arg12 : memref<!tpu.dma_semaphore, #tpu.memory_space<semaphore_mem>>) src(%dma_wait3A_137 : memref<16384xf32, #tpu.memory_space<vmem>>) dst(%dma_wait3A_135 : memref<16384xf32, #tpu.memory_space<hbm>>)
    %add3A_138 = arith.constant 56 : i32
    %add3A_139 = arith.addi %mul3A_2, %add3A_138 : i32
    %mul3A_140 = arith.constant 2048 : i32
    %mul3A_141 = arith.muli %add3A_139, %mul3A_140 : i32
    %dma_wait3A_142 = arith.constant 16384 : i32
    %dma_wait3A_143 = tpu.memref_slice %arg11[%dma_wait3A_142] : memref<32768xf32, #tpu.memory_space<vmem>> -> memref<16384xf32, #tpu.memory_space<vmem>>
    %dma_wait3A_144 = tpu.memref_slice %arg6[%mul3A_141] : memref<4194304xf32, #tpu.memory_space<hbm>> -> memref<16384xf32, #tpu.memory_space<hbm>>
    %dma_wait3A_145 = tpu.memref_slice %arg6[%mul3A_141] : memref<4194304xf32, #tpu.memory_space<hbm>> -> memref<16384xf32, #tpu.memory_space<hbm>>
    %dma_wait3A_146 = arith.constant 16384 : i32
    %dma_wait3A_147 = tpu.memref_slice %arg11[%dma_wait3A_146] : memref<32768xf32, #tpu.memory_space<vmem>> -> memref<16384xf32, #tpu.memory_space<vmem>>
    tpu.wait_dma2 semaphore(%arg12 : memref<!tpu.dma_semaphore, #tpu.memory_space<semaphore_mem>>) src(%dma_wait3A_147 : memref<16384xf32, #tpu.memory_space<vmem>>) dst(%dma_wait3A_145 : memref<16384xf32, #tpu.memory_space<hbm>>)
    return
  }
}

module attributes {stable_mosaic.version = 14 : i64} {
  func.func @_normalize_body(%arg0: i32, %arg1: memref<256x1024xf32, #tpu.memory_space<vmem>>, %arg2: memref<256x1024xf32, #tpu.memory_space<vmem>>) attributes {dimension_semantics = [#tpu.dimension_semantics<arbitrary>], iteration_bounds = array<i64: 8>, scalar_prefetch = 0 : i64, scratch_operands = 0 : i64, tpu.core_type = #tpu.core_type<tc>, window_params = [{transform_indices = @transform_0, window_bounds = array<i64: 256, 1024>}, {transform_indices = @transform_1, window_bounds = array<i64: 256, 1024>}]} {
    %get3A = arith.constant 0 : index
    %get3A_0 = arith.constant 0 : index
    %get3A_1 = vector.load %arg1[%get3A, %get3A_0] : memref<256x1024xf32, #tpu.memory_space<vmem>>, vector<256x1024xf32>
    %mul3A = arith.mulf %get3A_1, %get3A_1 : vector<256x1024xf32>
    %reduce_sum3A = arith.constant dense<0.000000e+00> : vector<256xf32>
    %reduce_sum3A_2 = vector.multi_reduction <add>, %mul3A, %reduce_sum3A [1] : vector<256x1024xf32> to vector<256xf32>
    %broadcast_in_dim3A = vector.shape_cast %reduce_sum3A_2 : vector<256xf32> to vector<256x1xf32>
    %sqrt3A = math.sqrt %broadcast_in_dim3A : vector<256x1xf32>
    %max3A = arith.constant 9.99999996E-13 : f32
    %max3A_3 = vector.broadcast %max3A : f32 to vector<256x1xf32>
    %max3A_4 = arith.maximumf %sqrt3A, %max3A_3 : vector<256x1xf32>
    %div3A = vector.broadcast %max3A_4 : vector<256x1xf32> to vector<256x1024xf32>
    %div3A_5 = arith.divf %get3A_1, %div3A : vector<256x1024xf32>
    %swap3A = arith.constant 0 : index
    %swap3A_6 = arith.constant 0 : index
    %swap3A_7 = vector.load %arg2[%swap3A, %swap3A_6] : memref<256x1024xf32, #tpu.memory_space<vmem>>, vector<256x1024xf32>
    tpu.vector_store %arg2[%swap3A, %swap3A_6], %div3A_5 {strides = array<i32>} : memref<256x1024xf32, #tpu.memory_space<vmem>>, vector<256x1024xf32>,
    return
  }
  func.func @transform_0(%arg0: i32) -> (i32, i32) {
    %c0_i32 = arith.constant 0 : i32
    %c0_i32_0 = arith.constant 0 : i32
    return %arg0, %c0_i32 : i32, i32
  }
  func.func @transform_1(%arg0: i32) -> (i32, i32) {
    %c0_i32 = arith.constant 0 : i32
    %c0_i32_0 = arith.constant 0 : i32
    return %arg0, %c0_i32 : i32, i32
  }
}

module attributes {stable_mosaic.version = 14 : i64} {
  func.func @_simtopk_body(%arg0: i32, %arg1: memref<256x1024xf32, #tpu.memory_space<vmem>>, %arg2: memref<256x1024xf32, #tpu.memory_space<vmem>>, %arg3: memref<2048x1024xf32, #tpu.memory_space<vmem>>, %arg4: memref<256x16xi32, #tpu.memory_space<vmem>>, %arg5: memref<256x16xi32, #tpu.memory_space<vmem>>, %arg6: memref<256x2048xf32, #tpu.memory_space<vmem>>, %arg7: memref<256x2048xf32, #tpu.memory_space<vmem>>) attributes {dimension_semantics = [#tpu.dimension_semantics<arbitrary>], iteration_bounds = array<i64: 5>, scalar_prefetch = 0 : i64, scratch_operands = 2 : i64, tpu.core_type = #tpu.core_type<tc>, window_params = [{transform_indices = @transform_0, window_bounds = array<i64: 256, 1024>}, {transform_indices = @transform_1, window_bounds = array<i64: 256, 1024>}, {pipeline_mode = #tpu.pipeline_mode<synchronous>, transform_indices = @transform_2, window_bounds = array<i64: 2048, 1024>}, {transform_indices = @transform_3, window_bounds = array<i64: 256, 16>}, {transform_indices = @transform_4, window_bounds = array<i64: 256, 16>}]} {
    %lt3A = arith.constant 4 : i32
    %lt3A_0 = arith.cmpi slt, %arg0, %lt3A : i32
    %convert_element_type3A = arith.extui %lt3A_0 : i1 to i32
    %cond3A = arith.constant 0 : i32
    %cond3A_1 = arith.cmpi ne, %convert_element_type3A, %cond3A : i32
    scf.if %cond3A_1 {
      %get3A = arith.constant 0 : index
      %get3A_6 = arith.constant 0 : index
      %get3A_7 = vector.load %arg3[%get3A, %get3A_6] : memref<2048x1024xf32, #tpu.memory_space<vmem>>, vector<2048x1024xf32>
      %get3A_8 = arith.constant 0 : index
      %get3A_9 = arith.constant 0 : index
      %get3A_10 = vector.load %arg7[%get3A_8, %get3A_9] : memref<256x2048xf32, #tpu.memory_space<vmem>>, vector<256x2048xf32>
      %iota3A = tpu.iota {dimensions = array<i32: 1>} : vector<256x2048xi32>
      %reduce_max3A = arith.constant dense<0xFF800000> : vector<256xf32>
      %reduce_max3A_11 = vector.multi_reduction <maximumf>, %get3A_10, %reduce_max3A [1] : vector<256x2048xf32> to vector<256xf32>
      %broadcast_in_dim3A = vector.shape_cast %reduce_max3A_11 : vector<256xf32> to vector<256x1xf32>
      %eq3A_12 = vector.broadcast %broadcast_in_dim3A : vector<256x1xf32> to vector<256x2048xf32>
      %eq3A_13 = arith.cmpf oeq, %get3A_10, %eq3A_12 : vector<256x2048xf32>
      %jit3A = arith.constant 2048 : i32
      %broadcast_in_dim3A_14 = vector.broadcast %jit3A : i32 to vector<256x2048xi32>
      %select_n3A = arith.select %eq3A_13, %iota3A, %broadcast_in_dim3A_14 : vector<256x2048xi1>, vector<256x2048xi32>
      %reduce_min3A = arith.constant dense<2147483647> : vector<256xi32>
      %reduce_min3A_15 = vector.multi_reduction <minsi>, %select_n3A, %reduce_min3A [1] : vector<256x2048xi32> to vector<256xi32>
      %broadcast_in_dim3A_16 = vector.shape_cast %reduce_min3A_15 : vector<256xi32> to vector<256x1xi32>
      %jit3A_17 = arith.constant -3.000000e+38 : f32
      %broadcast_in_dim3A_18 = vector.broadcast %jit3A_17 : f32 to vector<256x2048xf32>
      %select_n3A_19 = arith.select %eq3A_13, %broadcast_in_dim3A_18, %get3A_10 : vector<256x2048xi1>, vector<256x2048xf32>
      %reduce_max3A_20 = arith.constant dense<0xFF800000> : vector<256xf32>
      %reduce_max3A_21 = vector.multi_reduction <maximumf>, %select_n3A_19, %reduce_max3A_20 [1] : vector<256x2048xf32> to vector<256xf32>
      %broadcast_in_dim3A_22 = vector.shape_cast %reduce_max3A_21 : vector<256xf32> to vector<256x1xf32>
      %eq3A_23 = vector.broadcast %broadcast_in_dim3A_22 : vector<256x1xf32> to vector<256x2048xf32>
      %eq3A_24 = arith.cmpf oeq, %select_n3A_19, %eq3A_23 : vector<256x2048xf32>
      %jit3A_25 = arith.constant 2048 : i32
      %broadcast_in_dim3A_26 = vector.broadcast %jit3A_25 : i32 to vector<256x2048xi32>
      %select_n3A_27 = arith.select %eq3A_24, %iota3A, %broadcast_in_dim3A_26 : vector<256x2048xi1>, vector<256x2048xi32>
      %reduce_min3A_28 = arith.constant dense<2147483647> : vector<256xi32>
      %reduce_min3A_29 = vector.multi_reduction <minsi>, %select_n3A_27, %reduce_min3A_28 [1] : vector<256x2048xi32> to vector<256xi32>
      %broadcast_in_dim3A_30 = vector.shape_cast %reduce_min3A_29 : vector<256xi32> to vector<256x1xi32>
      %jit3A_31 = arith.constant -3.000000e+38 : f32
      %broadcast_in_dim3A_32 = vector.broadcast %jit3A_31 : f32 to vector<256x2048xf32>
      %select_n3A_33 = arith.select %eq3A_24, %broadcast_in_dim3A_32, %select_n3A_19 : vector<256x2048xi1>, vector<256x2048xf32>
      %reduce_max3A_34 = arith.constant dense<0xFF800000> : vector<256xf32>
      %reduce_max3A_35 = vector.multi_reduction <maximumf>, %select_n3A_33, %reduce_max3A_34 [1] : vector<256x2048xf32> to vector<256xf32>
      %broadcast_in_dim3A_36 = vector.shape_cast %reduce_max3A_35 : vector<256xf32> to vector<256x1xf32>
      %eq3A_37 = vector.broadcast %broadcast_in_dim3A_36 : vector<256x1xf32> to vector<256x2048xf32>
      %eq3A_38 = arith.cmpf oeq, %select_n3A_33, %eq3A_37 : vector<256x2048xf32>
      %jit3A_39 = arith.constant 2048 : i32
      %broadcast_in_dim3A_40 = vector.broadcast %jit3A_39 : i32 to vector<256x2048xi32>
      %select_n3A_41 = arith.select %eq3A_38, %iota3A, %broadcast_in_dim3A_40 : vector<256x2048xi1>, vector<256x2048xi32>
      %reduce_min3A_42 = arith.constant dense<2147483647> : vector<256xi32>
      %reduce_min3A_43 = vector.multi_reduction <minsi>, %select_n3A_41, %reduce_min3A_42 [1] : vector<256x2048xi32> to vector<256xi32>
      %broadcast_in_dim3A_44 = vector.shape_cast %reduce_min3A_43 : vector<256xi32> to vector<256x1xi32>
      %jit3A_45 = arith.constant -3.000000e+38 : f32
      %broadcast_in_dim3A_46 = vector.broadcast %jit3A_45 : f32 to vector<256x2048xf32>
      %select_n3A_47 = arith.select %eq3A_38, %broadcast_in_dim3A_46, %select_n3A_33 : vector<256x2048xi1>, vector<256x2048xf32>
      %reduce_max3A_48 = arith.constant dense<0xFF800000> : vector<256xf32>
      %reduce_max3A_49 = vector.multi_reduction <maximumf>, %select_n3A_47, %reduce_max3A_48 [1] : vector<256x2048xf32> to vector<256xf32>
      %broadcast_in_dim3A_50 = vector.shape_cast %reduce_max3A_49 : vector<256xf32> to vector<256x1xf32>
      %eq3A_51 = vector.broadcast %broadcast_in_dim3A_50 : vector<256x1xf32> to vector<256x2048xf32>
      %eq3A_52 = arith.cmpf oeq, %select_n3A_47, %eq3A_51 : vector<256x2048xf32>
      %jit3A_53 = arith.constant 2048 : i32
      %broadcast_in_dim3A_54 = vector.broadcast %jit3A_53 : i32 to vector<256x2048xi32>
      %select_n3A_55 = arith.select %eq3A_52, %iota3A, %broadcast_in_dim3A_54 : vector<256x2048xi1>, vector<256x2048xi32>
      %reduce_min3A_56 = arith.constant dense<2147483647> : vector<256xi32>
      %reduce_min3A_57 = vector.multi_reduction <minsi>, %select_n3A_55, %reduce_min3A_56 [1] : vector<256x2048xi32> to vector<256xi32>
      %broadcast_in_dim3A_58 = vector.shape_cast %reduce_min3A_57 : vector<256xi32> to vector<256x1xi32>
      %jit3A_59 = arith.constant -3.000000e+38 : f32
      %broadcast_in_dim3A_60 = vector.broadcast %jit3A_59 : f32 to vector<256x2048xf32>
      %select_n3A_61 = arith.select %eq3A_52, %broadcast_in_dim3A_60, %select_n3A_47 : vector<256x2048xi1>, vector<256x2048xf32>
      %reduce_max3A_62 = arith.constant dense<0xFF800000> : vector<256xf32>
      %reduce_max3A_63 = vector.multi_reduction <maximumf>, %select_n3A_61, %reduce_max3A_62 [1] : vector<256x2048xf32> to vector<256xf32>
      %broadcast_in_dim3A_64 = vector.shape_cast %reduce_max3A_63 : vector<256xf32> to vector<256x1xf32>
      %eq3A_65 = vector.broadcast %broadcast_in_dim3A_64 : vector<256x1xf32> to vector<256x2048xf32>
      %eq3A_66 = arith.cmpf oeq, %select_n3A_61, %eq3A_65 : vector<256x2048xf32>
      %jit3A_67 = arith.constant 2048 : i32
      %broadcast_in_dim3A_68 = vector.broadcast %jit3A_67 : i32 to vector<256x2048xi32>
      %select_n3A_69 = arith.select %eq3A_66, %iota3A, %broadcast_in_dim3A_68 : vector<256x2048xi1>, vector<256x2048xi32>
      %reduce_min3A_70 = arith.constant dense<2147483647> : vector<256xi32>
      %reduce_min3A_71 = vector.multi_reduction <minsi>, %select_n3A_69, %reduce_min3A_70 [1] : vector<256x2048xi32> to vector<256xi32>
      %broadcast_in_dim3A_72 = vector.shape_cast %reduce_min3A_71 : vector<256xi32> to vector<256x1xi32>
      %jit3A_73 = arith.constant -3.000000e+38 : f32
      %broadcast_in_dim3A_74 = vector.broadcast %jit3A_73 : f32 to vector<256x2048xf32>
      %select_n3A_75 = arith.select %eq3A_66, %broadcast_in_dim3A_74, %select_n3A_61 : vector<256x2048xi1>, vector<256x2048xf32>
      %reduce_max3A_76 = arith.constant dense<0xFF800000> : vector<256xf32>
      %reduce_max3A_77 = vector.multi_reduction <maximumf>, %select_n3A_75, %reduce_max3A_76 [1] : vector<256x2048xf32> to vector<256xf32>
      %broadcast_in_dim3A_78 = vector.shape_cast %reduce_max3A_77 : vector<256xf32> to vector<256x1xf32>
      %eq3A_79 = vector.broadcast %broadcast_in_dim3A_78 : vector<256x1xf32> to vector<256x2048xf32>
      %eq3A_80 = arith.cmpf oeq, %select_n3A_75, %eq3A_79 : vector<256x2048xf32>
      %jit3A_81 = arith.constant 2048 : i32
      %broadcast_in_dim3A_82 = vector.broadcast %jit3A_81 : i32 to vector<256x2048xi32>
      %select_n3A_83 = arith.select %eq3A_80, %iota3A, %broadcast_in_dim3A_82 : vector<256x2048xi1>, vector<256x2048xi32>
      %reduce_min3A_84 = arith.constant dense<2147483647> : vector<256xi32>
      %reduce_min3A_85 = vector.multi_reduction <minsi>, %select_n3A_83, %reduce_min3A_84 [1] : vector<256x2048xi32> to vector<256xi32>
      %broadcast_in_dim3A_86 = vector.shape_cast %reduce_min3A_85 : vector<256xi32> to vector<256x1xi32>
      %jit3A_87 = arith.constant -3.000000e+38 : f32
      %broadcast_in_dim3A_88 = vector.broadcast %jit3A_87 : f32 to vector<256x2048xf32>
      %select_n3A_89 = arith.select %eq3A_80, %broadcast_in_dim3A_88, %select_n3A_75 : vector<256x2048xi1>, vector<256x2048xf32>
      %reduce_max3A_90 = arith.constant dense<0xFF800000> : vector<256xf32>
      %reduce_max3A_91 = vector.multi_reduction <maximumf>, %select_n3A_89, %reduce_max3A_90 [1] : vector<256x2048xf32> to vector<256xf32>
      %broadcast_in_dim3A_92 = vector.shape_cast %reduce_max3A_91 : vector<256xf32> to vector<256x1xf32>
      %eq3A_93 = vector.broadcast %broadcast_in_dim3A_92 : vector<256x1xf32> to vector<256x2048xf32>
      %eq3A_94 = arith.cmpf oeq, %select_n3A_89, %eq3A_93 : vector<256x2048xf32>
      %jit3A_95 = arith.constant 2048 : i32
      %broadcast_in_dim3A_96 = vector.broadcast %jit3A_95 : i32 to vector<256x2048xi32>
      %select_n3A_97 = arith.select %eq3A_94, %iota3A, %broadcast_in_dim3A_96 : vector<256x2048xi1>, vector<256x2048xi32>
      %reduce_min3A_98 = arith.constant dense<2147483647> : vector<256xi32>
      %reduce_min3A_99 = vector.multi_reduction <minsi>, %select_n3A_97, %reduce_min3A_98 [1] : vector<256x2048xi32> to vector<256xi32>
      %broadcast_in_dim3A_100 = vector.shape_cast %reduce_min3A_99 : vector<256xi32> to vector<256x1xi32>
      %jit3A_101 = arith.constant -3.000000e+38 : f32
      %broadcast_in_dim3A_102 = vector.broadcast %jit3A_101 : f32 to vector<256x2048xf32>
      %select_n3A_103 = arith.select %eq3A_94, %broadcast_in_dim3A_102, %select_n3A_89 : vector<256x2048xi1>, vector<256x2048xf32>
      %reduce_max3A_104 = arith.constant dense<0xFF800000> : vector<256xf32>
      %reduce_max3A_105 = vector.multi_reduction <maximumf>, %select_n3A_103, %reduce_max3A_104 [1] : vector<256x2048xf32> to vector<256xf32>
      %broadcast_in_dim3A_106 = vector.shape_cast %reduce_max3A_105 : vector<256xf32> to vector<256x1xf32>
      %eq3A_107 = vector.broadcast %broadcast_in_dim3A_106 : vector<256x1xf32> to vector<256x2048xf32>
      %eq3A_108 = arith.cmpf oeq, %select_n3A_103, %eq3A_107 : vector<256x2048xf32>
      %jit3A_109 = arith.constant 2048 : i32
      %broadcast_in_dim3A_110 = vector.broadcast %jit3A_109 : i32 to vector<256x2048xi32>
      %select_n3A_111 = arith.select %eq3A_108, %iota3A, %broadcast_in_dim3A_110 : vector<256x2048xi1>, vector<256x2048xi32>
      %reduce_min3A_112 = arith.constant dense<2147483647> : vector<256xi32>
      %reduce_min3A_113 = vector.multi_reduction <minsi>, %select_n3A_111, %reduce_min3A_112 [1] : vector<256x2048xi32> to vector<256xi32>
      %broadcast_in_dim3A_114 = vector.shape_cast %reduce_min3A_113 : vector<256xi32> to vector<256x1xi32>
      %jit3A_115 = arith.constant -3.000000e+38 : f32
      %broadcast_in_dim3A_116 = vector.broadcast %jit3A_115 : f32 to vector<256x2048xf32>
      %select_n3A_117 = arith.select %eq3A_108, %broadcast_in_dim3A_116, %select_n3A_103 : vector<256x2048xi1>, vector<256x2048xf32>
      %reduce_max3A_118 = arith.constant dense<0xFF800000> : vector<256xf32>
      %reduce_max3A_119 = vector.multi_reduction <maximumf>, %select_n3A_117, %reduce_max3A_118 [1] : vector<256x2048xf32> to vector<256xf32>
      %broadcast_in_dim3A_120 = vector.shape_cast %reduce_max3A_119 : vector<256xf32> to vector<256x1xf32>
      %eq3A_121 = vector.broadcast %broadcast_in_dim3A_120 : vector<256x1xf32> to vector<256x2048xf32>
      %eq3A_122 = arith.cmpf oeq, %select_n3A_117, %eq3A_121 : vector<256x2048xf32>
      %jit3A_123 = arith.constant 2048 : i32
      %broadcast_in_dim3A_124 = vector.broadcast %jit3A_123 : i32 to vector<256x2048xi32>
      %select_n3A_125 = arith.select %eq3A_122, %iota3A, %broadcast_in_dim3A_124 : vector<256x2048xi1>, vector<256x2048xi32>
      %reduce_min3A_126 = arith.constant dense<2147483647> : vector<256xi32>
      %reduce_min3A_127 = vector.multi_reduction <minsi>, %select_n3A_125, %reduce_min3A_126 [1] : vector<256x2048xi32> to vector<256xi32>
      %broadcast_in_dim3A_128 = vector.shape_cast %reduce_min3A_127 : vector<256xi32> to vector<256x1xi32>
      %jit3A_129 = arith.constant -3.000000e+38 : f32
      %broadcast_in_dim3A_130 = vector.broadcast %jit3A_129 : f32 to vector<256x2048xf32>
      %select_n3A_131 = arith.select %eq3A_122, %broadcast_in_dim3A_130, %select_n3A_117 : vector<256x2048xi1>, vector<256x2048xf32>
      %reduce_max3A_132 = arith.constant dense<0xFF800000> : vector<256xf32>
      %reduce_max3A_133 = vector.multi_reduction <maximumf>, %select_n3A_131, %reduce_max3A_132 [1] : vector<256x2048xf32> to vector<256xf32>
      %broadcast_in_dim3A_134 = vector.shape_cast %reduce_max3A_133 : vector<256xf32> to vector<256x1xf32>
      %eq3A_135 = vector.broadcast %broadcast_in_dim3A_134 : vector<256x1xf32> to vector<256x2048xf32>
      %eq3A_136 = arith.cmpf oeq, %select_n3A_131, %eq3A_135 : vector<256x2048xf32>
      %jit3A_137 = arith.constant 2048 : i32
      %broadcast_in_dim3A_138 = vector.broadcast %jit3A_137 : i32 to vector<256x2048xi32>
      %select_n3A_139 = arith.select %eq3A_136, %iota3A, %broadcast_in_dim3A_138 : vector<256x2048xi1>, vector<256x2048xi32>
      %reduce_min3A_140 = arith.constant dense<2147483647> : vector<256xi32>
      %reduce_min3A_141 = vector.multi_reduction <minsi>, %select_n3A_139, %reduce_min3A_140 [1] : vector<256x2048xi32> to vector<256xi32>
      %broadcast_in_dim3A_142 = vector.shape_cast %reduce_min3A_141 : vector<256xi32> to vector<256x1xi32>
      %jit3A_143 = arith.constant -3.000000e+38 : f32
      %broadcast_in_dim3A_144 = vector.broadcast %jit3A_143 : f32 to vector<256x2048xf32>
      %select_n3A_145 = arith.select %eq3A_136, %broadcast_in_dim3A_144, %select_n3A_131 : vector<256x2048xi1>, vector<256x2048xf32>
      %reduce_max3A_146 = arith.constant dense<0xFF800000> : vector<256xf32>
      %reduce_max3A_147 = vector.multi_reduction <maximumf>, %select_n3A_145, %reduce_max3A_146 [1] : vector<256x2048xf32> to vector<256xf32>
      %broadcast_in_dim3A_148 = vector.shape_cast %reduce_max3A_147 : vector<256xf32> to vector<256x1xf32>
      %eq3A_149 = vector.broadcast %broadcast_in_dim3A_148 : vector<256x1xf32> to vector<256x2048xf32>
      %eq3A_150 = arith.cmpf oeq, %select_n3A_145, %eq3A_149 : vector<256x2048xf32>
      %jit3A_151 = arith.constant 2048 : i32
      %broadcast_in_dim3A_152 = vector.broadcast %jit3A_151 : i32 to vector<256x2048xi32>
      %select_n3A_153 = arith.select %eq3A_150, %iota3A, %broadcast_in_dim3A_152 : vector<256x2048xi1>, vector<256x2048xi32>
      %reduce_min3A_154 = arith.constant dense<2147483647> : vector<256xi32>
      %reduce_min3A_155 = vector.multi_reduction <minsi>, %select_n3A_153, %reduce_min3A_154 [1] : vector<256x2048xi32> to vector<256xi32>
      %broadcast_in_dim3A_156 = vector.shape_cast %reduce_min3A_155 : vector<256xi32> to vector<256x1xi32>
      %jit3A_157 = arith.constant -3.000000e+38 : f32
      %broadcast_in_dim3A_158 = vector.broadcast %jit3A_157 : f32 to vector<256x2048xf32>
      %select_n3A_159 = arith.select %eq3A_150, %broadcast_in_dim3A_158, %select_n3A_145 : vector<256x2048xi1>, vector<256x2048xf32>
      %reduce_max3A_160 = arith.constant dense<0xFF800000> : vector<256xf32>
      %reduce_max3A_161 = vector.multi_reduction <maximumf>, %select_n3A_159, %reduce_max3A_160 [1] : vector<256x2048xf32> to vector<256xf32>
      %broadcast_in_dim3A_162 = vector.shape_cast %reduce_max3A_161 : vector<256xf32> to vector<256x1xf32>
      %eq3A_163 = vector.broadcast %broadcast_in_dim3A_162 : vector<256x1xf32> to vector<256x2048xf32>
      %eq3A_164 = arith.cmpf oeq, %select_n3A_159, %eq3A_163 : vector<256x2048xf32>
      %jit3A_165 = arith.constant 2048 : i32
      %broadcast_in_dim3A_166 = vector.broadcast %jit3A_165 : i32 to vector<256x2048xi32>
      %select_n3A_167 = arith.select %eq3A_164, %iota3A, %broadcast_in_dim3A_166 : vector<256x2048xi1>, vector<256x2048xi32>
      %reduce_min3A_168 = arith.constant dense<2147483647> : vector<256xi32>
      %reduce_min3A_169 = vector.multi_reduction <minsi>, %select_n3A_167, %reduce_min3A_168 [1] : vector<256x2048xi32> to vector<256xi32>
      %broadcast_in_dim3A_170 = vector.shape_cast %reduce_min3A_169 : vector<256xi32> to vector<256x1xi32>
      %jit3A_171 = arith.constant -3.000000e+38 : f32
      %broadcast_in_dim3A_172 = vector.broadcast %jit3A_171 : f32 to vector<256x2048xf32>
      %select_n3A_173 = arith.select %eq3A_164, %broadcast_in_dim3A_172, %select_n3A_159 : vector<256x2048xi1>, vector<256x2048xf32>
      %reduce_max3A_174 = arith.constant dense<0xFF800000> : vector<256xf32>
      %reduce_max3A_175 = vector.multi_reduction <maximumf>, %select_n3A_173, %reduce_max3A_174 [1] : vector<256x2048xf32> to vector<256xf32>
      %broadcast_in_dim3A_176 = vector.shape_cast %reduce_max3A_175 : vector<256xf32> to vector<256x1xf32>
      %eq3A_177 = vector.broadcast %broadcast_in_dim3A_176 : vector<256x1xf32> to vector<256x2048xf32>
      %eq3A_178 = arith.cmpf oeq, %select_n3A_173, %eq3A_177 : vector<256x2048xf32>
      %jit3A_179 = arith.constant 2048 : i32
      %broadcast_in_dim3A_180 = vector.broadcast %jit3A_179 : i32 to vector<256x2048xi32>
      %select_n3A_181 = arith.select %eq3A_178, %iota3A, %broadcast_in_dim3A_180 : vector<256x2048xi1>, vector<256x2048xi32>
      %reduce_min3A_182 = arith.constant dense<2147483647> : vector<256xi32>
      %reduce_min3A_183 = vector.multi_reduction <minsi>, %select_n3A_181, %reduce_min3A_182 [1] : vector<256x2048xi32> to vector<256xi32>
      %broadcast_in_dim3A_184 = vector.shape_cast %reduce_min3A_183 : vector<256xi32> to vector<256x1xi32>
      %jit3A_185 = arith.constant -3.000000e+38 : f32
      %broadcast_in_dim3A_186 = vector.broadcast %jit3A_185 : f32 to vector<256x2048xf32>
      %select_n3A_187 = arith.select %eq3A_178, %broadcast_in_dim3A_186, %select_n3A_173 : vector<256x2048xi1>, vector<256x2048xf32>
      %reduce_max3A_188 = arith.constant dense<0xFF800000> : vector<256xf32>
      %reduce_max3A_189 = vector.multi_reduction <maximumf>, %select_n3A_187, %reduce_max3A_188 [1] : vector<256x2048xf32> to vector<256xf32>
      %broadcast_in_dim3A_190 = vector.shape_cast %reduce_max3A_189 : vector<256xf32> to vector<256x1xf32>
      %eq3A_191 = vector.broadcast %broadcast_in_dim3A_190 : vector<256x1xf32> to vector<256x2048xf32>
      %eq3A_192 = arith.cmpf oeq, %select_n3A_187, %eq3A_191 : vector<256x2048xf32>
      %jit3A_193 = arith.constant 2048 : i32
      %broadcast_in_dim3A_194 = vector.broadcast %jit3A_193 : i32 to vector<256x2048xi32>
      %select_n3A_195 = arith.select %eq3A_192, %iota3A, %broadcast_in_dim3A_194 : vector<256x2048xi1>, vector<256x2048xi32>
      %reduce_min3A_196 = arith.constant dense<2147483647> : vector<256xi32>
      %reduce_min3A_197 = vector.multi_reduction <minsi>, %select_n3A_195, %reduce_min3A_196 [1] : vector<256x2048xi32> to vector<256xi32>
      %broadcast_in_dim3A_198 = vector.shape_cast %reduce_min3A_197 : vector<256xi32> to vector<256x1xi32>
      %jit3A_199 = arith.constant -3.000000e+38 : f32
      %broadcast_in_dim3A_200 = vector.broadcast %jit3A_199 : f32 to vector<256x2048xf32>
      %select_n3A_201 = arith.select %eq3A_192, %broadcast_in_dim3A_200, %select_n3A_187 : vector<256x2048xi1>, vector<256x2048xf32>
      %reduce_max3A_202 = arith.constant dense<0xFF800000> : vector<256xf32>
      %reduce_max3A_203 = vector.multi_reduction <maximumf>, %select_n3A_201, %reduce_max3A_202 [1] : vector<256x2048xf32> to vector<256xf32>
      %broadcast_in_dim3A_204 = vector.shape_cast %reduce_max3A_203 : vector<256xf32> to vector<256x1xf32>
      %eq3A_205 = vector.broadcast %broadcast_in_dim3A_204 : vector<256x1xf32> to vector<256x2048xf32>
      %eq3A_206 = arith.cmpf oeq, %select_n3A_201, %eq3A_205 : vector<256x2048xf32>
      %jit3A_207 = arith.constant 2048 : i32
      %broadcast_in_dim3A_208 = vector.broadcast %jit3A_207 : i32 to vector<256x2048xi32>
      %select_n3A_209 = arith.select %eq3A_206, %iota3A, %broadcast_in_dim3A_208 : vector<256x2048xi1>, vector<256x2048xi32>
      %reduce_min3A_210 = arith.constant dense<2147483647> : vector<256xi32>
      %reduce_min3A_211 = vector.multi_reduction <minsi>, %select_n3A_209, %reduce_min3A_210 [1] : vector<256x2048xi32> to vector<256xi32>
      %broadcast_in_dim3A_212 = vector.shape_cast %reduce_min3A_211 : vector<256xi32> to vector<256x1xi32>
      %jit3A_213 = arith.constant -3.000000e+38 : f32
      %broadcast_in_dim3A_214 = vector.broadcast %jit3A_213 : f32 to vector<256x2048xf32>
      %select_n3A_215 = arith.select %eq3A_206, %broadcast_in_dim3A_214, %select_n3A_201 : vector<256x2048xi1>, vector<256x2048xf32>
      %reduce_max3A_216 = arith.constant dense<0xFF800000> : vector<256xf32>
      %reduce_max3A_217 = vector.multi_reduction <maximumf>, %select_n3A_215, %reduce_max3A_216 [1] : vector<256x2048xf32> to vector<256xf32>
      %broadcast_in_dim3A_218 = vector.shape_cast %reduce_max3A_217 : vector<256xf32> to vector<256x1xf32>
      %eq3A_219 = vector.broadcast %broadcast_in_dim3A_218 : vector<256x1xf32> to vector<256x2048xf32>
      %eq3A_220 = arith.cmpf oeq, %select_n3A_215, %eq3A_219 : vector<256x2048xf32>
      %jit3A_221 = arith.constant 2048 : i32
      %broadcast_in_dim3A_222 = vector.broadcast %jit3A_221 : i32 to vector<256x2048xi32>
      %select_n3A_223 = arith.select %eq3A_220, %iota3A, %broadcast_in_dim3A_222 : vector<256x2048xi1>, vector<256x2048xi32>
      %reduce_min3A_224 = arith.constant dense<2147483647> : vector<256xi32>
      %reduce_min3A_225 = vector.multi_reduction <minsi>, %select_n3A_223, %reduce_min3A_224 [1] : vector<256x2048xi32> to vector<256xi32>
      %broadcast_in_dim3A_226 = vector.shape_cast %reduce_min3A_225 : vector<256xi32> to vector<256x1xi32>
      %concatenate3A = tpu.concatenate %broadcast_in_dim3A_16, %broadcast_in_dim3A_30, %broadcast_in_dim3A_44, %broadcast_in_dim3A_58, %broadcast_in_dim3A_72, %broadcast_in_dim3A_86, %broadcast_in_dim3A_100, %broadcast_in_dim3A_114, %broadcast_in_dim3A_128, %broadcast_in_dim3A_142, %broadcast_in_dim3A_156, %broadcast_in_dim3A_170, %broadcast_in_dim3A_184, %broadcast_in_dim3A_198, %broadcast_in_dim3A_212, %broadcast_in_dim3A_226 in 1 : vector<256x1xi32>, vector<256x1xi32>, vector<256x1xi32>, vector<256x1xi32>, vector<256x1xi32>, vector<256x1xi32>, vector<256x1xi32>, vector<256x1xi32>, vector<256x1xi32>, vector<256x1xi32>, vector<256x1xi32>, vector<256x1xi32>, vector<256x1xi32>, vector<256x1xi32>, vector<256x1xi32>, vector<256x1xi32> -> vector<256x16xi32>
      %swap3A = arith.constant 0 : index
      %swap3A_227 = arith.constant 0 : index
      %swap3A_228 = vector.load %arg5[%swap3A, %swap3A_227] : memref<256x16xi32, #tpu.memory_space<vmem>>, vector<256x16xi32>
      tpu.vector_store %arg5[%swap3A, %swap3A_227], %concatenate3A {strides = array<i32>} : memref<256x16xi32, #tpu.memory_space<vmem>>, vector<256x16xi32>,
      %get3A_229 = arith.constant 0 : index
      %get3A_230 = arith.constant 0 : index
      %get3A_231 = vector.load %arg1[%get3A_229, %get3A_230] : memref<256x1024xf32, #tpu.memory_space<vmem>>, vector<256x1024xf32>
      %dot_general3A = arith.constant dense<0.000000e+00> : vector<256x2048xf32>
      %dot_general3A_232 = tpu.matmul %get3A_231, %get3A_7, %dot_general3A {dimension_numbers = #tpu.dot_dimension_numbers<[1], [1], [0], [0], [0, 0, 1, 0], [], []>, transpose_lhs_hint = false} : vector<256x1024xf32>, vector<2048x1024xf32>, vector<256x2048xf32> -> vector<256x2048xf32>
      %swap3A_233 = arith.constant 0 : index
      %swap3A_234 = arith.constant 0 : index
      %swap3A_235 = vector.load %arg6[%swap3A_233, %swap3A_234] : memref<256x2048xf32, #tpu.memory_space<vmem>>, vector<256x2048xf32>
      tpu.vector_store %arg6[%swap3A_233, %swap3A_234], %dot_general3A_232 {strides = array<i32>} : memref<256x2048xf32, #tpu.memory_space<vmem>>, vector<256x2048xf32>,
      %get3A_236 = arith.constant 0 : index
      %get3A_237 = arith.constant 0 : index
      %get3A_238 = vector.load %arg6[%get3A_236, %get3A_237] : memref<256x2048xf32, #tpu.memory_space<vmem>>, vector<256x2048xf32>
      %iota3A_239 = tpu.iota {dimensions = array<i32: 1>} : vector<256x2048xi32>
      %reduce_max3A_240 = arith.constant dense<0xFF800000> : vector<256xf32>
      %reduce_max3A_241 = vector.multi_reduction <maximumf>, %get3A_238, %reduce_max3A_240 [1] : vector<256x2048xf32> to vector<256xf32>
      %broadcast_in_dim3A_242 = vector.shape_cast %reduce_max3A_241 : vector<256xf32> to vector<256x1xf32>
      %eq3A_243 = vector.broadcast %broadcast_in_dim3A_242 : vector<256x1xf32> to vector<256x2048xf32>
      %eq3A_244 = arith.cmpf oeq, %get3A_238, %eq3A_243 : vector<256x2048xf32>
      %jit3A_245 = arith.constant 2048 : i32
      %broadcast_in_dim3A_246 = vector.broadcast %jit3A_245 : i32 to vector<256x2048xi32>
      %select_n3A_247 = arith.select %eq3A_244, %iota3A_239, %broadcast_in_dim3A_246 : vector<256x2048xi1>, vector<256x2048xi32>
      %reduce_min3A_248 = arith.constant dense<2147483647> : vector<256xi32>
      %reduce_min3A_249 = vector.multi_reduction <minsi>, %select_n3A_247, %reduce_min3A_248 [1] : vector<256x2048xi32> to vector<256xi32>
      %broadcast_in_dim3A_250 = vector.shape_cast %reduce_min3A_249 : vector<256xi32> to vector<256x1xi32>
      %jit3A_251 = arith.constant -3.000000e+38 : f32
      %broadcast_in_dim3A_252 = vector.broadcast %jit3A_251 : f32 to vector<256x2048xf32>
      %select_n3A_253 = arith.select %eq3A_244, %broadcast_in_dim3A_252, %get3A_238 : vector<256x2048xi1>, vector<256x2048xf32>
      %reduce_max3A_254 = arith.constant dense<0xFF800000> : vector<256xf32>
      %reduce_max3A_255 = vector.multi_reduction <maximumf>, %select_n3A_253, %reduce_max3A_254 [1] : vector<256x2048xf32> to vector<256xf32>
      %broadcast_in_dim3A_256 = vector.shape_cast %reduce_max3A_255 : vector<256xf32> to vector<256x1xf32>
      %eq3A_257 = vector.broadcast %broadcast_in_dim3A_256 : vector<256x1xf32> to vector<256x2048xf32>
      %eq3A_258 = arith.cmpf oeq, %select_n3A_253, %eq3A_257 : vector<256x2048xf32>
      %jit3A_259 = arith.constant 2048 : i32
      %broadcast_in_dim3A_260 = vector.broadcast %jit3A_259 : i32 to vector<256x2048xi32>
      %select_n3A_261 = arith.select %eq3A_258, %iota3A_239, %broadcast_in_dim3A_260 : vector<256x2048xi1>, vector<256x2048xi32>
      %reduce_min3A_262 = arith.constant dense<2147483647> : vector<256xi32>
      %reduce_min3A_263 = vector.multi_reduction <minsi>, %select_n3A_261, %reduce_min3A_262 [1] : vector<256x2048xi32> to vector<256xi32>
      %broadcast_in_dim3A_264 = vector.shape_cast %reduce_min3A_263 : vector<256xi32> to vector<256x1xi32>
      %jit3A_265 = arith.constant -3.000000e+38 : f32
      %broadcast_in_dim3A_266 = vector.broadcast %jit3A_265 : f32 to vector<256x2048xf32>
      %select_n3A_267 = arith.select %eq3A_258, %broadcast_in_dim3A_266, %select_n3A_253 : vector<256x2048xi1>, vector<256x2048xf32>
      %reduce_max3A_268 = arith.constant dense<0xFF800000> : vector<256xf32>
      %reduce_max3A_269 = vector.multi_reduction <maximumf>, %select_n3A_267, %reduce_max3A_268 [1] : vector<256x2048xf32> to vector<256xf32>
      %broadcast_in_dim3A_270 = vector.shape_cast %reduce_max3A_269 : vector<256xf32> to vector<256x1xf32>
      %eq3A_271 = vector.broadcast %broadcast_in_dim3A_270 : vector<256x1xf32> to vector<256x2048xf32>
      %eq3A_272 = arith.cmpf oeq, %select_n3A_267, %eq3A_271 : vector<256x2048xf32>
      %jit3A_273 = arith.constant 2048 : i32
      %broadcast_in_dim3A_274 = vector.broadcast %jit3A_273 : i32 to vector<256x2048xi32>
      %select_n3A_275 = arith.select %eq3A_272, %iota3A_239, %broadcast_in_dim3A_274 : vector<256x2048xi1>, vector<256x2048xi32>
      %reduce_min3A_276 = arith.constant dense<2147483647> : vector<256xi32>
      %reduce_min3A_277 = vector.multi_reduction <minsi>, %select_n3A_275, %reduce_min3A_276 [1] : vector<256x2048xi32> to vector<256xi32>
      %broadcast_in_dim3A_278 = vector.shape_cast %reduce_min3A_277 : vector<256xi32> to vector<256x1xi32>
      %jit3A_279 = arith.constant -3.000000e+38 : f32
      %broadcast_in_dim3A_280 = vector.broadcast %jit3A_279 : f32 to vector<256x2048xf32>
      %select_n3A_281 = arith.select %eq3A_272, %broadcast_in_dim3A_280, %select_n3A_267 : vector<256x2048xi1>, vector<256x2048xf32>
      %reduce_max3A_282 = arith.constant dense<0xFF800000> : vector<256xf32>
      %reduce_max3A_283 = vector.multi_reduction <maximumf>, %select_n3A_281, %reduce_max3A_282 [1] : vector<256x2048xf32> to vector<256xf32>
      %broadcast_in_dim3A_284 = vector.shape_cast %reduce_max3A_283 : vector<256xf32> to vector<256x1xf32>
      %eq3A_285 = vector.broadcast %broadcast_in_dim3A_284 : vector<256x1xf32> to vector<256x2048xf32>
      %eq3A_286 = arith.cmpf oeq, %select_n3A_281, %eq3A_285 : vector<256x2048xf32>
      %jit3A_287 = arith.constant 2048 : i32
      %broadcast_in_dim3A_288 = vector.broadcast %jit3A_287 : i32 to vector<256x2048xi32>
      %select_n3A_289 = arith.select %eq3A_286, %iota3A_239, %broadcast_in_dim3A_288 : vector<256x2048xi1>, vector<256x2048xi32>
      %reduce_min3A_290 = arith.constant dense<2147483647> : vector<256xi32>
      %reduce_min3A_291 = vector.multi_reduction <minsi>, %select_n3A_289, %reduce_min3A_290 [1] : vector<256x2048xi32> to vector<256xi32>
      %broadcast_in_dim3A_292 = vector.shape_cast %reduce_min3A_291 : vector<256xi32> to vector<256x1xi32>
      %jit3A_293 = arith.constant -3.000000e+38 : f32
      %broadcast_in_dim3A_294 = vector.broadcast %jit3A_293 : f32 to vector<256x2048xf32>
      %select_n3A_295 = arith.select %eq3A_286, %broadcast_in_dim3A_294, %select_n3A_281 : vector<256x2048xi1>, vector<256x2048xf32>
      %reduce_max3A_296 = arith.constant dense<0xFF800000> : vector<256xf32>
      %reduce_max3A_297 = vector.multi_reduction <maximumf>, %select_n3A_295, %reduce_max3A_296 [1] : vector<256x2048xf32> to vector<256xf32>
      %broadcast_in_dim3A_298 = vector.shape_cast %reduce_max3A_297 : vector<256xf32> to vector<256x1xf32>
      %eq3A_299 = vector.broadcast %broadcast_in_dim3A_298 : vector<256x1xf32> to vector<256x2048xf32>
      %eq3A_300 = arith.cmpf oeq, %select_n3A_295, %eq3A_299 : vector<256x2048xf32>
      %jit3A_301 = arith.constant 2048 : i32
      %broadcast_in_dim3A_302 = vector.broadcast %jit3A_301 : i32 to vector<256x2048xi32>
      %select_n3A_303 = arith.select %eq3A_300, %iota3A_239, %broadcast_in_dim3A_302 : vector<256x2048xi1>, vector<256x2048xi32>
      %reduce_min3A_304 = arith.constant dense<2147483647> : vector<256xi32>
      %reduce_min3A_305 = vector.multi_reduction <minsi>, %select_n3A_303, %reduce_min3A_304 [1] : vector<256x2048xi32> to vector<256xi32>
      %broadcast_in_dim3A_306 = vector.shape_cast %reduce_min3A_305 : vector<256xi32> to vector<256x1xi32>
      %jit3A_307 = arith.constant -3.000000e+38 : f32
      %broadcast_in_dim3A_308 = vector.broadcast %jit3A_307 : f32 to vector<256x2048xf32>
      %select_n3A_309 = arith.select %eq3A_300, %broadcast_in_dim3A_308, %select_n3A_295 : vector<256x2048xi1>, vector<256x2048xf32>
      %reduce_max3A_310 = arith.constant dense<0xFF800000> : vector<256xf32>
      %reduce_max3A_311 = vector.multi_reduction <maximumf>, %select_n3A_309, %reduce_max3A_310 [1] : vector<256x2048xf32> to vector<256xf32>
      %broadcast_in_dim3A_312 = vector.shape_cast %reduce_max3A_311 : vector<256xf32> to vector<256x1xf32>
      %eq3A_313 = vector.broadcast %broadcast_in_dim3A_312 : vector<256x1xf32> to vector<256x2048xf32>
      %eq3A_314 = arith.cmpf oeq, %select_n3A_309, %eq3A_313 : vector<256x2048xf32>
      %jit3A_315 = arith.constant 2048 : i32
      %broadcast_in_dim3A_316 = vector.broadcast %jit3A_315 : i32 to vector<256x2048xi32>
      %select_n3A_317 = arith.select %eq3A_314, %iota3A_239, %broadcast_in_dim3A_316 : vector<256x2048xi1>, vector<256x2048xi32>
      %reduce_min3A_318 = arith.constant dense<2147483647> : vector<256xi32>
      %reduce_min3A_319 = vector.multi_reduction <minsi>, %select_n3A_317, %reduce_min3A_318 [1] : vector<256x2048xi32> to vector<256xi32>
      %broadcast_in_dim3A_320 = vector.shape_cast %reduce_min3A_319 : vector<256xi32> to vector<256x1xi32>
      %jit3A_321 = arith.constant -3.000000e+38 : f32
      %broadcast_in_dim3A_322 = vector.broadcast %jit3A_321 : f32 to vector<256x2048xf32>
      %select_n3A_323 = arith.select %eq3A_314, %broadcast_in_dim3A_322, %select_n3A_309 : vector<256x2048xi1>, vector<256x2048xf32>
      %reduce_max3A_324 = arith.constant dense<0xFF800000> : vector<256xf32>
      %reduce_max3A_325 = vector.multi_reduction <maximumf>, %select_n3A_323, %reduce_max3A_324 [1] : vector<256x2048xf32> to vector<256xf32>
      %broadcast_in_dim3A_326 = vector.shape_cast %reduce_max3A_325 : vector<256xf32> to vector<256x1xf32>
      %eq3A_327 = vector.broadcast %broadcast_in_dim3A_326 : vector<256x1xf32> to vector<256x2048xf32>
      %eq3A_328 = arith.cmpf oeq, %select_n3A_323, %eq3A_327 : vector<256x2048xf32>
      %jit3A_329 = arith.constant 2048 : i32
      %broadcast_in_dim3A_330 = vector.broadcast %jit3A_329 : i32 to vector<256x2048xi32>
      %select_n3A_331 = arith.select %eq3A_328, %iota3A_239, %broadcast_in_dim3A_330 : vector<256x2048xi1>, vector<256x2048xi32>
      %reduce_min3A_332 = arith.constant dense<2147483647> : vector<256xi32>
      %reduce_min3A_333 = vector.multi_reduction <minsi>, %select_n3A_331, %reduce_min3A_332 [1] : vector<256x2048xi32> to vector<256xi32>
      %broadcast_in_dim3A_334 = vector.shape_cast %reduce_min3A_333 : vector<256xi32> to vector<256x1xi32>
      %jit3A_335 = arith.constant -3.000000e+38 : f32
      %broadcast_in_dim3A_336 = vector.broadcast %jit3A_335 : f32 to vector<256x2048xf32>
      %select_n3A_337 = arith.select %eq3A_328, %broadcast_in_dim3A_336, %select_n3A_323 : vector<256x2048xi1>, vector<256x2048xf32>
      %reduce_max3A_338 = arith.constant dense<0xFF800000> : vector<256xf32>
      %reduce_max3A_339 = vector.multi_reduction <maximumf>, %select_n3A_337, %reduce_max3A_338 [1] : vector<256x2048xf32> to vector<256xf32>
      %broadcast_in_dim3A_340 = vector.shape_cast %reduce_max3A_339 : vector<256xf32> to vector<256x1xf32>
      %eq3A_341 = vector.broadcast %broadcast_in_dim3A_340 : vector<256x1xf32> to vector<256x2048xf32>
      %eq3A_342 = arith.cmpf oeq, %select_n3A_337, %eq3A_341 : vector<256x2048xf32>
      %jit3A_343 = arith.constant 2048 : i32
      %broadcast_in_dim3A_344 = vector.broadcast %jit3A_343 : i32 to vector<256x2048xi32>
      %select_n3A_345 = arith.select %eq3A_342, %iota3A_239, %broadcast_in_dim3A_344 : vector<256x2048xi1>, vector<256x2048xi32>
      %reduce_min3A_346 = arith.constant dense<2147483647> : vector<256xi32>
      %reduce_min3A_347 = vector.multi_reduction <minsi>, %select_n3A_345, %reduce_min3A_346 [1] : vector<256x2048xi32> to vector<256xi32>
      %broadcast_in_dim3A_348 = vector.shape_cast %reduce_min3A_347 : vector<256xi32> to vector<256x1xi32>
      %jit3A_349 = arith.constant -3.000000e+38 : f32
      %broadcast_in_dim3A_350 = vector.broadcast %jit3A_349 : f32 to vector<256x2048xf32>
      %select_n3A_351 = arith.select %eq3A_342, %broadcast_in_dim3A_350, %select_n3A_337 : vector<256x2048xi1>, vector<256x2048xf32>
      %reduce_max3A_352 = arith.constant dense<0xFF800000> : vector<256xf32>
      %reduce_max3A_353 = vector.multi_reduction <maximumf>, %select_n3A_351, %reduce_max3A_352 [1] : vector<256x2048xf32> to vector<256xf32>
      %broadcast_in_dim3A_354 = vector.shape_cast %reduce_max3A_353 : vector<256xf32> to vector<256x1xf32>
      %eq3A_355 = vector.broadcast %broadcast_in_dim3A_354 : vector<256x1xf32> to vector<256x2048xf32>
      %eq3A_356 = arith.cmpf oeq, %select_n3A_351, %eq3A_355 : vector<256x2048xf32>
      %jit3A_357 = arith.constant 2048 : i32
      %broadcast_in_dim3A_358 = vector.broadcast %jit3A_357 : i32 to vector<256x2048xi32>
      %select_n3A_359 = arith.select %eq3A_356, %iota3A_239, %broadcast_in_dim3A_358 : vector<256x2048xi1>, vector<256x2048xi32>
      %reduce_min3A_360 = arith.constant dense<2147483647> : vector<256xi32>
      %reduce_min3A_361 = vector.multi_reduction <minsi>, %select_n3A_359, %reduce_min3A_360 [1] : vector<256x2048xi32> to vector<256xi32>
      %broadcast_in_dim3A_362 = vector.shape_cast %reduce_min3A_361 : vector<256xi32> to vector<256x1xi32>
      %jit3A_363 = arith.constant -3.000000e+38 : f32
      %broadcast_in_dim3A_364 = vector.broadcast %jit3A_363 : f32 to vector<256x2048xf32>
      %select_n3A_365 = arith.select %eq3A_356, %broadcast_in_dim3A_364, %select_n3A_351 : vector<256x2048xi1>, vector<256x2048xf32>
      %reduce_max3A_366 = arith.constant dense<0xFF800000> : vector<256xf32>
      %reduce_max3A_367 = vector.multi_reduction <maximumf>, %select_n3A_365, %reduce_max3A_366 [1] : vector<256x2048xf32> to vector<256xf32>
      %broadcast_in_dim3A_368 = vector.shape_cast %reduce_max3A_367 : vector<256xf32> to vector<256x1xf32>
      %eq3A_369 = vector.broadcast %broadcast_in_dim3A_368 : vector<256x1xf32> to vector<256x2048xf32>
      %eq3A_370 = arith.cmpf oeq, %select_n3A_365, %eq3A_369 : vector<256x2048xf32>
      %jit3A_371 = arith.constant 2048 : i32
      %broadcast_in_dim3A_372 = vector.broadcast %jit3A_371 : i32 to vector<256x2048xi32>
      %select_n3A_373 = arith.select %eq3A_370, %iota3A_239, %broadcast_in_dim3A_372 : vector<256x2048xi1>, vector<256x2048xi32>
      %reduce_min3A_374 = arith.constant dense<2147483647> : vector<256xi32>
      %reduce_min3A_375 = vector.multi_reduction <minsi>, %select_n3A_373, %reduce_min3A_374 [1] : vector<256x2048xi32> to vector<256xi32>
      %broadcast_in_dim3A_376 = vector.shape_cast %reduce_min3A_375 : vector<256xi32> to vector<256x1xi32>
      %jit3A_377 = arith.constant -3.000000e+38 : f32
      %broadcast_in_dim3A_378 = vector.broadcast %jit3A_377 : f32 to vector<256x2048xf32>
      %select_n3A_379 = arith.select %eq3A_370, %broadcast_in_dim3A_378, %select_n3A_365 : vector<256x2048xi1>, vector<256x2048xf32>
      %reduce_max3A_380 = arith.constant dense<0xFF800000> : vector<256xf32>
      %reduce_max3A_381 = vector.multi_reduction <maximumf>, %select_n3A_379, %reduce_max3A_380 [1] : vector<256x2048xf32> to vector<256xf32>
      %broadcast_in_dim3A_382 = vector.shape_cast %reduce_max3A_381 : vector<256xf32> to vector<256x1xf32>
      %eq3A_383 = vector.broadcast %broadcast_in_dim3A_382 : vector<256x1xf32> to vector<256x2048xf32>
      %eq3A_384 = arith.cmpf oeq, %select_n3A_379, %eq3A_383 : vector<256x2048xf32>
      %jit3A_385 = arith.constant 2048 : i32
      %broadcast_in_dim3A_386 = vector.broadcast %jit3A_385 : i32 to vector<256x2048xi32>
      %select_n3A_387 = arith.select %eq3A_384, %iota3A_239, %broadcast_in_dim3A_386 : vector<256x2048xi1>, vector<256x2048xi32>
      %reduce_min3A_388 = arith.constant dense<2147483647> : vector<256xi32>
      %reduce_min3A_389 = vector.multi_reduction <minsi>, %select_n3A_387, %reduce_min3A_388 [1] : vector<256x2048xi32> to vector<256xi32>
      %broadcast_in_dim3A_390 = vector.shape_cast %reduce_min3A_389 : vector<256xi32> to vector<256x1xi32>
      %jit3A_391 = arith.constant -3.000000e+38 : f32
      %broadcast_in_dim3A_392 = vector.broadcast %jit3A_391 : f32 to vector<256x2048xf32>
      %select_n3A_393 = arith.select %eq3A_384, %broadcast_in_dim3A_392, %select_n3A_379 : vector<256x2048xi1>, vector<256x2048xf32>
      %reduce_max3A_394 = arith.constant dense<0xFF800000> : vector<256xf32>
      %reduce_max3A_395 = vector.multi_reduction <maximumf>, %select_n3A_393, %reduce_max3A_394 [1] : vector<256x2048xf32> to vector<256xf32>
      %broadcast_in_dim3A_396 = vector.shape_cast %reduce_max3A_395 : vector<256xf32> to vector<256x1xf32>
      %eq3A_397 = vector.broadcast %broadcast_in_dim3A_396 : vector<256x1xf32> to vector<256x2048xf32>
      %eq3A_398 = arith.cmpf oeq, %select_n3A_393, %eq3A_397 : vector<256x2048xf32>
      %jit3A_399 = arith.constant 2048 : i32
      %broadcast_in_dim3A_400 = vector.broadcast %jit3A_399 : i32 to vector<256x2048xi32>
      %select_n3A_401 = arith.select %eq3A_398, %iota3A_239, %broadcast_in_dim3A_400 : vector<256x2048xi1>, vector<256x2048xi32>
      %reduce_min3A_402 = arith.constant dense<2147483647> : vector<256xi32>
      %reduce_min3A_403 = vector.multi_reduction <minsi>, %select_n3A_401, %reduce_min3A_402 [1] : vector<256x2048xi32> to vector<256xi32>
      %broadcast_in_dim3A_404 = vector.shape_cast %reduce_min3A_403 : vector<256xi32> to vector<256x1xi32>
      %jit3A_405 = arith.constant -3.000000e+38 : f32
      %broadcast_in_dim3A_406 = vector.broadcast %jit3A_405 : f32 to vector<256x2048xf32>
      %select_n3A_407 = arith.select %eq3A_398, %broadcast_in_dim3A_406, %select_n3A_393 : vector<256x2048xi1>, vector<256x2048xf32>
      %reduce_max3A_408 = arith.constant dense<0xFF800000> : vector<256xf32>
      %reduce_max3A_409 = vector.multi_reduction <maximumf>, %select_n3A_407, %reduce_max3A_408 [1] : vector<256x2048xf32> to vector<256xf32>
      %broadcast_in_dim3A_410 = vector.shape_cast %reduce_max3A_409 : vector<256xf32> to vector<256x1xf32>
      %eq3A_411 = vector.broadcast %broadcast_in_dim3A_410 : vector<256x1xf32> to vector<256x2048xf32>
      %eq3A_412 = arith.cmpf oeq, %select_n3A_407, %eq3A_411 : vector<256x2048xf32>
      %jit3A_413 = arith.constant 2048 : i32
      %broadcast_in_dim3A_414 = vector.broadcast %jit3A_413 : i32 to vector<256x2048xi32>
      %select_n3A_415 = arith.select %eq3A_412, %iota3A_239, %broadcast_in_dim3A_414 : vector<256x2048xi1>, vector<256x2048xi32>
      %reduce_min3A_416 = arith.constant dense<2147483647> : vector<256xi32>
      %reduce_min3A_417 = vector.multi_reduction <minsi>, %select_n3A_415, %reduce_min3A_416 [1] : vector<256x2048xi32> to vector<256xi32>
      %broadcast_in_dim3A_418 = vector.shape_cast %reduce_min3A_417 : vector<256xi32> to vector<256x1xi32>
      %jit3A_419 = arith.constant -3.000000e+38 : f32
      %broadcast_in_dim3A_420 = vector.broadcast %jit3A_419 : f32 to vector<256x2048xf32>
      %select_n3A_421 = arith.select %eq3A_412, %broadcast_in_dim3A_420, %select_n3A_407 : vector<256x2048xi1>, vector<256x2048xf32>
      %reduce_max3A_422 = arith.constant dense<0xFF800000> : vector<256xf32>
      %reduce_max3A_423 = vector.multi_reduction <maximumf>, %select_n3A_421, %reduce_max3A_422 [1] : vector<256x2048xf32> to vector<256xf32>
      %broadcast_in_dim3A_424 = vector.shape_cast %reduce_max3A_423 : vector<256xf32> to vector<256x1xf32>
      %eq3A_425 = vector.broadcast %broadcast_in_dim3A_424 : vector<256x1xf32> to vector<256x2048xf32>
      %eq3A_426 = arith.cmpf oeq, %select_n3A_421, %eq3A_425 : vector<256x2048xf32>
      %jit3A_427 = arith.constant 2048 : i32
      %broadcast_in_dim3A_428 = vector.broadcast %jit3A_427 : i32 to vector<256x2048xi32>
      %select_n3A_429 = arith.select %eq3A_426, %iota3A_239, %broadcast_in_dim3A_428 : vector<256x2048xi1>, vector<256x2048xi32>
      %reduce_min3A_430 = arith.constant dense<2147483647> : vector<256xi32>
      %reduce_min3A_431 = vector.multi_reduction <minsi>, %select_n3A_429, %reduce_min3A_430 [1] : vector<256x2048xi32> to vector<256xi32>
      %broadcast_in_dim3A_432 = vector.shape_cast %reduce_min3A_431 : vector<256xi32> to vector<256x1xi32>
      %jit3A_433 = arith.constant -3.000000e+38 : f32
      %broadcast_in_dim3A_434 = vector.broadcast %jit3A_433 : f32 to vector<256x2048xf32>
      %select_n3A_435 = arith.select %eq3A_426, %broadcast_in_dim3A_434, %select_n3A_421 : vector<256x2048xi1>, vector<256x2048xf32>
      %reduce_max3A_436 = arith.constant dense<0xFF800000> : vector<256xf32>
      %reduce_max3A_437 = vector.multi_reduction <maximumf>, %select_n3A_435, %reduce_max3A_436 [1] : vector<256x2048xf32> to vector<256xf32>
      %broadcast_in_dim3A_438 = vector.shape_cast %reduce_max3A_437 : vector<256xf32> to vector<256x1xf32>
      %eq3A_439 = vector.broadcast %broadcast_in_dim3A_438 : vector<256x1xf32> to vector<256x2048xf32>
      %eq3A_440 = arith.cmpf oeq, %select_n3A_435, %eq3A_439 : vector<256x2048xf32>
      %jit3A_441 = arith.constant 2048 : i32
      %broadcast_in_dim3A_442 = vector.broadcast %jit3A_441 : i32 to vector<256x2048xi32>
      %select_n3A_443 = arith.select %eq3A_440, %iota3A_239, %broadcast_in_dim3A_442 : vector<256x2048xi1>, vector<256x2048xi32>
      %reduce_min3A_444 = arith.constant dense<2147483647> : vector<256xi32>
      %reduce_min3A_445 = vector.multi_reduction <minsi>, %select_n3A_443, %reduce_min3A_444 [1] : vector<256x2048xi32> to vector<256xi32>
      %broadcast_in_dim3A_446 = vector.shape_cast %reduce_min3A_445 : vector<256xi32> to vector<256x1xi32>
      %jit3A_447 = arith.constant -3.000000e+38 : f32
      %broadcast_in_dim3A_448 = vector.broadcast %jit3A_447 : f32 to vector<256x2048xf32>
      %select_n3A_449 = arith.select %eq3A_440, %broadcast_in_dim3A_448, %select_n3A_435 : vector<256x2048xi1>, vector<256x2048xf32>
      %reduce_max3A_450 = arith.constant dense<0xFF800000> : vector<256xf32>
      %reduce_max3A_451 = vector.multi_reduction <maximumf>, %select_n3A_449, %reduce_max3A_450 [1] : vector<256x2048xf32> to vector<256xf32>
      %broadcast_in_dim3A_452 = vector.shape_cast %reduce_max3A_451 : vector<256xf32> to vector<256x1xf32>
      %eq3A_453 = vector.broadcast %broadcast_in_dim3A_452 : vector<256x1xf32> to vector<256x2048xf32>
      %eq3A_454 = arith.cmpf oeq, %select_n3A_449, %eq3A_453 : vector<256x2048xf32>
      %jit3A_455 = arith.constant 2048 : i32
      %broadcast_in_dim3A_456 = vector.broadcast %jit3A_455 : i32 to vector<256x2048xi32>
      %select_n3A_457 = arith.select %eq3A_454, %iota3A_239, %broadcast_in_dim3A_456 : vector<256x2048xi1>, vector<256x2048xi32>
      %reduce_min3A_458 = arith.constant dense<2147483647> : vector<256xi32>
      %reduce_min3A_459 = vector.multi_reduction <minsi>, %select_n3A_457, %reduce_min3A_458 [1] : vector<256x2048xi32> to vector<256xi32>
      %broadcast_in_dim3A_460 = vector.shape_cast %reduce_min3A_459 : vector<256xi32> to vector<256x1xi32>
      %concatenate3A_461 = tpu.concatenate %broadcast_in_dim3A_250, %broadcast_in_dim3A_264, %broadcast_in_dim3A_278, %broadcast_in_dim3A_292, %broadcast_in_dim3A_306, %broadcast_in_dim3A_320, %broadcast_in_dim3A_334, %broadcast_in_dim3A_348, %broadcast_in_dim3A_362, %broadcast_in_dim3A_376, %broadcast_in_dim3A_390, %broadcast_in_dim3A_404, %broadcast_in_dim3A_418, %broadcast_in_dim3A_432, %broadcast_in_dim3A_446, %broadcast_in_dim3A_460 in 1 : vector<256x1xi32>, vector<256x1xi32>, vector<256x1xi32>, vector<256x1xi32>, vector<256x1xi32>, vector<256x1xi32>, vector<256x1xi32>, vector<256x1xi32>, vector<256x1xi32>, vector<256x1xi32>, vector<256x1xi32>, vector<256x1xi32>, vector<256x1xi32>, vector<256x1xi32>, vector<256x1xi32>, vector<256x1xi32> -> vector<256x16xi32>
      %swap3A_462 = arith.constant 0 : index
      %swap3A_463 = arith.constant 0 : index
      %swap3A_464 = vector.load %arg4[%swap3A_462, %swap3A_463] : memref<256x16xi32, #tpu.memory_space<vmem>>, vector<256x16xi32>
      tpu.vector_store %arg4[%swap3A_462, %swap3A_463], %concatenate3A_461 {strides = array<i32>} : memref<256x16xi32, #tpu.memory_space<vmem>>, vector<256x16xi32>,
      %get3A_465 = arith.constant 0 : index
      %get3A_466 = arith.constant 0 : index
      %get3A_467 = vector.load %arg2[%get3A_465, %get3A_466] : memref<256x1024xf32, #tpu.memory_space<vmem>>, vector<256x1024xf32>
      %dot_general3A_468 = arith.constant dense<0.000000e+00> : vector<256x2048xf32>
      %dot_general3A_469 = tpu.matmul %get3A_467, %get3A_7, %dot_general3A_468 {dimension_numbers = #tpu.dot_dimension_numbers<[1], [1], [0], [0], [0, 0, 1, 0], [], []>, transpose_lhs_hint = false} : vector<256x1024xf32>, vector<2048x1024xf32>, vector<256x2048xf32> -> vector<256x2048xf32>
      %swap3A_470 = arith.constant 0 : index
      %swap3A_471 = arith.constant 0 : index
      %swap3A_472 = vector.load %arg7[%swap3A_470, %swap3A_471] : memref<256x2048xf32, #tpu.memory_space<vmem>>, vector<256x2048xf32>
      tpu.vector_store %arg7[%swap3A_470, %swap3A_471], %dot_general3A_469 {strides = array<i32>} : memref<256x2048xf32, #tpu.memory_space<vmem>>, vector<256x2048xf32>,
    } else {
    }
    %eq3A = arith.constant 4 : i32
    %eq3A_2 = arith.cmpi eq, %arg0, %eq3A : i32
    %convert_element_type3A_3 = arith.extui %eq3A_2 : i1 to i32
    %cond3A_4 = arith.constant 0 : i32
    %cond3A_5 = arith.cmpi ne, %convert_element_type3A_3, %cond3A_4 : i32
    scf.if %cond3A_5 {
      %get3A = arith.constant 0 : index
      %get3A_6 = arith.constant 0 : index
      %get3A_7 = vector.load %arg7[%get3A, %get3A_6] : memref<256x2048xf32, #tpu.memory_space<vmem>>, vector<256x2048xf32>
      %iota3A = tpu.iota {dimensions = array<i32: 1>} : vector<256x2048xi32>
      %reduce_max3A = arith.constant dense<0xFF800000> : vector<256xf32>
      %reduce_max3A_8 = vector.multi_reduction <maximumf>, %get3A_7, %reduce_max3A [1] : vector<256x2048xf32> to vector<256xf32>
      %broadcast_in_dim3A = vector.shape_cast %reduce_max3A_8 : vector<256xf32> to vector<256x1xf32>
      %eq3A_9 = vector.broadcast %broadcast_in_dim3A : vector<256x1xf32> to vector<256x2048xf32>
      %eq3A_10 = arith.cmpf oeq, %get3A_7, %eq3A_9 : vector<256x2048xf32>
      %jit3A = arith.constant 2048 : i32
      %broadcast_in_dim3A_11 = vector.broadcast %jit3A : i32 to vector<256x2048xi32>
      %select_n3A = arith.select %eq3A_10, %iota3A, %broadcast_in_dim3A_11 : vector<256x2048xi1>, vector<256x2048xi32>
      %reduce_min3A = arith.constant dense<2147483647> : vector<256xi32>
      %reduce_min3A_12 = vector.multi_reduction <minsi>, %select_n3A, %reduce_min3A [1] : vector<256x2048xi32> to vector<256xi32>
      %broadcast_in_dim3A_13 = vector.shape_cast %reduce_min3A_12 : vector<256xi32> to vector<256x1xi32>
      %jit3A_14 = arith.constant -3.000000e+38 : f32
      %broadcast_in_dim3A_15 = vector.broadcast %jit3A_14 : f32 to vector<256x2048xf32>
      %select_n3A_16 = arith.select %eq3A_10, %broadcast_in_dim3A_15, %get3A_7 : vector<256x2048xi1>, vector<256x2048xf32>
      %reduce_max3A_17 = arith.constant dense<0xFF800000> : vector<256xf32>
      %reduce_max3A_18 = vector.multi_reduction <maximumf>, %select_n3A_16, %reduce_max3A_17 [1] : vector<256x2048xf32> to vector<256xf32>
      %broadcast_in_dim3A_19 = vector.shape_cast %reduce_max3A_18 : vector<256xf32> to vector<256x1xf32>
      %eq3A_20 = vector.broadcast %broadcast_in_dim3A_19 : vector<256x1xf32> to vector<256x2048xf32>
      %eq3A_21 = arith.cmpf oeq, %select_n3A_16, %eq3A_20 : vector<256x2048xf32>
      %jit3A_22 = arith.constant 2048 : i32
      %broadcast_in_dim3A_23 = vector.broadcast %jit3A_22 : i32 to vector<256x2048xi32>
      %select_n3A_24 = arith.select %eq3A_21, %iota3A, %broadcast_in_dim3A_23 : vector<256x2048xi1>, vector<256x2048xi32>
      %reduce_min3A_25 = arith.constant dense<2147483647> : vector<256xi32>
      %reduce_min3A_26 = vector.multi_reduction <minsi>, %select_n3A_24, %reduce_min3A_25 [1] : vector<256x2048xi32> to vector<256xi32>
      %broadcast_in_dim3A_27 = vector.shape_cast %reduce_min3A_26 : vector<256xi32> to vector<256x1xi32>
      %jit3A_28 = arith.constant -3.000000e+38 : f32
      %broadcast_in_dim3A_29 = vector.broadcast %jit3A_28 : f32 to vector<256x2048xf32>
      %select_n3A_30 = arith.select %eq3A_21, %broadcast_in_dim3A_29, %select_n3A_16 : vector<256x2048xi1>, vector<256x2048xf32>
      %reduce_max3A_31 = arith.constant dense<0xFF800000> : vector<256xf32>
      %reduce_max3A_32 = vector.multi_reduction <maximumf>, %select_n3A_30, %reduce_max3A_31 [1] : vector<256x2048xf32> to vector<256xf32>
      %broadcast_in_dim3A_33 = vector.shape_cast %reduce_max3A_32 : vector<256xf32> to vector<256x1xf32>
      %eq3A_34 = vector.broadcast %broadcast_in_dim3A_33 : vector<256x1xf32> to vector<256x2048xf32>
      %eq3A_35 = arith.cmpf oeq, %select_n3A_30, %eq3A_34 : vector<256x2048xf32>
      %jit3A_36 = arith.constant 2048 : i32
      %broadcast_in_dim3A_37 = vector.broadcast %jit3A_36 : i32 to vector<256x2048xi32>
      %select_n3A_38 = arith.select %eq3A_35, %iota3A, %broadcast_in_dim3A_37 : vector<256x2048xi1>, vector<256x2048xi32>
      %reduce_min3A_39 = arith.constant dense<2147483647> : vector<256xi32>
      %reduce_min3A_40 = vector.multi_reduction <minsi>, %select_n3A_38, %reduce_min3A_39 [1] : vector<256x2048xi32> to vector<256xi32>
      %broadcast_in_dim3A_41 = vector.shape_cast %reduce_min3A_40 : vector<256xi32> to vector<256x1xi32>
      %jit3A_42 = arith.constant -3.000000e+38 : f32
      %broadcast_in_dim3A_43 = vector.broadcast %jit3A_42 : f32 to vector<256x2048xf32>
      %select_n3A_44 = arith.select %eq3A_35, %broadcast_in_dim3A_43, %select_n3A_30 : vector<256x2048xi1>, vector<256x2048xf32>
      %reduce_max3A_45 = arith.constant dense<0xFF800000> : vector<256xf32>
      %reduce_max3A_46 = vector.multi_reduction <maximumf>, %select_n3A_44, %reduce_max3A_45 [1] : vector<256x2048xf32> to vector<256xf32>
      %broadcast_in_dim3A_47 = vector.shape_cast %reduce_max3A_46 : vector<256xf32> to vector<256x1xf32>
      %eq3A_48 = vector.broadcast %broadcast_in_dim3A_47 : vector<256x1xf32> to vector<256x2048xf32>
      %eq3A_49 = arith.cmpf oeq, %select_n3A_44, %eq3A_48 : vector<256x2048xf32>
      %jit3A_50 = arith.constant 2048 : i32
      %broadcast_in_dim3A_51 = vector.broadcast %jit3A_50 : i32 to vector<256x2048xi32>
      %select_n3A_52 = arith.select %eq3A_49, %iota3A, %broadcast_in_dim3A_51 : vector<256x2048xi1>, vector<256x2048xi32>
      %reduce_min3A_53 = arith.constant dense<2147483647> : vector<256xi32>
      %reduce_min3A_54 = vector.multi_reduction <minsi>, %select_n3A_52, %reduce_min3A_53 [1] : vector<256x2048xi32> to vector<256xi32>
      %broadcast_in_dim3A_55 = vector.shape_cast %reduce_min3A_54 : vector<256xi32> to vector<256x1xi32>
      %jit3A_56 = arith.constant -3.000000e+38 : f32
      %broadcast_in_dim3A_57 = vector.broadcast %jit3A_56 : f32 to vector<256x2048xf32>
      %select_n3A_58 = arith.select %eq3A_49, %broadcast_in_dim3A_57, %select_n3A_44 : vector<256x2048xi1>, vector<256x2048xf32>
      %reduce_max3A_59 = arith.constant dense<0xFF800000> : vector<256xf32>
      %reduce_max3A_60 = vector.multi_reduction <maximumf>, %select_n3A_58, %reduce_max3A_59 [1] : vector<256x2048xf32> to vector<256xf32>
      %broadcast_in_dim3A_61 = vector.shape_cast %reduce_max3A_60 : vector<256xf32> to vector<256x1xf32>
      %eq3A_62 = vector.broadcast %broadcast_in_dim3A_61 : vector<256x1xf32> to vector<256x2048xf32>
      %eq3A_63 = arith.cmpf oeq, %select_n3A_58, %eq3A_62 : vector<256x2048xf32>
      %jit3A_64 = arith.constant 2048 : i32
      %broadcast_in_dim3A_65 = vector.broadcast %jit3A_64 : i32 to vector<256x2048xi32>
      %select_n3A_66 = arith.select %eq3A_63, %iota3A, %broadcast_in_dim3A_65 : vector<256x2048xi1>, vector<256x2048xi32>
      %reduce_min3A_67 = arith.constant dense<2147483647> : vector<256xi32>
      %reduce_min3A_68 = vector.multi_reduction <minsi>, %select_n3A_66, %reduce_min3A_67 [1] : vector<256x2048xi32> to vector<256xi32>
      %broadcast_in_dim3A_69 = vector.shape_cast %reduce_min3A_68 : vector<256xi32> to vector<256x1xi32>
      %jit3A_70 = arith.constant -3.000000e+38 : f32
      %broadcast_in_dim3A_71 = vector.broadcast %jit3A_70 : f32 to vector<256x2048xf32>
      %select_n3A_72 = arith.select %eq3A_63, %broadcast_in_dim3A_71, %select_n3A_58 : vector<256x2048xi1>, vector<256x2048xf32>
      %reduce_max3A_73 = arith.constant dense<0xFF800000> : vector<256xf32>
      %reduce_max3A_74 = vector.multi_reduction <maximumf>, %select_n3A_72, %reduce_max3A_73 [1] : vector<256x2048xf32> to vector<256xf32>
      %broadcast_in_dim3A_75 = vector.shape_cast %reduce_max3A_74 : vector<256xf32> to vector<256x1xf32>
      %eq3A_76 = vector.broadcast %broadcast_in_dim3A_75 : vector<256x1xf32> to vector<256x2048xf32>
      %eq3A_77 = arith.cmpf oeq, %select_n3A_72, %eq3A_76 : vector<256x2048xf32>
      %jit3A_78 = arith.constant 2048 : i32
      %broadcast_in_dim3A_79 = vector.broadcast %jit3A_78 : i32 to vector<256x2048xi32>
      %select_n3A_80 = arith.select %eq3A_77, %iota3A, %broadcast_in_dim3A_79 : vector<256x2048xi1>, vector<256x2048xi32>
      %reduce_min3A_81 = arith.constant dense<2147483647> : vector<256xi32>
      %reduce_min3A_82 = vector.multi_reduction <minsi>, %select_n3A_80, %reduce_min3A_81 [1] : vector<256x2048xi32> to vector<256xi32>
      %broadcast_in_dim3A_83 = vector.shape_cast %reduce_min3A_82 : vector<256xi32> to vector<256x1xi32>
      %jit3A_84 = arith.constant -3.000000e+38 : f32
      %broadcast_in_dim3A_85 = vector.broadcast %jit3A_84 : f32 to vector<256x2048xf32>
      %select_n3A_86 = arith.select %eq3A_77, %broadcast_in_dim3A_85, %select_n3A_72 : vector<256x2048xi1>, vector<256x2048xf32>
      %reduce_max3A_87 = arith.constant dense<0xFF800000> : vector<256xf32>
      %reduce_max3A_88 = vector.multi_reduction <maximumf>, %select_n3A_86, %reduce_max3A_87 [1] : vector<256x2048xf32> to vector<256xf32>
      %broadcast_in_dim3A_89 = vector.shape_cast %reduce_max3A_88 : vector<256xf32> to vector<256x1xf32>
      %eq3A_90 = vector.broadcast %broadcast_in_dim3A_89 : vector<256x1xf32> to vector<256x2048xf32>
      %eq3A_91 = arith.cmpf oeq, %select_n3A_86, %eq3A_90 : vector<256x2048xf32>
      %jit3A_92 = arith.constant 2048 : i32
      %broadcast_in_dim3A_93 = vector.broadcast %jit3A_92 : i32 to vector<256x2048xi32>
      %select_n3A_94 = arith.select %eq3A_91, %iota3A, %broadcast_in_dim3A_93 : vector<256x2048xi1>, vector<256x2048xi32>
      %reduce_min3A_95 = arith.constant dense<2147483647> : vector<256xi32>
      %reduce_min3A_96 = vector.multi_reduction <minsi>, %select_n3A_94, %reduce_min3A_95 [1] : vector<256x2048xi32> to vector<256xi32>
      %broadcast_in_dim3A_97 = vector.shape_cast %reduce_min3A_96 : vector<256xi32> to vector<256x1xi32>
      %jit3A_98 = arith.constant -3.000000e+38 : f32
      %broadcast_in_dim3A_99 = vector.broadcast %jit3A_98 : f32 to vector<256x2048xf32>
      %select_n3A_100 = arith.select %eq3A_91, %broadcast_in_dim3A_99, %select_n3A_86 : vector<256x2048xi1>, vector<256x2048xf32>
      %reduce_max3A_101 = arith.constant dense<0xFF800000> : vector<256xf32>
      %reduce_max3A_102 = vector.multi_reduction <maximumf>, %select_n3A_100, %reduce_max3A_101 [1] : vector<256x2048xf32> to vector<256xf32>
      %broadcast_in_dim3A_103 = vector.shape_cast %reduce_max3A_102 : vector<256xf32> to vector<256x1xf32>
      %eq3A_104 = vector.broadcast %broadcast_in_dim3A_103 : vector<256x1xf32> to vector<256x2048xf32>
      %eq3A_105 = arith.cmpf oeq, %select_n3A_100, %eq3A_104 : vector<256x2048xf32>
      %jit3A_106 = arith.constant 2048 : i32
      %broadcast_in_dim3A_107 = vector.broadcast %jit3A_106 : i32 to vector<256x2048xi32>
      %select_n3A_108 = arith.select %eq3A_105, %iota3A, %broadcast_in_dim3A_107 : vector<256x2048xi1>, vector<256x2048xi32>
      %reduce_min3A_109 = arith.constant dense<2147483647> : vector<256xi32>
      %reduce_min3A_110 = vector.multi_reduction <minsi>, %select_n3A_108, %reduce_min3A_109 [1] : vector<256x2048xi32> to vector<256xi32>
      %broadcast_in_dim3A_111 = vector.shape_cast %reduce_min3A_110 : vector<256xi32> to vector<256x1xi32>
      %jit3A_112 = arith.constant -3.000000e+38 : f32
      %broadcast_in_dim3A_113 = vector.broadcast %jit3A_112 : f32 to vector<256x2048xf32>
      %select_n3A_114 = arith.select %eq3A_105, %broadcast_in_dim3A_113, %select_n3A_100 : vector<256x2048xi1>, vector<256x2048xf32>
      %reduce_max3A_115 = arith.constant dense<0xFF800000> : vector<256xf32>
      %reduce_max3A_116 = vector.multi_reduction <maximumf>, %select_n3A_114, %reduce_max3A_115 [1] : vector<256x2048xf32> to vector<256xf32>
      %broadcast_in_dim3A_117 = vector.shape_cast %reduce_max3A_116 : vector<256xf32> to vector<256x1xf32>
      %eq3A_118 = vector.broadcast %broadcast_in_dim3A_117 : vector<256x1xf32> to vector<256x2048xf32>
      %eq3A_119 = arith.cmpf oeq, %select_n3A_114, %eq3A_118 : vector<256x2048xf32>
      %jit3A_120 = arith.constant 2048 : i32
      %broadcast_in_dim3A_121 = vector.broadcast %jit3A_120 : i32 to vector<256x2048xi32>
      %select_n3A_122 = arith.select %eq3A_119, %iota3A, %broadcast_in_dim3A_121 : vector<256x2048xi1>, vector<256x2048xi32>
      %reduce_min3A_123 = arith.constant dense<2147483647> : vector<256xi32>
      %reduce_min3A_124 = vector.multi_reduction <minsi>, %select_n3A_122, %reduce_min3A_123 [1] : vector<256x2048xi32> to vector<256xi32>
      %broadcast_in_dim3A_125 = vector.shape_cast %reduce_min3A_124 : vector<256xi32> to vector<256x1xi32>
      %jit3A_126 = arith.constant -3.000000e+38 : f32
      %broadcast_in_dim3A_127 = vector.broadcast %jit3A_126 : f32 to vector<256x2048xf32>
      %select_n3A_128 = arith.select %eq3A_119, %broadcast_in_dim3A_127, %select_n3A_114 : vector<256x2048xi1>, vector<256x2048xf32>
      %reduce_max3A_129 = arith.constant dense<0xFF800000> : vector<256xf32>
      %reduce_max3A_130 = vector.multi_reduction <maximumf>, %select_n3A_128, %reduce_max3A_129 [1] : vector<256x2048xf32> to vector<256xf32>
      %broadcast_in_dim3A_131 = vector.shape_cast %reduce_max3A_130 : vector<256xf32> to vector<256x1xf32>
      %eq3A_132 = vector.broadcast %broadcast_in_dim3A_131 : vector<256x1xf32> to vector<256x2048xf32>
      %eq3A_133 = arith.cmpf oeq, %select_n3A_128, %eq3A_132 : vector<256x2048xf32>
      %jit3A_134 = arith.constant 2048 : i32
      %broadcast_in_dim3A_135 = vector.broadcast %jit3A_134 : i32 to vector<256x2048xi32>
      %select_n3A_136 = arith.select %eq3A_133, %iota3A, %broadcast_in_dim3A_135 : vector<256x2048xi1>, vector<256x2048xi32>
      %reduce_min3A_137 = arith.constant dense<2147483647> : vector<256xi32>
      %reduce_min3A_138 = vector.multi_reduction <minsi>, %select_n3A_136, %reduce_min3A_137 [1] : vector<256x2048xi32> to vector<256xi32>
      %broadcast_in_dim3A_139 = vector.shape_cast %reduce_min3A_138 : vector<256xi32> to vector<256x1xi32>
      %jit3A_140 = arith.constant -3.000000e+38 : f32
      %broadcast_in_dim3A_141 = vector.broadcast %jit3A_140 : f32 to vector<256x2048xf32>
      %select_n3A_142 = arith.select %eq3A_133, %broadcast_in_dim3A_141, %select_n3A_128 : vector<256x2048xi1>, vector<256x2048xf32>
      %reduce_max3A_143 = arith.constant dense<0xFF800000> : vector<256xf32>
      %reduce_max3A_144 = vector.multi_reduction <maximumf>, %select_n3A_142, %reduce_max3A_143 [1] : vector<256x2048xf32> to vector<256xf32>
      %broadcast_in_dim3A_145 = vector.shape_cast %reduce_max3A_144 : vector<256xf32> to vector<256x1xf32>
      %eq3A_146 = vector.broadcast %broadcast_in_dim3A_145 : vector<256x1xf32> to vector<256x2048xf32>
      %eq3A_147 = arith.cmpf oeq, %select_n3A_142, %eq3A_146 : vector<256x2048xf32>
      %jit3A_148 = arith.constant 2048 : i32
      %broadcast_in_dim3A_149 = vector.broadcast %jit3A_148 : i32 to vector<256x2048xi32>
      %select_n3A_150 = arith.select %eq3A_147, %iota3A, %broadcast_in_dim3A_149 : vector<256x2048xi1>, vector<256x2048xi32>
      %reduce_min3A_151 = arith.constant dense<2147483647> : vector<256xi32>
      %reduce_min3A_152 = vector.multi_reduction <minsi>, %select_n3A_150, %reduce_min3A_151 [1] : vector<256x2048xi32> to vector<256xi32>
      %broadcast_in_dim3A_153 = vector.shape_cast %reduce_min3A_152 : vector<256xi32> to vector<256x1xi32>
      %jit3A_154 = arith.constant -3.000000e+38 : f32
      %broadcast_in_dim3A_155 = vector.broadcast %jit3A_154 : f32 to vector<256x2048xf32>
      %select_n3A_156 = arith.select %eq3A_147, %broadcast_in_dim3A_155, %select_n3A_142 : vector<256x2048xi1>, vector<256x2048xf32>
      %reduce_max3A_157 = arith.constant dense<0xFF800000> : vector<256xf32>
      %reduce_max3A_158 = vector.multi_reduction <maximumf>, %select_n3A_156, %reduce_max3A_157 [1] : vector<256x2048xf32> to vector<256xf32>
      %broadcast_in_dim3A_159 = vector.shape_cast %reduce_max3A_158 : vector<256xf32> to vector<256x1xf32>
      %eq3A_160 = vector.broadcast %broadcast_in_dim3A_159 : vector<256x1xf32> to vector<256x2048xf32>
      %eq3A_161 = arith.cmpf oeq, %select_n3A_156, %eq3A_160 : vector<256x2048xf32>
      %jit3A_162 = arith.constant 2048 : i32
      %broadcast_in_dim3A_163 = vector.broadcast %jit3A_162 : i32 to vector<256x2048xi32>
      %select_n3A_164 = arith.select %eq3A_161, %iota3A, %broadcast_in_dim3A_163 : vector<256x2048xi1>, vector<256x2048xi32>
      %reduce_min3A_165 = arith.constant dense<2147483647> : vector<256xi32>
      %reduce_min3A_166 = vector.multi_reduction <minsi>, %select_n3A_164, %reduce_min3A_165 [1] : vector<256x2048xi32> to vector<256xi32>
      %broadcast_in_dim3A_167 = vector.shape_cast %reduce_min3A_166 : vector<256xi32> to vector<256x1xi32>
      %jit3A_168 = arith.constant -3.000000e+38 : f32
      %broadcast_in_dim3A_169 = vector.broadcast %jit3A_168 : f32 to vector<256x2048xf32>
      %select_n3A_170 = arith.select %eq3A_161, %broadcast_in_dim3A_169, %select_n3A_156 : vector<256x2048xi1>, vector<256x2048xf32>
      %reduce_max3A_171 = arith.constant dense<0xFF800000> : vector<256xf32>
      %reduce_max3A_172 = vector.multi_reduction <maximumf>, %select_n3A_170, %reduce_max3A_171 [1] : vector<256x2048xf32> to vector<256xf32>
      %broadcast_in_dim3A_173 = vector.shape_cast %reduce_max3A_172 : vector<256xf32> to vector<256x1xf32>
      %eq3A_174 = vector.broadcast %broadcast_in_dim3A_173 : vector<256x1xf32> to vector<256x2048xf32>
      %eq3A_175 = arith.cmpf oeq, %select_n3A_170, %eq3A_174 : vector<256x2048xf32>
      %jit3A_176 = arith.constant 2048 : i32
      %broadcast_in_dim3A_177 = vector.broadcast %jit3A_176 : i32 to vector<256x2048xi32>
      %select_n3A_178 = arith.select %eq3A_175, %iota3A, %broadcast_in_dim3A_177 : vector<256x2048xi1>, vector<256x2048xi32>
      %reduce_min3A_179 = arith.constant dense<2147483647> : vector<256xi32>
      %reduce_min3A_180 = vector.multi_reduction <minsi>, %select_n3A_178, %reduce_min3A_179 [1] : vector<256x2048xi32> to vector<256xi32>
      %broadcast_in_dim3A_181 = vector.shape_cast %reduce_min3A_180 : vector<256xi32> to vector<256x1xi32>
      %jit3A_182 = arith.constant -3.000000e+38 : f32
      %broadcast_in_dim3A_183 = vector.broadcast %jit3A_182 : f32 to vector<256x2048xf32>
      %select_n3A_184 = arith.select %eq3A_175, %broadcast_in_dim3A_183, %select_n3A_170 : vector<256x2048xi1>, vector<256x2048xf32>
      %reduce_max3A_185 = arith.constant dense<0xFF800000> : vector<256xf32>
      %reduce_max3A_186 = vector.multi_reduction <maximumf>, %select_n3A_184, %reduce_max3A_185 [1] : vector<256x2048xf32> to vector<256xf32>
      %broadcast_in_dim3A_187 = vector.shape_cast %reduce_max3A_186 : vector<256xf32> to vector<256x1xf32>
      %eq3A_188 = vector.broadcast %broadcast_in_dim3A_187 : vector<256x1xf32> to vector<256x2048xf32>
      %eq3A_189 = arith.cmpf oeq, %select_n3A_184, %eq3A_188 : vector<256x2048xf32>
      %jit3A_190 = arith.constant 2048 : i32
      %broadcast_in_dim3A_191 = vector.broadcast %jit3A_190 : i32 to vector<256x2048xi32>
      %select_n3A_192 = arith.select %eq3A_189, %iota3A, %broadcast_in_dim3A_191 : vector<256x2048xi1>, vector<256x2048xi32>
      %reduce_min3A_193 = arith.constant dense<2147483647> : vector<256xi32>
      %reduce_min3A_194 = vector.multi_reduction <minsi>, %select_n3A_192, %reduce_min3A_193 [1] : vector<256x2048xi32> to vector<256xi32>
      %broadcast_in_dim3A_195 = vector.shape_cast %reduce_min3A_194 : vector<256xi32> to vector<256x1xi32>
      %jit3A_196 = arith.constant -3.000000e+38 : f32
      %broadcast_in_dim3A_197 = vector.broadcast %jit3A_196 : f32 to vector<256x2048xf32>
      %select_n3A_198 = arith.select %eq3A_189, %broadcast_in_dim3A_197, %select_n3A_184 : vector<256x2048xi1>, vector<256x2048xf32>
      %reduce_max3A_199 = arith.constant dense<0xFF800000> : vector<256xf32>
      %reduce_max3A_200 = vector.multi_reduction <maximumf>, %select_n3A_198, %reduce_max3A_199 [1] : vector<256x2048xf32> to vector<256xf32>
      %broadcast_in_dim3A_201 = vector.shape_cast %reduce_max3A_200 : vector<256xf32> to vector<256x1xf32>
      %eq3A_202 = vector.broadcast %broadcast_in_dim3A_201 : vector<256x1xf32> to vector<256x2048xf32>
      %eq3A_203 = arith.cmpf oeq, %select_n3A_198, %eq3A_202 : vector<256x2048xf32>
      %jit3A_204 = arith.constant 2048 : i32
      %broadcast_in_dim3A_205 = vector.broadcast %jit3A_204 : i32 to vector<256x2048xi32>
      %select_n3A_206 = arith.select %eq3A_203, %iota3A, %broadcast_in_dim3A_205 : vector<256x2048xi1>, vector<256x2048xi32>
      %reduce_min3A_207 = arith.constant dense<2147483647> : vector<256xi32>
      %reduce_min3A_208 = vector.multi_reduction <minsi>, %select_n3A_206, %reduce_min3A_207 [1] : vector<256x2048xi32> to vector<256xi32>
      %broadcast_in_dim3A_209 = vector.shape_cast %reduce_min3A_208 : vector<256xi32> to vector<256x1xi32>
      %jit3A_210 = arith.constant -3.000000e+38 : f32
      %broadcast_in_dim3A_211 = vector.broadcast %jit3A_210 : f32 to vector<256x2048xf32>
      %select_n3A_212 = arith.select %eq3A_203, %broadcast_in_dim3A_211, %select_n3A_198 : vector<256x2048xi1>, vector<256x2048xf32>
      %reduce_max3A_213 = arith.constant dense<0xFF800000> : vector<256xf32>
      %reduce_max3A_214 = vector.multi_reduction <maximumf>, %select_n3A_212, %reduce_max3A_213 [1] : vector<256x2048xf32> to vector<256xf32>
      %broadcast_in_dim3A_215 = vector.shape_cast %reduce_max3A_214 : vector<256xf32> to vector<256x1xf32>
      %eq3A_216 = vector.broadcast %broadcast_in_dim3A_215 : vector<256x1xf32> to vector<256x2048xf32>
      %eq3A_217 = arith.cmpf oeq, %select_n3A_212, %eq3A_216 : vector<256x2048xf32>
      %jit3A_218 = arith.constant 2048 : i32
      %broadcast_in_dim3A_219 = vector.broadcast %jit3A_218 : i32 to vector<256x2048xi32>
      %select_n3A_220 = arith.select %eq3A_217, %iota3A, %broadcast_in_dim3A_219 : vector<256x2048xi1>, vector<256x2048xi32>
      %reduce_min3A_221 = arith.constant dense<2147483647> : vector<256xi32>
      %reduce_min3A_222 = vector.multi_reduction <minsi>, %select_n3A_220, %reduce_min3A_221 [1] : vector<256x2048xi32> to vector<256xi32>
      %broadcast_in_dim3A_223 = vector.shape_cast %reduce_min3A_222 : vector<256xi32> to vector<256x1xi32>
      %concatenate3A = tpu.concatenate %broadcast_in_dim3A_13, %broadcast_in_dim3A_27, %broadcast_in_dim3A_41, %broadcast_in_dim3A_55, %broadcast_in_dim3A_69, %broadcast_in_dim3A_83, %broadcast_in_dim3A_97, %broadcast_in_dim3A_111, %broadcast_in_dim3A_125, %broadcast_in_dim3A_139, %broadcast_in_dim3A_153, %broadcast_in_dim3A_167, %broadcast_in_dim3A_181, %broadcast_in_dim3A_195, %broadcast_in_dim3A_209, %broadcast_in_dim3A_223 in 1 : vector<256x1xi32>, vector<256x1xi32>, vector<256x1xi32>, vector<256x1xi32>, vector<256x1xi32>, vector<256x1xi32>, vector<256x1xi32>, vector<256x1xi32>, vector<256x1xi32>, vector<256x1xi32>, vector<256x1xi32>, vector<256x1xi32>, vector<256x1xi32>, vector<256x1xi32>, vector<256x1xi32>, vector<256x1xi32> -> vector<256x16xi32>
      %swap3A = arith.constant 0 : index
      %swap3A_224 = arith.constant 0 : index
      %swap3A_225 = vector.load %arg5[%swap3A, %swap3A_224] : memref<256x16xi32, #tpu.memory_space<vmem>>, vector<256x16xi32>
      tpu.vector_store %arg5[%swap3A, %swap3A_224], %concatenate3A {strides = array<i32>} : memref<256x16xi32, #tpu.memory_space<vmem>>, vector<256x16xi32>,
    } else {
    }
    return
  }
  func.func @transform_0(%arg0: i32) -> (i32, i32) {
    %mul3A = arith.constant 2 : i32
    %mul3A_0 = arith.muli %mul3A, %arg0 : i32
    %min3A = arith.constant 6 : i32
    %min3A_1 = arith.minsi %mul3A_0, %min3A : i32
    %c0_i32 = arith.constant 0 : i32
    %c0_i32_2 = arith.constant 0 : i32
    return %min3A_1, %c0_i32 : i32, i32
  }
  func.func @transform_1(%arg0: i32) -> (i32, i32) {
    %mul3A = arith.constant 2 : i32
    %mul3A_0 = arith.muli %mul3A, %arg0 : i32
    %add3A = arith.constant 1 : i32
    %add3A_1 = arith.addi %mul3A_0, %add3A : i32
    %min3A = arith.constant 7 : i32
    %min3A_2 = arith.minsi %add3A_1, %min3A : i32
    %c0_i32 = arith.constant 0 : i32
    %c0_i32_3 = arith.constant 0 : i32
    return %min3A_2, %c0_i32 : i32, i32
  }
  func.func @transform_2(%arg0: i32) -> (i32, i32) {
    %c0_i32 = arith.constant 0 : i32
    %c0_i32_0 = arith.constant 0 : i32
    %c0_i32_1 = arith.constant 0 : i32
    return %c0_i32, %c0_i32_0 : i32, i32
  }
  func.func @transform_3(%arg0: i32) -> (i32, i32) {
    %min3A = arith.constant 3 : i32
    %min3A_0 = arith.minsi %arg0, %min3A : i32
    %c0_i32 = arith.constant 0 : i32
    %c0_i32_1 = arith.constant 0 : i32
    return %min3A_0, %c0_i32 : i32, i32
  }
  func.func @transform_4(%arg0: i32) -> (i32, i32) {
    %sub3A = arith.constant 1 : i32
    %sub3A_0 = arith.subi %arg0, %sub3A : i32
    %max3A = arith.constant 0 : i32
    %max3A_1 = arith.maxsi %sub3A_0, %max3A : i32
    %c0_i32 = arith.constant 0 : i32
    %c0_i32_2 = arith.constant 0 : i32
    return %max3A_1, %c0_i32 : i32, i32
  }
}

module attributes {stable_mosaic.version = 14 : i64} {
  func.func @_xw_body(%arg0: i32, %arg1: memref<256x1024xf32, #tpu.memory_space<vmem>>, %arg2: memref<512x1024xf32, #tpu.memory_space<vmem>>, %arg3: memref<256x512xbf16, #tpu.memory_space<vmem>>) attributes {dimension_semantics = [#tpu.dimension_semantics<arbitrary>], iteration_bounds = array<i64: 8>, scalar_prefetch = 0 : i64, scratch_operands = 0 : i64, tpu.core_type = #tpu.core_type<tc>, window_params = [{transform_indices = @transform_0, window_bounds = array<i64: 256, 1024>}, {pipeline_mode = #tpu.pipeline_mode<synchronous>, transform_indices = @transform_1, window_bounds = array<i64: 512, 1024>}, {transform_indices = @transform_2, window_bounds = array<i64: 256, 512>}]} {
    %get3A = arith.constant 0 : index
    %get3A_0 = arith.constant 0 : index
    %get3A_1 = vector.load %arg1[%get3A, %get3A_0] : memref<256x1024xf32, #tpu.memory_space<vmem>>, vector<256x1024xf32>
    %get3A_2 = arith.constant 0 : index
    %get3A_3 = arith.constant 0 : index
    %get3A_4 = vector.load %arg2[%get3A_2, %get3A_3] : memref<512x1024xf32, #tpu.memory_space<vmem>>, vector<512x1024xf32>
    %dot_general3A = arith.constant dense<0.000000e+00> : vector<256x512xf32>
    %dot_general3A_5 = tpu.matmul %get3A_1, %get3A_4, %dot_general3A {dimension_numbers = #tpu.dot_dimension_numbers<[1], [1], [0], [0], [0, 0, 1, 0], [], []>, transpose_lhs_hint = false} : vector<256x1024xf32>, vector<512x1024xf32>, vector<256x512xf32> -> vector<256x512xf32>
    %convert_element_type3A = arith.truncf %dot_general3A_5 : vector<256x512xf32> to vector<256x512xbf16>
    %swap3A = arith.constant 0 : index
    %swap3A_6 = arith.constant 0 : index
    %swap3A_7 = vector.load %arg3[%swap3A, %swap3A_6] : memref<256x512xbf16, #tpu.memory_space<vmem>>, vector<256x512xbf16>
    tpu.vector_store %arg3[%swap3A, %swap3A_6], %convert_element_type3A {strides = array<i32>} : memref<256x512xbf16, #tpu.memory_space<vmem>>, vector<256x512xbf16>,
    return
  }
  func.func @transform_0(%arg0: i32) -> (i32, i32) {
    %c0_i32 = arith.constant 0 : i32
    %c0_i32_0 = arith.constant 0 : i32
    return %arg0, %c0_i32 : i32, i32
  }
  func.func @transform_1(%arg0: i32) -> (i32, i32) {
    %c0_i32 = arith.constant 0 : i32
    %c0_i32_0 = arith.constant 0 : i32
    %c0_i32_1 = arith.constant 0 : i32
    return %c0_i32, %c0_i32_0 : i32, i32
  }
  func.func @transform_2(%arg0: i32) -> (i32, i32) {
    %c0_i32 = arith.constant 0 : i32
    %c0_i32_0 = arith.constant 0 : i32
    return %arg0, %c0_i32 : i32, i32
  }
}

module attributes {stable_mosaic.version = 14 : i64} {
  func.func @_layer_body(%arg0: i32, %arg1: memref<256x2048xbf16, #tpu.memory_space<vmem>>, %arg2: memref<2048x512xbf16, #tpu.memory_space<vmem>>, %arg3: memref<1x512xf32, #tpu.memory_space<vmem>>, %arg4: memref<512x512xf32, #tpu.memory_space<vmem>>, %arg5: memref<256x512xbf16, #tpu.memory_space<vmem>>) attributes {dimension_semantics = [#tpu.dimension_semantics<arbitrary>], iteration_bounds = array<i64: 8>, scalar_prefetch = 0 : i64, scratch_operands = 0 : i64, tpu.core_type = #tpu.core_type<tc>, window_params = [{transform_indices = @transform_0, window_bounds = array<i64: 256, 2048>}, {pipeline_mode = #tpu.pipeline_mode<synchronous>, transform_indices = @transform_1, window_bounds = array<i64: 2048, 512>}, {pipeline_mode = #tpu.pipeline_mode<synchronous>, transform_indices = @transform_2, window_bounds = array<i64: 1, 512>}, {pipeline_mode = #tpu.pipeline_mode<synchronous>, transform_indices = @transform_3, window_bounds = array<i64: 512, 512>}, {transform_indices = @transform_4, window_bounds = array<i64: 256, 512>}]} {
    %get3A = arith.constant 0 : index
    %get3A_0 = arith.constant 0 : index
    %get3A_1 = vector.load %arg1[%get3A, %get3A_0] : memref<256x2048xbf16, #tpu.memory_space<vmem>>, vector<256x2048xbf16>
    %get3A_2 = arith.constant 0 : index
    %get3A_3 = arith.constant 0 : index
    %get3A_4 = vector.load %arg2[%get3A_2, %get3A_3] : memref<2048x512xbf16, #tpu.memory_space<vmem>>, vector<2048x512xbf16>
    %dot_general3A = arith.constant dense<0.000000e+00> : vector<256x512xf32>
    %dot_general3A_5 = tpu.matmul %get3A_1, %get3A_4, %dot_general3A {dimension_numbers = #tpu.dot_dimension_numbers<[1], [0], [0], [1], [0, 0, 1, 1], [], []>, transpose_lhs_hint = false} : vector<256x2048xbf16>, vector<2048x512xbf16>, vector<256x512xf32> -> vector<256x512xf32>
    %get3A_6 = arith.constant 0 : index
    %get3A_7 = arith.constant 0 : index
    %get3A_8 = vector.load %arg3[%get3A_6, %get3A_7] : memref<1x512xf32, #tpu.memory_space<vmem>>, vector<1x512xf32>
    %add3A = vector.broadcast %get3A_8 : vector<1x512xf32> to vector<256x512xf32>
    %add3A_9 = arith.addf %dot_general3A_5, %add3A : vector<256x512xf32>
    %max3A = arith.constant 0.000000e+00 : f32
    %max3A_10 = vector.broadcast %max3A : f32 to vector<256x512xf32>
    %max3A_11 = arith.maximumf %add3A_9, %max3A_10 : vector<256x512xf32>
    %get3A_12 = arith.constant 0 : index
    %get3A_13 = arith.constant 0 : index
    %get3A_14 = vector.load %arg4[%get3A_12, %get3A_13] : memref<512x512xf32, #tpu.memory_space<vmem>>, vector<512x512xf32>
    %dot_general3A_15 = arith.constant dense<0.000000e+00> : vector<256x512xf32>
    %dot_general3A_16 = tpu.matmul %max3A_11, %get3A_14, %dot_general3A_15 {dimension_numbers = #tpu.dot_dimension_numbers<[1], [1], [0], [0], [0, 0, 1, 0], [], []>, transpose_lhs_hint = false} : vector<256x512xf32>, vector<512x512xf32>, vector<256x512xf32> -> vector<256x512xf32>
    %convert_element_type3A = arith.truncf %dot_general3A_16 : vector<256x512xf32> to vector<256x512xbf16>
    %swap3A = arith.constant 0 : index
    %swap3A_17 = arith.constant 0 : index
    %swap3A_18 = vector.load %arg5[%swap3A, %swap3A_17] : memref<256x512xbf16, #tpu.memory_space<vmem>>, vector<256x512xbf16>
    tpu.vector_store %arg5[%swap3A, %swap3A_17], %convert_element_type3A {strides = array<i32>} : memref<256x512xbf16, #tpu.memory_space<vmem>>, vector<256x512xbf16>,
    return
  }
  func.func @transform_0(%arg0: i32) -> (i32, i32) {
    %c0_i32 = arith.constant 0 : i32
    %c0_i32_0 = arith.constant 0 : i32
    return %arg0, %c0_i32 : i32, i32
  }
  func.func @transform_1(%arg0: i32) -> (i32, i32) {
    %c0_i32 = arith.constant 0 : i32
    %c0_i32_0 = arith.constant 0 : i32
    %c0_i32_1 = arith.constant 0 : i32
    return %c0_i32, %c0_i32_0 : i32, i32
  }
  func.func @transform_2(%arg0: i32) -> (i32, i32) {
    %c0_i32 = arith.constant 0 : i32
    %c0_i32_0 = arith.constant 0 : i32
    %c0_i32_1 = arith.constant 0 : i32
    return %c0_i32, %c0_i32_0 : i32, i32
  }
  func.func @transform_3(%arg0: i32) -> (i32, i32) {
    %c0_i32 = arith.constant 0 : i32
    %c0_i32_0 = arith.constant 0 : i32
    %c0_i32_1 = arith.constant 0 : i32
    return %c0_i32, %c0_i32_0 : i32, i32
  }
  func.func @transform_4(%arg0: i32) -> (i32, i32) {
    %c0_i32 = arith.constant 0 : i32
    %c0_i32_0 = arith.constant 0 : i32
    return %arg0, %c0_i32 : i32, i32
  }
}

module attributes {stable_mosaic.version = 14 : i64} {
  func.func @_out_body(%arg0: i32, %arg1: memref<256x2048xbf16, #tpu.memory_space<vmem>>, %arg2: memref<2048x512xbf16, #tpu.memory_space<vmem>>, %arg3: memref<1x512xf32, #tpu.memory_space<vmem>>, %arg4: memref<256x512xf32, #tpu.memory_space<vmem>>) attributes {dimension_semantics = [#tpu.dimension_semantics<arbitrary>], iteration_bounds = array<i64: 8>, scalar_prefetch = 0 : i64, scratch_operands = 0 : i64, tpu.core_type = #tpu.core_type<tc>, window_params = [{transform_indices = @transform_0, window_bounds = array<i64: 256, 2048>}, {pipeline_mode = #tpu.pipeline_mode<synchronous>, transform_indices = @transform_1, window_bounds = array<i64: 2048, 512>}, {pipeline_mode = #tpu.pipeline_mode<synchronous>, transform_indices = @transform_2, window_bounds = array<i64: 1, 512>}, {transform_indices = @transform_3, window_bounds = array<i64: 256, 512>}]} {
    %get3A = arith.constant 0 : index
    %get3A_0 = arith.constant 0 : index
    %get3A_1 = vector.load %arg1[%get3A, %get3A_0] : memref<256x2048xbf16, #tpu.memory_space<vmem>>, vector<256x2048xbf16>
    %get3A_2 = arith.constant 0 : index
    %get3A_3 = arith.constant 0 : index
    %get3A_4 = vector.load %arg2[%get3A_2, %get3A_3] : memref<2048x512xbf16, #tpu.memory_space<vmem>>, vector<2048x512xbf16>
    %dot_general3A = arith.constant dense<0.000000e+00> : vector<256x512xf32>
    %dot_general3A_5 = tpu.matmul %get3A_1, %get3A_4, %dot_general3A {dimension_numbers = #tpu.dot_dimension_numbers<[1], [0], [0], [1], [0, 0, 1, 1], [], []>, transpose_lhs_hint = false} : vector<256x2048xbf16>, vector<2048x512xbf16>, vector<256x512xf32> -> vector<256x512xf32>
    %get3A_6 = arith.constant 0 : index
    %get3A_7 = arith.constant 0 : index
    %get3A_8 = vector.load %arg3[%get3A_6, %get3A_7] : memref<1x512xf32, #tpu.memory_space<vmem>>, vector<1x512xf32>
    %add3A = vector.broadcast %get3A_8 : vector<1x512xf32> to vector<256x512xf32>
    %add3A_9 = arith.addf %dot_general3A_5, %add3A : vector<256x512xf32>
    %swap3A = arith.constant 0 : index
    %swap3A_10 = arith.constant 0 : index
    %swap3A_11 = vector.load %arg4[%swap3A, %swap3A_10] : memref<256x512xf32, #tpu.memory_space<vmem>>, vector<256x512xf32>
    tpu.vector_store %arg4[%swap3A, %swap3A_10], %add3A_9 {strides = array<i32>} : memref<256x512xf32, #tpu.memory_space<vmem>>, vector<256x512xf32>,
    return
  }
  func.func @transform_0(%arg0: i32) -> (i32, i32) {
    %c0_i32 = arith.constant 0 : i32
    %c0_i32_0 = arith.constant 0 : i32
    return %arg0, %c0_i32 : i32, i32
  }
  func.func @transform_1(%arg0: i32) -> (i32, i32) {
    %c0_i32 = arith.constant 0 : i32
    %c0_i32_0 = arith.constant 0 : i32
    %c0_i32_1 = arith.constant 0 : i32
    return %c0_i32, %c0_i32_0 : i32, i32
  }
  func.func @transform_2(%arg0: i32) -> (i32, i32) {
    %c0_i32 = arith.constant 0 : i32
    %c0_i32_0 = arith.constant 0 : i32
    %c0_i32_1 = arith.constant 0 : i32
    return %c0_i32, %c0_i32_0 : i32, i32
  }
  func.func @transform_3(%arg0: i32) -> (i32, i32) {
    %c0_i32 = arith.constant 0 : i32
    %c0_i32_0 = arith.constant 0 : i32
    return %arg0, %c0_i32 : i32, i32
  }
}

</mosaic_0001>

<sc_bundles>
// kernel: kernel.12.cloned.1.call-start
scs
__scs_entry_jumppad:
0x0: {  	(pc) =	sbr.rel $0x88, $3  }
0x1: {  	(tag) =	ssettag $0x0;
	lr =	simm.s32 $0x1  }
0x2: {  	[smem:$0x3F9C] =	sst lr;
	_ =	strace $0xD0000000  }
0x3: {  	_ = 	snop  }
0x4: {  	_ = 	snop  }
0x5: {  	_ = 	snop  }
0x6: {  	_ = 	snop  }
0x7: {  	_ = 	snop  }
__scs_overlays_trampoline_lowered:
0x8: {  	[smem:$0x3FAB] =	sst s0  }
0x9: {  	[smem:$0x3FAC] =	sst s1  }
0xa: {  	[smem:$0x3FAD] =	sst s2  }
0xb: {  	[smem:$0x3FAE] =	sst s3  }
0xc: {  	[smem:$0x3FAF] =	sst s4  }
0xd: {  	[smem:$0x3FB0] =	sst s5  }
0xe: {  	[smem:$0x3FB1] =	sst s6  }
0xf: {  	[smem:$0x3FB2] =	sst s7  }
0x10: {  	[smem:$0x3FB3] =	sst s8  }
0x11: {  	[smem:$0x3FB4] =	sst s9;
	s0 =	simm.s32 @!p0 $0x0  }
0x12: {  	s1 =	sld [smem:$0x3F9A];
	s0 =	simm.s32 @p0 $0x1  }
0x13: {  	[smem:$0x3FB5] =	sst s0;
	s0 =	simm.s32 @!p1 $0x0  }
0x14: {  	s2 =	sld [smem:$0x3F99];
	s0 =	simm.s32 @p1 $0x1  }
0x15: {  	[smem:$0x3FB6] =	sst s0;
	s0 =	simm.s32 @!p2 $0x0  }
0x16: {  	s3 =	sld [smem:$0x3FDB];
	s0 =	simm.s32 @p2 $0x1  }
0x17: {  	s4 =	simm.s32 $0x1BF5;
	[smem:$0x3FB8] =	sst s0  }
0x18: {  	s0 =	sld [smem:$0x3F9B];
	_ =	swait.ge [sflag:s4], $0x0  }
0x19: {  	s7 =	sld [smem:$0x3F9C]  }
0x1a: {  	s8 =	sadd.s32 $0xFFFFE003, lr  }
0x1b: {  	s9 =	sadd.s32 $0xFFFFFEF7, lr;
	s5 =	simm.s32 $0xFFFFFFFF;
	p2 =	slt.u32 s8, $0xFFFFF086  }
0x1c: {  	p1 =	slt.u32 s9, $0xF7A;
	s5 =	simm.s32 @!p2 $0x0  }
0x1d: {  	s5 =	simm.s32 @p1 $0x1;
	p0 =	seq.s32 s7, s2  }
0x1e: {  	s7 =	smul.u32 @!p0 $0xF7A, s2;
	p2 =	seq.s32 @!p0 s5, $0x0  }
0x1f: {  	s9 =	smul.u32 $0xF7A, s1;
	s8 =	simm.s32 @!p0 $0x1BF5;
	p2 =	por !p2, p0  }
0x20: {  	[sflag:s8] =	ssyncset.s32 @!p0 $0xFFFFF086;
	s6 =	sadd.s32 @!p0 s3, s7;
	s7 =	simm.s32 @!p0 $0x108  }
0x21: {  	s3 =	sadd.s32 s3, s9;
	s6 =	sadd.s32 @!p0 $0x88, s6;
	s7 =	simm.s32 @p2 $0x1082  }
0x22: {  	[simem:s7], [sflag:s8] =	dma.local @!p0 [hbm:s6], $0xF7A  }
0x23: {  	s9 =	sor.u32 $0xD0000000, s2;
	s6 =	simm.s32 $0x108;
	_ =	swait.ge @!p0 [sflag:s8], $0x0  }
0x24: {  	s3 =	sadd.s32 $0x88, s3;
	s6 =	simm.s32 @!p1 $0x1082;
	[sflag:s4] =	ssyncset.s32 $0xFFFFF086  }
0x25: {  	[simem:s6], [sflag:s4] =	dma.local [hbm:s3], $0xF7A  }
0x26: {  	[smem:$0x3F9C] =	sst s1;
	(tag) =	ssettag s2;
	_ =	strace s9  }
0x27: {  	s1 =	sld [smem:$0x3FAC]  }
0x28: {  	s2 =	sld [smem:$0x3FAD]  }
0x29: {  	s4 =	sld [smem:$0x3FAF]  }
0x2a: {  	p0 =	seq.s32 s5, $0x0;
	s5 =	sld [smem:$0x3FB0]  }
0x2b: {  	s6 =	sld [smem:$0x3FB1]  }
0x2c: {  	s7 =	sld [smem:$0x3FB2]  }
0x2d: {  	s3 =	simm.s32 $0x108;
	s8 =	sld [smem:$0x3FB3]  }
0x2e: {  	s3 =	simm.s32 @!p0 $0x1082;
	s9 =	sld [smem:$0x3FB4]  }
0x2f: {  	lr =	sadd.s32 s0, s3;
	s0 =	sld [smem:$0x3FAB]  }
0x30: {  	s3 =	sld [smem:$0x3FAE]  }
0x31: {  	[smem:$0x3FB7] =	sst s10  }
0x32: {  	s10 =	sld [smem:$0x3FB5];
	_ =	sdelay $0x3  }
0x33: {  	p0 =	seq.s32 s10, $0x1;
	s10 =	sld [smem:$0x3FB7];
	_ =	sdelay $0x3  }
0x34: {  	[smem:$0x3FB7] =	sst s10  }
0x35: {  	s10 =	sld [smem:$0x3FB6];
	_ =	sdelay $0x3  }
0x36: {  	p1 =	seq.s32 s10, $0x1;
	s10 =	sld [smem:$0x3FB7];
	_ =	sdelay $0x3  }
0x37: {  	[smem:$0x3FB7] =	sst s10  }
0x38: {  	s10 =	sld [smem:$0x3FB8]  }
0x39: {  	_ = 	snop;
	(pc) =	sbr.ind lr, $3  }
0x3a: {  	_ = 	snop  }
0x3b: {  	_ = 	snop  }
0x3c: {  	p2 =	seq.s32 s10, $0x1;
	s10 =	sld [smem:$0x3FB7]  }
0x3d: {  	_ =	shalt  }
0x3e: {  	_ =	shalt  }
0x3f: {  	_ =	shalt  }
0x40: {  	_ =	shalt  }
0x41: {  	_ =	shalt  }
0x42: {  	_ =	shalt  }
0x43: {  	_ =	shalt  }
0x44: {  	_ =	shalt  }
0x45: {  	_ =	shalt  }
0x46: {  	_ =	shalt  }
0x47: {  	_ =	shalt  }
0x48: {  	_ =	shalt  }
0x49: {  	_ =	shalt  }
0x4a: {  	_ =	shalt  }
0x4b: {  	_ =	shalt  }
0x4c: {  	_ =	shalt  }
0x4d: {  	_ =	shalt  }
0x4e: {  	_ =	shalt  }
0x4f: {  	_ =	shalt  }
0x50: {  	_ =	shalt  }
0x51: {  	_ =	shalt  }
0x52: {  	_ =	shalt  }
0x53: {  	_ =	shalt  }
0x54: {  	_ =	shalt  }
0x55: {  	_ =	shalt  }
0x56: {  	_ =	shalt  }
0x57: {  	_ =	shalt  }
0x58: {  	_ =	shalt  }
0x59: {  	_ =	shalt  }
0x5a: {  	_ =	shalt  }
0x5b: {  	_ =	shalt  }
0x5c: {  	_ =	shalt  }
0x5d: {  	_ =	shalt  }
0x5e: {  	_ =	shalt  }
0x5f: {  	_ =	shalt  }
0x60: {  	_ =	shalt  }
0x61: {  	_ =	shalt  }
0x62: {  	_ =	shalt  }
0x63: {  	_ =	shalt  }
0x64: {  	_ =	shalt  }
0x65: {  	_ =	shalt  }
0x66: {  	_ =	shalt  }
0x67: {  	_ =	shalt  }
0x68: {  	_ =	shalt  }
0x69: {  	_ =	shalt  }
0x6a: {  	_ =	shalt  }
0x6b: {  	_ =	shalt  }
0x6c: {  	_ =	shalt  }
0x6d: {  	_ =	shalt  }
0x6e: {  	_ =	shalt  }
0x6f: {  	_ =	shalt  }
0x70: {  	_ =	shalt  }
0x71: {  	_ =	shalt  }
0x72: {  	_ =	shalt  }
0x73: {  	_ =	shalt  }
0x74: {  	_ =	shalt  }
0x75: {  	_ =	shalt  }
0x76: {  	_ =	shalt  }
0x77: {  	_ =	shalt  }
0x78: {  	_ =	shalt  }
0x79: {  	_ =	shalt  }
0x7a: {  	_ =	shalt  }
0x7b: {  	_ =	shalt  }
0x7c: {  	_ =	shalt  }
0x7d: {  	_ =	shalt  }
0x7e: {  	_ =	shalt  }
0x7f: {  	_ =	shalt  }
0x80: {  	_ =	shalt  }
0x81: {  	_ =	shalt  }
0x82: {  	_ =	shalt  }
0x83: {  	_ =	shalt  }
0x84: {  	_ =	shalt  }
0x85: {  	_ =	shalt  }
0x86: {  	_ =	shalt  }
0x87: {  	_ =	shalt  }
.Lfunc_end0:
.L_simem_size_0:
called_computation.1_lowered:
.L_overlay_start_0:
0x88: {  	s2 =	sld [smem:$0x3FD9]  }
0x89: {  	s3 =	sld [smem:$0x3FFE];
	_ =	sdelay $0x1  }
0x8a: {  	s1 =	srdreg.scid  }
0x8b: {  	s0 =	sand.u32 $0x1, s1  }
0x8c: {  	s17 =	sshll.u32 s0, $0xA;
	s2 =	sadd.s32 s3, s2  }
0x8d: {  	s2 =	sadd.s32 s2, s17  }
0x8e: {  	[smem:$0x3FC3] =	sst s2  }
0x8f: {  	_ = 	snop  }
0x90: {  	s2 =	sld [smem:$0x3FD0];
	(tm) =	ssettm $0x1  }
0x91: {  	s18 =	sld [smem:$0x3FFB];
	_ =	sdelay $0x3  }
0x92: {  	_ =	strace s18  }
0x93: {  	s3 =	sld [smem:$0x3FFC];
	_ =	sdelay $0x3  }
0x94: {  	_ =	strace s3  }
0x95: {  	s3 =	sld [smem:$0x3FFD];
	_ =	sdelay $0x3  }
0x96: {  	_ =	strace s3  }
0x97: {  	_ =	strace $0x8FFFFFFF  }
0x98: {  	s19 =	sld [smem:$0x3FDB];
	_ =	sdelay $0x1  }
0x99: {  	s4 =	simm.s32 $_scs_section_size  }
0x9a: {  	s5 =	simm.s32 $_size__tile_overlayer_lowered;
	s6 =	simm.s32 $_tile_overlayer_lowered  }
0x9b: {  	s22 =	simm.s32 $0x1BFF;
	s21 =	sshll.u32 s6, $0x1;
	s3 =	sadd.s32 s4, s19  }
0x9c: {  	s7 =	simm.s32 $0x0;
	s20 =	sshll.u32 s5, $0x1;
	s5 =	sadd.s32 s21, s3  }
0x9d: {  	[timem:s7], [sflag:s22] =	dma.local [hbm:s5], s20  }
0x9e: {  	_ =	swait.ge [sflag:s22], s20  }
0x9f: {  	s4 =	ssub.s32 $0x0, s20;
	[sflag:s22] =	ssyncset.done $0x0  }
0xa0: {  	[sflag:s22] =	ssyncadd.s32 s4;
	_ =	sdelay $0x1  }
0xa1: {  	s23 =	simm.s32 $0x1B8B  }
0xa2: {  	_ =	swait.ge [sflag:s23], $0x1  }
0xa3: {  	[sflag:s23] =	ssyncset.done $0x0  }
0xa4: {  	s25 =	simm.s32 $0x1B8E;
	s24 =	sld [smem:$0x3FFE];
	[sflag:s23] =	ssyncadd.s32 $0xFFFFFFFF  }
0xa5: {  	s26 =	simm.s32 $execute0_lowered;
	[smem:$0x3FD2] =	sst s25  }
0xa6: {  	s5 =	sshll.u32 s26, $0x1;
	_ =	strace $0x80000049;
	[dreg:$0x1] =	wrdreg $0xFFFFFFFF  }
0xa7: {  	s28 =	simm.s32 $_size_execute0_lowered;
	s3 =	sadd.s32 s3, s5;
	[dreg:$0x0] =	wrdreg $0x0  }
0xa8: {  	s5 =	sshll.u32 s28, $0x1;
	[dreg:$0x2] =	wrdreg s3  }
0xa9: {  	[dreg:$0x3] =	wrdreg s5  }
0xaa: {  	[dreg:$0x4] =	wrdreg $0xC0  }
0xab: {  	_ =	task [dreg:s7], $0x5FFFF  }
0xac: {  	[dreg:$0x1] =	wrdreg $0xFFFFFFFF  }
0xad: {  	[dreg:$0x0] =	wrdreg $0x60  }
0xae: {  	[dreg:$0x2] =	wrdreg s2  }
0xaf: {  	[dreg:$0x3] =	wrdreg s24  }
0xb0: {  	[dreg:$0x4] =	wrdreg $0x9  }
0xb1: {  	_ =	task.clear_ibuf [dreg:s7], $0x5FFFF;
	_ =	strace $0x90000049  }
0xb2: {  	s29 =	simm.s32 $0x9;
	_ =	strace $0x8000004B  }
0xb3: {  	_ =	swait.ge [sflag:s29], $0x1  }
0xb4: {  	[sflag:s29] =	ssyncadd.s32 $0xFFFFFFFF  }
0xb5: {  	_ =	strace $0x9000004B  }
0xb6: {  	_ =	sfence  }
0xb7: {  	s30 =	sld [smem:$0x0];
	_ =	sdelay $0x2  }
0xb8: {  	s31 =	sshll.u32 s1, $0xD;
	s1 =	sshrl.u32 s1, $0x2  }
0xb9: {  	s3 =	sand.u32 $0x4000, s31;
	s1 =	sadd.s32 s1, s30  }
0xba: {  	s0 =	sor.u32 s3, s0;
	s1 =	sshll.u32 s1, $0x11  }
0xbb: {  	s0 =	sor.u32 s1, s0  }
0xbc: {  	s0 =	sadd.s32 $0x8F2B, s0  }
0xbd: {  	[sflag:s0] =	ssyncadd.remote.s32 $0x1  }
0xbe: {  	_ =	sfence.sel $0xFFFF  }
0xbf: {  	[dreg:$0x0] =	wrdreg $0xFFFFFFFF;
	(pc) =	sbr.abs _section_cstart, $3  }
0xc0: {  	[dreg:$0x1] =	wrdreg $0xFFFFFFFF  }
0xc1: {  	_ =	task.clear_ibuf [dreg:s7], $0x2FFFF;
	_ =	strace $0x9FFFFFFF  }
0xc2: {  	(tm) =	ssettm $0x7FFFFFFF  }
0xc3: {  	_ =	shalt  }
tec
execute0_lowered:
.L_overlay_start_1:
0x0: {  	(tag) =	ssettag $0x1  }
0x1: {  	s6 =	rddreg [dreg:$0x0]  }
0x2: {  	s7 =	rddreg [dreg:$0x1];
	s1 =	simm.s32 $0x0  }
0x3: {  	s2 =	srdreg.scid;
	s0 =	stileid.u32;
	s14 =	simm.s32 $0x8600  }
0x4: {  	s15 =	simm.s32 $0x1;
	s16 =	simm.s32 $0x8680;
	s17 =	simm.s32 $0x0  }
0x5: {  	[smem:$0x7FF] =	sst s1;
	s3 =	sadd.s32 $0x1A00, s7;
	s4 =	sadd.s32 $0x2A00, s7  }
0x6: {  	s8 =	sand.u32 $0x1, s2;
	s5 =	sadd.s32 $0x2C00, s7;
	s11 =	sshll.u32 s0, $0x7  }
0x7: {  	s28 =	sshll.u32 s0, $0xC;
	s29 =	sshll.u32 s0, $0x6;
	s30 =	sshll.u32 s0, $0xE  }
0x8: {  	_ =	strace $0x8000004A;
	s9 =	ssub.s32 $0x2, s8;
	s12 =	sshll.u32 s8, $0xB  }
0x9: {  	s13 =	sshll.u32 s8, $0x12;
	s26 =	sshll.u32 s8, $0xA;
	s8 =	sshll.u32 s8, $0x10  }
.Ltmp0:
0xa: {  	s10 =	sshrl.u32 s9, $0x1;
	s24 =	sor.u32 s11, s12;
	(pc) =	sbr.rel .LBB2_1-.Ltmp0, $4  }
0xb: {  	s25 =	sadd.s32 s13, s7;
	s11 =	simm.s32 $0x2;
	s12 =	simm.s32 $0x400  }
0xc: {  	s9 =	ssub.s32 s9, s10;
	s6 =	sadd.s32 s6, s24;
	s10 =	sor.u32 s28, s8  }
0xd: {  	s8 =	sor.u32 s29, s26;
	s31 =	sadd.s32 s30, s25;
	s10 =	sshrl.u32 s10, $0x2  }
0xe: {  	v0 =	vimm.f32 $0.0e+00;
	v1 =	vimm.s32 $0x0;
	v2 =	vimm.s32 $0x2;
	s7 =	smax.u32 s9, $0x1;
	s9 =	sadd.s32 $0x2E00, s31;
	s10 =	sadd.s32 $0x400, s10  }
.LBB2_8:
0xf: {  	s17 =	sadd.s32 $0x1, s17  }
0x10: {  	_ =	swait.ge [sflag:s15], $0x4000;
	p0 =	sne.s32 s17, s7  }
.Ltmp1:
0x11: {  	[sflag:s15] =	ssyncset.done $0x0;
	(pc) =	sbr.rel @!p0 .LBB2_9-.Ltmp1, $4  }
0x12: {  	[sflag:s15] =	ssyncadd.s32 $0xFFFFC000  }
0x13: {  	_ =	swait.ge [sflag:s15], $0x4000  }
0x14: {  	[sflag:s15] =	ssyncset.done $0x0  }
0x15: {  	[sflag:s15] =	ssyncadd.s32 $0xFFFFC000  }
.LBB2_1:
0x16: {  	[tilespmem:s1], [sflag:$0x2] =	stream.linear.gather [hbm4b:s6+s1], $0x400, $0x38;
	[tilespmem:$0x10680] =	vst v63  }
0x17: {  	_ =	swait.ge [sflag:s11], $0x400  }
0x18: {  	[sflag:s11] =	ssyncset.done $0x0  }
0x19: {  	[sflag:s11] =	ssyncadd.s32 $0xFFFFFC00  }
0x1a: {  	[tilespmem:s12], [sflag:$0x2] =	stream.linear.gather [hbm4b:s3+s1], $0x8000, $0x38;
	[tilespmem:$0x10680] =	vst v63  }
0x1b: {  	_ =	swait.ge [sflag:s11], $0x8000  }
0x1c: {  	[sflag:s11] =	ssyncset.done $0x0  }
0x1d: {  	s0 =	simm.s32 $0x8400;
	[sflag:s11] =	ssyncadd.s32 $0xFFFF8000  }
0x1e: {  	[tilespmem:s0], [sflag:$0x2] =	stream.linear.gather [hbm4b:s4+s1], $0x200, $0x38;
	[tilespmem:$0x10680] =	vst v63  }
0x1f: {  	_ =	swait.ge [sflag:s11], $0x200  }
0x20: {  	[sflag:s11] =	ssyncset.done $0x0  }
0x21: {  	[sflag:s11] =	ssyncadd.s32 $0xFFFFFE00  }
0x22: {  	[tilespmem:s14], [sflag:$0x2] =	stream.linear.gather [hbm4b:s5+s1], $0x80, $0x38;
	[tilespmem:$0x10680] =	vst v63  }
0x23: {  	_ =	swait.ge [sflag:s11], $0x80  }
0x24: {  	[sflag:s11] =	ssyncset.done $0x0  }
0x25: {  	[sflag:s11] =	ssyncadd.s32 $0xFFFFFF80  }
0x26: {  	v3 =	vld [tilespmem:$0x8400]  }
0x27: {  	v4 =	vld [tilespmem:$0x8410]  }
0x28: {  	v5 =	vld [tilespmem:$0x8420]  }
0x29: {  	v6 =	vld [tilespmem:$0x8430]  }
0x2a: {  	v7 =	vld [tilespmem:$0x8440]  }
0x2b: {  	v8 =	vld [tilespmem:$0x8450]  }
0x2c: {  	v9 =	vld [tilespmem:$0x8460]  }
0x2d: {  	v10 =	vld [tilespmem:$0x8470]  }
0x2e: {  	v11 =	vld [tilespmem:$0x8480]  }
0x2f: {  	v12 =	vld [tilespmem:$0x8490]  }
0x30: {  	v13 =	vld [tilespmem:$0x84A0]  }
0x31: {  	v14 =	vld [tilespmem:$0x84B0]  }
0x32: {  	v15 =	vld [tilespmem:$0x84C0]  }
0x33: {  	v16 =	vld [tilespmem:$0x84D0]  }
0x34: {  	v17 =	vld [tilespmem:$0x84E0]  }
0x35: {  	v18 =	vld [tilespmem:$0x84F0]  }
0x36: {  	v19 =	vld [tilespmem:$0x8500]  }
0x37: {  	v20 =	vld [tilespmem:$0x8510]  }
0x38: {  	v21 =	vld [tilespmem:$0x8520]  }
0x39: {  	v22 =	vld [tilespmem:$0x8530]  }
0x3a: {  	v23 =	vld [tilespmem:$0x8540]  }
0x3b: {  	v24 =	vld [tilespmem:$0x8550]  }
0x3c: {  	v25 =	vld [tilespmem:$0x8560]  }
0x3d: {  	v26 =	vld [tilespmem:$0x8570]  }
0x3e: {  	v27 =	vld [tilespmem:$0x8580]  }
0x3f: {  	v28 =	vld [tilespmem:$0x8590]  }
0x40: {  	v29 =	vld [tilespmem:$0x85A0]  }
0x41: {  	v30 =	vld [tilespmem:$0x85B0]  }
0x42: {  	v31 =	vld [tilespmem:$0x85C0]  }
0x43: {  	v32 =	vld [tilespmem:$0x85D0]  }
0x44: {  	v33 =	vld [tilespmem:$0x85E0]  }
0x45: {  	s19 =	simm.s32 $0x0;
	s18 =	simm.s32 $0x400;
	v34 =	vld [tilespmem:$0x85F0]  }
.LBB2_2:
0x46: {  	p0 =	sne.s32 s18, $0x1FC00;
	[tilespmem:s19+$0x8770] =	vst v0  }
0x47: {  	[tilespmem:s19+$0x8680] =	vst v0  }
0x48: {  	[tilespmem:s19+$0x8690] =	vst v0  }
0x49: {  	[tilespmem:s19+$0x86A0] =	vst v0  }
0x4a: {  	[tilespmem:s19+$0x86B0] =	vst v0  }
0x4b: {  	[tilespmem:s19+$0x86C0] =	vst v0  }
0x4c: {  	[tilespmem:s19+$0x86D0] =	vst v0  }
0x4d: {  	[tilespmem:s19+$0x86E0] =	vst v0  }
0x4e: {  	[tilespmem:s19+$0x86F0] =	vst v0  }
0x4f: {  	[tilespmem:s19+$0x8700] =	vst v0  }
0x50: {  	[tilespmem:s19+$0x8710] =	vst v0  }
.Ltmp2:
0x51: {  	[tilespmem:s19+$0x8720] =	vst v0;
	(pc) =	sbr.rel @p0 .LBB2_2-.Ltmp2, $4  }
0x52: {  	[tilespmem:s19+$0x8730] =	vst v0  }
0x53: {  	[tilespmem:s19+$0x8740] =	vst v0  }
0x54: {  	[tilespmem:s19+$0x8750] =	vst v0  }
0x55: {  	[tilespmem:s19+$0x8760] =	vst v0;
	s19 =	sshra.s32 s18, $0x2;
	s18 =	sadd.s32 $0x400, s18  }
0x56: {  	v3 =	vadd.s32 v3, v4  }
0x57: {  	v3 =	vadd.s32 v5, v3  }
0x58: {  	v3 =	vadd.s32 v6, v3  }
0x59: {  	v3 =	vadd.s32 v7, v3  }
0x5a: {  	v3 =	vadd.s32 v8, v3  }
0x5b: {  	v3 =	vadd.s32 v9, v3  }
0x5c: {  	v3 =	vadd.s32 v10, v3  }
0x5d: {  	v3 =	vadd.s32 v11, v3  }
0x5e: {  	v3 =	vadd.s32 v12, v3  }
0x5f: {  	v3 =	vadd.s32 v13, v3  }
0x60: {  	v3 =	vadd.s32 v14, v3  }
0x61: {  	v3 =	vadd.s32 v15, v3  }
0x62: {  	v3 =	vadd.s32 v16, v3  }
0x63: {  	v3 =	vadd.s32 v17, v3  }
0x64: {  	v3 =	vadd.s32 v18, v3  }
0x65: {  	v3 =	vadd.s32 v19, v3  }
0x66: {  	v3 =	vadd.s32 v20, v3  }
0x67: {  	v3 =	vadd.s32 v21, v3  }
0x68: {  	v3 =	vadd.s32 v22, v3  }
0x69: {  	v3 =	vadd.s32 v23, v3  }
0x6a: {  	v3 =	vadd.s32 v24, v3  }
0x6b: {  	v3 =	vadd.s32 v25, v3  }
0x6c: {  	v3 =	vadd.s32 v26, v3  }
0x6d: {  	v3 =	vadd.s32 v27, v3  }
0x6e: {  	v3 =	vadd.s32 v28, v3  }
0x6f: {  	v3 =	vadd.s32 v29, v3  }
0x70: {  	v3 =	vadd.s32 v30, v3  }
0x71: {  	v3 =	vadd.s32 v31, v3  }
0x72: {  	v3 =	vadd.s32 v32, v3  }
0x73: {  	v3 =	vadd.s32 v33, v3  }
0x74: {  	v3 =	vadd.s32 v34, v3  }
0x75: {  	(xrf0) =	vadd.scan.msk.s32 $0xffff, v3;
	_ =	sdelay $0x5  }
0x76: {  	v3, _, _ =	vpop (xrf0)  }
0x77: {  	(v2sf) =	vpush v3, $0xF  }
0x78: {  	[tilespmem:s19+$0x8770] =	vst v0  }
0x79: {  	[tilespmem:s19+$0x8680] =	vst v0  }
0x7a: {  	[tilespmem:s19+$0x8690] =	vst v0  }
0x7b: {  	[tilespmem:s19+$0x86A0] =	vst v0  }
0x7c: {  	[tilespmem:s19+$0x86B0] =	vst v0  }
0x7d: {  	[tilespmem:s19+$0x86C0] =	vst v0  }
0x7e: {  	[tilespmem:s19+$0x86D0] =	vst v0  }
0x7f: {  	[tilespmem:s19+$0x86E0] =	vst v0  }
0x80: {  	[tilespmem:s19+$0x86F0] =	vst v0  }
0x81: {  	[tilespmem:s19+$0x8700] =	vst v0  }
0x82: {  	[tilespmem:s19+$0x8710] =	vst v0  }
0x83: {  	[tilespmem:s19+$0x8720] =	vst v0  }
0x84: {  	[tilespmem:s19+$0x8730] =	vst v0  }
.Ltmp3:
0x85: {  	[tilespmem:s19+$0x8740] =	vst v0;
	(pc) =	sbr.rel .LBB2_4-.Ltmp3, $4  }
0x86: {  	[tilespmem:s19+$0x8750] =	vst v0;
	s18 =	spop (v2sf)  }
0x87: {  	s20 =	simm.s32 $0x2;
	[tilespmem:s19+$0x8760] =	vst v0;
	s19 =	simm.s32 $0x0;
	p0 =	sgt.s32 s18, $0xFFF  }
0x88: {  	s21 =	smov.u32 s9;
	s22 =	simm.s32 $0x0;
	s20 =	simm.s32 @!p0 $0x1  }
0x89: {  	s23 =	simm.s32 $0x0;
	s18 =	simm.s32 $0x3800;
	v3 =	vmov s20;
	s20 =	smov.u32 s10  }
.LBB2_6:
0x8a: {  	_ =	swait.ge [sflag:s15], $0x4000  }
0x8b: {  	[sflag:s15] =	ssyncset.done $0x0  }
0x8c: {  	[sflag:s15] =	ssyncadd.s32 $0xFFFFC000  }
0x8d: {  	v4 =	vld [tilespmem:s19+$0xFFFFFF00]  }
0x8e: {  	v5 =	vld [tilespmem:s20+$0xFFFFFF00];
	_ =	sdelay $0x3  }
0x8f: {  	s26 =	sadd.s32 $0xFFFFFFF0, s25  }
0x90: {  	v6 =	vmov s26;
	vm0 =	vge.s32 v5, v3;
	vm1 =	vne.s32 v4, s26  }
0x91: {  	v5 =	vadd.s32 s24, v6;
	vm0 =	vmand vm1, vm0  }
0x92: {  	v4 =	vadd.s32 s24, v4;
	v6 =	vand.u32 $0x78, v6;
	v5 =	vand.u32 $0xFFFFFF80, v5  }
0x93: {  	v5 =	vor.u32 v6, v5;
	_ =	sdelay $0x3  }
0x94: {  	[tilespmem:v4+s16+$0x0] =	vst.idx.msk vm0, v0  }
0x95: {  	[tilespmem:v5+s16+$0x0] =	vst.idx.msk $0x1, v0  }
0x96: {  	v4 =	vld [tilespmem:s19+$0xFFFFFF10]  }
0x97: {  	v5 =	vld [tilespmem:s20+$0xFFFFFF10];
	_ =	sdelay $0x3  }
0x98: {  	s28 =	sadd.s32 $0xFFFFFFF1, s25  }
0x99: {  	s26 =	sor.u32 $0x800, s24;
	v6 =	vmov s28;
	vm14 =	vge.s32 v5, v3;
	vm15 =	vne.s32 v4, s28  }
0x9a: {  	v5 =	vadd.s32 s26, v6;
	vm0 =	vmand vm15, vm14  }
0x9b: {  	v4 =	vadd.s32 s26, v4;
	v6 =	vand.u32 $0x79, v6;
	v5 =	vand.u32 $0xFFFFFF80, v5  }
0x9c: {  	v5 =	vor.u32 v6, v5;
	_ =	sdelay $0x3  }
0x9d: {  	[tilespmem:v4+s16+$0x0] =	vst.idx.msk vm0, v0  }
0x9e: {  	[tilespmem:v5+s16+$0x0] =	vst.idx.msk $0x1, v0  }
0x9f: {  	v4 =	vld [tilespmem:s19+$0xFFFFFF20]  }
0xa0: {  	v5 =	vld [tilespmem:s20+$0xFFFFFF20];
	_ =	sdelay $0x3  }
0xa1: {  	s29 =	sadd.s32 $0xFFFFFFF2, s25  }
0xa2: {  	s28 =	sor.u32 $0x1000, s24;
	v6 =	vmov s29;
	vm4 =	vge.s32 v5, v3;
	vm5 =	vne.s32 v4, s29  }
0xa3: {  	v5 =	vadd.s32 s28, v6;
	vm0 =	vmand vm5, vm4  }
0xa4: {  	v4 =	vadd.s32 s28, v4;
	v6 =	vand.u32 $0x7A, v6;
	v5 =	vand.u32 $0xFFFFFF80, v5  }
0xa5: {  	v5 =	vor.u32 v6, v5;
	_ =	sdelay $0x3  }
0xa6: {  	[tilespmem:v4+s16+$0x0] =	vst.idx.msk vm0, v0  }
0xa7: {  	[tilespmem:v5+s16+$0x0] =	vst.idx.msk $0x1, v0  }
0xa8: {  	v4 =	vld [tilespmem:s19+$0xFFFFFF30]  }
0xa9: {  	v5 =	vld [tilespmem:s20+$0xFFFFFF30];
	_ =	sdelay $0x3  }
0xaa: {  	s30 =	sadd.s32 $0xFFFFFFF3, s25  }
0xab: {  	s29 =	sor.u32 $0x1800, s24;
	v6 =	vmov s30;
	vm6 =	vge.s32 v5, v3;
	vm7 =	vne.s32 v4, s30  }
0xac: {  	v5 =	vadd.s32 s29, v6;
	vm0 =	vmand vm7, vm6  }
0xad: {  	v4 =	vadd.s32 s29, v4;
	v6 =	vand.u32 $0x7B, v6;
	v5 =	vand.u32 $0xFFFFFF80, v5  }
0xae: {  	v5 =	vor.u32 v6, v5;
	_ =	sdelay $0x3  }
0xaf: {  	[tilespmem:v4+s16+$0x0] =	vst.idx.msk vm0, v0  }
0xb0: {  	[tilespmem:v5+s16+$0x0] =	vst.idx.msk $0x1, v0  }
0xb1: {  	v4 =	vld [tilespmem:s19+$0xFFFFFF40]  }
0xb2: {  	v5 =	vld [tilespmem:s20+$0xFFFFFF40];
	_ =	sdelay $0x3  }
0xb3: {  	s0 =	sadd.s32 $0xFFFFFFF4, s25  }
0xb4: {  	s31 =	sor.u32 $0x2000, s24;
	v6 =	vmov s0;
	vm8 =	vge.s32 v5, v3;
	vm9 =	vne.s32 v4, s0  }
0xb5: {  	v5 =	vadd.s32 s31, v6;
	vm0 =	vmand vm9, vm8  }
0xb6: {  	v4 =	vadd.s32 s31, v4;
	v6 =	vand.u32 $0x7C, v6;
	v5 =	vand.u32 $0xFFFFFF80, v5  }
0xb7: {  	v5 =	vor.u32 v6, v5;
	_ =	sdelay $0x3  }
0xb8: {  	[tilespmem:v4+s16+$0x0] =	vst.idx.msk vm0, v0  }
0xb9: {  	[tilespmem:v5+s16+$0x0] =	vst.idx.msk $0x1, v0  }
0xba: {  	v4 =	vld [tilespmem:s19+$0xFFFFFF50]  }
0xbb: {  	v5 =	vld [tilespmem:s20+$0xFFFFFF50];
	_ =	sdelay $0x3  }
0xbc: {  	s2 =	sadd.s32 $0xFFFFFFF5, s25  }
0xbd: {  	s0 =	sor.u32 $0x2800, s24;
	v6 =	vmov s2;
	vm10 =	vge.s32 v5, v3;
	vm11 =	vne.s32 v4, s2  }
0xbe: {  	v5 =	vadd.s32 s0, v6;
	vm0 =	vmand vm11, vm10  }
0xbf: {  	v4 =	vadd.s32 s0, v4;
	v6 =	vand.u32 $0x7D, v6;
	v5 =	vand.u32 $0xFFFFFF80, v5  }
0xc0: {  	v5 =	vor.u32 v6, v5;
	_ =	sdelay $0x3  }
0xc1: {  	[tilespmem:v4+s16+$0x0] =	vst.idx.msk vm0, v0  }
0xc2: {  	[tilespmem:v5+s16+$0x0] =	vst.idx.msk $0x1, v0  }
0xc3: {  	v4 =	vld [tilespmem:s19+$0xFFFFFF60]  }
0xc4: {  	v5 =	vld [tilespmem:s20+$0xFFFFFF60];
	_ =	sdelay $0x3  }
0xc5: {  	s13 =	sadd.s32 $0xFFFFFFF6, s25  }
0xc6: {  	s2 =	sor.u32 $0x3000, s24;
	v6 =	vmov s13;
	vm12 =	vge.s32 v5, v3;
	vm13 =	vne.s32 v4, s13  }
0xc7: {  	v5 =	vadd.s32 s2, v6;
	vm0 =	vmand vm13, vm12  }
0xc8: {  	v4 =	vadd.s32 s2, v4;
	v6 =	vand.u32 $0x7E, v6;
	v5 =	vand.u32 $0xFFFFFF80, v5  }
0xc9: {  	v5 =	vor.u32 v6, v5;
	_ =	sdelay $0x3  }
0xca: {  	[tilespmem:v4+s16+$0x0] =	vst.idx.msk vm0, v0  }
0xcb: {  	[tilespmem:v5+s16+$0x0] =	vst.idx.msk $0x1, v0  }
0xcc: {  	v4 =	vld [tilespmem:s19+$0xFFFFFF70]  }
0xcd: {  	v5 =	vld [tilespmem:s20+$0xFFFFFF70];
	_ =	sdelay $0x3  }
0xce: {  	s30 =	sadd.s32 $0xFFFFFFF7, s25  }
0xcf: {  	vm14 =	vge.s32 v5, v3;
	vm15 =	vne.s32 v4, s30  }
0xd0: {  	s13 =	sor.u32 $0x3800, s24;
	vm0 =	vmand vm15, vm14  }
0xd1: {  	v5 =	vmov s30;
	v4 =	vadd.s32 s13, v4  }
0xd2: {  	v12 =	vadd.s32 s13, v5;
	_ =	sdelay $0x2  }
0xd3: {  	v11 =	vmov s24;
	v7 =	vmov s31  }
0xd4: {  	v10 =	vmov s26;
	v9 =	vmov s28;
	v8 =	vmov s29;
	[tilespmem:v4+s16+$0x0] =	vst.idx.msk vm0, v0  }
0xd5: {  	v6 =	vmov s0;
	v5 =	vmov s2;
	v4 =	vmov s13;
	[tilespmem:v12+s16+$0x0] =	vst.idx.msk $0x1, v0  }
.LBB2_7:
0xd6: {  	v12 =	vld [tilespmem:s19+$0x0];
	_ =	sdelay $0x4  }
0xd7: {  	v13 =	vshll.u32 v12, $0x4  }
0xd8: {  	v14 =	vor.u32 $0x1, v13  }
0xd9: {  	v15 =	vor.u32 $0x2, v13  }
0xda: {  	v16 =	vor.u32 $0x3, v13  }
0xdb: {  	v17 =	vld [tilespmem:s20+$0x0];
	v18 =	vor.u32 $0x4, v13  }
0xdc: {  	v20 =	vor.u32 $0x5, v13;
	v19 =	vld.idx.msk [tilespmem:v13+s12+$0x0], $0xffff  }
0xdd: {  	v21 =	vor.u32 $0x6, v13;
	v14 =	vld.idx.msk [tilespmem:v14+s12+$0x0], $0xffff  }
0xde: {  	v32 =	vor.u32 $0x7, v13;
	v15 =	vld.idx.msk [tilespmem:v15+s12+$0x0], $0xffff  }
0xdf: {  	v22 =	vor.u32 $0x8, v13;
	v16 =	vld.idx.msk [tilespmem:v16+s12+$0x0], $0xffff  }
0xe0: {  	vm0 =	vge.s32 v17, v3;
	vm1 =	vne.s32 v12, s25;
	v34 =	vor.u32 $0x9, v13;
	v31 =	vld.idx.msk [tilespmem:v18+s12+$0x0], $0xffff  }
0xe1: {  	vm0 =	vmand vm1, vm0;
	v37 =	vor.u32 $0xA, v13;
	v38 =	vor.u32 $0xB, v13;
	v33 =	vld.idx.msk [tilespmem:v20+s12+$0x0], $0xffff  }
0xe2: {  	v40 =	vor.u32 $0xC, v13;
	v26 =	vor.u32 $0xD, v13;
	v42 =	vor.u32 $0xE, v13;
	v36 =	vld.idx.msk [tilespmem:v21+s12+$0x0], $0xffff  }
0xe3: {  	v47 =	vsel vm0, $0x1, v1;
	v13 =	vor.u32 $0xF, v13;
	v39 =	vld.idx.msk [tilespmem:v32+s12+$0x0], $0xffff;
	vm7 =	vlt.s32 v19, v3  }
0xe4: {  	v22 =	vld.idx.msk [tilespmem:v22+s12+$0x0], $0xffff;
	vm2 =	vge.s32 v14, v3;
	vm8 =	vge.s32 v15, v3;
	vm9 =	vge.s32 v16, v3  }
0xe5: {  	v41 =	vld.idx.msk [tilespmem:v34+s12+$0x0], $0xffff;
	vm10 =	vge.s32 v31, v3;
	v27 =	vsel vm7, $0x1, v2;
	v35 =	vsel vm2, $0x1, v1  }
0xe6: {  	v44 =	vld.idx.msk [tilespmem:v37+s12+$0x0], $0xffff;
	vm11 =	vge.s32 v33, v3;
	v23 =	vsel vm8, $0x1, v1;
	v20 =	vadd.s32 v35, v27  }
0xe7: {  	v46 =	vld.idx.msk [tilespmem:v40+s12+$0x0], $0xffff;
	vm12 =	vge.s32 v36, v3;
	v24 =	vsel vm9, $0x1, v1;
	v20 =	vadd.s32 v23, v20  }
0xe8: {  	(xrf0) =	vadd.scan.msk.s32 $0xffff, v47;
	v49 =	vld.idx.msk [tilespmem:v26+s12+$0x0], $0xffff;
	vm13 =	vge.s32 v39, v3;
	v25 =	vsel vm10, $0x1, v1;
	v20 =	vadd.s32 v24, v20  }
0xe9: {  	v16 =	vld.idx.msk [tilespmem:v38+s12+$0x0], $0xffff;
	vm14 =	vge.s32 v22, v3;
	v43 =	vsel vm11, $0x1, v1;
	v20 =	vadd.s32 v25, v20  }
0xea: {  	vm15 =	vge.s32 v41, v3;
	v45 =	vsel vm12, $0x1, v1;
	v50 =	vadd.s32 v43, v20  }
0xeb: {  	vm4 =	vge.s32 v44, v3;
	v48 =	vsel vm13, $0x1, v1;
	v18 =	vadd.s32 v45, v50  }
0xec: {  	v52 =	vld.idx.msk [tilespmem:v42+s12+$0x0], $0xffff;
	vm6 =	vge.s32 v46, v3;
	v51 =	vsel vm14, $0x1, v1;
	v54 =	vadd.s32 v48, v18  }
0xed: {  	v13 =	vld.idx.msk [tilespmem:v13+s12+$0x0], $0xffff;
	vm7 =	vge.s32 v49, v3;
	v53 =	vsel vm15, $0x1, v1;
	v15 =	vadd.s32 v51, v54  }
0xee: {  	v57, _, _ =	vpop (xrf0);
	v55 =	vsel vm4, $0x1, v1;
	vm5 =	vge.s32 v16, v3;
	v15 =	vadd.s32 v53, v15  }
0xef: {  	v14 =	vadd.s32 $0x1, v57;
	v16 =	vsel vm5, $0x1, v1;
	v15 =	vadd.s32 v55, v15  }
0xf0: {  	v17 =	vsel vm6, $0x1, v1;
	v56 =	vsel vm7, $0x1, v1;
	v15 =	vadd.s32 v16, v15  }
0xf1: {  	vm8 =	vge.s32 v52, v3;
	v59 =	vbroadcast v14, $0xF;
	v15 =	vadd.s32 v17, v15  }
0xf2: {  	v58 =	vsel vm8, $0x1, v1;
	vm9 =	vge.s32 v13, v3;
	v60 =	vadd.s32 v56, v15  }
0xf3: {  	v61 =	vsel vm9, $0x1, v1;
	v14 =	vadd.s32 v58, v60  }
0xf4: {  	v14 =	vadd.s32 v61, v14;
	_ =	sdelay $0x3  }
0xf5: {  	v13 =	vld.idx.msk [tilespmem:v59+s14+$0x0], $0xffff  }
0xf6: {  	v14 =	vld.idx.msk [tilespmem:v14+s14+$0x0], $0xffff;
	_ =	sdelay $0x1  }
0xf7: {  	v12 =	vadd.s32 v11, v12  }
0xf8: {  	v62 =	vor.u32 s25, v11;
	_ =	sdelay $0x1  }
0xf9: {  	v14 =	vmul.f32 v14, v13  }
0xfa: {  	v13 =	vmul.f32 v13, v13  }
0xfb: {  	[tilespmem:v12+s16+$0x0] =	vst.idx.msk vm0, v14  }
0xfc: {  	[tilespmem:v62+s16+$0x0] =	vst.idx.msk $0x1, v13  }
0xfd: {  	v11 =	vld [tilespmem:s19+$0x10];
	_ =	sdelay $0x4  }
0xfe: {  	v63 =	vshll.u32 v11, $0x4  }
0xff: {  	v28 =	vor.u32 $0x1, v63  }
0x100: {  	v29 =	vor.u32 $0x2, v63  }
0x101: {  	v30 =	vor.u32 $0x3, v63  }
0x102: {  	v31 =	vld [tilespmem:s20+$0x10];
	v32 =	vor.u32 $0x4, v63  }
0x103: {  	v34 =	vor.u32 $0x5, v63;
	v33 =	vld.idx.msk [tilespmem:v63+s12+$0x0], $0xffff  }
0x104: {  	v35 =	vor.u32 $0x6, v63;
	v13 =	vld.idx.msk [tilespmem:v28+s12+$0x0], $0xffff  }
0x105: {  	v37 =	vor.u32 $0x7, v63;
	v14 =	vld.idx.msk [tilespmem:v29+s12+$0x0], $0xffff  }
0x106: {  	s26 =	sadd.s32 $0x1, s25;
	v38 =	vor.u32 $0x8, v63;
	v15 =	vld.idx.msk [tilespmem:v30+s12+$0x0], $0xffff  }
0x107: {  	vm10 =	vge.s32 v31, v3;
	vm11 =	vne.s32 v11, s26;
	v40 =	vor.u32 $0x9, v63;
	v36 =	vld.idx.msk [tilespmem:v32+s12+$0x0], $0xffff  }
0x108: {  	vm0 =	vmand vm11, vm10;
	v43 =	vor.u32 $0xA, v63;
	v45 =	vor.u32 $0xB, v63;
	v39 =	vld.idx.msk [tilespmem:v34+s12+$0x0], $0xffff  }
0x109: {  	v48 =	vor.u32 $0xC, v63;
	v50 =	vor.u32 $0xD, v63;
	v53 =	vor.u32 $0xE, v63;
	v42 =	vld.idx.msk [tilespmem:v35+s12+$0x0], $0xffff  }
0x10a: {  	v12 =	vor.u32 $0xF, v63;
	v58 =	vsel vm0, $0x1, v1;
	v47 =	vld.idx.msk [tilespmem:v37+s12+$0x0], $0xffff;
	vm12 =	vlt.s32 v33, v3  }
0x10b: {  	v21 =	vld.idx.msk [tilespmem:v38+s12+$0x0], $0xffff;
	vm13 =	vge.s32 v13, v3;
	vm14 =	vge.s32 v14, v3;
	vm15 =	vge.s32 v15, v3  }
0x10c: {  	v52 =	vld.idx.msk [tilespmem:v40+s12+$0x0], $0xffff;
	vm4 =	vge.s32 v36, v3;
	v51 =	vsel vm12, $0x1, v2;
	v41 =	vsel vm13, $0x1, v1  }
0x10d: {  	(xrf0) =	vadd.scan.msk.s32 $0xffff, v58;
	v55 =	vld.idx.msk [tilespmem:v43+s12+$0x0], $0xffff;
	vm5 =	vge.s32 v39, v3;
	v44 =	vsel vm14, $0x1, v1;
	v19 =	vadd.s32 v41, v51  }
0x10e: {  	v57 =	vld.idx.msk [tilespmem:v48+s12+$0x0], $0xffff;
	vm6 =	vge.s32 v42, v3;
	v46 =	vsel vm15, $0x1, v1;
	v19 =	vadd.s32 v44, v19  }
0x10f: {  	vm7 =	vge.s32 v47, v3;
	v49 =	vsel vm4, $0x1, v1;
	v19 =	vadd.s32 v46, v19  }
0x110: {  	v15 =	vld.idx.msk [tilespmem:v45+s12+$0x0], $0xffff;
	vm8 =	vge.s32 v21, v3;
	v54 =	vsel vm5, $0x1, v1;
	v19 =	vadd.s32 v49, v19  }
0x111: {  	v60 =	vld.idx.msk [tilespmem:v50+s12+$0x0], $0xffff;
	vm9 =	vge.s32 v52, v3;
	v56 =	vsel vm6, $0x1, v1;
	v61 =	vadd.s32 v54, v19  }
0x112: {  	v63 =	vld.idx.msk [tilespmem:v53+s12+$0x0], $0xffff;
	vm10 =	vge.s32 v55, v3;
	v59 =	vsel vm7, $0x1, v1;
	v17 =	vadd.s32 v56, v61  }
0x113: {  	v12 =	vld.idx.msk [tilespmem:v12+s12+$0x0], $0xffff;
	v27, _, _ =	vpop (xrf0);
	vm12 =	vge.s32 v57, v3;
	v62 =	vsel vm8, $0x1, v1;
	v24 =	vadd.s32 v59, v17  }
0x114: {  	v13 =	vadd.s32 $0x1, v27;
	v23 =	vsel vm9, $0x1, v1;
	v14 =	vadd.s32 v62, v24  }
0x115: {  	v25 =	vsel vm10, $0x1, v1;
	vm11 =	vge.s32 v15, v3;
	v14 =	vadd.s32 v23, v14  }
0x116: {  	v16 =	vsel vm12, $0x1, v1;
	v15 =	vsel vm11, $0x1, v1;
	v14 =	vadd.s32 v25, v14  }
0x117: {  	vm13 =	vge.s32 v60, v3;
	vm14 =	vge.s32 v63, v3;
	v14 =	vadd.s32 v15, v14  }
0x118: {  	vm15 =	vge.s32 v12, v3;
	v26 =	vsel vm13, $0x1, v1;
	v14 =	vadd.s32 v16, v14  }
0x119: {  	v29 =	vbroadcast v13, $0xF;
	v28 =	vsel vm14, $0x1, v1;
	v30 =	vadd.s32 v26, v14  }
0x11a: {  	v31 =	vsel vm15, $0x1, v1;
	v13 =	vadd.s32 v28, v30  }
0x11b: {  	v13 =	vadd.s32 v31, v13;
	_ =	sdelay $0x3  }
0x11c: {  	v12 =	vld.idx.msk [tilespmem:v29+s14+$0x0], $0xffff  }
0x11d: {  	v13 =	vld.idx.msk [tilespmem:v13+s14+$0x0], $0xffff;
	_ =	sdelay $0x1  }
0x11e: {  	v11 =	vadd.s32 v10, v11  }
0x11f: {  	v32 =	vor.u32 s26, v10;
	_ =	sdelay $0x1  }
0x120: {  	v13 =	vmul.f32 v13, v12  }
0x121: {  	v12 =	vmul.f32 v12, v12  }
0x122: {  	[tilespmem:v11+s16+$0x0] =	vst.idx.msk vm0, v13  }
0x123: {  	[tilespmem:v32+s16+$0x0] =	vst.idx.msk $0x1, v12  }
0x124: {  	v10 =	vld [tilespmem:s19+$0x20];
	_ =	sdelay $0x4  }
0x125: {  	v33 =	vshll.u32 v10, $0x4  }
0x126: {  	v34 =	vor.u32 $0x1, v33  }
0x127: {  	v35 =	vor.u32 $0x2, v33  }
0x128: {  	v36 =	vor.u32 $0x3, v33  }
0x129: {  	v37 =	vld [tilespmem:s20+$0x20];
	v38 =	vor.u32 $0x4, v33  }
0x12a: {  	v40 =	vor.u32 $0x5, v33;
	v39 =	vld.idx.msk [tilespmem:v33+s12+$0x0], $0xffff  }
0x12b: {  	v41 =	vor.u32 $0x6, v33;
	v12 =	vld.idx.msk [tilespmem:v34+s12+$0x0], $0xffff  }
0x12c: {  	v43 =	vor.u32 $0x7, v33;
	v13 =	vld.idx.msk [tilespmem:v35+s12+$0x0], $0xffff  }
0x12d: {  	s2 =	sadd.s32 $0x2, s25;
	v44 =	vor.u32 $0x8, v33;
	v14 =	vld.idx.msk [tilespmem:v36+s12+$0x0], $0xffff  }
0x12e: {  	vm4 =	vge.s32 v37, v3;
	vm5 =	vne.s32 v10, s2;
	v46 =	vor.u32 $0x9, v33;
	v42 =	vld.idx.msk [tilespmem:v38+s12+$0x0], $0xffff  }
0x12f: {  	vm0 =	vmand vm5, vm4;
	v49 =	vor.u32 $0xA, v33;
	v51 =	vor.u32 $0xB, v33;
	v45 =	vld.idx.msk [tilespmem:v40+s12+$0x0], $0xffff  }
0x130: {  	v54 =	vor.u32 $0xC, v33;
	v56 =	vor.u32 $0xD, v33;
	v59 =	vor.u32 $0xE, v33;
	v48 =	vld.idx.msk [tilespmem:v41+s12+$0x0], $0xffff  }
0x131: {  	v11 =	vor.u32 $0xF, v33;
	v26 =	vsel vm0, $0x1, v1;
	v53 =	vld.idx.msk [tilespmem:v43+s12+$0x0], $0xffff;
	vm6 =	vlt.s32 v39, v3  }
0x132: {  	v20 =	vld.idx.msk [tilespmem:v44+s12+$0x0], $0xffff;
	vm7 =	vge.s32 v12, v3;
	vm8 =	vge.s32 v13, v3;
	vm9 =	vge.s32 v14, v3  }
0x133: {  	v58 =	vld.idx.msk [tilespmem:v46+s12+$0x0], $0xffff;
	vm10 =	vge.s32 v42, v3;
	v57 =	vsel vm6, $0x1, v2;
	v47 =	vsel vm7, $0x1, v1  }
0x134: {  	(xrf0) =	vadd.scan.msk.s32 $0xffff, v26;
	v61 =	vld.idx.msk [tilespmem:v49+s12+$0x0], $0xffff;
	vm11 =	vge.s32 v45, v3;
	v50 =	vsel vm8, $0x1, v1;
	v18 =	vadd.s32 v47, v57  }
0x135: {  	v63 =	vld.idx.msk [tilespmem:v54+s12+$0x0], $0xffff;
	vm12 =	vge.s32 v48, v3;
	v52 =	vsel vm9, $0x1, v1;
	v18 =	vadd.s32 v50, v18  }
0x136: {  	vm13 =	vge.s32 v53, v3;
	v55 =	vsel vm10, $0x1, v1;
	v18 =	vadd.s32 v52, v18  }
0x137: {  	v14 =	vld.idx.msk [tilespmem:v51+s12+$0x0], $0xffff;
	vm14 =	vge.s32 v20, v3;
	v60 =	vsel vm11, $0x1, v1;
	v18 =	vadd.s32 v55, v18  }
0x138: {  	v28 =	vld.idx.msk [tilespmem:v56+s12+$0x0], $0xffff;
	vm15 =	vge.s32 v58, v3;
	v62 =	vsel vm12, $0x1, v1;
	v29 =	vadd.s32 v60, v18  }
0x139: {  	v31 =	vld.idx.msk [tilespmem:v59+s12+$0x0], $0xffff;
	vm4 =	vge.s32 v61, v3;
	v27 =	vsel vm13, $0x1, v1;
	v16 =	vadd.s32 v62, v29  }
0x13a: {  	v11 =	vld.idx.msk [tilespmem:v11+s12+$0x0], $0xffff;
	v36, _, _ =	vpop (xrf0);
	vm6 =	vge.s32 v63, v3;
	v30 =	vsel vm14, $0x1, v1;
	v33 =	vadd.s32 v27, v16  }
0x13b: {  	v12 =	vadd.s32 $0x1, v36;
	v32 =	vsel vm15, $0x1, v1;
	v13 =	vadd.s32 v30, v33  }
0x13c: {  	v34 =	vsel vm4, $0x1, v1;
	vm5 =	vge.s32 v14, v3;
	v13 =	vadd.s32 v32, v13  }
0x13d: {  	v15 =	vsel vm6, $0x1, v1;
	v14 =	vsel vm5, $0x1, v1;
	v13 =	vadd.s32 v34, v13  }
0x13e: {  	vm7 =	vge.s32 v28, v3;
	vm8 =	vge.s32 v31, v3;
	v13 =	vadd.s32 v14, v13  }
0x13f: {  	vm9 =	vge.s32 v11, v3;
	v35 =	vsel vm7, $0x1, v1;
	v13 =	vadd.s32 v15, v13  }
0x140: {  	v38 =	vbroadcast v12, $0xF;
	v37 =	vsel vm8, $0x1, v1;
	v39 =	vadd.s32 v35, v13  }
0x141: {  	v40 =	vsel vm9, $0x1, v1;
	v12 =	vadd.s32 v37, v39  }
0x142: {  	v12 =	vadd.s32 v40, v12;
	_ =	sdelay $0x3  }
0x143: {  	v11 =	vld.idx.msk [tilespmem:v38+s14+$0x0], $0xffff  }
0x144: {  	v12 =	vld.idx.msk [tilespmem:v12+s14+$0x0], $0xffff;
	_ =	sdelay $0x1  }
0x145: {  	v10 =	vadd.s32 v9, v10  }
0x146: {  	v41 =	vor.u32 s2, v9;
	_ =	sdelay $0x1  }
0x147: {  	v12 =	vmul.f32 v12, v11  }
0x148: {  	v11 =	vmul.f32 v11, v11  }
0x149: {  	[tilespmem:v10+s16+$0x0] =	vst.idx.msk vm0, v12  }
0x14a: {  	[tilespmem:v41+s16+$0x0] =	vst.idx.msk $0x1, v11  }
0x14b: {  	v9 =	vld [tilespmem:s19+$0x30];
	_ =	sdelay $0x4  }
0x14c: {  	v42 =	vshll.u32 v9, $0x4  }
0x14d: {  	v43 =	vor.u32 $0x1, v42  }
0x14e: {  	v44 =	vor.u32 $0x2, v42  }
0x14f: {  	v45 =	vor.u32 $0x3, v42  }
0x150: {  	v46 =	vld [tilespmem:s20+$0x30];
	v47 =	vor.u32 $0x4, v42  }
0x151: {  	v49 =	vor.u32 $0x5, v42;
	v48 =	vld.idx.msk [tilespmem:v42+s12+$0x0], $0xffff  }
0x152: {  	v50 =	vor.u32 $0x6, v42;
	v11 =	vld.idx.msk [tilespmem:v43+s12+$0x0], $0xffff  }
0x153: {  	v52 =	vor.u32 $0x7, v42;
	v12 =	vld.idx.msk [tilespmem:v44+s12+$0x0], $0xffff  }
0x154: {  	s13 =	sadd.s32 $0x3, s25;
	v53 =	vor.u32 $0x8, v42;
	v13 =	vld.idx.msk [tilespmem:v45+s12+$0x0], $0xffff  }
0x155: {  	vm10 =	vge.s32 v46, v3;
	vm11 =	vne.s32 v9, s13;
	v55 =	vor.u32 $0x9, v42;
	v51 =	vld.idx.msk [tilespmem:v47+s12+$0x0], $0xffff  }
0x156: {  	vm0 =	vmand vm11, vm10;
	v58 =	vor.u32 $0xA, v42;
	v60 =	vor.u32 $0xB, v42;
	v54 =	vld.idx.msk [tilespmem:v49+s12+$0x0], $0xffff  }
0x157: {  	v63 =	vor.u32 $0xC, v42;
	v29 =	vor.u32 $0xD, v42;
	v32 =	vor.u32 $0xE, v42;
	v57 =	vld.idx.msk [tilespmem:v50+s12+$0x0], $0xffff  }
0x158: {  	v10 =	vor.u32 $0xF, v42;
	v37 =	vsel vm0, $0x1, v1;
	v62 =	vld.idx.msk [tilespmem:v52+s12+$0x0], $0xffff;
	vm12 =	vlt.s32 v48, v3  }
0x159: {  	v19 =	vld.idx.msk [tilespmem:v53+s12+$0x0], $0xffff;
	vm13 =	vge.s32 v11, v3;
	vm14 =	vge.s32 v12, v3;
	vm15 =	vge.s32 v13, v3  }
0x15a: {  	v31 =	vld.idx.msk [tilespmem:v55+s12+$0x0], $0xffff;
	vm4 =	vge.s32 v51, v3;
	v30 =	vsel vm12, $0x1, v2;
	v56 =	vsel vm13, $0x1, v1  }
0x15b: {  	(xrf0) =	vadd.scan.msk.s32 $0xffff, v37;
	v34 =	vld.idx.msk [tilespmem:v58+s12+$0x0], $0xffff;
	vm5 =	vge.s32 v54, v3;
	v59 =	vsel vm14, $0x1, v1;
	v17 =	vadd.s32 v56, v30  }
0x15c: {  	v36 =	vld.idx.msk [tilespmem:v63+s12+$0x0], $0xffff;
	vm6 =	vge.s32 v57, v3;
	v61 =	vsel vm15, $0x1, v1;
	v17 =	vadd.s32 v59, v17  }
0x15d: {  	vm7 =	vge.s32 v62, v3;
	v28 =	vsel vm4, $0x1, v1;
	v17 =	vadd.s32 v61, v17  }
0x15e: {  	v13 =	vld.idx.msk [tilespmem:v60+s12+$0x0], $0xffff;
	vm8 =	vge.s32 v19, v3;
	v33 =	vsel vm5, $0x1, v1;
	v17 =	vadd.s32 v28, v17  }
0x15f: {  	v39 =	vld.idx.msk [tilespmem:v29+s12+$0x0], $0xffff;
	vm9 =	vge.s32 v31, v3;
	v35 =	vsel vm6, $0x1, v1;
	v40 =	vadd.s32 v33, v17  }
0x160: {  	v42 =	vld.idx.msk [tilespmem:v32+s12+$0x0], $0xffff;
	vm10 =	vge.s32 v34, v3;
	v38 =	vsel vm7, $0x1, v1;
	v15 =	vadd.s32 v35, v40  }
0x161: {  	v10 =	vld.idx.msk [tilespmem:v10+s12+$0x0], $0xffff;
	v47, _, _ =	vpop (xrf0);
	vm12 =	vge.s32 v36, v3;
	v41 =	vsel vm8, $0x1, v1;
	v44 =	vadd.s32 v38, v15  }
0x162: {  	v11 =	vadd.s32 $0x1, v47;
	v43 =	vsel vm9, $0x1, v1;
	v12 =	vadd.s32 v41, v44  }
0x163: {  	v45 =	vsel vm10, $0x1, v1;
	vm11 =	vge.s32 v13, v3;
	v12 =	vadd.s32 v43, v12  }
0x164: {  	v14 =	vsel vm12, $0x1, v1;
	v13 =	vsel vm11, $0x1, v1;
	v12 =	vadd.s32 v45, v12  }
0x165: {  	vm13 =	vge.s32 v39, v3;
	vm14 =	vge.s32 v42, v3;
	v12 =	vadd.s32 v13, v12  }
0x166: {  	vm15 =	vge.s32 v10, v3;
	v46 =	vsel vm13, $0x1, v1;
	v12 =	vadd.s32 v14, v12  }
0x167: {  	v49 =	vbroadcast v11, $0xF;
	v48 =	vsel vm14, $0x1, v1;
	v50 =	vadd.s32 v46, v12  }
0x168: {  	v51 =	vsel vm15, $0x1, v1;
	v11 =	vadd.s32 v48, v50  }
0x169: {  	v11 =	vadd.s32 v51, v11;
	_ =	sdelay $0x3  }
0x16a: {  	v10 =	vld.idx.msk [tilespmem:v49+s14+$0x0], $0xffff  }
0x16b: {  	v11 =	vld.idx.msk [tilespmem:v11+s14+$0x0], $0xffff;
	_ =	sdelay $0x1  }
0x16c: {  	v9 =	vadd.s32 v8, v9  }
0x16d: {  	v52 =	vor.u32 s13, v8;
	_ =	sdelay $0x1  }
0x16e: {  	v11 =	vmul.f32 v11, v10  }
0x16f: {  	v10 =	vmul.f32 v10, v10  }
0x170: {  	[tilespmem:v9+s16+$0x0] =	vst.idx.msk vm0, v11  }
0x171: {  	[tilespmem:v52+s16+$0x0] =	vst.idx.msk $0x1, v10  }
0x172: {  	v8 =	vld [tilespmem:s19+$0x40];
	_ =	sdelay $0x4  }
0x173: {  	v53 =	vshll.u32 v8, $0x4  }
0x174: {  	v54 =	vor.u32 $0x1, v53  }
0x175: {  	v55 =	vor.u32 $0x2, v53  }
0x176: {  	v56 =	vor.u32 $0x3, v53  }
0x177: {  	v57 =	vld [tilespmem:s20+$0x40];
	v58 =	vor.u32 $0x4, v53  }
0x178: {  	v60 =	vor.u32 $0x5, v53;
	v59 =	vld.idx.msk [tilespmem:v53+s12+$0x0], $0xffff  }
0x179: {  	v61 =	vor.u32 $0x6, v53;
	v10 =	vld.idx.msk [tilespmem:v54+s12+$0x0], $0xffff  }
0x17a: {  	v63 =	vor.u32 $0x7, v53;
	v11 =	vld.idx.msk [tilespmem:v55+s12+$0x0], $0xffff  }
0x17b: {  	s28 =	sadd.s32 $0x4, s25;
	v24 =	vor.u32 $0x8, v53;
	v12 =	vld.idx.msk [tilespmem:v56+s12+$0x0], $0xffff  }
0x17c: {  	vm4 =	vge.s32 v57, v3;
	vm5 =	vne.s32 v8, s28;
	v26 =	vor.u32 $0x9, v53;
	v62 =	vld.idx.msk [tilespmem:v58+s12+$0x0], $0xffff  }
0x17d: {  	vm0 =	vmand vm5, vm4;
	v29 =	vor.u32 $0xA, v53;
	v31 =	vor.u32 $0xB, v53;
	v25 =	vld.idx.msk [tilespmem:v60+s12+$0x0], $0xffff  }
0x17e: {  	v34 =	vor.u32 $0xC, v53;
	v36 =	vor.u32 $0xD, v53;
	v39 =	vor.u32 $0xE, v53;
	v28 =	vld.idx.msk [tilespmem:v61+s12+$0x0], $0xffff  }
0x17f: {  	v9 =	vor.u32 $0xF, v53;
	v44 =	vsel vm0, $0x1, v1;
	v33 =	vld.idx.msk [tilespmem:v63+s12+$0x0], $0xffff;
	vm6 =	vlt.s32 v59, v3  }
0x180: {  	v18 =	vld.idx.msk [tilespmem:v24+s12+$0x0], $0xffff;
	vm7 =	vge.s32 v10, v3;
	vm8 =	vge.s32 v11, v3;
	vm9 =	vge.s32 v12, v3  }
0x181: {  	v38 =	vld.idx.msk [tilespmem:v26+s12+$0x0], $0xffff;
	vm10 =	vge.s32 v62, v3;
	v37 =	vsel vm6, $0x1, v2;
	v27 =	vsel vm7, $0x1, v1  }
0x182: {  	(xrf0) =	vadd.scan.msk.s32 $0xffff, v44;
	v41 =	vld.idx.msk [tilespmem:v29+s12+$0x0], $0xffff;
	vm11 =	vge.s32 v25, v3;
	v30 =	vsel vm8, $0x1, v1;
	v16 =	vadd.s32 v27, v37  }
0x183: {  	v43 =	vld.idx.msk [tilespmem:v34+s12+$0x0], $0xffff;
	vm12 =	vge.s32 v28, v3;
	v32 =	vsel vm9, $0x1, v1;
	v16 =	vadd.s32 v30, v16  }
0x184: {  	vm13 =	vge.s32 v33, v3;
	v35 =	vsel vm10, $0x1, v1;
	v16 =	vadd.s32 v32, v16  }
0x185: {  	v12 =	vld.idx.msk [tilespmem:v31+s12+$0x0], $0xffff;
	vm14 =	vge.s32 v18, v3;
	v40 =	vsel vm11, $0x1, v1;
	v16 =	vadd.s32 v35, v16  }
0x186: {  	v46 =	vld.idx.msk [tilespmem:v36+s12+$0x0], $0xffff;
	vm15 =	vge.s32 v38, v3;
	v42 =	vsel vm12, $0x1, v1;
	v47 =	vadd.s32 v40, v16  }
0x187: {  	v49 =	vld.idx.msk [tilespmem:v39+s12+$0x0], $0xffff;
	vm4 =	vge.s32 v41, v3;
	v45 =	vsel vm13, $0x1, v1;
	v14 =	vadd.s32 v42, v47  }
0x188: {  	v9 =	vld.idx.msk [tilespmem:v9+s12+$0x0], $0xffff;
	v54, _, _ =	vpop (xrf0);
	vm6 =	vge.s32 v43, v3;
	v48 =	vsel vm14, $0x1, v1;
	v51 =	vadd.s32 v45, v14  }
0x189: {  	v10 =	vadd.s32 $0x1, v54;
	v50 =	vsel vm15, $0x1, v1;
	v11 =	vadd.s32 v48, v51  }
0x18a: {  	v52 =	vsel vm4, $0x1, v1;
	vm5 =	vge.s32 v12, v3;
	v11 =	vadd.s32 v50, v11  }
0x18b: {  	v13 =	vsel vm6, $0x1, v1;
	v12 =	vsel vm5, $0x1, v1;
	v11 =	vadd.s32 v52, v11  }
0x18c: {  	vm7 =	vge.s32 v46, v3;
	vm8 =	vge.s32 v49, v3;
	v11 =	vadd.s32 v12, v11  }
0x18d: {  	vm9 =	vge.s32 v9, v3;
	v53 =	vsel vm7, $0x1, v1;
	v11 =	vadd.s32 v13, v11  }
0x18e: {  	v56 =	vbroadcast v10, $0xF;
	v55 =	vsel vm8, $0x1, v1;
	v57 =	vadd.s32 v53, v11  }
0x18f: {  	v58 =	vsel vm9, $0x1, v1;
	v10 =	vadd.s32 v55, v57  }
0x190: {  	v10 =	vadd.s32 v58, v10;
	_ =	sdelay $0x3  }
0x191: {  	v9 =	vld.idx.msk [tilespmem:v56+s14+$0x0], $0xffff  }
0x192: {  	v10 =	vld.idx.msk [tilespmem:v10+s14+$0x0], $0xffff;
	_ =	sdelay $0x1  }
0x193: {  	v8 =	vadd.s32 v7, v8  }
0x194: {  	v59 =	vor.u32 s28, v7;
	_ =	sdelay $0x1  }
0x195: {  	v10 =	vmul.f32 v10, v9  }
0x196: {  	v9 =	vmul.f32 v9, v9  }
0x197: {  	[tilespmem:v8+s16+$0x0] =	vst.idx.msk vm0, v10  }
0x198: {  	[tilespmem:v59+s16+$0x0] =	vst.idx.msk $0x1, v9  }
0x199: {  	v7 =	vld [tilespmem:s19+$0x50];
	_ =	sdelay $0x4  }
0x19a: {  	v60 =	vshll.u32 v7, $0x4  }
0x19b: {  	v61 =	vor.u32 $0x1, v60  }
0x19c: {  	v62 =	vor.u32 $0x2, v60  }
0x19d: {  	v63 =	vor.u32 $0x3, v60  }
0x19e: {  	v20 =	vld [tilespmem:s20+$0x50];
	v21 =	vor.u32 $0x4, v60  }
0x19f: {  	v23 =	vor.u32 $0x5, v60;
	v22 =	vld.idx.msk [tilespmem:v60+s12+$0x0], $0xffff  }
0x1a0: {  	v24 =	vor.u32 $0x6, v60;
	v9 =	vld.idx.msk [tilespmem:v61+s12+$0x0], $0xffff  }
0x1a1: {  	v26 =	vor.u32 $0x7, v60;
	v10 =	vld.idx.msk [tilespmem:v62+s12+$0x0], $0xffff  }
0x1a2: {  	s29 =	sadd.s32 $0x5, s25;
	v27 =	vor.u32 $0x8, v60;
	v11 =	vld.idx.msk [tilespmem:v63+s12+$0x0], $0xffff  }
0x1a3: {  	vm10 =	vge.s32 v20, v3;
	vm11 =	vne.s32 v7, s29;
	v29 =	vor.u32 $0x9, v60;
	v25 =	vld.idx.msk [tilespmem:v21+s12+$0x0], $0xffff  }
0x1a4: {  	vm0 =	vmand vm11, vm10;
	v32 =	vor.u32 $0xA, v60;
	v34 =	vor.u32 $0xB, v60;
	v28 =	vld.idx.msk [tilespmem:v23+s12+$0x0], $0xffff  }
0x1a5: {  	v37 =	vor.u32 $0xC, v60;
	v39 =	vor.u32 $0xD, v60;
	v42 =	vor.u32 $0xE, v60;
	v31 =	vld.idx.msk [tilespmem:v24+s12+$0x0], $0xffff  }
0x1a6: {  	v8 =	vor.u32 $0xF, v60;
	v47 =	vsel vm0, $0x1, v1;
	v36 =	vld.idx.msk [tilespmem:v26+s12+$0x0], $0xffff;
	vm12 =	vlt.s32 v22, v3  }
0x1a7: {  	v17 =	vld.idx.msk [tilespmem:v27+s12+$0x0], $0xffff;
	vm13 =	vge.s32 v9, v3;
	vm14 =	vge.s32 v10, v3;
	vm15 =	vge.s32 v11, v3  }
0x1a8: {  	v41 =	vld.idx.msk [tilespmem:v29+s12+$0x0], $0xffff;
	vm4 =	vge.s32 v25, v3;
	v40 =	vsel vm12, $0x1, v2;
	v30 =	vsel vm13, $0x1, v1  }
0x1a9: {  	(xrf0) =	vadd.scan.msk.s32 $0xffff, v47;
	v44 =	vld.idx.msk [tilespmem:v32+s12+$0x0], $0xffff;
	vm5 =	vge.s32 v28, v3;
	v33 =	vsel vm14, $0x1, v1;
	v15 =	vadd.s32 v30, v40  }
0x1aa: {  	v46 =	vld.idx.msk [tilespmem:v37+s12+$0x0], $0xffff;
	vm6 =	vge.s32 v31, v3;
	v35 =	vsel vm15, $0x1, v1;
	v15 =	vadd.s32 v33, v15  }
0x1ab: {  	vm7 =	vge.s32 v36, v3;
	v38 =	vsel vm4, $0x1, v1;
	v15 =	vadd.s32 v35, v15  }
0x1ac: {  	v11 =	vld.idx.msk [tilespmem:v34+s12+$0x0], $0xffff;
	vm8 =	vge.s32 v17, v3;
	v43 =	vsel vm5, $0x1, v1;
	v15 =	vadd.s32 v38, v15  }
0x1ad: {  	v49 =	vld.idx.msk [tilespmem:v39+s12+$0x0], $0xffff;
	vm9 =	vge.s32 v41, v3;
	v45 =	vsel vm6, $0x1, v1;
	v50 =	vadd.s32 v43, v15  }
0x1ae: {  	v52 =	vld.idx.msk [tilespmem:v42+s12+$0x0], $0xffff;
	vm10 =	vge.s32 v44, v3;
	v48 =	vsel vm7, $0x1, v1;
	v13 =	vadd.s32 v45, v50  }
0x1af: {  	v8 =	vld.idx.msk [tilespmem:v8+s12+$0x0], $0xffff;
	v57, _, _ =	vpop (xrf0);
	vm12 =	vge.s32 v46, v3;
	v51 =	vsel vm8, $0x1, v1;
	v54 =	vadd.s32 v48, v13  }
0x1b0: {  	v9 =	vadd.s32 $0x1, v57;
	v53 =	vsel vm9, $0x1, v1;
	v10 =	vadd.s32 v51, v54  }
0x1b1: {  	v55 =	vsel vm10, $0x1, v1;
	vm11 =	vge.s32 v11, v3;
	v10 =	vadd.s32 v53, v10  }
0x1b2: {  	v12 =	vsel vm12, $0x1, v1;
	v11 =	vsel vm11, $0x1, v1;
	v10 =	vadd.s32 v55, v10  }
0x1b3: {  	vm13 =	vge.s32 v49, v3;
	vm14 =	vge.s32 v52, v3;
	v10 =	vadd.s32 v11, v10  }
0x1b4: {  	vm15 =	vge.s32 v8, v3;
	v56 =	vsel vm13, $0x1, v1;
	v10 =	vadd.s32 v12, v10  }
0x1b5: {  	v59 =	vbroadcast v9, $0xF;
	v58 =	vsel vm14, $0x1, v1;
	v60 =	vadd.s32 v56, v10  }
0x1b6: {  	v61 =	vsel vm15, $0x1, v1;
	v9 =	vadd.s32 v58, v60  }
0x1b7: {  	v9 =	vadd.s32 v61, v9;
	_ =	sdelay $0x3  }
0x1b8: {  	v8 =	vld.idx.msk [tilespmem:v59+s14+$0x0], $0xffff  }
0x1b9: {  	v9 =	vld.idx.msk [tilespmem:v9+s14+$0x0], $0xffff;
	_ =	sdelay $0x1  }
0x1ba: {  	v7 =	vadd.s32 v6, v7  }
0x1bb: {  	v62 =	vor.u32 s29, v6;
	_ =	sdelay $0x1  }
0x1bc: {  	v9 =	vmul.f32 v9, v8  }
0x1bd: {  	v8 =	vmul.f32 v8, v8  }
0x1be: {  	[tilespmem:v7+s16+$0x0] =	vst.idx.msk vm0, v9  }
0x1bf: {  	[tilespmem:v62+s16+$0x0] =	vst.idx.msk $0x1, v8  }
0x1c0: {  	v6 =	vld [tilespmem:s19+$0x60];
	_ =	sdelay $0x4  }
0x1c1: {  	v63 =	vshll.u32 v6, $0x4  }
0x1c2: {  	v18 =	vor.u32 $0x1, v63  }
0x1c3: {  	v19 =	vor.u32 $0x2, v63  }
0x1c4: {  	v20 =	vor.u32 $0x3, v63  }
0x1c5: {  	v21 =	vld [tilespmem:s20+$0x60];
	v22 =	vor.u32 $0x4, v63  }
0x1c6: {  	v24 =	vor.u32 $0x5, v63;
	v23 =	vld.idx.msk [tilespmem:v63+s12+$0x0], $0xffff  }
0x1c7: {  	v25 =	vor.u32 $0x6, v63;
	v8 =	vld.idx.msk [tilespmem:v18+s12+$0x0], $0xffff  }
0x1c8: {  	v27 =	vor.u32 $0x7, v63;
	v9 =	vld.idx.msk [tilespmem:v19+s12+$0x0], $0xffff  }
0x1c9: {  	s30 =	sadd.s32 $0x6, s25;
	v28 =	vor.u32 $0x8, v63;
	v10 =	vld.idx.msk [tilespmem:v20+s12+$0x0], $0xffff  }
0x1ca: {  	vm4 =	vge.s32 v21, v3;
	vm5 =	vne.s32 v6, s30;
	v30 =	vor.u32 $0x9, v63;
	v26 =	vld.idx.msk [tilespmem:v22+s12+$0x0], $0xffff  }
0x1cb: {  	vm0 =	vmand vm5, vm4;
	v33 =	vor.u32 $0xA, v63;
	v35 =	vor.u32 $0xB, v63;
	v29 =	vld.idx.msk [tilespmem:v24+s12+$0x0], $0xffff  }
0x1cc: {  	v38 =	vor.u32 $0xC, v63;
	v40 =	vor.u32 $0xD, v63;
	v43 =	vor.u32 $0xE, v63;
	v32 =	vld.idx.msk [tilespmem:v25+s12+$0x0], $0xffff  }
0x1cd: {  	v7 =	vor.u32 $0xF, v63;
	v48 =	vsel vm0, $0x1, v1;
	v37 =	vld.idx.msk [tilespmem:v27+s12+$0x0], $0xffff;
	vm6 =	vlt.s32 v23, v3  }
0x1ce: {  	v16 =	vld.idx.msk [tilespmem:v28+s12+$0x0], $0xffff;
	vm7 =	vge.s32 v8, v3;
	vm8 =	vge.s32 v9, v3;
	vm9 =	vge.s32 v10, v3  }
0x1cf: {  	v42 =	vld.idx.msk [tilespmem:v30+s12+$0x0], $0xffff;
	vm10 =	vge.s32 v26, v3;
	v41 =	vsel vm6, $0x1, v2;
	v31 =	vsel vm7, $0x1, v1  }
0x1d0: {  	(xrf0) =	vadd.scan.msk.s32 $0xffff, v48;
	v45 =	vld.idx.msk [tilespmem:v33+s12+$0x0], $0xffff;
	vm11 =	vge.s32 v29, v3;
	v34 =	vsel vm8, $0x1, v1;
	v14 =	vadd.s32 v31, v41  }
0x1d1: {  	v47 =	vld.idx.msk [tilespmem:v38+s12+$0x0], $0xffff;
	vm12 =	vge.s32 v32, v3;
	v36 =	vsel vm9, $0x1, v1;
	v14 =	vadd.s32 v34, v14  }
0x1d2: {  	vm13 =	vge.s32 v37, v3;
	v39 =	vsel vm10, $0x1, v1;
	v14 =	vadd.s32 v36, v14  }
0x1d3: {  	v10 =	vld.idx.msk [tilespmem:v35+s12+$0x0], $0xffff;
	vm14 =	vge.s32 v16, v3;
	v44 =	vsel vm11, $0x1, v1;
	v14 =	vadd.s32 v39, v14  }
0x1d4: {  	v50 =	vld.idx.msk [tilespmem:v40+s12+$0x0], $0xffff;
	vm15 =	vge.s32 v42, v3;
	v46 =	vsel vm12, $0x1, v1;
	v51 =	vadd.s32 v44, v14  }
0x1d5: {  	v53 =	vld.idx.msk [tilespmem:v43+s12+$0x0], $0xffff;
	vm4 =	vge.s32 v45, v3;
	v49 =	vsel vm13, $0x1, v1;
	v12 =	vadd.s32 v46, v51  }
0x1d6: {  	v7 =	vld.idx.msk [tilespmem:v7+s12+$0x0], $0xffff;
	v58, _, _ =	vpop (xrf0);
	vm6 =	vge.s32 v47, v3;
	v52 =	vsel vm14, $0x1, v1;
	v55 =	vadd.s32 v49, v12  }
0x1d7: {  	v8 =	vadd.s32 $0x1, v58;
	v54 =	vsel vm15, $0x1, v1;
	v9 =	vadd.s32 v52, v55  }
0x1d8: {  	v56 =	vsel vm4, $0x1, v1;
	vm5 =	vge.s32 v10, v3;
	v9 =	vadd.s32 v54, v9  }
0x1d9: {  	v11 =	vsel vm6, $0x1, v1;
	v10 =	vsel vm5, $0x1, v1;
	v9 =	vadd.s32 v56, v9  }
0x1da: {  	vm7 =	vge.s32 v50, v3;
	vm8 =	vge.s32 v53, v3;
	v9 =	vadd.s32 v10, v9  }
0x1db: {  	vm9 =	vge.s32 v7, v3;
	v57 =	vsel vm7, $0x1, v1;
	v9 =	vadd.s32 v11, v9  }
0x1dc: {  	v60 =	vbroadcast v8, $0xF;
	v59 =	vsel vm8, $0x1, v1;
	v61 =	vadd.s32 v57, v9  }
0x1dd: {  	v62 =	vsel vm9, $0x1, v1;
	v8 =	vadd.s32 v59, v61  }
0x1de: {  	v8 =	vadd.s32 v62, v8;
	_ =	sdelay $0x3  }
0x1df: {  	v7 =	vld.idx.msk [tilespmem:v60+s14+$0x0], $0xffff  }
0x1e0: {  	v8 =	vld.idx.msk [tilespmem:v8+s14+$0x0], $0xffff;
	_ =	sdelay $0x1  }
0x1e1: {  	v6 =	vadd.s32 v5, v6  }
0x1e2: {  	v5 =	vor.u32 s30, v5;
	_ =	sdelay $0x1  }
0x1e3: {  	v8 =	vmul.f32 v8, v7  }
0x1e4: {  	v7 =	vmul.f32 v7, v7  }
0x1e5: {  	[tilespmem:v6+s16+$0x0] =	vst.idx.msk vm0, v8  }
0x1e6: {  	[tilespmem:v5+s16+$0x0] =	vst.idx.msk $0x1, v7  }
0x1e7: {  	v5 =	vld [tilespmem:s19+$0x70];
	_ =	sdelay $0x4  }
0x1e8: {  	v63 =	vshll.u32 v5, $0x4  }
0x1e9: {  	v19 =	vor.u32 $0x1, v63  }
0x1ea: {  	v20 =	vor.u32 $0x2, v63  }
0x1eb: {  	v21 =	vor.u32 $0x3, v63  }
0x1ec: {  	v22 =	vld [tilespmem:s20+$0x70];
	v23 =	vor.u32 $0x4, v63  }
0x1ed: {  	v25 =	vor.u32 $0x5, v63;
	v24 =	vld.idx.msk [tilespmem:v63+s12+$0x0], $0xffff  }
0x1ee: {  	v26 =	vor.u32 $0x6, v63;
	v7 =	vld.idx.msk [tilespmem:v19+s12+$0x0], $0xffff  }
0x1ef: {  	v28 =	vor.u32 $0x7, v63;
	v8 =	vld.idx.msk [tilespmem:v20+s12+$0x0], $0xffff  }
0x1f0: {  	s31 =	sadd.s32 $0x7, s25;
	v29 =	vor.u32 $0x8, v63;
	v9 =	vld.idx.msk [tilespmem:v21+s12+$0x0], $0xffff  }
0x1f1: {  	vm10 =	vge.s32 v22, v3;
	vm11 =	vne.s32 v5, s31;
	v31 =	vor.u32 $0x9, v63;
	v27 =	vld.idx.msk [tilespmem:v23+s12+$0x0], $0xffff  }
0x1f2: {  	vm0 =	vmand vm11, vm10;
	v34 =	vor.u32 $0xA, v63;
	v36 =	vor.u32 $0xB, v63;
	v30 =	vld.idx.msk [tilespmem:v25+s12+$0x0], $0xffff  }
0x1f3: {  	v39 =	vor.u32 $0xC, v63;
	v41 =	vor.u32 $0xD, v63;
	v44 =	vor.u32 $0xE, v63;
	v33 =	vld.idx.msk [tilespmem:v26+s12+$0x0], $0xffff  }
0x1f4: {  	v6 =	vor.u32 $0xF, v63;
	v49 =	vsel vm0, $0x1, v1;
	v38 =	vld.idx.msk [tilespmem:v28+s12+$0x0], $0xffff;
	vm12 =	vlt.s32 v24, v3  }
0x1f5: {  	v15 =	vld.idx.msk [tilespmem:v29+s12+$0x0], $0xffff;
	vm13 =	vge.s32 v7, v3;
	vm14 =	vge.s32 v8, v3;
	vm15 =	vge.s32 v9, v3  }
0x1f6: {  	v43 =	vld.idx.msk [tilespmem:v31+s12+$0x0], $0xffff;
	vm4 =	vge.s32 v27, v3;
	v42 =	vsel vm12, $0x1, v2;
	v32 =	vsel vm13, $0x1, v1  }
0x1f7: {  	(xrf0) =	vadd.scan.msk.s32 $0xffff, v49;
	v46 =	vld.idx.msk [tilespmem:v34+s12+$0x0], $0xffff;
	vm5 =	vge.s32 v30, v3;
	v35 =	vsel vm14, $0x1, v1;
	v13 =	vadd.s32 v32, v42  }
0x1f8: {  	v48 =	vld.idx.msk [tilespmem:v39+s12+$0x0], $0xffff;
	vm6 =	vge.s32 v33, v3;
	v37 =	vsel vm15, $0x1, v1;
	v13 =	vadd.s32 v35, v13  }
0x1f9: {  	vm7 =	vge.s32 v38, v3;
	v40 =	vsel vm4, $0x1, v1;
	v13 =	vadd.s32 v37, v13  }
0x1fa: {  	v9 =	vld.idx.msk [tilespmem:v36+s12+$0x0], $0xffff;
	vm8 =	vge.s32 v15, v3;
	v45 =	vsel vm5, $0x1, v1;
	v13 =	vadd.s32 v40, v13  }
0x1fb: {  	v51 =	vld.idx.msk [tilespmem:v41+s12+$0x0], $0xffff;
	vm9 =	vge.s32 v43, v3;
	v47 =	vsel vm6, $0x1, v1;
	v52 =	vadd.s32 v45, v13  }
0x1fc: {  	v54 =	vld.idx.msk [tilespmem:v44+s12+$0x0], $0xffff;
	vm10 =	vge.s32 v46, v3;
	v50 =	vsel vm7, $0x1, v1;
	v11 =	vadd.s32 v47, v52  }
0x1fd: {  	v6 =	vld.idx.msk [tilespmem:v6+s12+$0x0], $0xffff;
	v59, _, _ =	vpop (xrf0);
	vm12 =	vge.s32 v48, v3;
	v53 =	vsel vm8, $0x1, v1;
	v56 =	vadd.s32 v50, v11  }
0x1fe: {  	v7 =	vadd.s32 $0x1, v59;
	v55 =	vsel vm9, $0x1, v1;
	v8 =	vadd.s32 v53, v56  }
0x1ff: {  	v57 =	vsel vm10, $0x1, v1;
	vm11 =	vge.s32 v9, v3;
	v8 =	vadd.s32 v55, v8  }
0x200: {  	v10 =	vsel vm12, $0x1, v1;
	v9 =	vsel vm11, $0x1, v1;
	v8 =	vadd.s32 v57, v8  }
0x201: {  	vm13 =	vge.s32 v51, v3;
	vm14 =	vge.s32 v54, v3;
	v8 =	vadd.s32 v9, v8  }
0x202: {  	vm15 =	vge.s32 v6, v3;
	v58 =	vsel vm13, $0x1, v1;
	v8 =	vadd.s32 v10, v8  }
0x203: {  	v61 =	vbroadcast v7, $0xF;
	v60 =	vsel vm14, $0x1, v1;
	v62 =	vadd.s32 v58, v8  }
0x204: {  	v63 =	vsel vm15, $0x1, v1;
	v7 =	vadd.s32 v60, v62  }
0x205: {  	v7 =	vadd.s32 v63, v7;
	_ =	sdelay $0x3  }
0x206: {  	v6 =	vld.idx.msk [tilespmem:v61+s14+$0x0], $0xffff  }
0x207: {  	v7 =	vld.idx.msk [tilespmem:v7+s14+$0x0], $0xffff;
	_ =	sdelay $0x1  }
0x208: {  	v5 =	vadd.s32 v4, v5  }
0x209: {  	v4 =	vor.u32 s31, v4  }
0x20a: {  	s22 =	sadd.s32 $0x8, s22  }
0x20b: {  	p0 =	sne.s32 s22, $0x40;
	v7 =	vmul.f32 v7, v6  }
.Ltmp4:
0x20c: {  	v6 =	vmul.f32 v6, v6;
	(pc) =	sbr.rel @!p0 .LBB2_8-.Ltmp4, $4  }
0x20d: {  	[tilespmem:v5+s16+$0x0] =	vst.idx.msk vm0, v7  }
0x20e: {  	s0 =	sadd.s32 $0x8680, s24;
	s23 =	sadd.s32 $0x1, s23;
	s18 =	sadd.s32 $0x4000, s18;
	[tilespmem:v4+s16+$0x0] =	vst.idx.msk $0x1, v6  }
0x20f: {  	[hbm4b:s21+s1] =	stream.linear.scatter [tilespmem:s0], [sflag:$0x1], $0x4000, $0x38;
	[tilespmem:$0x10680] =	vst v63  }
0x210: {  	s20 =	sadd.s32 $0x80, s20;
	s19 =	sadd.s32 $0x80, s19;
	s21 =	sadd.s32 $0x800, s21  }
.LBB2_4:
0x211: {  	p0 =	sgt.u32 s23, $0x1  }
.Ltmp5:
0x212: {  	_ = 	snop;
	(pc) =	sbr.rel @p0 .LBB2_6-.Ltmp5, $3  }
0x213: {  	_ =	sdelay $0x1  }
0x214: {  	s24 =	sadd.s32 $0xFFFFC800, s18  }
0x215: {  	s25 =	sadd.s32 s22, s8;
	s24 =	sand.u32 $0x4000, s24  }
.Ltmp6:
0x216: {  	(pc) =	sbr.rel .LBB2_7-.Ltmp6, $4  }
0x217: {  	_ = 	snop  }
0x218: {  	s26 =	sadd.s32 $0xFFFFD000, s18;
	v11 =	vmov s24;
	s13 =	sadd.s32 $0xFFFFD800, s18;
	s28 =	sadd.s32 $0xFFFFE000, s18;
	v4 =	vmov s18  }
0x219: {  	s29 =	sadd.s32 $0xFFFFE800, s18;
	s30 =	sadd.s32 $0xFFFFF000, s18;
	s31 =	sadd.s32 $0xFFFFF800, s18;
	v10 =	vmov s26;
	v9 =	vmov s13;
	v8 =	vmov s28  }
0x21a: {  	v7 =	vmov s29;
	v6 =	vmov s30;
	v5 =	vmov s31  }
.LBB2_9:
0x21b: {  	_ =	sfence.sel $0x180000  }
0x21c: {  	[bflag:$0x0] =	sbarrier.arrive $0xFFFF  }
0x21d: {  	_ =	strace $0x9000004A  }
0x21e: {  	s0 =	stileid.u32;
	[bflag:$0x2] =	sbarrier.arrive $0xFFFF  }
0x21f: {  	p0 =	sne.s32 s0, $0x0;
	s0 =	rddreg [dreg:$0x2]  }
0x220: {  	s0 =	sadd.s32 @!p0 $0x100000, s0  }
0x221: {  	[sflag:s0] =	ssyncadd.tile.s32 @!p0 $0x1;
	_ =	shalt  }
.Lfunc_end2:
_tile_overlayer_lowered:
.L_overlay_start_2:
0x222: {  	(tag) =	ssettag $0x2  }
0x223: {  	s0 =	rddreg [dreg:$0x0];
	s2 =	stileid.u32  }
0x224: {  	s1 =	rddreg [dreg:$0x1];
	p0 =	sne.s32 s2, $0x0  }
0x225: {  	s3 =	rddreg [dreg:$0x2];
	[bflag:$0x3] =	sbarrier.arrive $0xFFFF;
	s2 =	simm.s32 @!p0 $0x1C02  }
0x226: {  	[timem:s3], [sflag:s2] =	dma.local @!p0 [hbm:s0], s1  }
0x227: {  	s0 =	simm.s32 @!p0 $0x2  }
0x228: {  	_ =	swait.ge @!p0 [sflag:s0], s1  }
0x229: {  	s1 =	ssub.s32 @!p0 $0x0, s1;
	[sflag:s0] =	ssyncset.done @!p0 $0x0  }
0x22a: {  	[sflag:s0] =	ssyncadd.s32 @!p0 s1  }
0x22b: {  	[bflag:$0x3] =	sbarrier.arrive $0xFFFF  }
0x22c: {  	_ =	shalt  }

// kernel: kernel.9.cloned.1.call-start
scs
__scs_entry_jumppad:
0x0: {  	(pc) =	sbr.rel $0x88, $3  }
0x1: {  	(tag) =	ssettag $0x0;
	lr =	simm.s32 $0x1  }
0x2: {  	[smem:$0x3F9C] =	sst lr;
	_ =	strace $0xD0000000  }
0x3: {  	_ = 	snop  }
0x4: {  	_ = 	snop  }
0x5: {  	_ = 	snop  }
0x6: {  	_ = 	snop  }
0x7: {  	_ = 	snop  }
__scs_overlays_trampoline_lowered:
0x8: {  	[smem:$0x3FAB] =	sst s0  }
0x9: {  	[smem:$0x3FAC] =	sst s1  }
0xa: {  	[smem:$0x3FAD] =	sst s2  }
0xb: {  	[smem:$0x3FAE] =	sst s3  }
0xc: {  	[smem:$0x3FAF] =	sst s4  }
0xd: {  	[smem:$0x3FB0] =	sst s5  }
0xe: {  	[smem:$0x3FB1] =	sst s6  }
0xf: {  	[smem:$0x3FB2] =	sst s7  }
0x10: {  	[smem:$0x3FB3] =	sst s8  }
0x11: {  	[smem:$0x3FB4] =	sst s9;
	s0 =	simm.s32 @!p0 $0x0  }
0x12: {  	s1 =	sld [smem:$0x3F9A];
	s0 =	simm.s32 @p0 $0x1  }
0x13: {  	[smem:$0x3FB5] =	sst s0;
	s0 =	simm.s32 @!p1 $0x0  }
0x14: {  	s2 =	sld [smem:$0x3F99];
	s0 =	simm.s32 @p1 $0x1  }
0x15: {  	[smem:$0x3FB6] =	sst s0;
	s0 =	simm.s32 @!p2 $0x0  }
0x16: {  	s3 =	sld [smem:$0x3FDB];
	s0 =	simm.s32 @p2 $0x1  }
0x17: {  	s4 =	simm.s32 $0x1BF5;
	[smem:$0x3FB8] =	sst s0  }
0x18: {  	s0 =	sld [smem:$0x3F9B];
	_ =	swait.ge [sflag:s4], $0x0  }
0x19: {  	s7 =	sld [smem:$0x3F9C]  }
0x1a: {  	s8 =	sadd.s32 $0xFFFFE003, lr  }
0x1b: {  	s9 =	sadd.s32 $0xFFFFFEF7, lr;
	s5 =	simm.s32 $0xFFFFFFFF;
	p2 =	slt.u32 s8, $0xFFFFF086  }
0x1c: {  	p1 =	slt.u32 s9, $0xF7A;
	s5 =	simm.s32 @!p2 $0x0  }
0x1d: {  	s5 =	simm.s32 @p1 $0x1;
	p0 =	seq.s32 s7, s2  }
0x1e: {  	s7 =	smul.u32 @!p0 $0xF7A, s2;
	p2 =	seq.s32 @!p0 s5, $0x0  }
0x1f: {  	s9 =	smul.u32 $0xF7A, s1;
	s8 =	simm.s32 @!p0 $0x1BF5;
	p2 =	por !p2, p0  }
0x20: {  	[sflag:s8] =	ssyncset.s32 @!p0 $0xFFFFF086;
	s6 =	sadd.s32 @!p0 s3, s7;
	s7 =	simm.s32 @!p0 $0x108  }
0x21: {  	s3 =	sadd.s32 s3, s9;
	s6 =	sadd.s32 @!p0 $0x88, s6;
	s7 =	simm.s32 @p2 $0x1082  }
0x22: {  	[simem:s7], [sflag:s8] =	dma.local @!p0 [hbm:s6], $0xF7A  }
0x23: {  	s9 =	sor.u32 $0xD0000000, s2;
	s6 =	simm.s32 $0x108;
	_ =	swait.ge @!p0 [sflag:s8], $0x0  }
0x24: {  	s3 =	sadd.s32 $0x88, s3;
	s6 =	simm.s32 @!p1 $0x1082;
	[sflag:s4] =	ssyncset.s32 $0xFFFFF086  }
0x25: {  	[simem:s6], [sflag:s4] =	dma.local [hbm:s3], $0xF7A  }
0x26: {  	[smem:$0x3F9C] =	sst s1;
	(tag) =	ssettag s2;
	_ =	strace s9  }
0x27: {  	s1 =	sld [smem:$0x3FAC]  }
0x28: {  	s2 =	sld [smem:$0x3FAD]  }
0x29: {  	s4 =	sld [smem:$0x3FAF]  }
0x2a: {  	p0 =	seq.s32 s5, $0x0;
	s5 =	sld [smem:$0x3FB0]  }
0x2b: {  	s6 =	sld [smem:$0x3FB1]  }
0x2c: {  	s7 =	sld [smem:$0x3FB2]  }
0x2d: {  	s3 =	simm.s32 $0x108;
	s8 =	sld [smem:$0x3FB3]  }
0x2e: {  	s3 =	simm.s32 @!p0 $0x1082;
	s9 =	sld [smem:$0x3FB4]  }
0x2f: {  	lr =	sadd.s32 s0, s3;
	s0 =	sld [smem:$0x3FAB]  }
0x30: {  	s3 =	sld [smem:$0x3FAE]  }
0x31: {  	[smem:$0x3FB7] =	sst s10  }
0x32: {  	s10 =	sld [smem:$0x3FB5];
	_ =	sdelay $0x3  }
0x33: {  	p0 =	seq.s32 s10, $0x1;
	s10 =	sld [smem:$0x3FB7];
	_ =	sdelay $0x3  }
0x34: {  	[smem:$0x3FB7] =	sst s10  }
0x35: {  	s10 =	sld [smem:$0x3FB6];
	_ =	sdelay $0x3  }
0x36: {  	p1 =	seq.s32 s10, $0x1;
	s10 =	sld [smem:$0x3FB7];
	_ =	sdelay $0x3  }
0x37: {  	[smem:$0x3FB7] =	sst s10  }
0x38: {  	s10 =	sld [smem:$0x3FB8]  }
0x39: {  	_ = 	snop;
	(pc) =	sbr.ind lr, $3  }
0x3a: {  	_ = 	snop  }
0x3b: {  	_ = 	snop  }
0x3c: {  	p2 =	seq.s32 s10, $0x1;
	s10 =	sld [smem:$0x3FB7]  }
0x3d: {  	_ =	shalt  }
0x3e: {  	_ =	shalt  }
0x3f: {  	_ =	shalt  }
0x40: {  	_ =	shalt  }
0x41: {  	_ =	shalt  }
0x42: {  	_ =	shalt  }
0x43: {  	_ =	shalt  }
0x44: {  	_ =	shalt  }
0x45: {  	_ =	shalt  }
0x46: {  	_ =	shalt  }
0x47: {  	_ =	shalt  }
0x48: {  	_ =	shalt  }
0x49: {  	_ =	shalt  }
0x4a: {  	_ =	shalt  }
0x4b: {  	_ =	shalt  }
0x4c: {  	_ =	shalt  }
0x4d: {  	_ =	shalt  }
0x4e: {  	_ =	shalt  }
0x4f: {  	_ =	shalt  }
0x50: {  	_ =	shalt  }
0x51: {  	_ =	shalt  }
0x52: {  	_ =	shalt  }
0x53: {  	_ =	shalt  }
0x54: {  	_ =	shalt  }
0x55: {  	_ =	shalt  }
0x56: {  	_ =	shalt  }
0x57: {  	_ =	shalt  }
0x58: {  	_ =	shalt  }
0x59: {  	_ =	shalt  }
0x5a: {  	_ =	shalt  }
0x5b: {  	_ =	shalt  }
0x5c: {  	_ =	shalt  }
0x5d: {  	_ =	shalt  }
0x5e: {  	_ =	shalt  }
0x5f: {  	_ =	shalt  }
0x60: {  	_ =	shalt  }
0x61: {  	_ =	shalt  }
0x62: {  	_ =	shalt  }
0x63: {  	_ =	shalt  }
0x64: {  	_ =	shalt  }
0x65: {  	_ =	shalt  }
0x66: {  	_ =	shalt  }
0x67: {  	_ =	shalt  }
0x68: {  	_ =	shalt  }
0x69: {  	_ =	shalt  }
0x6a: {  	_ =	shalt  }
0x6b: {  	_ =	shalt  }
0x6c: {  	_ =	shalt  }
0x6d: {  	_ =	shalt  }
0x6e: {  	_ =	shalt  }
0x6f: {  	_ =	shalt  }
0x70: {  	_ =	shalt  }
0x71: {  	_ =	shalt  }
0x72: {  	_ =	shalt  }
0x73: {  	_ =	shalt  }
0x74: {  	_ =	shalt  }
0x75: {  	_ =	shalt  }
0x76: {  	_ =	shalt  }
0x77: {  	_ =	shalt  }
0x78: {  	_ =	shalt  }
0x79: {  	_ =	shalt  }
0x7a: {  	_ =	shalt  }
0x7b: {  	_ =	shalt  }
0x7c: {  	_ =	shalt  }
0x7d: {  	_ =	shalt  }
0x7e: {  	_ =	shalt  }
0x7f: {  	_ =	shalt  }
0x80: {  	_ =	shalt  }
0x81: {  	_ =	shalt  }
0x82: {  	_ =	shalt  }
0x83: {  	_ =	shalt  }
0x84: {  	_ =	shalt  }
0x85: {  	_ =	shalt  }
0x86: {  	_ =	shalt  }
0x87: {  	_ =	shalt  }
.Lfunc_end0:
.L_simem_size_0:
called_computation_lowered:
.L_overlay_start_0:
0x88: {  	s2 =	sld [smem:$0x3FD9]  }
0x89: {  	s3 =	sld [smem:$0x3FFE];
	_ =	sdelay $0x1  }
0x8a: {  	s1 =	srdreg.scid  }
0x8b: {  	s0 =	sand.u32 $0x1, s1  }
0x8c: {  	s17 =	sshll.u32 s0, $0xA;
	s2 =	sadd.s32 s3, s2  }
0x8d: {  	s2 =	sadd.s32 s2, s17  }
0x8e: {  	[smem:$0x3FC3] =	sst s2  }
0x8f: {  	_ = 	snop  }
0x90: {  	s2 =	sld [smem:$0x3FD0];
	(tm) =	ssettm $0x1  }
0x91: {  	s18 =	sld [smem:$0x3FFB];
	_ =	sdelay $0x3  }
0x92: {  	_ =	strace s18  }
0x93: {  	s3 =	sld [smem:$0x3FFC];
	_ =	sdelay $0x3  }
0x94: {  	_ =	strace s3  }
0x95: {  	s3 =	sld [smem:$0x3FFD];
	_ =	sdelay $0x3  }
0x96: {  	_ =	strace s3  }
0x97: {  	_ =	strace $0x8FFFFFFF  }
0x98: {  	s19 =	sld [smem:$0x3FDB];
	_ =	sdelay $0x1  }
0x99: {  	s4 =	simm.s32 $_scs_section_size  }
0x9a: {  	s5 =	simm.s32 $_size__tile_overlayer_lowered;
	s6 =	simm.s32 $_tile_overlayer_lowered  }
0x9b: {  	s22 =	simm.s32 $0x1BFF;
	s21 =	sshll.u32 s6, $0x1;
	s3 =	sadd.s32 s4, s19  }
0x9c: {  	s7 =	simm.s32 $0x0;
	s20 =	sshll.u32 s5, $0x1;
	s5 =	sadd.s32 s21, s3  }
0x9d: {  	[timem:s7], [sflag:s22] =	dma.local [hbm:s5], s20  }
0x9e: {  	_ =	swait.ge [sflag:s22], s20  }
0x9f: {  	s4 =	ssub.s32 $0x0, s20;
	[sflag:s22] =	ssyncset.done $0x0  }
0xa0: {  	[sflag:s22] =	ssyncadd.s32 s4;
	_ =	sdelay $0x1  }
0xa1: {  	s23 =	simm.s32 $0x1B8B  }
0xa2: {  	_ =	swait.ge [sflag:s23], $0x1  }
0xa3: {  	[sflag:s23] =	ssyncset.done $0x0  }
0xa4: {  	s25 =	simm.s32 $0x1B8E;
	s24 =	sld [smem:$0x3FFE];
	[sflag:s23] =	ssyncadd.s32 $0xFFFFFFFF  }
0xa5: {  	s26 =	simm.s32 $execute0_lowered;
	[smem:$0x3FD2] =	sst s25  }
0xa6: {  	s5 =	sshll.u32 s26, $0x1;
	_ =	strace $0x80000046;
	[dreg:$0x1] =	wrdreg $0xFFFFFFFF  }
0xa7: {  	s28 =	simm.s32 $_size_execute0_lowered;
	s3 =	sadd.s32 s3, s5;
	[dreg:$0x0] =	wrdreg $0x0  }
0xa8: {  	s5 =	sshll.u32 s28, $0x1;
	[dreg:$0x2] =	wrdreg s3  }
0xa9: {  	[dreg:$0x3] =	wrdreg s5  }
0xaa: {  	[dreg:$0x4] =	wrdreg $0xC0  }
0xab: {  	_ =	task [dreg:s7], $0x5FFFF  }
0xac: {  	[dreg:$0x1] =	wrdreg $0xFFFFFFFF  }
0xad: {  	[dreg:$0x0] =	wrdreg $0x60  }
0xae: {  	[dreg:$0x2] =	wrdreg s2  }
0xaf: {  	[dreg:$0x3] =	wrdreg s24  }
0xb0: {  	[dreg:$0x4] =	wrdreg $0x9  }
0xb1: {  	_ =	task.clear_ibuf [dreg:s7], $0x5FFFF;
	_ =	strace $0x90000046  }
0xb2: {  	s29 =	simm.s32 $0x9;
	_ =	strace $0x80000048  }
0xb3: {  	_ =	swait.ge [sflag:s29], $0x1  }
0xb4: {  	[sflag:s29] =	ssyncadd.s32 $0xFFFFFFFF  }
0xb5: {  	_ =	strace $0x90000048  }
0xb6: {  	_ =	sfence  }
0xb7: {  	s30 =	sld [smem:$0x0];
	_ =	sdelay $0x2  }
0xb8: {  	s31 =	sshll.u32 s1, $0xD;
	s1 =	sshrl.u32 s1, $0x2  }
0xb9: {  	s3 =	sand.u32 $0x4000, s31;
	s1 =	sadd.s32 s1, s30  }
0xba: {  	s0 =	sor.u32 s3, s0;
	s1 =	sshll.u32 s1, $0x11  }
0xbb: {  	s0 =	sor.u32 s1, s0  }
0xbc: {  	s0 =	sadd.s32 $0x8F2B, s0  }
0xbd: {  	[sflag:s0] =	ssyncadd.remote.s32 $0x1  }
0xbe: {  	_ =	sfence.sel $0xFFFF  }
0xbf: {  	[dreg:$0x0] =	wrdreg $0xFFFFFFFF;
	(pc) =	sbr.abs _section_cstart, $3  }
0xc0: {  	[dreg:$0x1] =	wrdreg $0xFFFFFFFF  }
0xc1: {  	_ =	task.clear_ibuf [dreg:s7], $0x2FFFF;
	_ =	strace $0x9FFFFFFF  }
0xc2: {  	(tm) =	ssettm $0x7FFFFFFF  }
0xc3: {  	_ =	shalt  }
tec
execute0_lowered:
.L_overlay_start_1:
0x0: {  	(tag) =	ssettag $0x1  }
0x1: {  	s2 =	srdreg.scid  }
0x2: {  	s1 =	rddreg [dreg:$0x0];
	s7 =	sand.u32 $0x1, s2  }
0x3: {  	s4 =	rddreg [dreg:$0x1];
	s2 =	stileid.u32;
	s5 =	sshll.u32 s7, $0x4  }
0x4: {  	s0 =	rddreg [dreg:$0x2];
	s3 =	simm.s32 $0x0;
	s5 =	sor.u32 s2, s5  }
0x5: {  	s10 =	simm.s32 $0x8800;
	s29 =	sshll.u32 s7, $0x10;
	s8 =	sshll.u32 s5, $0x7  }
0x6: {  	s30 =	sshll.u32 s2, $0xC;
	s5 =	sshll.u32 s5, $0x1;
	s8 =	sadd.s32 s8, s4  }
0x7: {  	s5 =	sadd.s32 s5, s4;
	s4 =	sadd.s32 $0x1A00, s8;
	s8 =	sor.u32 s30, s29  }
0x8: {  	[smem:$0x7FF] =	sst s3;
	s6 =	ssub.s32 $0x2, s7;
	s12 =	sshrl.u32 s8, $0x2  }
0x9: {  	s11 =	simm.s32 $0x8C00;
	_ =	strace $0x80000047;
	s9 =	sshrl.u32 s6, $0x1;
	v2 =	vmov s12  }
0xa: {  	s7 =	sshll.u32 s7, $0xA;
	s31 =	sshll.u32 s2, $0x6;
	s6 =	ssub.s32 s6, s9  }
0xb: {  	s7 =	sor.u32 s31, s7;
	s9 =	simm.s32 $0x8000;
	s6 =	smax.u32 s6, $0x1  }
0xc: {  	v0 =	vimm.s32 $0x0;
	v1 =	vimm.s32 $0x1;
	s5 =	sadd.s32 $0x2A00, s5;
	s8 =	simm.s32 $0x1;
	s12 =	simm.s32 $0x0  }
.LBB2_1:
0xd: {  	[tilespmem:s3], [sflag:$0x1] =	stream.linear.gather [hbm4b:s1+s3], $0x8000, $0x38;
	[tilespmem:$0x8C80] =	vst v63  }
0xe: {  	_ =	swait.ge [sflag:s8], $0x8000  }
0xf: {  	[sflag:s8] =	ssyncset.done $0x0  }
0x10: {  	s13 =	simm.s32 $0x40;
	s14 =	simm.s32 $0x0;
	[sflag:s8] =	ssyncadd.s32 $0xFFFF8000  }
.LBB2_2:
0x11: {  	p0 =	sne.s32 s13, $0x1FC0;
	[tilespmem:s14+$0x8000] =	vst v0;
	s14 =	smov.u32 s13;
	s13 =	sadd.s32 $0x40, s13  }
.Ltmp0:
0x12: {  	(pc) =	sbr.rel @p0 .LBB2_2-.Ltmp0, $2  }
0x13: {  	_ =	sdelay $0x2  }
0x14: {  	s14 =	sshra.s32 s14, $0x2  }
0x15: {  	[tilespmem:s14+$0x8000] =	vst v0  }
0x16: {  	s13 =	simm.s32 $0x0;
	s14 =	smov.u32 s7;
	[tilespmem:$0x8C00] =	vst v0  }
.LBB2_4:
0x17: {  	s15 =	sshra.s32 s13, $0x2  }
0x18: {  	v3 =	vld.idx.msk [tilespmem:v2+s15+$0x0 ss:$0x1], $0xffff;
	_ =	sdelay $0x4  }
0x19: {  	vm0 =	vne.s32 v3, s14;
	_ =	sdelay $0x1  }
0x1a: {  	v4 =	vshll.u32 v3, $0x4  }
0x1b: {  	v5 =	vor.u32 $0x1, v4  }
0x1c: {  	v6 =	vor.u32 $0x2, v4  }
0x1d: {  	v7 =	vor.u32 $0x3, v4  }
0x1e: {  	v8 =	vor.u32 $0x4, v4;
	[tilespmem:v3+s9+$0x0] =	vst.idx.msk vm0, v1  }
0x1f: {  	v10 =	vor.u32 $0x5, v4;
	v9 =	vld.idx.msk [tilespmem:v4+s3+$0x0], $0xffff  }
0x20: {  	v11 =	vor.u32 $0x6, v4;
	v5 =	vld.idx.msk [tilespmem:v5+s3+$0x0], $0xffff  }
0x21: {  	v12 =	vor.u32 $0x7, v4;
	v6 =	vld.idx.msk [tilespmem:v6+s3+$0x0], $0xffff  }
0x22: {  	v17 =	vor.u32 $0x8, v4;
	v7 =	vld.idx.msk [tilespmem:v7+s3+$0x0], $0xffff  }
0x23: {  	v19 =	vor.u32 $0x9, v4;
	v8 =	vld.idx.msk [tilespmem:v8+s3+$0x0], $0xffff  }
0x24: {  	v21 =	vor.u32 $0xA, v4;
	v10 =	vld.idx.msk [tilespmem:v10+s3+$0x0], $0xffff  }
0x25: {  	v23 =	vor.u32 $0xB, v4;
	v11 =	vld.idx.msk [tilespmem:v11+s3+$0x0], $0xffff  }
0x26: {  	v25 =	vor.u32 $0xC, v4;
	v12 =	vld.idx.msk [tilespmem:v12+s3+$0x0], $0xffff  }
0x27: {  	v26 =	vor.u32 $0xD, v4;
	v17 =	vld.idx.msk [tilespmem:v17+s3+$0x0], $0xffff  }
0x28: {  	v27 =	vor.u32 $0xE, v4;
	v19 =	vld.idx.msk [tilespmem:v19+s3+$0x0], $0xffff  }
0x29: {  	v21 =	vld.idx.msk [tilespmem:v21+s3+$0x0], $0xffff;
	v4 =	vor.u32 $0xF, v4  }
0x2a: {  	v23 =	vld.idx.msk [tilespmem:v23+s3+$0x0], $0xffff  }
0x2b: {  	v25 =	vld.idx.msk [tilespmem:v25+s3+$0x0], $0xffff  }
0x2c: {  	v37 =	vld.idx.msk [tilespmem:v26+s3+$0x0], $0xffff  }
0x2d: {  	v39 =	vld.idx.msk [tilespmem:v27+s3+$0x0], $0xffff  }
0x2e: {  	v4 =	vld.idx.msk [tilespmem:v4+s3+$0x0], $0xffff  }
0x2f: {  	v13 =	vld.idx.msk [tilespmem:v9+s9+$0x0], $0xffff  }
0x30: {  	v14 =	vld.idx.msk [tilespmem:v5+s9+$0x0], $0xffff  }
0x31: {  	v15 =	vld.idx.msk [tilespmem:v6+s9+$0x0], $0xffff  }
0x32: {  	v16 =	vld.idx.msk [tilespmem:v7+s9+$0x0], $0xffff  }
0x33: {  	v18 =	vld.idx.msk [tilespmem:v8+s9+$0x0], $0xffff  }
0x34: {  	vm1 =	veq.s32 v9, v3;
	vm2 =	veq.s32 v5, v3;
	v20 =	vld.idx.msk [tilespmem:v10+s9+$0x0], $0xffff  }
0x35: {  	vm13 =	veq.s32 v6, v3;
	v22 =	vld.idx.msk [tilespmem:v11+s9+$0x0], $0xffff;
	v9 =	vsel vm1, $0x0, v13;
	v38 =	vsel vm2, $0x0, v14  }
0x36: {  	vm14 =	veq.s32 v7, v3;
	v24 =	vld.idx.msk [tilespmem:v12+s9+$0x0], $0xffff;
	v40 =	vsel vm13, $0x0, v15;
	v9 =	vadd.s32 v9, v38  }
0x37: {  	vm15 =	veq.s32 v8, v3;
	v43 =	vld.idx.msk [tilespmem:v17+s9+$0x0], $0xffff;
	v42 =	vsel vm14, $0x0, v16;
	v41 =	vadd.s32 v40, v9  }
0x38: {  	vm4 =	veq.s32 v10, v3;
	v45 =	vld.idx.msk [tilespmem:v19+s9+$0x0], $0xffff;
	v44 =	vsel vm15, $0x0, v18;
	v7 =	vadd.s32 v42, v41  }
0x39: {  	vm5 =	veq.s32 v11, v3;
	v47 =	vld.idx.msk [tilespmem:v21+s9+$0x0], $0xffff;
	v46 =	vsel vm4, $0x0, v20;
	v7 =	vadd.s32 v44, v7  }
0x3a: {  	vm6 =	veq.s32 v12, v3;
	v49 =	vld.idx.msk [tilespmem:v23+s9+$0x0], $0xffff;
	v48 =	vsel vm5, $0x0, v22;
	v7 =	vadd.s32 v46, v7  }
0x3b: {  	vm7 =	veq.s32 v17, v3;
	v51 =	vld.idx.msk [tilespmem:v25+s9+$0x0], $0xffff;
	v50 =	vsel vm6, $0x0, v24;
	v7 =	vadd.s32 v48, v7  }
0x3c: {  	vm8 =	veq.s32 v19, v3;
	v52 =	vld.idx.msk [tilespmem:v37+s9+$0x0], $0xffff;
	v8 =	vsel vm7, $0x0, v43;
	v7 =	vadd.s32 v50, v7  }
0x3d: {  	vm9 =	veq.s32 v21, v3;
	v54 =	vld.idx.msk [tilespmem:v39+s9+$0x0], $0xffff;
	v53 =	vsel vm8, $0x0, v45;
	v7 =	vadd.s32 v8, v7  }
0x3e: {  	vm10 =	veq.s32 v23, v3;
	v55 =	vsel vm9, $0x0, v47;
	v56 =	vld.idx.msk [tilespmem:v4+s9+$0x0], $0xffff;
	v7 =	vadd.s32 v53, v7  }
0x3f: {  	vm11 =	veq.s32 v25, v3;
	v57 =	vsel vm10, $0x0, v49;
	v7 =	vadd.s32 v55, v7  }
0x40: {  	vm12 =	veq.s32 v37, v3;
	v58 =	vsel vm11, $0x0, v51;
	v7 =	vadd.s32 v57, v7  }
0x41: {  	v60 =	vsel vm12, $0x0, v52;
	vm13 =	veq.s32 v39, v3;
	v59 =	vadd.s32 v58, v7  }
0x42: {  	vm14 =	veq.s32 v4, v3;
	v6 =	vsel vm13, $0x0, v54;
	v5 =	vadd.s32 v60, v59  }
0x43: {  	v62 =	vsel vm14, $0x0, v56;
	v61 =	vadd.s32 v6, v5  }
0x44: {  	v4 =	vadd.s32 v62, v61  }
0x45: {  	vm15 =	vgt.s32 v4, $0x1  }
0x46: {  	v4 =	vsel vm15, $0x2, v1  }
0x47: {  	[tilespmem:v3+s9+$0x0] =	vst.idx.msk vm0, v0;
	v3 =	vnsel vm0, $0x0, v4  }
0x48: {  	[tilespmem:s15+$0x8800] =	vst v3  }
0x49: {  	v3 =	vld [tilespmem:$0x8C00]  }
0x4a: {  	p0 =	sne.s32 s13, $0xFC0  }
.Ltmp1:
0x4b: {  	_ = 	snop;
	(pc) =	sbr.rel @p0 .LBB2_4-.Ltmp1, $4  }
0x4c: {  	vm0 =	vmand vm0, vm15  }
0x4d: {  	v63 =	vsel vm0, $0x1, v0  }
0x4e: {  	v3 =	vadd.s32 v63, v3  }
0x4f: {  	s13 =	sadd.s32 $0x40, s13;
	s14 =	sadd.s32 $0x1, s14;
	[tilespmem:$0x8C00] =	vst v3  }
0x50: {  	[hbm4b:s4+s3] =	stream.linear.scatter [tilespmem:s10], [sflag:$0x1], $0x400, $0x38;
	[tilespmem:$0x8C80] =	vst v63  }
0x51: {  	s12 =	sadd.s32 $0x1, s12;
	_ =	swait.ge [sflag:s8], $0x400  }
0x52: {  	p0 =	sne.s32 s12, s6;
	[sflag:s8] =	ssyncset.done $0x0  }
.Ltmp2:
0x53: {  	[sflag:s8] =	ssyncadd.s32 $0xFFFFFC00;
	(pc) =	sbr.rel @p0 .LBB2_1-.Ltmp2, $4  }
0x54: {  	[hbm4b:s5+s3] =	stream.linear.scatter [tilespmem:s11], [sflag:$0x1], $0x10, $0x38;
	[tilespmem:$0x8C80] =	vst v63  }
0x55: {  	_ =	swait.ge [sflag:s8], $0x10  }
0x56: {  	[sflag:s8] =	ssyncset.done $0x0  }
0x57: {  	[sflag:s8] =	ssyncadd.s32 $0xFFFFFFF0  }
0x58: {  	_ =	sfence.sel $0x180000  }
0x59: {  	[bflag:$0x0] =	sbarrier.arrive $0xFFFF  }
0x5a: {  	p0 =	sne.s32 s2, $0x0;
	_ =	strace $0x90000047  }
0x5b: {  	s0 =	sadd.s32 @!p0 $0x100000, s0;
	[bflag:$0x2] =	sbarrier.arrive $0xFFFF  }
0x5c: {  	[sflag:s0] =	ssyncadd.tile.s32 @!p0 $0x1;
	_ =	shalt  }
.Lfunc_end2:
_tile_overlayer_lowered:
.L_overlay_start_2:
0x5d: {  	(tag) =	ssettag $0x2  }
0x5e: {  	s0 =	rddreg [dreg:$0x0];
	s2 =	stileid.u32  }
0x5f: {  	s1 =	rddreg [dreg:$0x1];
	p0 =	sne.s32 s2, $0x0  }
0x60: {  	s3 =	rddreg [dreg:$0x2];
	[bflag:$0x3] =	sbarrier.arrive $0xFFFF;
	s2 =	simm.s32 @!p0 $0x1C01  }
0x61: {  	[timem:s3], [sflag:s2] =	dma.local @!p0 [hbm:s0], s1  }
0x62: {  	s0 =	simm.s32 @!p0 $0x1  }
0x63: {  	_ =	swait.ge @!p0 [sflag:s0], s1  }
0x64: {  	s1 =	ssub.s32 @!p0 $0x0, s1;
	[sflag:s0] =	ssyncset.done @!p0 $0x0  }
0x65: {  	[sflag:s0] =	ssyncadd.s32 @!p0 s1  }
0x66: {  	[bflag:$0x3] =	sbarrier.arrive $0xFFFF  }
0x67: {  	_ =	shalt  }

</sc_bundles>
